<compile_context>
chip_gen: v7x
topology: tpu7x:2x2x1
jax: 0.10.2.dev20260603
libtpu: 0.0.44.dev20260713+nightly
codegen_flags: <defaults>
</compile_context>

<pallas_src>
import jax
import jax.numpy as jnp
from jax import lax
from jax.experimental import pallas as pl
from jax.experimental.pallas import tpu as pltpu
from jax.experimental.pallas import tpu_sc as plsc

N_USERS = 1000000
N_ITEMS = 100000
N_CATS = 1000
EMB = 128
CATD = EMB // 4
BATCH = 16384

NC = 2
NS = 16
L = 16
NW = NC * NS
BPW = BATCH // NW
CH = 128
NCH = BPW // CH
G = CH // L
NB = 3
NCATP = 1024
CPT = NCATP // NS
CROWS = NCATP * CATD // EMB
CRPT = CROWS // NS


def _body(uid, iid, cid, ut, it, ct, gb, out,
          uidx, iidx, cidx, urows, irows, partials,
          catv, catsum, cats_sp, gbv, outv, sems):
    cidx_ax = lax.axis_index("c")
    sidx_ax = lax.axis_index("s")
    wid = sidx_ax * NC + cidx_ax
    base = wid * BPW

    pltpu.sync_copy(uid.at[pl.ds(base, BPW)], uidx)
    pltpu.sync_copy(iid.at[pl.ds(base, BPW)], iidx)

    def issue(c):
        b = c % NB
        sem = sems.at[b]
        return (
            pltpu.async_copy(ut.at[uidx.at[pl.ds(c * CH, CH)]],
                             urows.at[b], sem),
            pltpu.async_copy(it.at[iidx.at[pl.ds(c * CH, CH)]],
                             irows.at[b], sem),
        )

    pend = [issue(c) for c in range(NB)]

    pltpu.sync_copy(cid.at[pl.ds(base, BPW)], cidx)
    pltpu.sync_copy(gb, gbv)
    pltpu.sync_copy(ct.at[pl.ds(sidx_ax * CRPT, CRPT)], catv)

    iota = lax.iota(jnp.int32, L)

    def cat_red(g, _):
        lcid = iota + g * L
        crow = lax.shift_right_logical(lcid, 2)
        cbase = lax.shift_left(jnp.bitwise_and(lcid, 3), 5)

        def cstep(k, s):
            return s + plsc.load_gather(catv, [crow, cbase + k])

        cs = lax.fori_loop(0, CATD, cstep, jnp.zeros((L,), jnp.float32),
                           unroll=4)
        catsum[pl.ds(g * L, L)] = cs
        return 0

    lax.fori_loop(0, CPT // L, cat_red, 0)
    pltpu.sync_copy(catsum.at[pl.ds(0, CPT)],
                    cats_sp.at[pl.ds(sidx_ax * CPT, CPT)])
    plsc.subcore_barrier()
    pltpu.sync_copy(cats_sp, catsum)

    gvec = gbv[...]
    for c in range(NCH):
        b = c % NB
        for cp in pend[c]:
            cp.wait()

        @plsc.parallel_loop(0, CH, step=1, unroll=2)
        def row_step(r):
            prods = []
            for k in range(EMB // L):
                uv = urows[b, r, pl.ds(k * L, L)]
                iv = irows[b, r, pl.ds(k * L, L)]
                prods.append(uv * iv)
            while len(prods) > 1:
                prods = [prods[i] + prods[i + 1]
                         for i in range(0, len(prods), 2)]
            partials[r] = prods[0]

        for g in range(G):
            rows = iota + (g * L)
            cols = [plsc.load_gather(partials,
                                     [rows, jnp.full((L,), cc, jnp.int32)])
                    for cc in range(L)]
            while len(cols) > 1:
                cols = [cols[i] + cols[i + 1]
                        for i in range(0, len(cols), 2)]
            acc = cols[0]

            cids = cidx[pl.ds(c * CH + g * L, L)]
            cs = plsc.load_gather(catsum, [cids])

            pred = acc + gvec + cs * jnp.float32(0.1)
            outv[pl.ds(c * CH + g * L, L)] = pred

        if c + NB < NCH:
            pend.append(issue(c + NB))

    pltpu.sync_copy(outv, out.at[pl.ds(base, BPW)])


@jax.jit
def _run(uid, iid, cid, ut, it, ct, gb):
    mesh = plsc.VectorSubcoreMesh(core_axis_name="c", subcore_axis_name="s")
    f = pl.kernel(
        _body,
        out_type=jax.ShapeDtypeStruct((BATCH,), jnp.float32),
        mesh=mesh,
        scratch_types=[
            pltpu.VMEM((BPW,), jnp.int32),
            pltpu.VMEM((BPW,), jnp.int32),
            pltpu.VMEM((BPW,), jnp.int32),
            pltpu.VMEM((NB, CH, EMB), jnp.float32),
            pltpu.VMEM((NB, CH, EMB), jnp.float32),
            pltpu.VMEM((CH, L), jnp.float32),
            pltpu.VMEM((CRPT, EMB), jnp.float32),
            pltpu.VMEM((NCATP,), jnp.float32),
            pltpu.VMEM_SHARED((NCATP,), jnp.float32),
            pltpu.VMEM((L,), jnp.float32),
            pltpu.VMEM((BPW,), jnp.float32),
            pltpu.SemaphoreType.DMA((NB,)),
        ],
        compiler_params=pltpu.CompilerParams(needs_layout_passes=False),
        name="recommender_sc",
    )
    return f(uid, iid, cid, ut, it, ct, gb)


def kernel(user_ids, item_ids, category_ids, user_table, item_table,
           cat_table, user_bias, item_bias, global_bias):
    uid = user_ids.astype(jnp.int32)
    iid = item_ids.astype(jnp.int32)
    cid = category_ids.astype(jnp.int32)
    gb16 = jnp.broadcast_to(global_bias, (L,))
    ct2 = jnp.zeros((CROWS, EMB), jnp.float32).at[:N_CATS * CATD // EMB].set(
        cat_table.reshape(N_CATS * CATD // EMB, EMB))
    return _run(uid, iid, cid, user_table, item_table, ct2, gb16)

# --- scband reference (transcript-rebuilt; emitter-appended) ---
"""Pipeline reference for scband-recommender-model-11759620456638 (READ-ONLY COPY).

The authoritative reference and input builder live on the scoring server;
editing this copy changes nothing except your own understanding.
"""

import jax, jax.numpy as jnp
import numpy as np

N_USERS = 1000000
N_ITEMS = 100000
N_CATS = 1000
EMB = 128
BATCH = 16384


def setup_inputs(seed: int = 0) -> dict:
    key = jax.random.key(seed)
    k1, k2, k3, k4, k5, k6 = jax.random.split(key, 6)
    user_ids = jax.random.randint(k1, (BATCH,), 0, N_USERS, dtype=jnp.int64 if jax.config.jax_enable_x64 else jnp.int32)
    item_ids = jax.random.randint(k2, (BATCH,), 0, N_ITEMS, dtype=jnp.int64 if jax.config.jax_enable_x64 else jnp.int32)
    category_ids = jax.random.randint(k3, (BATCH,), 0, N_CATS, dtype=jnp.int64 if jax.config.jax_enable_x64 else jnp.int32)
    user_table = jax.random.normal(k4, (N_USERS, EMB), dtype=jnp.float32) * 0.01
    item_table = jax.random.normal(k5, (N_ITEMS, EMB), dtype=jnp.float32) * 0.01
    cat_table = jax.random.normal(k6, (N_CATS, EMB // 4), dtype=jnp.float32) * 0.001
    user_bias = jnp.zeros((N_USERS, 1), dtype=jnp.float32)
    item_bias = jnp.zeros((N_ITEMS, 1), dtype=jnp.float32)
    global_bias = jnp.zeros((1,), dtype=jnp.float32)
    return {
        'user_ids': user_ids,
        'item_ids': item_ids,
        'category_ids': category_ids,
        'user_table': user_table,
        'item_table': item_table,
        'cat_table': cat_table,
        'user_bias': user_bias,
        'item_bias': item_bias,
        'global_bias': global_bias,
    }


def reference(user_ids, item_ids, category_ids, user_table, item_table, cat_table, user_bias, item_bias, global_bias):
    # eval mode: dropout is identity
    user_emb = jnp.take(user_table, user_ids, axis=0)
    item_emb = jnp.take(item_table, item_ids, axis=0)
    cat_emb = jnp.take(cat_table, category_ids, axis=0)
    interaction = jnp.sum(user_emb * item_emb, axis=1)
    user_b = jnp.take(user_bias, user_ids, axis=0).squeeze(-1)
    item_b = jnp.take(item_bias, item_ids, axis=0).squeeze(-1)
    cat_score = jnp.sum(cat_emb, axis=1)
    prediction = interaction + user_b + item_b + global_bias[0] + cat_score * 0.1
    return prediction

if __name__ == "__main__":
    import jax
    _d = setup_inputs()
    print(jax.jit(kernel)(*tuple(_d.values())))

</pallas_src>

<mosaic_0001>
#map = affine_map<(d0, d1) -> (0)>
#map1 = affine_map<(d0, d1) -> (0, 0)>
module attributes {stable_mosaic.version = 14 : i64} {
  func.func @recommender_sc(%arg0: i32, %arg1: i32, %arg2: memref<16384xi32, #tpu.memory_space<hbm>>, %arg3: memref<16384xi32, #tpu.memory_space<hbm>>, %arg4: memref<16384xi32, #tpu.memory_space<hbm>>, %arg5: memref<1000000x128xf32, #tpu.memory_space<hbm>>, %arg6: memref<100000x128xf32, #tpu.memory_space<hbm>>, %arg7: memref<256x128xf32, #tpu.memory_space<hbm>>, %arg8: memref<16xf32, #tpu.memory_space<hbm>>, %arg9: memref<16384xf32, #tpu.memory_space<hbm>>, %arg10: memref<512xi32, #tpu.memory_space<vmem>>, %arg11: memref<512xi32, #tpu.memory_space<vmem>>, %arg12: memref<512xi32, #tpu.memory_space<vmem>>, %arg13: memref<3x128x128xf32, #tpu.memory_space<vmem>>, %arg14: memref<3x128x128xf32, #tpu.memory_space<vmem>>, %arg15: memref<128x16xf32, #tpu.memory_space<vmem>>, %arg16: memref<16x128xf32, #tpu.memory_space<vmem>>, %arg17: memref<1024xf32, #tpu.memory_space<vmem>>, %arg18: memref<1024xf32, #tpu.memory_space<vmem_shared>>, %arg19: memref<16xf32, #tpu.memory_space<vmem>>, %arg20: memref<512xf32, #tpu.memory_space<vmem>>, %arg21: memref<3x!tpu.dma_semaphore, #tpu.memory_space<semaphore_mem>>) attributes {dimension_semantics = [#tpu.dimension_semantics<core_parallel>, #tpu.dimension_semantics<subcore_parallel>], iteration_bounds = array<i64: 2, 16>, scalar_prefetch = 0 : i64, scratch_operands = 12 : i64, tpu.core_type = #tpu.core_type<sc_vector_subcore>, window_params = [{transform_indices = #map}, {transform_indices = #map}, {transform_indices = #map}, {transform_indices = #map1}, {transform_indices = #map1}, {transform_indices = #map1}, {transform_indices = #map}, {transform_indices = #map}]} {
    %mul3A = arith.constant 2 : i32
    %mul3A_0 = arith.muli %arg1, %mul3A : i32
    %add3A = arith.addi %mul3A_0, %arg0 : i32
    %mul3A_1 = arith.constant 512 : i32
    %mul3A_2 = arith.muli %add3A, %mul3A_1 : i32
    "tpu.region"() ({
      %run_scoped3A = tpu.sem_alloc : memref<!tpu.dma_semaphore, #tpu.memory_space<semaphore_mem>>
      %dma_start3A_2660 = tpu.memref_slice %arg2[%mul3A_2] : memref<16384xi32, #tpu.memory_space<hbm>> -> memref<512xi32, #tpu.memory_space<hbm>>
      %dma_start3A_2661 = tpu.memref_slice %arg2[%mul3A_2] : memref<16384xi32, #tpu.memory_space<hbm>> -> memref<512xi32, #tpu.memory_space<hbm>>
      tpu.enqueue_dma source(%dma_start3A_2661 : memref<512xi32, #tpu.memory_space<hbm>>) target(%arg10 : memref<512xi32, #tpu.memory_space<vmem>>) target_semaphore(%run_scoped3A : memref<!tpu.dma_semaphore, #tpu.memory_space<semaphore_mem>>)
      %dma_wait3A_2662 = tpu.memref_slice %arg2[%mul3A_2] : memref<16384xi32, #tpu.memory_space<hbm>> -> memref<512xi32, #tpu.memory_space<hbm>>
      %dma_wait3A_2663 = tpu.memref_slice %arg2[%mul3A_2] : memref<16384xi32, #tpu.memory_space<hbm>> -> memref<512xi32, #tpu.memory_space<hbm>>
      tpu.wait_dma2 semaphore(%run_scoped3A : memref<!tpu.dma_semaphore, #tpu.memory_space<semaphore_mem>>) src(%dma_wait3A_2663 : memref<512xi32, #tpu.memory_space<hbm>>) dst(%arg10 : memref<512xi32, #tpu.memory_space<vmem>>)
      tpu.yield
    }) : () -> ()
    "tpu.region"() ({
      %run_scoped3A = tpu.sem_alloc : memref<!tpu.dma_semaphore, #tpu.memory_space<semaphore_mem>>
      %dma_start3A_2660 = tpu.memref_slice %arg3[%mul3A_2] : memref<16384xi32, #tpu.memory_space<hbm>> -> memref<512xi32, #tpu.memory_space<hbm>>
      %dma_start3A_2661 = tpu.memref_slice %arg3[%mul3A_2] : memref<16384xi32, #tpu.memory_space<hbm>> -> memref<512xi32, #tpu.memory_space<hbm>>
      tpu.enqueue_dma source(%dma_start3A_2661 : memref<512xi32, #tpu.memory_space<hbm>>) target(%arg11 : memref<512xi32, #tpu.memory_space<vmem>>) target_semaphore(%run_scoped3A : memref<!tpu.dma_semaphore, #tpu.memory_space<semaphore_mem>>)
      %dma_wait3A_2662 = tpu.memref_slice %arg3[%mul3A_2] : memref<16384xi32, #tpu.memory_space<hbm>> -> memref<512xi32, #tpu.memory_space<hbm>>
      %dma_wait3A_2663 = tpu.memref_slice %arg3[%mul3A_2] : memref<16384xi32, #tpu.memory_space<hbm>> -> memref<512xi32, #tpu.memory_space<hbm>>
      tpu.wait_dma2 semaphore(%run_scoped3A : memref<!tpu.dma_semaphore, #tpu.memory_space<semaphore_mem>>) src(%dma_wait3A_2663 : memref<512xi32, #tpu.memory_space<hbm>>) dst(%arg11 : memref<512xi32, #tpu.memory_space<vmem>>)
      tpu.yield
    }) : () -> ()
    %dma_start3A = arith.constant 0 : i32
    %dma_start3A_3 = arith.constant 0 : i32
    %dma_start3A_4 = arith.constant 0 : i32
    %dma_start3A_5 = arith.constant 0 : i32
    %dma_start3A_6 = tpu.memref_slice %arg13[%dma_start3A, %dma_start3A_4, %dma_start3A_5] : memref<3x128x128xf32, #tpu.memory_space<vmem>> -> memref<1x128x128xf32, #tpu.memory_space<vmem>>
    %dma_start3A_7 = tpu.memref_squeeze %dma_start3A_6 : memref<1x128x128xf32, #tpu.memory_space<vmem>> -> memref<128x128xf32, #tpu.memory_space<vmem>>
    %dma_start3A_8 = arith.constant 0 : i32
    %dma_start3A_9 = tpu.memref_slice %arg10[%dma_start3A_8] : memref<512xi32, #tpu.memory_space<vmem>> -> memref<128xi32, #tpu.memory_space<vmem>>
    %dma_start3A_10 = arith.constant 0 : i32
    %dma_start3A_11 = arith.constant 0 : i32
    %dma_start3A_12 = tpu.memref_slice %arg5[%dma_start3A_10, %dma_start3A_11] : memref<1000000x128xf32, #tpu.memory_space<hbm>> -> memref<1000000x128xf32, #tpu.memory_space<hbm>>
    %dma_start3A_13 = tpu.memref_slice %arg21[%dma_start3A_3] : memref<3x!tpu.dma_semaphore, #tpu.memory_space<semaphore_mem>> -> memref<1x!tpu.dma_semaphore, #tpu.memory_space<semaphore_mem>>
    %dma_start3A_14 = tpu.memref_squeeze %dma_start3A_13 : memref<1x!tpu.dma_semaphore, #tpu.memory_space<semaphore_mem>> -> memref<!tpu.dma_semaphore, #tpu.memory_space<semaphore_mem>>
    tpu.enqueue_indirect_dma source(%dma_start3A_12 : memref<1000000x128xf32, #tpu.memory_space<hbm>>) target(%dma_start3A_7 : memref<128x128xf32, #tpu.memory_space<vmem>>) offsets(%dma_start3A_9 : memref<128xi32, #tpu.memory_space<vmem>>) semaphore(%dma_start3A_14 : memref<!tpu.dma_semaphore, #tpu.memory_space<semaphore_mem>>)
    %dma_start3A_15 = arith.constant 0 : i32
    %dma_start3A_16 = arith.constant 0 : i32
    %dma_start3A_17 = arith.constant 0 : i32
    %dma_start3A_18 = arith.constant 0 : i32
    %dma_start3A_19 = tpu.memref_slice %arg14[%dma_start3A_15, %dma_start3A_17, %dma_start3A_18] : memref<3x128x128xf32, #tpu.memory_space<vmem>> -> memref<1x128x128xf32, #tpu.memory_space<vmem>>
    %dma_start3A_20 = tpu.memref_squeeze %dma_start3A_19 : memref<1x128x128xf32, #tpu.memory_space<vmem>> -> memref<128x128xf32, #tpu.memory_space<vmem>>
    %dma_start3A_21 = arith.constant 0 : i32
    %dma_start3A_22 = tpu.memref_slice %arg11[%dma_start3A_21] : memref<512xi32, #tpu.memory_space<vmem>> -> memref<128xi32, #tpu.memory_space<vmem>>
    %dma_start3A_23 = arith.constant 0 : i32
    %dma_start3A_24 = arith.constant 0 : i32
    %dma_start3A_25 = tpu.memref_slice %arg6[%dma_start3A_23, %dma_start3A_24] : memref<100000x128xf32, #tpu.memory_space<hbm>> -> memref<100000x128xf32, #tpu.memory_space<hbm>>
    %dma_start3A_26 = tpu.memref_slice %arg21[%dma_start3A_16] : memref<3x!tpu.dma_semaphore, #tpu.memory_space<semaphore_mem>> -> memref<1x!tpu.dma_semaphore, #tpu.memory_space<semaphore_mem>>
    %dma_start3A_27 = tpu.memref_squeeze %dma_start3A_26 : memref<1x!tpu.dma_semaphore, #tpu.memory_space<semaphore_mem>> -> memref<!tpu.dma_semaphore, #tpu.memory_space<semaphore_mem>>
    tpu.enqueue_indirect_dma source(%dma_start3A_25 : memref<100000x128xf32, #tpu.memory_space<hbm>>) target(%dma_start3A_20 : memref<128x128xf32, #tpu.memory_space<vmem>>) offsets(%dma_start3A_22 : memref<128xi32, #tpu.memory_space<vmem>>) semaphore(%dma_start3A_27 : memref<!tpu.dma_semaphore, #tpu.memory_space<semaphore_mem>>)
    %dma_start3A_28 = arith.constant 1 : i32
    %dma_start3A_29 = arith.constant 1 : i32
    %dma_start3A_30 = arith.constant 0 : i32
    %dma_start3A_31 = arith.constant 0 : i32
    %dma_start3A_32 = tpu.memref_slice %arg13[%dma_start3A_28, %dma_start3A_30, %dma_start3A_31] : memref<3x128x128xf32, #tpu.memory_space<vmem>> -> memref<1x128x128xf32, #tpu.memory_space<vmem>>
    %dma_start3A_33 = tpu.memref_squeeze %dma_start3A_32 : memref<1x128x128xf32, #tpu.memory_space<vmem>> -> memref<128x128xf32, #tpu.memory_space<vmem>>
    %dma_start3A_34 = arith.constant 128 : i32
    %dma_start3A_35 = tpu.memref_slice %arg10[%dma_start3A_34] : memref<512xi32, #tpu.memory_space<vmem>> -> memref<128xi32, #tpu.memory_space<vmem>>
    %dma_start3A_36 = arith.constant 0 : i32
    %dma_start3A_37 = arith.constant 0 : i32
    %dma_start3A_38 = tpu.memref_slice %arg5[%dma_start3A_36, %dma_start3A_37] : memref<1000000x128xf32, #tpu.memory_space<hbm>> -> memref<1000000x128xf32, #tpu.memory_space<hbm>>
    %dma_start3A_39 = tpu.memref_slice %arg21[%dma_start3A_29] : memref<3x!tpu.dma_semaphore, #tpu.memory_space<semaphore_mem>> -> memref<1x!tpu.dma_semaphore, #tpu.memory_space<semaphore_mem>>
    %dma_start3A_40 = tpu.memref_squeeze %dma_start3A_39 : memref<1x!tpu.dma_semaphore, #tpu.memory_space<semaphore_mem>> -> memref<!tpu.dma_semaphore, #tpu.memory_space<semaphore_mem>>
    tpu.enqueue_indirect_dma source(%dma_start3A_38 : memref<1000000x128xf32, #tpu.memory_space<hbm>>) target(%dma_start3A_33 : memref<128x128xf32, #tpu.memory_space<vmem>>) offsets(%dma_start3A_35 : memref<128xi32, #tpu.memory_space<vmem>>) semaphore(%dma_start3A_40 : memref<!tpu.dma_semaphore, #tpu.memory_space<semaphore_mem>>)
    %dma_start3A_41 = arith.constant 1 : i32
    %dma_start3A_42 = arith.constant 1 : i32
    %dma_start3A_43 = arith.constant 0 : i32
    %dma_start3A_44 = arith.constant 0 : i32
    %dma_start3A_45 = tpu.memref_slice %arg14[%dma_start3A_41, %dma_start3A_43, %dma_start3A_44] : memref<3x128x128xf32, #tpu.memory_space<vmem>> -> memref<1x128x128xf32, #tpu.memory_space<vmem>>
    %dma_start3A_46 = tpu.memref_squeeze %dma_start3A_45 : memref<1x128x128xf32, #tpu.memory_space<vmem>> -> memref<128x128xf32, #tpu.memory_space<vmem>>
    %dma_start3A_47 = arith.constant 128 : i32
    %dma_start3A_48 = tpu.memref_slice %arg11[%dma_start3A_47] : memref<512xi32, #tpu.memory_space<vmem>> -> memref<128xi32, #tpu.memory_space<vmem>>
    %dma_start3A_49 = arith.constant 0 : i32
    %dma_start3A_50 = arith.constant 0 : i32
    %dma_start3A_51 = tpu.memref_slice %arg6[%dma_start3A_49, %dma_start3A_50] : memref<100000x128xf32, #tpu.memory_space<hbm>> -> memref<100000x128xf32, #tpu.memory_space<hbm>>
    %dma_start3A_52 = tpu.memref_slice %arg21[%dma_start3A_42] : memref<3x!tpu.dma_semaphore, #tpu.memory_space<semaphore_mem>> -> memref<1x!tpu.dma_semaphore, #tpu.memory_space<semaphore_mem>>
    %dma_start3A_53 = tpu.memref_squeeze %dma_start3A_52 : memref<1x!tpu.dma_semaphore, #tpu.memory_space<semaphore_mem>> -> memref<!tpu.dma_semaphore, #tpu.memory_space<semaphore_mem>>
    tpu.enqueue_indirect_dma source(%dma_start3A_51 : memref<100000x128xf32, #tpu.memory_space<hbm>>) target(%dma_start3A_46 : memref<128x128xf32, #tpu.memory_space<vmem>>) offsets(%dma_start3A_48 : memref<128xi32, #tpu.memory_space<vmem>>) semaphore(%dma_start3A_53 : memref<!tpu.dma_semaphore, #tpu.memory_space<semaphore_mem>>)
    %dma_start3A_54 = arith.constant 2 : i32
    %dma_start3A_55 = arith.constant 2 : i32
    %dma_start3A_56 = arith.constant 0 : i32
    %dma_start3A_57 = arith.constant 0 : i32
    %dma_start3A_58 = tpu.memref_slice %arg13[%dma_start3A_54, %dma_start3A_56, %dma_start3A_57] : memref<3x128x128xf32, #tpu.memory_space<vmem>> -> memref<1x128x128xf32, #tpu.memory_space<vmem>>
    %dma_start3A_59 = tpu.memref_squeeze %dma_start3A_58 : memref<1x128x128xf32, #tpu.memory_space<vmem>> -> memref<128x128xf32, #tpu.memory_space<vmem>>
    %dma_start3A_60 = arith.constant 256 : i32
    %dma_start3A_61 = tpu.memref_slice %arg10[%dma_start3A_60] : memref<512xi32, #tpu.memory_space<vmem>> -> memref<128xi32, #tpu.memory_space<vmem>>
    %dma_start3A_62 = arith.constant 0 : i32
    %dma_start3A_63 = arith.constant 0 : i32
    %dma_start3A_64 = tpu.memref_slice %arg5[%dma_start3A_62, %dma_start3A_63] : memref<1000000x128xf32, #tpu.memory_space<hbm>> -> memref<1000000x128xf32, #tpu.memory_space<hbm>>
    %dma_start3A_65 = tpu.memref_slice %arg21[%dma_start3A_55] : memref<3x!tpu.dma_semaphore, #tpu.memory_space<semaphore_mem>> -> memref<1x!tpu.dma_semaphore, #tpu.memory_space<semaphore_mem>>
    %dma_start3A_66 = tpu.memref_squeeze %dma_start3A_65 : memref<1x!tpu.dma_semaphore, #tpu.memory_space<semaphore_mem>> -> memref<!tpu.dma_semaphore, #tpu.memory_space<semaphore_mem>>
    tpu.enqueue_indirect_dma source(%dma_start3A_64 : memref<1000000x128xf32, #tpu.memory_space<hbm>>) target(%dma_start3A_59 : memref<128x128xf32, #tpu.memory_space<vmem>>) offsets(%dma_start3A_61 : memref<128xi32, #tpu.memory_space<vmem>>) semaphore(%dma_start3A_66 : memref<!tpu.dma_semaphore, #tpu.memory_space<semaphore_mem>>)
    %dma_start3A_67 = arith.constant 2 : i32
    %dma_start3A_68 = arith.constant 2 : i32
    %dma_start3A_69 = arith.constant 0 : i32
    %dma_start3A_70 = arith.constant 0 : i32
    %dma_start3A_71 = tpu.memref_slice %arg14[%dma_start3A_67, %dma_start3A_69, %dma_start3A_70] : memref<3x128x128xf32, #tpu.memory_space<vmem>> -> memref<1x128x128xf32, #tpu.memory_space<vmem>>
    %dma_start3A_72 = tpu.memref_squeeze %dma_start3A_71 : memref<1x128x128xf32, #tpu.memory_space<vmem>> -> memref<128x128xf32, #tpu.memory_space<vmem>>
    %dma_start3A_73 = arith.constant 256 : i32
    %dma_start3A_74 = tpu.memref_slice %arg11[%dma_start3A_73] : memref<512xi32, #tpu.memory_space<vmem>> -> memref<128xi32, #tpu.memory_space<vmem>>
    %dma_start3A_75 = arith.constant 0 : i32
    %dma_start3A_76 = arith.constant 0 : i32
    %dma_start3A_77 = tpu.memref_slice %arg6[%dma_start3A_75, %dma_start3A_76] : memref<100000x128xf32, #tpu.memory_space<hbm>> -> memref<100000x128xf32, #tpu.memory_space<hbm>>
    %dma_start3A_78 = tpu.memref_slice %arg21[%dma_start3A_68] : memref<3x!tpu.dma_semaphore, #tpu.memory_space<semaphore_mem>> -> memref<1x!tpu.dma_semaphore, #tpu.memory_space<semaphore_mem>>
    %dma_start3A_79 = tpu.memref_squeeze %dma_start3A_78 : memref<1x!tpu.dma_semaphore, #tpu.memory_space<semaphore_mem>> -> memref<!tpu.dma_semaphore, #tpu.memory_space<semaphore_mem>>
    tpu.enqueue_indirect_dma source(%dma_start3A_77 : memref<100000x128xf32, #tpu.memory_space<hbm>>) target(%dma_start3A_72 : memref<128x128xf32, #tpu.memory_space<vmem>>) offsets(%dma_start3A_74 : memref<128xi32, #tpu.memory_space<vmem>>) semaphore(%dma_start3A_79 : memref<!tpu.dma_semaphore, #tpu.memory_space<semaphore_mem>>)
    "tpu.region"() ({
      %run_scoped3A = tpu.sem_alloc : memref<!tpu.dma_semaphore, #tpu.memory_space<semaphore_mem>>
      %dma_start3A_2660 = tpu.memref_slice %arg4[%mul3A_2] : memref<16384xi32, #tpu.memory_space<hbm>> -> memref<512xi32, #tpu.memory_space<hbm>>
      %dma_start3A_2661 = tpu.memref_slice %arg4[%mul3A_2] : memref<16384xi32, #tpu.memory_space<hbm>> -> memref<512xi32, #tpu.memory_space<hbm>>
      tpu.enqueue_dma source(%dma_start3A_2661 : memref<512xi32, #tpu.memory_space<hbm>>) target(%arg12 : memref<512xi32, #tpu.memory_space<vmem>>) target_semaphore(%run_scoped3A : memref<!tpu.dma_semaphore, #tpu.memory_space<semaphore_mem>>)
      %dma_wait3A_2662 = tpu.memref_slice %arg4[%mul3A_2] : memref<16384xi32, #tpu.memory_space<hbm>> -> memref<512xi32, #tpu.memory_space<hbm>>
      %dma_wait3A_2663 = tpu.memref_slice %arg4[%mul3A_2] : memref<16384xi32, #tpu.memory_space<hbm>> -> memref<512xi32, #tpu.memory_space<hbm>>
      tpu.wait_dma2 semaphore(%run_scoped3A : memref<!tpu.dma_semaphore, #tpu.memory_space<semaphore_mem>>) src(%dma_wait3A_2663 : memref<512xi32, #tpu.memory_space<hbm>>) dst(%arg12 : memref<512xi32, #tpu.memory_space<vmem>>)
      tpu.yield
    }) : () -> ()
    "tpu.region"() ({
      %run_scoped3A = tpu.sem_alloc : memref<!tpu.dma_semaphore, #tpu.memory_space<semaphore_mem>>
      tpu.enqueue_dma source(%arg8 : memref<16xf32, #tpu.memory_space<hbm>>) target(%arg19 : memref<16xf32, #tpu.memory_space<vmem>>) target_semaphore(%run_scoped3A : memref<!tpu.dma_semaphore, #tpu.memory_space<semaphore_mem>>)
      tpu.wait_dma2 semaphore(%run_scoped3A : memref<!tpu.dma_semaphore, #tpu.memory_space<semaphore_mem>>) src(%arg8 : memref<16xf32, #tpu.memory_space<hbm>>) dst(%arg19 : memref<16xf32, #tpu.memory_space<vmem>>)
      tpu.yield
    }) : () -> ()
    %mul3A_80 = arith.constant 16 : i32
    %mul3A_81 = arith.muli %arg1, %mul3A_80 : i32
    "tpu.region"() ({
      %run_scoped3A = tpu.sem_alloc : memref<!tpu.dma_semaphore, #tpu.memory_space<semaphore_mem>>
      %dma_start3A_2660 = arith.constant 0 : i32
      %dma_start3A_2661 = tpu.memref_slice %arg7[%mul3A_81, %dma_start3A_2660] : memref<256x128xf32, #tpu.memory_space<hbm>> -> memref<16x128xf32, #tpu.memory_space<hbm>>
      %dma_start3A_2662 = arith.constant 0 : i32
      %dma_start3A_2663 = tpu.memref_slice %arg7[%mul3A_81, %dma_start3A_2662] : memref<256x128xf32, #tpu.memory_space<hbm>> -> memref<16x128xf32, #tpu.memory_space<hbm>>
      tpu.enqueue_dma source(%dma_start3A_2663 : memref<16x128xf32, #tpu.memory_space<hbm>>) target(%arg16 : memref<16x128xf32, #tpu.memory_space<vmem>>) target_semaphore(%run_scoped3A : memref<!tpu.dma_semaphore, #tpu.memory_space<semaphore_mem>>)
      %dma_wait3A_2664 = arith.constant 0 : i32
      %dma_wait3A_2665 = tpu.memref_slice %arg7[%mul3A_81, %dma_wait3A_2664] : memref<256x128xf32, #tpu.memory_space<hbm>> -> memref<16x128xf32, #tpu.memory_space<hbm>>
      %dma_wait3A_2666 = arith.constant 0 : i32
      %dma_wait3A_2667 = tpu.memref_slice %arg7[%mul3A_81, %dma_wait3A_2666] : memref<256x128xf32, #tpu.memory_space<hbm>> -> memref<16x128xf32, #tpu.memory_space<hbm>>
      tpu.wait_dma2 semaphore(%run_scoped3A : memref<!tpu.dma_semaphore, #tpu.memory_space<semaphore_mem>>) src(%dma_wait3A_2667 : memref<16x128xf32, #tpu.memory_space<hbm>>) dst(%arg16 : memref<16x128xf32, #tpu.memory_space<vmem>>)
      tpu.yield
    }) : () -> ()
    %iota3A = tpu.iota {dimensions = array<i32: 0>} : vector<16xi32>
    %scan3A = arith.constant 0 : i32
    %scan3A_82 = arith.constant 0 : i32
    %scan3A_83 = arith.constant 4 : i32
    %scan3A_84 = arith.addi %scan3A_82, %scan3A_83 : i32
    %scan3A_85 = arith.constant 1 : i32
    %scan3A_86 = scf.for %scan3A_2660 = %scan3A_82 to %scan3A_84 step %scan3A_85 iter_args(%scan3A_2661 = %scan3A) -> (i32)  : i32 {
      %mul3A_2662 = arith.constant 16 : i32
      %mul3A_2663 = arith.muli %scan3A_2660, %mul3A_2662 : i32
      %add3A_2664 = vector.broadcast %mul3A_2663 : i32 to vector<16xi32>
      %add3A_2665 = arith.addi %iota3A, %add3A_2664 : vector<16xi32>
      %shift_right_logical3A = arith.constant 2 : i32
      %shift_right_logical3A_2666 = vector.broadcast %shift_right_logical3A : i32 to vector<16xi32>
      %shift_right_logical3A_2667 = arith.shrui %add3A_2665, %shift_right_logical3A_2666 : vector<16xi32>
      %and3A = arith.constant 3 : i32
      %and3A_2668 = vector.broadcast %and3A : i32 to vector<16xi32>
      %and3A_2669 = arith.andi %add3A_2665, %and3A_2668 : vector<16xi32>
      %shift_left3A = arith.constant 5 : i32
      %shift_left3A_2670 = vector.broadcast %shift_left3A : i32 to vector<16xi32>
      %shift_left3A_2671 = arith.shli %and3A_2669, %shift_left3A_2670 : vector<16xi32>
      %broadcast_in_dim3A_2672 = arith.constant 0.000000e+00 : f32
      %broadcast_in_dim3A_2673 = vector.broadcast %broadcast_in_dim3A_2672 : f32 to vector<16xf32>
      %scan3A_2674 = arith.constant 0 : i32
      %scan3A_2675 = arith.constant 32 : i32
      %scan3A_2676 = arith.addi %scan3A_2674, %scan3A_2675 : i32
      %scan3A_2677 = arith.constant 4 : i32
      %scan3A_2678 = scf.for %scan3A_2685 = %scan3A_2674 to %scan3A_2676 step %scan3A_2677 iter_args(%scan3A_2686 = %broadcast_in_dim3A_2673) -> (vector<16xf32>)  : i32 {
        %add3A_2687 = vector.broadcast %scan3A_2685 : i32 to vector<16xi32>
        %add3A_2688 = arith.addi %shift_left3A_2671, %add3A_2687 : vector<16xi32>
        %gather3A_2689 = tpu.vector_load_idx %arg16[%shift_right_logical3A_2667, %add3A_2688] : memref<16x128xf32, #tpu.memory_space<vmem>>[vector<16xi32>, vector<16xi32>], vector<16xf32>,
        %add3A_2690 = arith.addf %scan3A_2686, %gather3A_2689 : vector<16xf32>
        %scan3A_2691 = arith.constant 1 : i32
        %scan3A_2692 = arith.addi %scan3A_2685, %scan3A_2691 : i32
        %add3A_2693 = vector.broadcast %scan3A_2692 : i32 to vector<16xi32>
        %add3A_2694 = arith.addi %shift_left3A_2671, %add3A_2693 : vector<16xi32>
        %gather3A_2695 = tpu.vector_load_idx %arg16[%shift_right_logical3A_2667, %add3A_2694] : memref<16x128xf32, #tpu.memory_space<vmem>>[vector<16xi32>, vector<16xi32>], vector<16xf32>,
        %add3A_2696 = arith.addf %add3A_2690, %gather3A_2695 : vector<16xf32>
        %scan3A_2697 = arith.constant 2 : i32
        %scan3A_2698 = arith.addi %scan3A_2685, %scan3A_2697 : i32
        %add3A_2699 = vector.broadcast %scan3A_2698 : i32 to vector<16xi32>
        %add3A_2700 = arith.addi %shift_left3A_2671, %add3A_2699 : vector<16xi32>
        %gather3A_2701 = tpu.vector_load_idx %arg16[%shift_right_logical3A_2667, %add3A_2700] : memref<16x128xf32, #tpu.memory_space<vmem>>[vector<16xi32>, vector<16xi32>], vector<16xf32>,
        %add3A_2702 = arith.addf %add3A_2696, %gather3A_2701 : vector<16xf32>
        %scan3A_2703 = arith.constant 3 : i32
        %scan3A_2704 = arith.addi %scan3A_2685, %scan3A_2703 : i32
        %add3A_2705 = vector.broadcast %scan3A_2704 : i32 to vector<16xi32>
        %add3A_2706 = arith.addi %shift_left3A_2671, %add3A_2705 : vector<16xi32>
        %gather3A_2707 = tpu.vector_load_idx %arg16[%shift_right_logical3A_2667, %add3A_2706] : memref<16x128xf32, #tpu.memory_space<vmem>>[vector<16xi32>, vector<16xi32>], vector<16xf32>,
        %add3A_2708 = arith.addf %add3A_2702, %gather3A_2707 : vector<16xf32>
        scf.yield %add3A_2708 : vector<16xf32>
      }
      %scan3A_2679 = arith.constant 32 : i32
      %mul3A_2680 = arith.constant 16 : i32
      %mul3A_2681 = arith.muli %scan3A_2660, %mul3A_2680 : i32
      %swap3A_2682 = arith.index_cast %mul3A_2681 : i32 to index
      %swap3A_2683 = tpu.vector_load %arg17[%swap3A_2682] {strides = array<i32>} : memref<1024xf32, #tpu.memory_space<vmem>>, vector<16xf32>,
      tpu.vector_store %arg17[%swap3A_2682], %scan3A_2678 {strides = array<i32>} : memref<1024xf32, #tpu.memory_space<vmem>>, vector<16xf32>,
      %scan3A_2684 = arith.constant 0 : i32
      scf.yield %scan3A_2684 : i32
    }
    %scan3A_87 = arith.constant 4 : i32
    %mul3A_88 = arith.constant 64 : i32
    %mul3A_89 = arith.muli %arg1, %mul3A_88 : i32
    "tpu.region"() ({
      %run_scoped3A = tpu.sem_alloc : memref<!tpu.dma_semaphore, #tpu.memory_space<semaphore_mem>>
      %dma_start3A_2660 = arith.constant 0 : i32
      %dma_start3A_2661 = tpu.memref_slice %arg17[%dma_start3A_2660] : memref<1024xf32, #tpu.memory_space<vmem>> -> memref<64xf32, #tpu.memory_space<vmem>>
      %dma_start3A_2662 = tpu.memref_slice %arg18[%mul3A_89] : memref<1024xf32, #tpu.memory_space<vmem_shared>> -> memref<64xf32, #tpu.memory_space<vmem_shared>>
      %dma_start3A_2663 = tpu.memref_slice %arg18[%mul3A_89] : memref<1024xf32, #tpu.memory_space<vmem_shared>> -> memref<64xf32, #tpu.memory_space<vmem_shared>>
      %dma_start3A_2664 = arith.constant 0 : i32
      %dma_start3A_2665 = tpu.memref_slice %arg17[%dma_start3A_2664] : memref<1024xf32, #tpu.memory_space<vmem>> -> memref<64xf32, #tpu.memory_space<vmem>>
      tpu.enqueue_dma source(%dma_start3A_2665 : memref<64xf32, #tpu.memory_space<vmem>>) target(%dma_start3A_2663 : memref<64xf32, #tpu.memory_space<vmem_shared>>) target_semaphore(%run_scoped3A : memref<!tpu.dma_semaphore, #tpu.memory_space<semaphore_mem>>)
      %dma_wait3A_2666 = arith.constant 0 : i32
      %dma_wait3A_2667 = tpu.memref_slice %arg17[%dma_wait3A_2666] : memref<1024xf32, #tpu.memory_space<vmem>> -> memref<64xf32, #tpu.memory_space<vmem>>
      %dma_wait3A_2668 = tpu.memref_slice %arg18[%mul3A_89] : memref<1024xf32, #tpu.memory_space<vmem_shared>> -> memref<64xf32, #tpu.memory_space<vmem_shared>>
      %dma_wait3A_2669 = tpu.memref_slice %arg18[%mul3A_89] : memref<1024xf32, #tpu.memory_space<vmem_shared>> -> memref<64xf32, #tpu.memory_space<vmem_shared>>
      %dma_wait3A_2670 = arith.constant 0 : i32
      %dma_wait3A_2671 = tpu.memref_slice %arg17[%dma_wait3A_2670] : memref<1024xf32, #tpu.memory_space<vmem>> -> memref<64xf32, #tpu.memory_space<vmem>>
      tpu.wait_dma2 semaphore(%run_scoped3A : memref<!tpu.dma_semaphore, #tpu.memory_space<semaphore_mem>>) src(%dma_wait3A_2671 : memref<64xf32, #tpu.memory_space<vmem>>) dst(%dma_wait3A_2669 : memref<64xf32, #tpu.memory_space<vmem_shared>>)
      tpu.yield
    }) : () -> ()
    %barrier3A = arith.constant 0 : index
    tpu.barrier barrier_id(%barrier3A)
    "tpu.region"() ({
      %run_scoped3A = tpu.sem_alloc : memref<!tpu.dma_semaphore, #tpu.memory_space<semaphore_mem>>
      tpu.enqueue_dma source(%arg18 : memref<1024xf32, #tpu.memory_space<vmem_shared>>) target(%arg17 : memref<1024xf32, #tpu.memory_space<vmem>>) target_semaphore(%run_scoped3A : memref<!tpu.dma_semaphore, #tpu.memory_space<semaphore_mem>>)
      tpu.wait_dma2 semaphore(%run_scoped3A : memref<!tpu.dma_semaphore, #tpu.memory_space<semaphore_mem>>) src(%arg18 : memref<1024xf32, #tpu.memory_space<vmem_shared>>) dst(%arg17 : memref<1024xf32, #tpu.memory_space<vmem>>)
      tpu.yield
    }) : () -> ()
    %get3A = arith.constant 0 : index
    %get3A_90 = tpu.vector_load %arg19[%get3A] {strides = array<i32>} : memref<16xf32, #tpu.memory_space<vmem>>, vector<16xf32>,
    %dma_wait3A = arith.constant 0 : i32
    %dma_wait3A_91 = arith.constant 0 : i32
    %dma_wait3A_92 = arith.constant 0 : i32
    %dma_wait3A_93 = arith.constant 0 : i32
    %dma_wait3A_94 = tpu.memref_slice %arg13[%dma_wait3A, %dma_wait3A_92, %dma_wait3A_93] : memref<3x128x128xf32, #tpu.memory_space<vmem>> -> memref<1x128x128xf32, #tpu.memory_space<vmem>>
    %dma_wait3A_95 = tpu.memref_squeeze %dma_wait3A_94 : memref<1x128x128xf32, #tpu.memory_space<vmem>> -> memref<128x128xf32, #tpu.memory_space<vmem>>
    %dma_wait3A_96 = arith.constant 0 : i32
    %dma_wait3A_97 = tpu.memref_slice %arg10[%dma_wait3A_96] : memref<512xi32, #tpu.memory_space<vmem>> -> memref<128xi32, #tpu.memory_space<vmem>>
    %dma_wait3A_98 = arith.constant 0 : i32
    %dma_wait3A_99 = arith.constant 0 : i32
    %dma_wait3A_100 = tpu.memref_slice %arg5[%dma_wait3A_98, %dma_wait3A_99] : memref<1000000x128xf32, #tpu.memory_space<hbm>> -> memref<1000000x128xf32, #tpu.memory_space<hbm>>
    %dma_wait3A_101 = tpu.memref_slice %arg21[%dma_wait3A_91] : memref<3x!tpu.dma_semaphore, #tpu.memory_space<semaphore_mem>> -> memref<1x!tpu.dma_semaphore, #tpu.memory_space<semaphore_mem>>
    %dma_wait3A_102 = tpu.memref_squeeze %dma_wait3A_101 : memref<1x!tpu.dma_semaphore, #tpu.memory_space<semaphore_mem>> -> memref<!tpu.dma_semaphore, #tpu.memory_space<semaphore_mem>>
    tpu.wait_indirect_dma semaphore(%dma_wait3A_102 : memref<!tpu.dma_semaphore, #tpu.memory_space<semaphore_mem>>) src(%dma_wait3A_100 : memref<1000000x128xf32, #tpu.memory_space<hbm>>) dst(%dma_wait3A_95 : memref<128x128xf32, #tpu.memory_space<vmem>>)
    %dma_wait3A_103 = arith.constant 0 : i32
    %dma_wait3A_104 = arith.constant 0 : i32
    %dma_wait3A_105 = arith.constant 0 : i32
    %dma_wait3A_106 = arith.constant 0 : i32
    %dma_wait3A_107 = tpu.memref_slice %arg14[%dma_wait3A_103, %dma_wait3A_105, %dma_wait3A_106] : memref<3x128x128xf32, #tpu.memory_space<vmem>> -> memref<1x128x128xf32, #tpu.memory_space<vmem>>
    %dma_wait3A_108 = tpu.memref_squeeze %dma_wait3A_107 : memref<1x128x128xf32, #tpu.memory_space<vmem>> -> memref<128x128xf32, #tpu.memory_space<vmem>>
    %dma_wait3A_109 = arith.constant 0 : i32
    %dma_wait3A_110 = tpu.memref_slice %arg11[%dma_wait3A_109] : memref<512xi32, #tpu.memory_space<vmem>> -> memref<128xi32, #tpu.memory_space<vmem>>
    %dma_wait3A_111 = arith.constant 0 : i32
    %dma_wait3A_112 = arith.constant 0 : i32
    %dma_wait3A_113 = tpu.memref_slice %arg6[%dma_wait3A_111, %dma_wait3A_112] : memref<100000x128xf32, #tpu.memory_space<hbm>> -> memref<100000x128xf32, #tpu.memory_space<hbm>>
    %dma_wait3A_114 = tpu.memref_slice %arg21[%dma_wait3A_104] : memref<3x!tpu.dma_semaphore, #tpu.memory_space<semaphore_mem>> -> memref<1x!tpu.dma_semaphore, #tpu.memory_space<semaphore_mem>>
    %dma_wait3A_115 = tpu.memref_squeeze %dma_wait3A_114 : memref<1x!tpu.dma_semaphore, #tpu.memory_space<semaphore_mem>> -> memref<!tpu.dma_semaphore, #tpu.memory_space<semaphore_mem>>
    tpu.wait_indirect_dma semaphore(%dma_wait3A_115 : memref<!tpu.dma_semaphore, #tpu.memory_space<semaphore_mem>>) src(%dma_wait3A_113 : memref<100000x128xf32, #tpu.memory_space<hbm>>) dst(%dma_wait3A_108 : memref<128x128xf32, #tpu.memory_space<vmem>>)
    %parallel_loop3A = arith.constant 0 : i32
    %parallel_loop3A_116 = arith.constant 128 : i32
    %parallel_loop3A_117 = arith.constant 1 : i32
    scf.for %parallel_loop3A_2660 = %parallel_loop3A to %parallel_loop3A_116 step %parallel_loop3A_117  : i32 {
      %parallel_loop3A_2661 = arith.constant 0 : i32
      %parallel_loop3A_2662 = arith.index_cast %parallel_loop3A_2661 : i32 to index
      %parallel_loop3A_2663 = arith.index_cast %parallel_loop3A_2660 : i32 to index
      %parallel_loop3A_2664 = arith.constant 0 : index
      %parallel_loop3A_2665 = tpu.vector_load %arg13[%parallel_loop3A_2662, %parallel_loop3A_2663, %parallel_loop3A_2664] {strides = array<i32>} : memref<3x128x128xf32, #tpu.memory_space<vmem>>, vector<16xf32>,
      %parallel_loop3A_2666 = arith.constant 0 : i32
      %parallel_loop3A_2667 = arith.index_cast %parallel_loop3A_2666 : i32 to index
      %parallel_loop3A_2668 = arith.index_cast %parallel_loop3A_2660 : i32 to index
      %parallel_loop3A_2669 = arith.constant 0 : index
      %parallel_loop3A_2670 = tpu.vector_load %arg14[%parallel_loop3A_2667, %parallel_loop3A_2668, %parallel_loop3A_2669] {strides = array<i32>} : memref<3x128x128xf32, #tpu.memory_space<vmem>>, vector<16xf32>,
      %parallel_loop3A_2671 = arith.mulf %parallel_loop3A_2665, %parallel_loop3A_2670 : vector<16xf32>
      %parallel_loop3A_2672 = arith.constant 0 : i32
      %parallel_loop3A_2673 = arith.index_cast %parallel_loop3A_2672 : i32 to index
      %parallel_loop3A_2674 = arith.index_cast %parallel_loop3A_2660 : i32 to index
      %parallel_loop3A_2675 = arith.constant 16 : index
      %parallel_loop3A_2676 = tpu.vector_load %arg13[%parallel_loop3A_2673, %parallel_loop3A_2674, %parallel_loop3A_2675] {strides = array<i32>} : memref<3x128x128xf32, #tpu.memory_space<vmem>>, vector<16xf32>,
      %parallel_loop3A_2677 = arith.constant 0 : i32
      %parallel_loop3A_2678 = arith.index_cast %parallel_loop3A_2677 : i32 to index
      %parallel_loop3A_2679 = arith.index_cast %parallel_loop3A_2660 : i32 to index
      %parallel_loop3A_2680 = arith.constant 16 : index
      %parallel_loop3A_2681 = tpu.vector_load %arg14[%parallel_loop3A_2678, %parallel_loop3A_2679, %parallel_loop3A_2680] {strides = array<i32>} : memref<3x128x128xf32, #tpu.memory_space<vmem>>, vector<16xf32>,
      %parallel_loop3A_2682 = arith.mulf %parallel_loop3A_2676, %parallel_loop3A_2681 : vector<16xf32>
      %parallel_loop3A_2683 = arith.constant 0 : i32
      %parallel_loop3A_2684 = arith.index_cast %parallel_loop3A_2683 : i32 to index
      %parallel_loop3A_2685 = arith.index_cast %parallel_loop3A_2660 : i32 to index
      %parallel_loop3A_2686 = arith.constant 32 : index
      %parallel_loop3A_2687 = tpu.vector_load %arg13[%parallel_loop3A_2684, %parallel_loop3A_2685, %parallel_loop3A_2686] {strides = array<i32>} : memref<3x128x128xf32, #tpu.memory_space<vmem>>, vector<16xf32>,
      %parallel_loop3A_2688 = arith.constant 0 : i32
      %parallel_loop3A_2689 = arith.index_cast %parallel_loop3A_2688 : i32 to index
      %parallel_loop3A_2690 = arith.index_cast %parallel_loop3A_2660 : i32 to index
      %parallel_loop3A_2691 = arith.constant 32 : index
      %parallel_loop3A_2692 = tpu.vector_load %arg14[%parallel_loop3A_2689, %parallel_loop3A_2690, %parallel_loop3A_2691] {strides = array<i32>} : memref<3x128x128xf32, #tpu.memory_space<vmem>>, vector<16xf32>,
      %parallel_loop3A_2693 = arith.mulf %parallel_loop3A_2687, %parallel_loop3A_2692 : vector<16xf32>
      %parallel_loop3A_2694 = arith.constant 0 : i32
      %parallel_loop3A_2695 = arith.index_cast %parallel_loop3A_2694 : i32 to index
      %parallel_loop3A_2696 = arith.index_cast %parallel_loop3A_2660 : i32 to index
      %parallel_loop3A_2697 = arith.constant 48 : index
      %parallel_loop3A_2698 = tpu.vector_load %arg13[%parallel_loop3A_2695, %parallel_loop3A_2696, %parallel_loop3A_2697] {strides = array<i32>} : memref<3x128x128xf32, #tpu.memory_space<vmem>>, vector<16xf32>,
      %parallel_loop3A_2699 = arith.constant 0 : i32
      %parallel_loop3A_2700 = arith.index_cast %parallel_loop3A_2699 : i32 to index
      %parallel_loop3A_2701 = arith.index_cast %parallel_loop3A_2660 : i32 to index
      %parallel_loop3A_2702 = arith.constant 48 : index
      %parallel_loop3A_2703 = tpu.vector_load %arg14[%parallel_loop3A_2700, %parallel_loop3A_2701, %parallel_loop3A_2702] {strides = array<i32>} : memref<3x128x128xf32, #tpu.memory_space<vmem>>, vector<16xf32>,
      %parallel_loop3A_2704 = arith.mulf %parallel_loop3A_2698, %parallel_loop3A_2703 : vector<16xf32>
      %parallel_loop3A_2705 = arith.constant 0 : i32
      %parallel_loop3A_2706 = arith.index_cast %parallel_loop3A_2705 : i32 to index
      %parallel_loop3A_2707 = arith.index_cast %parallel_loop3A_2660 : i32 to index
      %parallel_loop3A_2708 = arith.constant 64 : index
      %parallel_loop3A_2709 = tpu.vector_load %arg13[%parallel_loop3A_2706, %parallel_loop3A_2707, %parallel_loop3A_2708] {strides = array<i32>} : memref<3x128x128xf32, #tpu.memory_space<vmem>>, vector<16xf32>,
      %parallel_loop3A_2710 = arith.constant 0 : i32
      %parallel_loop3A_2711 = arith.index_cast %parallel_loop3A_2710 : i32 to index
      %parallel_loop3A_2712 = arith.index_cast %parallel_loop3A_2660 : i32 to index
      %parallel_loop3A_2713 = arith.constant 64 : index
      %parallel_loop3A_2714 = tpu.vector_load %arg14[%parallel_loop3A_2711, %parallel_loop3A_2712, %parallel_loop3A_2713] {strides = array<i32>} : memref<3x128x128xf32, #tpu.memory_space<vmem>>, vector<16xf32>,
      %parallel_loop3A_2715 = arith.mulf %parallel_loop3A_2709, %parallel_loop3A_2714 : vector<16xf32>
      %parallel_loop3A_2716 = arith.constant 0 : i32
      %parallel_loop3A_2717 = arith.index_cast %parallel_loop3A_2716 : i32 to index
      %parallel_loop3A_2718 = arith.index_cast %parallel_loop3A_2660 : i32 to index
      %parallel_loop3A_2719 = arith.constant 80 : index
      %parallel_loop3A_2720 = tpu.vector_load %arg13[%parallel_loop3A_2717, %parallel_loop3A_2718, %parallel_loop3A_2719] {strides = array<i32>} : memref<3x128x128xf32, #tpu.memory_space<vmem>>, vector<16xf32>,
      %parallel_loop3A_2721 = arith.constant 0 : i32
      %parallel_loop3A_2722 = arith.index_cast %parallel_loop3A_2721 : i32 to index
      %parallel_loop3A_2723 = arith.index_cast %parallel_loop3A_2660 : i32 to index
      %parallel_loop3A_2724 = arith.constant 80 : index
      %parallel_loop3A_2725 = tpu.vector_load %arg14[%parallel_loop3A_2722, %parallel_loop3A_2723, %parallel_loop3A_2724] {strides = array<i32>} : memref<3x128x128xf32, #tpu.memory_space<vmem>>, vector<16xf32>,
      %parallel_loop3A_2726 = arith.mulf %parallel_loop3A_2720, %parallel_loop3A_2725 : vector<16xf32>
      %parallel_loop3A_2727 = arith.constant 0 : i32
      %parallel_loop3A_2728 = arith.index_cast %parallel_loop3A_2727 : i32 to index
      %parallel_loop3A_2729 = arith.index_cast %parallel_loop3A_2660 : i32 to index
      %parallel_loop3A_2730 = arith.constant 96 : index
      %parallel_loop3A_2731 = tpu.vector_load %arg13[%parallel_loop3A_2728, %parallel_loop3A_2729, %parallel_loop3A_2730] {strides = array<i32>} : memref<3x128x128xf32, #tpu.memory_space<vmem>>, vector<16xf32>,
      %parallel_loop3A_2732 = arith.constant 0 : i32
      %parallel_loop3A_2733 = arith.index_cast %parallel_loop3A_2732 : i32 to index
      %parallel_loop3A_2734 = arith.index_cast %parallel_loop3A_2660 : i32 to index
      %parallel_loop3A_2735 = arith.constant 96 : index
      %parallel_loop3A_2736 = tpu.vector_load %arg14[%parallel_loop3A_2733, %parallel_loop3A_2734, %parallel_loop3A_2735] {strides = array<i32>} : memref<3x128x128xf32, #tpu.memory_space<vmem>>, vector<16xf32>,
      %parallel_loop3A_2737 = arith.mulf %parallel_loop3A_2731, %parallel_loop3A_2736 : vector<16xf32>
      %parallel_loop3A_2738 = arith.constant 0 : i32
      %parallel_loop3A_2739 = arith.index_cast %parallel_loop3A_2738 : i32 to index
      %parallel_loop3A_2740 = arith.index_cast %parallel_loop3A_2660 : i32 to index
      %parallel_loop3A_2741 = arith.constant 112 : index
      %parallel_loop3A_2742 = tpu.vector_load %arg13[%parallel_loop3A_2739, %parallel_loop3A_2740, %parallel_loop3A_2741] {strides = array<i32>} : memref<3x128x128xf32, #tpu.memory_space<vmem>>, vector<16xf32>,
      %parallel_loop3A_2743 = arith.constant 0 : i32
      %parallel_loop3A_2744 = arith.index_cast %parallel_loop3A_2743 : i32 to index
      %parallel_loop3A_2745 = arith.index_cast %parallel_loop3A_2660 : i32 to index
      %parallel_loop3A_2746 = arith.constant 112 : index
      %parallel_loop3A_2747 = tpu.vector_load %arg14[%parallel_loop3A_2744, %parallel_loop3A_2745, %parallel_loop3A_2746] {strides = array<i32>} : memref<3x128x128xf32, #tpu.memory_space<vmem>>, vector<16xf32>,
      %parallel_loop3A_2748 = arith.mulf %parallel_loop3A_2742, %parallel_loop3A_2747 : vector<16xf32>
      %parallel_loop3A_2749 = arith.addf %parallel_loop3A_2671, %parallel_loop3A_2682 : vector<16xf32>
      %parallel_loop3A_2750 = arith.addf %parallel_loop3A_2693, %parallel_loop3A_2704 : vector<16xf32>
      %parallel_loop3A_2751 = arith.addf %parallel_loop3A_2715, %parallel_loop3A_2726 : vector<16xf32>
      %parallel_loop3A_2752 = arith.addf %parallel_loop3A_2737, %parallel_loop3A_2748 : vector<16xf32>
      %parallel_loop3A_2753 = arith.addf %parallel_loop3A_2749, %parallel_loop3A_2750 : vector<16xf32>
      %parallel_loop3A_2754 = arith.addf %parallel_loop3A_2751, %parallel_loop3A_2752 : vector<16xf32>
      %parallel_loop3A_2755 = arith.addf %parallel_loop3A_2753, %parallel_loop3A_2754 : vector<16xf32>
      %parallel_loop3A_2756 = arith.index_cast %parallel_loop3A_2660 : i32 to index
      %parallel_loop3A_2757 = arith.constant 0 : index
      %parallel_loop3A_2758 = tpu.vector_load %arg15[%parallel_loop3A_2756, %parallel_loop3A_2757] {strides = array<i32>} : memref<128x16xf32, #tpu.memory_space<vmem>>, vector<16xf32>,
      tpu.vector_store %arg15[%parallel_loop3A_2756, %parallel_loop3A_2757], %parallel_loop3A_2755 {strides = array<i32>} : memref<128x16xf32, #tpu.memory_space<vmem>>, vector<16xf32>,
    } {sc.loop_unroll_factor = 2 : i64, sc.parallel_access}
    %add3A_118 = arith.constant 0 : i32
    %add3A_119 = vector.broadcast %add3A_118 : i32 to vector<16xi32>
    %add3A_120 = arith.addi %iota3A, %add3A_119 : vector<16xi32>
    %broadcast_in_dim3A = arith.constant 0 : i32
    %broadcast_in_dim3A_121 = vector.broadcast %broadcast_in_dim3A : i32 to vector<16xi32>
    %gather3A = tpu.vector_load_idx %arg15[%add3A_120, %broadcast_in_dim3A_121] : memref<128x16xf32, #tpu.memory_space<vmem>>[vector<16xi32>, vector<16xi32>], vector<16xf32>,
    %broadcast_in_dim3A_122 = arith.constant 1 : i32
    %broadcast_in_dim3A_123 = vector.broadcast %broadcast_in_dim3A_122 : i32 to vector<16xi32>
    %gather3A_124 = tpu.vector_load_idx %arg15[%add3A_120, %broadcast_in_dim3A_123] : memref<128x16xf32, #tpu.memory_space<vmem>>[vector<16xi32>, vector<16xi32>], vector<16xf32>,
    %broadcast_in_dim3A_125 = arith.constant 2 : i32
    %broadcast_in_dim3A_126 = vector.broadcast %broadcast_in_dim3A_125 : i32 to vector<16xi32>
    %gather3A_127 = tpu.vector_load_idx %arg15[%add3A_120, %broadcast_in_dim3A_126] : memref<128x16xf32, #tpu.memory_space<vmem>>[vector<16xi32>, vector<16xi32>], vector<16xf32>,
    %broadcast_in_dim3A_128 = arith.constant 3 : i32
    %broadcast_in_dim3A_129 = vector.broadcast %broadcast_in_dim3A_128 : i32 to vector<16xi32>
    %gather3A_130 = tpu.vector_load_idx %arg15[%add3A_120, %broadcast_in_dim3A_129] : memref<128x16xf32, #tpu.memory_space<vmem>>[vector<16xi32>, vector<16xi32>], vector<16xf32>,
    %broadcast_in_dim3A_131 = arith.constant 4 : i32
    %broadcast_in_dim3A_132 = vector.broadcast %broadcast_in_dim3A_131 : i32 to vector<16xi32>
    %gather3A_133 = tpu.vector_load_idx %arg15[%add3A_120, %broadcast_in_dim3A_132] : memref<128x16xf32, #tpu.memory_space<vmem>>[vector<16xi32>, vector<16xi32>], vector<16xf32>,
    %broadcast_in_dim3A_134 = arith.constant 5 : i32
    %broadcast_in_dim3A_135 = vector.broadcast %broadcast_in_dim3A_134 : i32 to vector<16xi32>
    %gather3A_136 = tpu.vector_load_idx %arg15[%add3A_120, %broadcast_in_dim3A_135] : memref<128x16xf32, #tpu.memory_space<vmem>>[vector<16xi32>, vector<16xi32>], vector<16xf32>,
    %broadcast_in_dim3A_137 = arith.constant 6 : i32
    %broadcast_in_dim3A_138 = vector.broadcast %broadcast_in_dim3A_137 : i32 to vector<16xi32>
    %gather3A_139 = tpu.vector_load_idx %arg15[%add3A_120, %broadcast_in_dim3A_138] : memref<128x16xf32, #tpu.memory_space<vmem>>[vector<16xi32>, vector<16xi32>], vector<16xf32>,
    %broadcast_in_dim3A_140 = arith.constant 7 : i32
    %broadcast_in_dim3A_141 = vector.broadcast %broadcast_in_dim3A_140 : i32 to vector<16xi32>
    %gather3A_142 = tpu.vector_load_idx %arg15[%add3A_120, %broadcast_in_dim3A_141] : memref<128x16xf32, #tpu.memory_space<vmem>>[vector<16xi32>, vector<16xi32>], vector<16xf32>,
    %broadcast_in_dim3A_143 = arith.constant 8 : i32
    %broadcast_in_dim3A_144 = vector.broadcast %broadcast_in_dim3A_143 : i32 to vector<16xi32>
    %gather3A_145 = tpu.vector_load_idx %arg15[%add3A_120, %broadcast_in_dim3A_144] : memref<128x16xf32, #tpu.memory_space<vmem>>[vector<16xi32>, vector<16xi32>], vector<16xf32>,
    %broadcast_in_dim3A_146 = arith.constant 9 : i32
    %broadcast_in_dim3A_147 = vector.broadcast %broadcast_in_dim3A_146 : i32 to vector<16xi32>
    %gather3A_148 = tpu.vector_load_idx %arg15[%add3A_120, %broadcast_in_dim3A_147] : memref<128x16xf32, #tpu.memory_space<vmem>>[vector<16xi32>, vector<16xi32>], vector<16xf32>,
    %broadcast_in_dim3A_149 = arith.constant 10 : i32
    %broadcast_in_dim3A_150 = vector.broadcast %broadcast_in_dim3A_149 : i32 to vector<16xi32>
    %gather3A_151 = tpu.vector_load_idx %arg15[%add3A_120, %broadcast_in_dim3A_150] : memref<128x16xf32, #tpu.memory_space<vmem>>[vector<16xi32>, vector<16xi32>], vector<16xf32>,
    %broadcast_in_dim3A_152 = arith.constant 11 : i32
    %broadcast_in_dim3A_153 = vector.broadcast %broadcast_in_dim3A_152 : i32 to vector<16xi32>
    %gather3A_154 = tpu.vector_load_idx %arg15[%add3A_120, %broadcast_in_dim3A_153] : memref<128x16xf32, #tpu.memory_space<vmem>>[vector<16xi32>, vector<16xi32>], vector<16xf32>,
    %broadcast_in_dim3A_155 = arith.constant 12 : i32
    %broadcast_in_dim3A_156 = vector.broadcast %broadcast_in_dim3A_155 : i32 to vector<16xi32>
    %gather3A_157 = tpu.vector_load_idx %arg15[%add3A_120, %broadcast_in_dim3A_156] : memref<128x16xf32, #tpu.memory_space<vmem>>[vector<16xi32>, vector<16xi32>], vector<16xf32>,
    %broadcast_in_dim3A_158 = arith.constant 13 : i32
    %broadcast_in_dim3A_159 = vector.broadcast %broadcast_in_dim3A_158 : i32 to vector<16xi32>
    %gather3A_160 = tpu.vector_load_idx %arg15[%add3A_120, %broadcast_in_dim3A_159] : memref<128x16xf32, #tpu.memory_space<vmem>>[vector<16xi32>, vector<16xi32>], vector<16xf32>,
    %broadcast_in_dim3A_161 = arith.constant 14 : i32
    %broadcast_in_dim3A_162 = vector.broadcast %broadcast_in_dim3A_161 : i32 to vector<16xi32>
    %gather3A_163 = tpu.vector_load_idx %arg15[%add3A_120, %broadcast_in_dim3A_162] : memref<128x16xf32, #tpu.memory_space<vmem>>[vector<16xi32>, vector<16xi32>], vector<16xf32>,
    %broadcast_in_dim3A_164 = arith.constant 15 : i32
    %broadcast_in_dim3A_165 = vector.broadcast %broadcast_in_dim3A_164 : i32 to vector<16xi32>
    %gather3A_166 = tpu.vector_load_idx %arg15[%add3A_120, %broadcast_in_dim3A_165] : memref<128x16xf32, #tpu.memory_space<vmem>>[vector<16xi32>, vector<16xi32>], vector<16xf32>,
    %add3A_167 = arith.addf %gather3A, %gather3A_124 : vector<16xf32>
    %add3A_168 = arith.addf %gather3A_127, %gather3A_130 : vector<16xf32>
    %add3A_169 = arith.addf %gather3A_133, %gather3A_136 : vector<16xf32>
    %add3A_170 = arith.addf %gather3A_139, %gather3A_142 : vector<16xf32>
    %add3A_171 = arith.addf %gather3A_145, %gather3A_148 : vector<16xf32>
    %add3A_172 = arith.addf %gather3A_151, %gather3A_154 : vector<16xf32>
    %add3A_173 = arith.addf %gather3A_157, %gather3A_160 : vector<16xf32>
    %add3A_174 = arith.addf %gather3A_163, %gather3A_166 : vector<16xf32>
    %add3A_175 = arith.addf %add3A_167, %add3A_168 : vector<16xf32>
    %add3A_176 = arith.addf %add3A_169, %add3A_170 : vector<16xf32>
    %add3A_177 = arith.addf %add3A_171, %add3A_172 : vector<16xf32>
    %add3A_178 = arith.addf %add3A_173, %add3A_174 : vector<16xf32>
    %add3A_179 = arith.addf %add3A_175, %add3A_176 : vector<16xf32>
    %add3A_180 = arith.addf %add3A_177, %add3A_178 : vector<16xf32>
    %add3A_181 = arith.addf %add3A_179, %add3A_180 : vector<16xf32>
    %get3A_182 = arith.constant 0 : index
    %get3A_183 = tpu.vector_load %arg12[%get3A_182] {strides = array<i32>} : memref<512xi32, #tpu.memory_space<vmem>>, vector<16xi32>,
    %gather3A_184 = tpu.vector_load_idx %arg17[%get3A_183] : memref<1024xf32, #tpu.memory_space<vmem>>[vector<16xi32>], vector<16xf32>,
    %add3A_185 = arith.addf %add3A_181, %get3A_90 : vector<16xf32>
    %mul3A_186 = arith.constant 1.000000e-01 : f32
    %mul3A_187 = vector.broadcast %mul3A_186 : f32 to vector<16xf32>
    %mul3A_188 = arith.mulf %gather3A_184, %mul3A_187 : vector<16xf32>
    %add3A_189 = arith.addf %add3A_185, %mul3A_188 : vector<16xf32>
    %swap3A = arith.constant 0 : index
    %swap3A_190 = tpu.vector_load %arg20[%swap3A] {strides = array<i32>} : memref<512xf32, #tpu.memory_space<vmem>>, vector<16xf32>,
    tpu.vector_store %arg20[%swap3A], %add3A_189 {strides = array<i32>} : memref<512xf32, #tpu.memory_space<vmem>>, vector<16xf32>,
    %add3A_191 = arith.constant 16 : i32
    %add3A_192 = vector.broadcast %add3A_191 : i32 to vector<16xi32>
    %add3A_193 = arith.addi %iota3A, %add3A_192 : vector<16xi32>
    %broadcast_in_dim3A_194 = arith.constant 0 : i32
    %broadcast_in_dim3A_195 = vector.broadcast %broadcast_in_dim3A_194 : i32 to vector<16xi32>
    %gather3A_196 = tpu.vector_load_idx %arg15[%add3A_193, %broadcast_in_dim3A_195] : memref<128x16xf32, #tpu.memory_space<vmem>>[vector<16xi32>, vector<16xi32>], vector<16xf32>,
    %broadcast_in_dim3A_197 = arith.constant 1 : i32
    %broadcast_in_dim3A_198 = vector.broadcast %broadcast_in_dim3A_197 : i32 to vector<16xi32>
    %gather3A_199 = tpu.vector_load_idx %arg15[%add3A_193, %broadcast_in_dim3A_198] : memref<128x16xf32, #tpu.memory_space<vmem>>[vector<16xi32>, vector<16xi32>], vector<16xf32>,
    %broadcast_in_dim3A_200 = arith.constant 2 : i32
    %broadcast_in_dim3A_201 = vector.broadcast %broadcast_in_dim3A_200 : i32 to vector<16xi32>
    %gather3A_202 = tpu.vector_load_idx %arg15[%add3A_193, %broadcast_in_dim3A_201] : memref<128x16xf32, #tpu.memory_space<vmem>>[vector<16xi32>, vector<16xi32>], vector<16xf32>,
    %broadcast_in_dim3A_203 = arith.constant 3 : i32
    %broadcast_in_dim3A_204 = vector.broadcast %broadcast_in_dim3A_203 : i32 to vector<16xi32>
    %gather3A_205 = tpu.vector_load_idx %arg15[%add3A_193, %broadcast_in_dim3A_204] : memref<128x16xf32, #tpu.memory_space<vmem>>[vector<16xi32>, vector<16xi32>], vector<16xf32>,
    %broadcast_in_dim3A_206 = arith.constant 4 : i32
    %broadcast_in_dim3A_207 = vector.broadcast %broadcast_in_dim3A_206 : i32 to vector<16xi32>
    %gather3A_208 = tpu.vector_load_idx %arg15[%add3A_193, %broadcast_in_dim3A_207] : memref<128x16xf32, #tpu.memory_space<vmem>>[vector<16xi32>, vector<16xi32>], vector<16xf32>,
    %broadcast_in_dim3A_209 = arith.constant 5 : i32
    %broadcast_in_dim3A_210 = vector.broadcast %broadcast_in_dim3A_209 : i32 to vector<16xi32>
    %gather3A_211 = tpu.vector_load_idx %arg15[%add3A_193, %broadcast_in_dim3A_210] : memref<128x16xf32, #tpu.memory_space<vmem>>[vector<16xi32>, vector<16xi32>], vector<16xf32>,
    %broadcast_in_dim3A_212 = arith.constant 6 : i32
    %broadcast_in_dim3A_213 = vector.broadcast %broadcast_in_dim3A_212 : i32 to vector<16xi32>
    %gather3A_214 = tpu.vector_load_idx %arg15[%add3A_193, %broadcast_in_dim3A_213] : memref<128x16xf32, #tpu.memory_space<vmem>>[vector<16xi32>, vector<16xi32>], vector<16xf32>,
    %broadcast_in_dim3A_215 = arith.constant 7 : i32
    %broadcast_in_dim3A_216 = vector.broadcast %broadcast_in_dim3A_215 : i32 to vector<16xi32>
    %gather3A_217 = tpu.vector_load_idx %arg15[%add3A_193, %broadcast_in_dim3A_216] : memref<128x16xf32, #tpu.memory_space<vmem>>[vector<16xi32>, vector<16xi32>], vector<16xf32>,
    %broadcast_in_dim3A_218 = arith.constant 8 : i32
    %broadcast_in_dim3A_219 = vector.broadcast %broadcast_in_dim3A_218 : i32 to vector<16xi32>
    %gather3A_220 = tpu.vector_load_idx %arg15[%add3A_193, %broadcast_in_dim3A_219] : memref<128x16xf32, #tpu.memory_space<vmem>>[vector<16xi32>, vector<16xi32>], vector<16xf32>,
    %broadcast_in_dim3A_221 = arith.constant 9 : i32
    %broadcast_in_dim3A_222 = vector.broadcast %broadcast_in_dim3A_221 : i32 to vector<16xi32>
    %gather3A_223 = tpu.vector_load_idx %arg15[%add3A_193, %broadcast_in_dim3A_222] : memref<128x16xf32, #tpu.memory_space<vmem>>[vector<16xi32>, vector<16xi32>], vector<16xf32>,
    %broadcast_in_dim3A_224 = arith.constant 10 : i32
    %broadcast_in_dim3A_225 = vector.broadcast %broadcast_in_dim3A_224 : i32 to vector<16xi32>
    %gather3A_226 = tpu.vector_load_idx %arg15[%add3A_193, %broadcast_in_dim3A_225] : memref<128x16xf32, #tpu.memory_space<vmem>>[vector<16xi32>, vector<16xi32>], vector<16xf32>,
    %broadcast_in_dim3A_227 = arith.constant 11 : i32
    %broadcast_in_dim3A_228 = vector.broadcast %broadcast_in_dim3A_227 : i32 to vector<16xi32>
    %gather3A_229 = tpu.vector_load_idx %arg15[%add3A_193, %broadcast_in_dim3A_228] : memref<128x16xf32, #tpu.memory_space<vmem>>[vector<16xi32>, vector<16xi32>], vector<16xf32>,
    %broadcast_in_dim3A_230 = arith.constant 12 : i32
    %broadcast_in_dim3A_231 = vector.broadcast %broadcast_in_dim3A_230 : i32 to vector<16xi32>
    %gather3A_232 = tpu.vector_load_idx %arg15[%add3A_193, %broadcast_in_dim3A_231] : memref<128x16xf32, #tpu.memory_space<vmem>>[vector<16xi32>, vector<16xi32>], vector<16xf32>,
    %broadcast_in_dim3A_233 = arith.constant 13 : i32
    %broadcast_in_dim3A_234 = vector.broadcast %broadcast_in_dim3A_233 : i32 to vector<16xi32>
    %gather3A_235 = tpu.vector_load_idx %arg15[%add3A_193, %broadcast_in_dim3A_234] : memref<128x16xf32, #tpu.memory_space<vmem>>[vector<16xi32>, vector<16xi32>], vector<16xf32>,
    %broadcast_in_dim3A_236 = arith.constant 14 : i32
    %broadcast_in_dim3A_237 = vector.broadcast %broadcast_in_dim3A_236 : i32 to vector<16xi32>
    %gather3A_238 = tpu.vector_load_idx %arg15[%add3A_193, %broadcast_in_dim3A_237] : memref<128x16xf32, #tpu.memory_space<vmem>>[vector<16xi32>, vector<16xi32>], vector<16xf32>,
    %broadcast_in_dim3A_239 = arith.constant 15 : i32
    %broadcast_in_dim3A_240 = vector.broadcast %broadcast_in_dim3A_239 : i32 to vector<16xi32>
    %gather3A_241 = tpu.vector_load_idx %arg15[%add3A_193, %broadcast_in_dim3A_240] : memref<128x16xf32, #tpu.memory_space<vmem>>[vector<16xi32>, vector<16xi32>], vector<16xf32>,
    %add3A_242 = arith.addf %gather3A_196, %gather3A_199 : vector<16xf32>
    %add3A_243 = arith.addf %gather3A_202, %gather3A_205 : vector<16xf32>
    %add3A_244 = arith.addf %gather3A_208, %gather3A_211 : vector<16xf32>
    %add3A_245 = arith.addf %gather3A_214, %gather3A_217 : vector<16xf32>
    %add3A_246 = arith.addf %gather3A_220, %gather3A_223 : vector<16xf32>
    %add3A_247 = arith.addf %gather3A_226, %gather3A_229 : vector<16xf32>
    %add3A_248 = arith.addf %gather3A_232, %gather3A_235 : vector<16xf32>
    %add3A_249 = arith.addf %gather3A_238, %gather3A_241 : vector<16xf32>
    %add3A_250 = arith.addf %add3A_242, %add3A_243 : vector<16xf32>
    %add3A_251 = arith.addf %add3A_244, %add3A_245 : vector<16xf32>
    %add3A_252 = arith.addf %add3A_246, %add3A_247 : vector<16xf32>
    %add3A_253 = arith.addf %add3A_248, %add3A_249 : vector<16xf32>
    %add3A_254 = arith.addf %add3A_250, %add3A_251 : vector<16xf32>
    %add3A_255 = arith.addf %add3A_252, %add3A_253 : vector<16xf32>
    %add3A_256 = arith.addf %add3A_254, %add3A_255 : vector<16xf32>
    %get3A_257 = arith.constant 16 : index
    %get3A_258 = tpu.vector_load %arg12[%get3A_257] {strides = array<i32>} : memref<512xi32, #tpu.memory_space<vmem>>, vector<16xi32>,
    %gather3A_259 = tpu.vector_load_idx %arg17[%get3A_258] : memref<1024xf32, #tpu.memory_space<vmem>>[vector<16xi32>], vector<16xf32>,
    %add3A_260 = arith.addf %add3A_256, %get3A_90 : vector<16xf32>
    %mul3A_261 = arith.constant 1.000000e-01 : f32
    %mul3A_262 = vector.broadcast %mul3A_261 : f32 to vector<16xf32>
    %mul3A_263 = arith.mulf %gather3A_259, %mul3A_262 : vector<16xf32>
    %add3A_264 = arith.addf %add3A_260, %mul3A_263 : vector<16xf32>
    %swap3A_265 = arith.constant 16 : index
    %swap3A_266 = tpu.vector_load %arg20[%swap3A_265] {strides = array<i32>} : memref<512xf32, #tpu.memory_space<vmem>>, vector<16xf32>,
    tpu.vector_store %arg20[%swap3A_265], %add3A_264 {strides = array<i32>} : memref<512xf32, #tpu.memory_space<vmem>>, vector<16xf32>,
    %add3A_267 = arith.constant 32 : i32
    %add3A_268 = vector.broadcast %add3A_267 : i32 to vector<16xi32>
    %add3A_269 = arith.addi %iota3A, %add3A_268 : vector<16xi32>
    %broadcast_in_dim3A_270 = arith.constant 0 : i32
    %broadcast_in_dim3A_271 = vector.broadcast %broadcast_in_dim3A_270 : i32 to vector<16xi32>
    %gather3A_272 = tpu.vector_load_idx %arg15[%add3A_269, %broadcast_in_dim3A_271] : memref<128x16xf32, #tpu.memory_space<vmem>>[vector<16xi32>, vector<16xi32>], vector<16xf32>,
    %broadcast_in_dim3A_273 = arith.constant 1 : i32
    %broadcast_in_dim3A_274 = vector.broadcast %broadcast_in_dim3A_273 : i32 to vector<16xi32>
    %gather3A_275 = tpu.vector_load_idx %arg15[%add3A_269, %broadcast_in_dim3A_274] : memref<128x16xf32, #tpu.memory_space<vmem>>[vector<16xi32>, vector<16xi32>], vector<16xf32>,
    %broadcast_in_dim3A_276 = arith.constant 2 : i32
    %broadcast_in_dim3A_277 = vector.broadcast %broadcast_in_dim3A_276 : i32 to vector<16xi32>
    %gather3A_278 = tpu.vector_load_idx %arg15[%add3A_269, %broadcast_in_dim3A_277] : memref<128x16xf32, #tpu.memory_space<vmem>>[vector<16xi32>, vector<16xi32>], vector<16xf32>,
    %broadcast_in_dim3A_279 = arith.constant 3 : i32
    %broadcast_in_dim3A_280 = vector.broadcast %broadcast_in_dim3A_279 : i32 to vector<16xi32>
    %gather3A_281 = tpu.vector_load_idx %arg15[%add3A_269, %broadcast_in_dim3A_280] : memref<128x16xf32, #tpu.memory_space<vmem>>[vector<16xi32>, vector<16xi32>], vector<16xf32>,
    %broadcast_in_dim3A_282 = arith.constant 4 : i32
    %broadcast_in_dim3A_283 = vector.broadcast %broadcast_in_dim3A_282 : i32 to vector<16xi32>
    %gather3A_284 = tpu.vector_load_idx %arg15[%add3A_269, %broadcast_in_dim3A_283] : memref<128x16xf32, #tpu.memory_space<vmem>>[vector<16xi32>, vector<16xi32>], vector<16xf32>,
    %broadcast_in_dim3A_285 = arith.constant 5 : i32
    %broadcast_in_dim3A_286 = vector.broadcast %broadcast_in_dim3A_285 : i32 to vector<16xi32>
    %gather3A_287 = tpu.vector_load_idx %arg15[%add3A_269, %broadcast_in_dim3A_286] : memref<128x16xf32, #tpu.memory_space<vmem>>[vector<16xi32>, vector<16xi32>], vector<16xf32>,
    %broadcast_in_dim3A_288 = arith.constant 6 : i32
    %broadcast_in_dim3A_289 = vector.broadcast %broadcast_in_dim3A_288 : i32 to vector<16xi32>
    %gather3A_290 = tpu.vector_load_idx %arg15[%add3A_269, %broadcast_in_dim3A_289] : memref<128x16xf32, #tpu.memory_space<vmem>>[vector<16xi32>, vector<16xi32>], vector<16xf32>,
    %broadcast_in_dim3A_291 = arith.constant 7 : i32
    %broadcast_in_dim3A_292 = vector.broadcast %broadcast_in_dim3A_291 : i32 to vector<16xi32>
    %gather3A_293 = tpu.vector_load_idx %arg15[%add3A_269, %broadcast_in_dim3A_292] : memref<128x16xf32, #tpu.memory_space<vmem>>[vector<16xi32>, vector<16xi32>], vector<16xf32>,
    %broadcast_in_dim3A_294 = arith.constant 8 : i32
    %broadcast_in_dim3A_295 = vector.broadcast %broadcast_in_dim3A_294 : i32 to vector<16xi32>
    %gather3A_296 = tpu.vector_load_idx %arg15[%add3A_269, %broadcast_in_dim3A_295] : memref<128x16xf32, #tpu.memory_space<vmem>>[vector<16xi32>, vector<16xi32>], vector<16xf32>,
    %broadcast_in_dim3A_297 = arith.constant 9 : i32
    %broadcast_in_dim3A_298 = vector.broadcast %broadcast_in_dim3A_297 : i32 to vector<16xi32>
    %gather3A_299 = tpu.vector_load_idx %arg15[%add3A_269, %broadcast_in_dim3A_298] : memref<128x16xf32, #tpu.memory_space<vmem>>[vector<16xi32>, vector<16xi32>], vector<16xf32>,
    %broadcast_in_dim3A_300 = arith.constant 10 : i32
    %broadcast_in_dim3A_301 = vector.broadcast %broadcast_in_dim3A_300 : i32 to vector<16xi32>
    %gather3A_302 = tpu.vector_load_idx %arg15[%add3A_269, %broadcast_in_dim3A_301] : memref<128x16xf32, #tpu.memory_space<vmem>>[vector<16xi32>, vector<16xi32>], vector<16xf32>,
    %broadcast_in_dim3A_303 = arith.constant 11 : i32
    %broadcast_in_dim3A_304 = vector.broadcast %broadcast_in_dim3A_303 : i32 to vector<16xi32>
    %gather3A_305 = tpu.vector_load_idx %arg15[%add3A_269, %broadcast_in_dim3A_304] : memref<128x16xf32, #tpu.memory_space<vmem>>[vector<16xi32>, vector<16xi32>], vector<16xf32>,
    %broadcast_in_dim3A_306 = arith.constant 12 : i32
    %broadcast_in_dim3A_307 = vector.broadcast %broadcast_in_dim3A_306 : i32 to vector<16xi32>
    %gather3A_308 = tpu.vector_load_idx %arg15[%add3A_269, %broadcast_in_dim3A_307] : memref<128x16xf32, #tpu.memory_space<vmem>>[vector<16xi32>, vector<16xi32>], vector<16xf32>,
    %broadcast_in_dim3A_309 = arith.constant 13 : i32
    %broadcast_in_dim3A_310 = vector.broadcast %broadcast_in_dim3A_309 : i32 to vector<16xi32>
    %gather3A_311 = tpu.vector_load_idx %arg15[%add3A_269, %broadcast_in_dim3A_310] : memref<128x16xf32, #tpu.memory_space<vmem>>[vector<16xi32>, vector<16xi32>], vector<16xf32>,
    %broadcast_in_dim3A_312 = arith.constant 14 : i32
    %broadcast_in_dim3A_313 = vector.broadcast %broadcast_in_dim3A_312 : i32 to vector<16xi32>
    %gather3A_314 = tpu.vector_load_idx %arg15[%add3A_269, %broadcast_in_dim3A_313] : memref<128x16xf32, #tpu.memory_space<vmem>>[vector<16xi32>, vector<16xi32>], vector<16xf32>,
    %broadcast_in_dim3A_315 = arith.constant 15 : i32
    %broadcast_in_dim3A_316 = vector.broadcast %broadcast_in_dim3A_315 : i32 to vector<16xi32>
    %gather3A_317 = tpu.vector_load_idx %arg15[%add3A_269, %broadcast_in_dim3A_316] : memref<128x16xf32, #tpu.memory_space<vmem>>[vector<16xi32>, vector<16xi32>], vector<16xf32>,
    %add3A_318 = arith.addf %gather3A_272, %gather3A_275 : vector<16xf32>
    %add3A_319 = arith.addf %gather3A_278, %gather3A_281 : vector<16xf32>
    %add3A_320 = arith.addf %gather3A_284, %gather3A_287 : vector<16xf32>
    %add3A_321 = arith.addf %gather3A_290, %gather3A_293 : vector<16xf32>
    %add3A_322 = arith.addf %gather3A_296, %gather3A_299 : vector<16xf32>
    %add3A_323 = arith.addf %gather3A_302, %gather3A_305 : vector<16xf32>
    %add3A_324 = arith.addf %gather3A_308, %gather3A_311 : vector<16xf32>
    %add3A_325 = arith.addf %gather3A_314, %gather3A_317 : vector<16xf32>
    %add3A_326 = arith.addf %add3A_318, %add3A_319 : vector<16xf32>
    %add3A_327 = arith.addf %add3A_320, %add3A_321 : vector<16xf32>
    %add3A_328 = arith.addf %add3A_322, %add3A_323 : vector<16xf32>
    %add3A_329 = arith.addf %add3A_324, %add3A_325 : vector<16xf32>
    %add3A_330 = arith.addf %add3A_326, %add3A_327 : vector<16xf32>
    %add3A_331 = arith.addf %add3A_328, %add3A_329 : vector<16xf32>
    %add3A_332 = arith.addf %add3A_330, %add3A_331 : vector<16xf32>
    %get3A_333 = arith.constant 32 : index
    %get3A_334 = tpu.vector_load %arg12[%get3A_333] {strides = array<i32>} : memref<512xi32, #tpu.memory_space<vmem>>, vector<16xi32>,
    %gather3A_335 = tpu.vector_load_idx %arg17[%get3A_334] : memref<1024xf32, #tpu.memory_space<vmem>>[vector<16xi32>], vector<16xf32>,
    %add3A_336 = arith.addf %add3A_332, %get3A_90 : vector<16xf32>
    %mul3A_337 = arith.constant 1.000000e-01 : f32
    %mul3A_338 = vector.broadcast %mul3A_337 : f32 to vector<16xf32>
    %mul3A_339 = arith.mulf %gather3A_335, %mul3A_338 : vector<16xf32>
    %add3A_340 = arith.addf %add3A_336, %mul3A_339 : vector<16xf32>
    %swap3A_341 = arith.constant 32 : index
    %swap3A_342 = tpu.vector_load %arg20[%swap3A_341] {strides = array<i32>} : memref<512xf32, #tpu.memory_space<vmem>>, vector<16xf32>,
    tpu.vector_store %arg20[%swap3A_341], %add3A_340 {strides = array<i32>} : memref<512xf32, #tpu.memory_space<vmem>>, vector<16xf32>,
    %add3A_343 = arith.constant 48 : i32
    %add3A_344 = vector.broadcast %add3A_343 : i32 to vector<16xi32>
    %add3A_345 = arith.addi %iota3A, %add3A_344 : vector<16xi32>
    %broadcast_in_dim3A_346 = arith.constant 0 : i32
    %broadcast_in_dim3A_347 = vector.broadcast %broadcast_in_dim3A_346 : i32 to vector<16xi32>
    %gather3A_348 = tpu.vector_load_idx %arg15[%add3A_345, %broadcast_in_dim3A_347] : memref<128x16xf32, #tpu.memory_space<vmem>>[vector<16xi32>, vector<16xi32>], vector<16xf32>,
    %broadcast_in_dim3A_349 = arith.constant 1 : i32
    %broadcast_in_dim3A_350 = vector.broadcast %broadcast_in_dim3A_349 : i32 to vector<16xi32>
    %gather3A_351 = tpu.vector_load_idx %arg15[%add3A_345, %broadcast_in_dim3A_350] : memref<128x16xf32, #tpu.memory_space<vmem>>[vector<16xi32>, vector<16xi32>], vector<16xf32>,
    %broadcast_in_dim3A_352 = arith.constant 2 : i32
    %broadcast_in_dim3A_353 = vector.broadcast %broadcast_in_dim3A_352 : i32 to vector<16xi32>
    %gather3A_354 = tpu.vector_load_idx %arg15[%add3A_345, %broadcast_in_dim3A_353] : memref<128x16xf32, #tpu.memory_space<vmem>>[vector<16xi32>, vector<16xi32>], vector<16xf32>,
    %broadcast_in_dim3A_355 = arith.constant 3 : i32
    %broadcast_in_dim3A_356 = vector.broadcast %broadcast_in_dim3A_355 : i32 to vector<16xi32>
    %gather3A_357 = tpu.vector_load_idx %arg15[%add3A_345, %broadcast_in_dim3A_356] : memref<128x16xf32, #tpu.memory_space<vmem>>[vector<16xi32>, vector<16xi32>], vector<16xf32>,
    %broadcast_in_dim3A_358 = arith.constant 4 : i32
    %broadcast_in_dim3A_359 = vector.broadcast %broadcast_in_dim3A_358 : i32 to vector<16xi32>
    %gather3A_360 = tpu.vector_load_idx %arg15[%add3A_345, %broadcast_in_dim3A_359] : memref<128x16xf32, #tpu.memory_space<vmem>>[vector<16xi32>, vector<16xi32>], vector<16xf32>,
    %broadcast_in_dim3A_361 = arith.constant 5 : i32
    %broadcast_in_dim3A_362 = vector.broadcast %broadcast_in_dim3A_361 : i32 to vector<16xi32>
    %gather3A_363 = tpu.vector_load_idx %arg15[%add3A_345, %broadcast_in_dim3A_362] : memref<128x16xf32, #tpu.memory_space<vmem>>[vector<16xi32>, vector<16xi32>], vector<16xf32>,
    %broadcast_in_dim3A_364 = arith.constant 6 : i32
    %broadcast_in_dim3A_365 = vector.broadcast %broadcast_in_dim3A_364 : i32 to vector<16xi32>
    %gather3A_366 = tpu.vector_load_idx %arg15[%add3A_345, %broadcast_in_dim3A_365] : memref<128x16xf32, #tpu.memory_space<vmem>>[vector<16xi32>, vector<16xi32>], vector<16xf32>,
    %broadcast_in_dim3A_367 = arith.constant 7 : i32
    %broadcast_in_dim3A_368 = vector.broadcast %broadcast_in_dim3A_367 : i32 to vector<16xi32>
    %gather3A_369 = tpu.vector_load_idx %arg15[%add3A_345, %broadcast_in_dim3A_368] : memref<128x16xf32, #tpu.memory_space<vmem>>[vector<16xi32>, vector<16xi32>], vector<16xf32>,
    %broadcast_in_dim3A_370 = arith.constant 8 : i32
    %broadcast_in_dim3A_371 = vector.broadcast %broadcast_in_dim3A_370 : i32 to vector<16xi32>
    %gather3A_372 = tpu.vector_load_idx %arg15[%add3A_345, %broadcast_in_dim3A_371] : memref<128x16xf32, #tpu.memory_space<vmem>>[vector<16xi32>, vector<16xi32>], vector<16xf32>,
    %broadcast_in_dim3A_373 = arith.constant 9 : i32
    %broadcast_in_dim3A_374 = vector.broadcast %broadcast_in_dim3A_373 : i32 to vector<16xi32>
    %gather3A_375 = tpu.vector_load_idx %arg15[%add3A_345, %broadcast_in_dim3A_374] : memref<128x16xf32, #tpu.memory_space<vmem>>[vector<16xi32>, vector<16xi32>], vector<16xf32>,
    %broadcast_in_dim3A_376 = arith.constant 10 : i32
    %broadcast_in_dim3A_377 = vector.broadcast %broadcast_in_dim3A_376 : i32 to vector<16xi32>
    %gather3A_378 = tpu.vector_load_idx %arg15[%add3A_345, %broadcast_in_dim3A_377] : memref<128x16xf32, #tpu.memory_space<vmem>>[vector<16xi32>, vector<16xi32>], vector<16xf32>,
    %broadcast_in_dim3A_379 = arith.constant 11 : i32
    %broadcast_in_dim3A_380 = vector.broadcast %broadcast_in_dim3A_379 : i32 to vector<16xi32>
    %gather3A_381 = tpu.vector_load_idx %arg15[%add3A_345, %broadcast_in_dim3A_380] : memref<128x16xf32, #tpu.memory_space<vmem>>[vector<16xi32>, vector<16xi32>], vector<16xf32>,
    %broadcast_in_dim3A_382 = arith.constant 12 : i32
    %broadcast_in_dim3A_383 = vector.broadcast %broadcast_in_dim3A_382 : i32 to vector<16xi32>
    %gather3A_384 = tpu.vector_load_idx %arg15[%add3A_345, %broadcast_in_dim3A_383] : memref<128x16xf32, #tpu.memory_space<vmem>>[vector<16xi32>, vector<16xi32>], vector<16xf32>,
    %broadcast_in_dim3A_385 = arith.constant 13 : i32
    %broadcast_in_dim3A_386 = vector.broadcast %broadcast_in_dim3A_385 : i32 to vector<16xi32>
    %gather3A_387 = tpu.vector_load_idx %arg15[%add3A_345, %broadcast_in_dim3A_386] : memref<128x16xf32, #tpu.memory_space<vmem>>[vector<16xi32>, vector<16xi32>], vector<16xf32>,
    %broadcast_in_dim3A_388 = arith.constant 14 : i32
    %broadcast_in_dim3A_389 = vector.broadcast %broadcast_in_dim3A_388 : i32 to vector<16xi32>
    %gather3A_390 = tpu.vector_load_idx %arg15[%add3A_345, %broadcast_in_dim3A_389] : memref<128x16xf32, #tpu.memory_space<vmem>>[vector<16xi32>, vector<16xi32>], vector<16xf32>,
    %broadcast_in_dim3A_391 = arith.constant 15 : i32
    %broadcast_in_dim3A_392 = vector.broadcast %broadcast_in_dim3A_391 : i32 to vector<16xi32>
    %gather3A_393 = tpu.vector_load_idx %arg15[%add3A_345, %broadcast_in_dim3A_392] : memref<128x16xf32, #tpu.memory_space<vmem>>[vector<16xi32>, vector<16xi32>], vector<16xf32>,
    %add3A_394 = arith.addf %gather3A_348, %gather3A_351 : vector<16xf32>
    %add3A_395 = arith.addf %gather3A_354, %gather3A_357 : vector<16xf32>
    %add3A_396 = arith.addf %gather3A_360, %gather3A_363 : vector<16xf32>
    %add3A_397 = arith.addf %gather3A_366, %gather3A_369 : vector<16xf32>
    %add3A_398 = arith.addf %gather3A_372, %gather3A_375 : vector<16xf32>
    %add3A_399 = arith.addf %gather3A_378, %gather3A_381 : vector<16xf32>
    %add3A_400 = arith.addf %gather3A_384, %gather3A_387 : vector<16xf32>
    %add3A_401 = arith.addf %gather3A_390, %gather3A_393 : vector<16xf32>
    %add3A_402 = arith.addf %add3A_394, %add3A_395 : vector<16xf32>
    %add3A_403 = arith.addf %add3A_396, %add3A_397 : vector<16xf32>
    %add3A_404 = arith.addf %add3A_398, %add3A_399 : vector<16xf32>
    %add3A_405 = arith.addf %add3A_400, %add3A_401 : vector<16xf32>
    %add3A_406 = arith.addf %add3A_402, %add3A_403 : vector<16xf32>
    %add3A_407 = arith.addf %add3A_404, %add3A_405 : vector<16xf32>
    %add3A_408 = arith.addf %add3A_406, %add3A_407 : vector<16xf32>
    %get3A_409 = arith.constant 48 : index
    %get3A_410 = tpu.vector_load %arg12[%get3A_409] {strides = array<i32>} : memref<512xi32, #tpu.memory_space<vmem>>, vector<16xi32>,
    %gather3A_411 = tpu.vector_load_idx %arg17[%get3A_410] : memref<1024xf32, #tpu.memory_space<vmem>>[vector<16xi32>], vector<16xf32>,
    %add3A_412 = arith.addf %add3A_408, %get3A_90 : vector<16xf32>
    %mul3A_413 = arith.constant 1.000000e-01 : f32
    %mul3A_414 = vector.broadcast %mul3A_413 : f32 to vector<16xf32>
    %mul3A_415 = arith.mulf %gather3A_411, %mul3A_414 : vector<16xf32>
    %add3A_416 = arith.addf %add3A_412, %mul3A_415 : vector<16xf32>
    %swap3A_417 = arith.constant 48 : index
    %swap3A_418 = tpu.vector_load %arg20[%swap3A_417] {strides = array<i32>} : memref<512xf32, #tpu.memory_space<vmem>>, vector<16xf32>,
    tpu.vector_store %arg20[%swap3A_417], %add3A_416 {strides = array<i32>} : memref<512xf32, #tpu.memory_space<vmem>>, vector<16xf32>,
    %add3A_419 = arith.constant 64 : i32
    %add3A_420 = vector.broadcast %add3A_419 : i32 to vector<16xi32>
    %add3A_421 = arith.addi %iota3A, %add3A_420 : vector<16xi32>
    %broadcast_in_dim3A_422 = arith.constant 0 : i32
    %broadcast_in_dim3A_423 = vector.broadcast %broadcast_in_dim3A_422 : i32 to vector<16xi32>
    %gather3A_424 = tpu.vector_load_idx %arg15[%add3A_421, %broadcast_in_dim3A_423] : memref<128x16xf32, #tpu.memory_space<vmem>>[vector<16xi32>, vector<16xi32>], vector<16xf32>,
    %broadcast_in_dim3A_425 = arith.constant 1 : i32
    %broadcast_in_dim3A_426 = vector.broadcast %broadcast_in_dim3A_425 : i32 to vector<16xi32>
    %gather3A_427 = tpu.vector_load_idx %arg15[%add3A_421, %broadcast_in_dim3A_426] : memref<128x16xf32, #tpu.memory_space<vmem>>[vector<16xi32>, vector<16xi32>], vector<16xf32>,
    %broadcast_in_dim3A_428 = arith.constant 2 : i32
    %broadcast_in_dim3A_429 = vector.broadcast %broadcast_in_dim3A_428 : i32 to vector<16xi32>
    %gather3A_430 = tpu.vector_load_idx %arg15[%add3A_421, %broadcast_in_dim3A_429] : memref<128x16xf32, #tpu.memory_space<vmem>>[vector<16xi32>, vector<16xi32>], vector<16xf32>,
    %broadcast_in_dim3A_431 = arith.constant 3 : i32
    %broadcast_in_dim3A_432 = vector.broadcast %broadcast_in_dim3A_431 : i32 to vector<16xi32>
    %gather3A_433 = tpu.vector_load_idx %arg15[%add3A_421, %broadcast_in_dim3A_432] : memref<128x16xf32, #tpu.memory_space<vmem>>[vector<16xi32>, vector<16xi32>], vector<16xf32>,
    %broadcast_in_dim3A_434 = arith.constant 4 : i32
    %broadcast_in_dim3A_435 = vector.broadcast %broadcast_in_dim3A_434 : i32 to vector<16xi32>
    %gather3A_436 = tpu.vector_load_idx %arg15[%add3A_421, %broadcast_in_dim3A_435] : memref<128x16xf32, #tpu.memory_space<vmem>>[vector<16xi32>, vector<16xi32>], vector<16xf32>,
    %broadcast_in_dim3A_437 = arith.constant 5 : i32
    %broadcast_in_dim3A_438 = vector.broadcast %broadcast_in_dim3A_437 : i32 to vector<16xi32>
    %gather3A_439 = tpu.vector_load_idx %arg15[%add3A_421, %broadcast_in_dim3A_438] : memref<128x16xf32, #tpu.memory_space<vmem>>[vector<16xi32>, vector<16xi32>], vector<16xf32>,
    %broadcast_in_dim3A_440 = arith.constant 6 : i32
    %broadcast_in_dim3A_441 = vector.broadcast %broadcast_in_dim3A_440 : i32 to vector<16xi32>
    %gather3A_442 = tpu.vector_load_idx %arg15[%add3A_421, %broadcast_in_dim3A_441] : memref<128x16xf32, #tpu.memory_space<vmem>>[vector<16xi32>, vector<16xi32>], vector<16xf32>,
    %broadcast_in_dim3A_443 = arith.constant 7 : i32
    %broadcast_in_dim3A_444 = vector.broadcast %broadcast_in_dim3A_443 : i32 to vector<16xi32>
    %gather3A_445 = tpu.vector_load_idx %arg15[%add3A_421, %broadcast_in_dim3A_444] : memref<128x16xf32, #tpu.memory_space<vmem>>[vector<16xi32>, vector<16xi32>], vector<16xf32>,
    %broadcast_in_dim3A_446 = arith.constant 8 : i32
    %broadcast_in_dim3A_447 = vector.broadcast %broadcast_in_dim3A_446 : i32 to vector<16xi32>
    %gather3A_448 = tpu.vector_load_idx %arg15[%add3A_421, %broadcast_in_dim3A_447] : memref<128x16xf32, #tpu.memory_space<vmem>>[vector<16xi32>, vector<16xi32>], vector<16xf32>,
    %broadcast_in_dim3A_449 = arith.constant 9 : i32
    %broadcast_in_dim3A_450 = vector.broadcast %broadcast_in_dim3A_449 : i32 to vector<16xi32>
    %gather3A_451 = tpu.vector_load_idx %arg15[%add3A_421, %broadcast_in_dim3A_450] : memref<128x16xf32, #tpu.memory_space<vmem>>[vector<16xi32>, vector<16xi32>], vector<16xf32>,
    %broadcast_in_dim3A_452 = arith.constant 10 : i32
    %broadcast_in_dim3A_453 = vector.broadcast %broadcast_in_dim3A_452 : i32 to vector<16xi32>
    %gather3A_454 = tpu.vector_load_idx %arg15[%add3A_421, %broadcast_in_dim3A_453] : memref<128x16xf32, #tpu.memory_space<vmem>>[vector<16xi32>, vector<16xi32>], vector<16xf32>,
    %broadcast_in_dim3A_455 = arith.constant 11 : i32
    %broadcast_in_dim3A_456 = vector.broadcast %broadcast_in_dim3A_455 : i32 to vector<16xi32>
    %gather3A_457 = tpu.vector_load_idx %arg15[%add3A_421, %broadcast_in_dim3A_456] : memref<128x16xf32, #tpu.memory_space<vmem>>[vector<16xi32>, vector<16xi32>], vector<16xf32>,
    %broadcast_in_dim3A_458 = arith.constant 12 : i32
    %broadcast_in_dim3A_459 = vector.broadcast %broadcast_in_dim3A_458 : i32 to vector<16xi32>
    %gather3A_460 = tpu.vector_load_idx %arg15[%add3A_421, %broadcast_in_dim3A_459] : memref<128x16xf32, #tpu.memory_space<vmem>>[vector<16xi32>, vector<16xi32>], vector<16xf32>,
    %broadcast_in_dim3A_461 = arith.constant 13 : i32
    %broadcast_in_dim3A_462 = vector.broadcast %broadcast_in_dim3A_461 : i32 to vector<16xi32>
    %gather3A_463 = tpu.vector_load_idx %arg15[%add3A_421, %broadcast_in_dim3A_462] : memref<128x16xf32, #tpu.memory_space<vmem>>[vector<16xi32>, vector<16xi32>], vector<16xf32>,
    %broadcast_in_dim3A_464 = arith.constant 14 : i32
    %broadcast_in_dim3A_465 = vector.broadcast %broadcast_in_dim3A_464 : i32 to vector<16xi32>
    %gather3A_466 = tpu.vector_load_idx %arg15[%add3A_421, %broadcast_in_dim3A_465] : memref<128x16xf32, #tpu.memory_space<vmem>>[vector<16xi32>, vector<16xi32>], vector<16xf32>,
    %broadcast_in_dim3A_467 = arith.constant 15 : i32
    %broadcast_in_dim3A_468 = vector.broadcast %broadcast_in_dim3A_467 : i32 to vector<16xi32>
    %gather3A_469 = tpu.vector_load_idx %arg15[%add3A_421, %broadcast_in_dim3A_468] : memref<128x16xf32, #tpu.memory_space<vmem>>[vector<16xi32>, vector<16xi32>], vector<16xf32>,
    %add3A_470 = arith.addf %gather3A_424, %gather3A_427 : vector<16xf32>
    %add3A_471 = arith.addf %gather3A_430, %gather3A_433 : vector<16xf32>
    %add3A_472 = arith.addf %gather3A_436, %gather3A_439 : vector<16xf32>
    %add3A_473 = arith.addf %gather3A_442, %gather3A_445 : vector<16xf32>
    %add3A_474 = arith.addf %gather3A_448, %gather3A_451 : vector<16xf32>
    %add3A_475 = arith.addf %gather3A_454, %gather3A_457 : vector<16xf32>
    %add3A_476 = arith.addf %gather3A_460, %gather3A_463 : vector<16xf32>
    %add3A_477 = arith.addf %gather3A_466, %gather3A_469 : vector<16xf32>
    %add3A_478 = arith.addf %add3A_470, %add3A_471 : vector<16xf32>
    %add3A_479 = arith.addf %add3A_472, %add3A_473 : vector<16xf32>
    %add3A_480 = arith.addf %add3A_474, %add3A_475 : vector<16xf32>
    %add3A_481 = arith.addf %add3A_476, %add3A_477 : vector<16xf32>
    %add3A_482 = arith.addf %add3A_478, %add3A_479 : vector<16xf32>
    %add3A_483 = arith.addf %add3A_480, %add3A_481 : vector<16xf32>
    %add3A_484 = arith.addf %add3A_482, %add3A_483 : vector<16xf32>
    %get3A_485 = arith.constant 64 : index
    %get3A_486 = tpu.vector_load %arg12[%get3A_485] {strides = array<i32>} : memref<512xi32, #tpu.memory_space<vmem>>, vector<16xi32>,
    %gather3A_487 = tpu.vector_load_idx %arg17[%get3A_486] : memref<1024xf32, #tpu.memory_space<vmem>>[vector<16xi32>], vector<16xf32>,
    %add3A_488 = arith.addf %add3A_484, %get3A_90 : vector<16xf32>
    %mul3A_489 = arith.constant 1.000000e-01 : f32
    %mul3A_490 = vector.broadcast %mul3A_489 : f32 to vector<16xf32>
    %mul3A_491 = arith.mulf %gather3A_487, %mul3A_490 : vector<16xf32>
    %add3A_492 = arith.addf %add3A_488, %mul3A_491 : vector<16xf32>
    %swap3A_493 = arith.constant 64 : index
    %swap3A_494 = tpu.vector_load %arg20[%swap3A_493] {strides = array<i32>} : memref<512xf32, #tpu.memory_space<vmem>>, vector<16xf32>,
    tpu.vector_store %arg20[%swap3A_493], %add3A_492 {strides = array<i32>} : memref<512xf32, #tpu.memory_space<vmem>>, vector<16xf32>,
    %add3A_495 = arith.constant 80 : i32
    %add3A_496 = vector.broadcast %add3A_495 : i32 to vector<16xi32>
    %add3A_497 = arith.addi %iota3A, %add3A_496 : vector<16xi32>
    %broadcast_in_dim3A_498 = arith.constant 0 : i32
    %broadcast_in_dim3A_499 = vector.broadcast %broadcast_in_dim3A_498 : i32 to vector<16xi32>
    %gather3A_500 = tpu.vector_load_idx %arg15[%add3A_497, %broadcast_in_dim3A_499] : memref<128x16xf32, #tpu.memory_space<vmem>>[vector<16xi32>, vector<16xi32>], vector<16xf32>,
    %broadcast_in_dim3A_501 = arith.constant 1 : i32
    %broadcast_in_dim3A_502 = vector.broadcast %broadcast_in_dim3A_501 : i32 to vector<16xi32>
    %gather3A_503 = tpu.vector_load_idx %arg15[%add3A_497, %broadcast_in_dim3A_502] : memref<128x16xf32, #tpu.memory_space<vmem>>[vector<16xi32>, vector<16xi32>], vector<16xf32>,
    %broadcast_in_dim3A_504 = arith.constant 2 : i32
    %broadcast_in_dim3A_505 = vector.broadcast %broadcast_in_dim3A_504 : i32 to vector<16xi32>
    %gather3A_506 = tpu.vector_load_idx %arg15[%add3A_497, %broadcast_in_dim3A_505] : memref<128x16xf32, #tpu.memory_space<vmem>>[vector<16xi32>, vector<16xi32>], vector<16xf32>,
    %broadcast_in_dim3A_507 = arith.constant 3 : i32
    %broadcast_in_dim3A_508 = vector.broadcast %broadcast_in_dim3A_507 : i32 to vector<16xi32>
    %gather3A_509 = tpu.vector_load_idx %arg15[%add3A_497, %broadcast_in_dim3A_508] : memref<128x16xf32, #tpu.memory_space<vmem>>[vector<16xi32>, vector<16xi32>], vector<16xf32>,
    %broadcast_in_dim3A_510 = arith.constant 4 : i32
    %broadcast_in_dim3A_511 = vector.broadcast %broadcast_in_dim3A_510 : i32 to vector<16xi32>
    %gather3A_512 = tpu.vector_load_idx %arg15[%add3A_497, %broadcast_in_dim3A_511] : memref<128x16xf32, #tpu.memory_space<vmem>>[vector<16xi32>, vector<16xi32>], vector<16xf32>,
    %broadcast_in_dim3A_513 = arith.constant 5 : i32
    %broadcast_in_dim3A_514 = vector.broadcast %broadcast_in_dim3A_513 : i32 to vector<16xi32>
    %gather3A_515 = tpu.vector_load_idx %arg15[%add3A_497, %broadcast_in_dim3A_514] : memref<128x16xf32, #tpu.memory_space<vmem>>[vector<16xi32>, vector<16xi32>], vector<16xf32>,
    %broadcast_in_dim3A_516 = arith.constant 6 : i32
    %broadcast_in_dim3A_517 = vector.broadcast %broadcast_in_dim3A_516 : i32 to vector<16xi32>
    %gather3A_518 = tpu.vector_load_idx %arg15[%add3A_497, %broadcast_in_dim3A_517] : memref<128x16xf32, #tpu.memory_space<vmem>>[vector<16xi32>, vector<16xi32>], vector<16xf32>,
    %broadcast_in_dim3A_519 = arith.constant 7 : i32
    %broadcast_in_dim3A_520 = vector.broadcast %broadcast_in_dim3A_519 : i32 to vector<16xi32>
    %gather3A_521 = tpu.vector_load_idx %arg15[%add3A_497, %broadcast_in_dim3A_520] : memref<128x16xf32, #tpu.memory_space<vmem>>[vector<16xi32>, vector<16xi32>], vector<16xf32>,
    %broadcast_in_dim3A_522 = arith.constant 8 : i32
    %broadcast_in_dim3A_523 = vector.broadcast %broadcast_in_dim3A_522 : i32 to vector<16xi32>
    %gather3A_524 = tpu.vector_load_idx %arg15[%add3A_497, %broadcast_in_dim3A_523] : memref<128x16xf32, #tpu.memory_space<vmem>>[vector<16xi32>, vector<16xi32>], vector<16xf32>,
    %broadcast_in_dim3A_525 = arith.constant 9 : i32
    %broadcast_in_dim3A_526 = vector.broadcast %broadcast_in_dim3A_525 : i32 to vector<16xi32>
    %gather3A_527 = tpu.vector_load_idx %arg15[%add3A_497, %broadcast_in_dim3A_526] : memref<128x16xf32, #tpu.memory_space<vmem>>[vector<16xi32>, vector<16xi32>], vector<16xf32>,
    %broadcast_in_dim3A_528 = arith.constant 10 : i32
    %broadcast_in_dim3A_529 = vector.broadcast %broadcast_in_dim3A_528 : i32 to vector<16xi32>
    %gather3A_530 = tpu.vector_load_idx %arg15[%add3A_497, %broadcast_in_dim3A_529] : memref<128x16xf32, #tpu.memory_space<vmem>>[vector<16xi32>, vector<16xi32>], vector<16xf32>,
    %broadcast_in_dim3A_531 = arith.constant 11 : i32
    %broadcast_in_dim3A_532 = vector.broadcast %broadcast_in_dim3A_531 : i32 to vector<16xi32>
    %gather3A_533 = tpu.vector_load_idx %arg15[%add3A_497, %broadcast_in_dim3A_532] : memref<128x16xf32, #tpu.memory_space<vmem>>[vector<16xi32>, vector<16xi32>], vector<16xf32>,
    %broadcast_in_dim3A_534 = arith.constant 12 : i32
    %broadcast_in_dim3A_535 = vector.broadcast %broadcast_in_dim3A_534 : i32 to vector<16xi32>
    %gather3A_536 = tpu.vector_load_idx %arg15[%add3A_497, %broadcast_in_dim3A_535] : memref<128x16xf32, #tpu.memory_space<vmem>>[vector<16xi32>, vector<16xi32>], vector<16xf32>,
    %broadcast_in_dim3A_537 = arith.constant 13 : i32
    %broadcast_in_dim3A_538 = vector.broadcast %broadcast_in_dim3A_537 : i32 to vector<16xi32>
    %gather3A_539 = tpu.vector_load_idx %arg15[%add3A_497, %broadcast_in_dim3A_538] : memref<128x16xf32, #tpu.memory_space<vmem>>[vector<16xi32>, vector<16xi32>], vector<16xf32>,
    %broadcast_in_dim3A_540 = arith.constant 14 : i32
    %broadcast_in_dim3A_541 = vector.broadcast %broadcast_in_dim3A_540 : i32 to vector<16xi32>
    %gather3A_542 = tpu.vector_load_idx %arg15[%add3A_497, %broadcast_in_dim3A_541] : memref<128x16xf32, #tpu.memory_space<vmem>>[vector<16xi32>, vector<16xi32>], vector<16xf32>,
    %broadcast_in_dim3A_543 = arith.constant 15 : i32
    %broadcast_in_dim3A_544 = vector.broadcast %broadcast_in_dim3A_543 : i32 to vector<16xi32>
    %gather3A_545 = tpu.vector_load_idx %arg15[%add3A_497, %broadcast_in_dim3A_544] : memref<128x16xf32, #tpu.memory_space<vmem>>[vector<16xi32>, vector<16xi32>], vector<16xf32>,
    %add3A_546 = arith.addf %gather3A_500, %gather3A_503 : vector<16xf32>
    %add3A_547 = arith.addf %gather3A_506, %gather3A_509 : vector<16xf32>
    %add3A_548 = arith.addf %gather3A_512, %gather3A_515 : vector<16xf32>
    %add3A_549 = arith.addf %gather3A_518, %gather3A_521 : vector<16xf32>
    %add3A_550 = arith.addf %gather3A_524, %gather3A_527 : vector<16xf32>
    %add3A_551 = arith.addf %gather3A_530, %gather3A_533 : vector<16xf32>
    %add3A_552 = arith.addf %gather3A_536, %gather3A_539 : vector<16xf32>
    %add3A_553 = arith.addf %gather3A_542, %gather3A_545 : vector<16xf32>
    %add3A_554 = arith.addf %add3A_546, %add3A_547 : vector<16xf32>
    %add3A_555 = arith.addf %add3A_548, %add3A_549 : vector<16xf32>
    %add3A_556 = arith.addf %add3A_550, %add3A_551 : vector<16xf32>
    %add3A_557 = arith.addf %add3A_552, %add3A_553 : vector<16xf32>
    %add3A_558 = arith.addf %add3A_554, %add3A_555 : vector<16xf32>
    %add3A_559 = arith.addf %add3A_556, %add3A_557 : vector<16xf32>
    %add3A_560 = arith.addf %add3A_558, %add3A_559 : vector<16xf32>
    %get3A_561 = arith.constant 80 : index
    %get3A_562 = tpu.vector_load %arg12[%get3A_561] {strides = array<i32>} : memref<512xi32, #tpu.memory_space<vmem>>, vector<16xi32>,
    %gather3A_563 = tpu.vector_load_idx %arg17[%get3A_562] : memref<1024xf32, #tpu.memory_space<vmem>>[vector<16xi32>], vector<16xf32>,
    %add3A_564 = arith.addf %add3A_560, %get3A_90 : vector<16xf32>
    %mul3A_565 = arith.constant 1.000000e-01 : f32
    %mul3A_566 = vector.broadcast %mul3A_565 : f32 to vector<16xf32>
    %mul3A_567 = arith.mulf %gather3A_563, %mul3A_566 : vector<16xf32>
    %add3A_568 = arith.addf %add3A_564, %mul3A_567 : vector<16xf32>
    %swap3A_569 = arith.constant 80 : index
    %swap3A_570 = tpu.vector_load %arg20[%swap3A_569] {strides = array<i32>} : memref<512xf32, #tpu.memory_space<vmem>>, vector<16xf32>,
    tpu.vector_store %arg20[%swap3A_569], %add3A_568 {strides = array<i32>} : memref<512xf32, #tpu.memory_space<vmem>>, vector<16xf32>,
    %add3A_571 = arith.constant 96 : i32
    %add3A_572 = vector.broadcast %add3A_571 : i32 to vector<16xi32>
    %add3A_573 = arith.addi %iota3A, %add3A_572 : vector<16xi32>
    %broadcast_in_dim3A_574 = arith.constant 0 : i32
    %broadcast_in_dim3A_575 = vector.broadcast %broadcast_in_dim3A_574 : i32 to vector<16xi32>
    %gather3A_576 = tpu.vector_load_idx %arg15[%add3A_573, %broadcast_in_dim3A_575] : memref<128x16xf32, #tpu.memory_space<vmem>>[vector<16xi32>, vector<16xi32>], vector<16xf32>,
    %broadcast_in_dim3A_577 = arith.constant 1 : i32
    %broadcast_in_dim3A_578 = vector.broadcast %broadcast_in_dim3A_577 : i32 to vector<16xi32>
    %gather3A_579 = tpu.vector_load_idx %arg15[%add3A_573, %broadcast_in_dim3A_578] : memref<128x16xf32, #tpu.memory_space<vmem>>[vector<16xi32>, vector<16xi32>], vector<16xf32>,
    %broadcast_in_dim3A_580 = arith.constant 2 : i32
    %broadcast_in_dim3A_581 = vector.broadcast %broadcast_in_dim3A_580 : i32 to vector<16xi32>
    %gather3A_582 = tpu.vector_load_idx %arg15[%add3A_573, %broadcast_in_dim3A_581] : memref<128x16xf32, #tpu.memory_space<vmem>>[vector<16xi32>, vector<16xi32>], vector<16xf32>,
    %broadcast_in_dim3A_583 = arith.constant 3 : i32
    %broadcast_in_dim3A_584 = vector.broadcast %broadcast_in_dim3A_583 : i32 to vector<16xi32>
    %gather3A_585 = tpu.vector_load_idx %arg15[%add3A_573, %broadcast_in_dim3A_584] : memref<128x16xf32, #tpu.memory_space<vmem>>[vector<16xi32>, vector<16xi32>], vector<16xf32>,
    %broadcast_in_dim3A_586 = arith.constant 4 : i32
    %broadcast_in_dim3A_587 = vector.broadcast %broadcast_in_dim3A_586 : i32 to vector<16xi32>
    %gather3A_588 = tpu.vector_load_idx %arg15[%add3A_573, %broadcast_in_dim3A_587] : memref<128x16xf32, #tpu.memory_space<vmem>>[vector<16xi32>, vector<16xi32>], vector<16xf32>,
    %broadcast_in_dim3A_589 = arith.constant 5 : i32
    %broadcast_in_dim3A_590 = vector.broadcast %broadcast_in_dim3A_589 : i32 to vector<16xi32>
    %gather3A_591 = tpu.vector_load_idx %arg15[%add3A_573, %broadcast_in_dim3A_590] : memref<128x16xf32, #tpu.memory_space<vmem>>[vector<16xi32>, vector<16xi32>], vector<16xf32>,
    %broadcast_in_dim3A_592 = arith.constant 6 : i32
    %broadcast_in_dim3A_593 = vector.broadcast %broadcast_in_dim3A_592 : i32 to vector<16xi32>
    %gather3A_594 = tpu.vector_load_idx %arg15[%add3A_573, %broadcast_in_dim3A_593] : memref<128x16xf32, #tpu.memory_space<vmem>>[vector<16xi32>, vector<16xi32>], vector<16xf32>,
    %broadcast_in_dim3A_595 = arith.constant 7 : i32
    %broadcast_in_dim3A_596 = vector.broadcast %broadcast_in_dim3A_595 : i32 to vector<16xi32>
    %gather3A_597 = tpu.vector_load_idx %arg15[%add3A_573, %broadcast_in_dim3A_596] : memref<128x16xf32, #tpu.memory_space<vmem>>[vector<16xi32>, vector<16xi32>], vector<16xf32>,
    %broadcast_in_dim3A_598 = arith.constant 8 : i32
    %broadcast_in_dim3A_599 = vector.broadcast %broadcast_in_dim3A_598 : i32 to vector<16xi32>
    %gather3A_600 = tpu.vector_load_idx %arg15[%add3A_573, %broadcast_in_dim3A_599] : memref<128x16xf32, #tpu.memory_space<vmem>>[vector<16xi32>, vector<16xi32>], vector<16xf32>,
    %broadcast_in_dim3A_601 = arith.constant 9 : i32
    %broadcast_in_dim3A_602 = vector.broadcast %broadcast_in_dim3A_601 : i32 to vector<16xi32>
    %gather3A_603 = tpu.vector_load_idx %arg15[%add3A_573, %broadcast_in_dim3A_602] : memref<128x16xf32, #tpu.memory_space<vmem>>[vector<16xi32>, vector<16xi32>], vector<16xf32>,
    %broadcast_in_dim3A_604 = arith.constant 10 : i32
    %broadcast_in_dim3A_605 = vector.broadcast %broadcast_in_dim3A_604 : i32 to vector<16xi32>
    %gather3A_606 = tpu.vector_load_idx %arg15[%add3A_573, %broadcast_in_dim3A_605] : memref<128x16xf32, #tpu.memory_space<vmem>>[vector<16xi32>, vector<16xi32>], vector<16xf32>,
    %broadcast_in_dim3A_607 = arith.constant 11 : i32
    %broadcast_in_dim3A_608 = vector.broadcast %broadcast_in_dim3A_607 : i32 to vector<16xi32>
    %gather3A_609 = tpu.vector_load_idx %arg15[%add3A_573, %broadcast_in_dim3A_608] : memref<128x16xf32, #tpu.memory_space<vmem>>[vector<16xi32>, vector<16xi32>], vector<16xf32>,
    %broadcast_in_dim3A_610 = arith.constant 12 : i32
    %broadcast_in_dim3A_611 = vector.broadcast %broadcast_in_dim3A_610 : i32 to vector<16xi32>
    %gather3A_612 = tpu.vector_load_idx %arg15[%add3A_573, %broadcast_in_dim3A_611] : memref<128x16xf32, #tpu.memory_space<vmem>>[vector<16xi32>, vector<16xi32>], vector<16xf32>,
    %broadcast_in_dim3A_613 = arith.constant 13 : i32
    %broadcast_in_dim3A_614 = vector.broadcast %broadcast_in_dim3A_613 : i32 to vector<16xi32>
    %gather3A_615 = tpu.vector_load_idx %arg15[%add3A_573, %broadcast_in_dim3A_614] : memref<128x16xf32, #tpu.memory_space<vmem>>[vector<16xi32>, vector<16xi32>], vector<16xf32>,
    %broadcast_in_dim3A_616 = arith.constant 14 : i32
    %broadcast_in_dim3A_617 = vector.broadcast %broadcast_in_dim3A_616 : i32 to vector<16xi32>
    %gather3A_618 = tpu.vector_load_idx %arg15[%add3A_573, %broadcast_in_dim3A_617] : memref<128x16xf32, #tpu.memory_space<vmem>>[vector<16xi32>, vector<16xi32>], vector<16xf32>,
    %broadcast_in_dim3A_619 = arith.constant 15 : i32
    %broadcast_in_dim3A_620 = vector.broadcast %broadcast_in_dim3A_619 : i32 to vector<16xi32>
    %gather3A_621 = tpu.vector_load_idx %arg15[%add3A_573, %broadcast_in_dim3A_620] : memref<128x16xf32, #tpu.memory_space<vmem>>[vector<16xi32>, vector<16xi32>], vector<16xf32>,
    %add3A_622 = arith.addf %gather3A_576, %gather3A_579 : vector<16xf32>
    %add3A_623 = arith.addf %gather3A_582, %gather3A_585 : vector<16xf32>
    %add3A_624 = arith.addf %gather3A_588, %gather3A_591 : vector<16xf32>
    %add3A_625 = arith.addf %gather3A_594, %gather3A_597 : vector<16xf32>
    %add3A_626 = arith.addf %gather3A_600, %gather3A_603 : vector<16xf32>
    %add3A_627 = arith.addf %gather3A_606, %gather3A_609 : vector<16xf32>
    %add3A_628 = arith.addf %gather3A_612, %gather3A_615 : vector<16xf32>
    %add3A_629 = arith.addf %gather3A_618, %gather3A_621 : vector<16xf32>
    %add3A_630 = arith.addf %add3A_622, %add3A_623 : vector<16xf32>
    %add3A_631 = arith.addf %add3A_624, %add3A_625 : vector<16xf32>
    %add3A_632 = arith.addf %add3A_626, %add3A_627 : vector<16xf32>
    %add3A_633 = arith.addf %add3A_628, %add3A_629 : vector<16xf32>
    %add3A_634 = arith.addf %add3A_630, %add3A_631 : vector<16xf32>
    %add3A_635 = arith.addf %add3A_632, %add3A_633 : vector<16xf32>
    %add3A_636 = arith.addf %add3A_634, %add3A_635 : vector<16xf32>
    %get3A_637 = arith.constant 96 : index
    %get3A_638 = tpu.vector_load %arg12[%get3A_637] {strides = array<i32>} : memref<512xi32, #tpu.memory_space<vmem>>, vector<16xi32>,
    %gather3A_639 = tpu.vector_load_idx %arg17[%get3A_638] : memref<1024xf32, #tpu.memory_space<vmem>>[vector<16xi32>], vector<16xf32>,
    %add3A_640 = arith.addf %add3A_636, %get3A_90 : vector<16xf32>
    %mul3A_641 = arith.constant 1.000000e-01 : f32
    %mul3A_642 = vector.broadcast %mul3A_641 : f32 to vector<16xf32>
    %mul3A_643 = arith.mulf %gather3A_639, %mul3A_642 : vector<16xf32>
    %add3A_644 = arith.addf %add3A_640, %mul3A_643 : vector<16xf32>
    %swap3A_645 = arith.constant 96 : index
    %swap3A_646 = tpu.vector_load %arg20[%swap3A_645] {strides = array<i32>} : memref<512xf32, #tpu.memory_space<vmem>>, vector<16xf32>,
    tpu.vector_store %arg20[%swap3A_645], %add3A_644 {strides = array<i32>} : memref<512xf32, #tpu.memory_space<vmem>>, vector<16xf32>,
    %add3A_647 = arith.constant 112 : i32
    %add3A_648 = vector.broadcast %add3A_647 : i32 to vector<16xi32>
    %add3A_649 = arith.addi %iota3A, %add3A_648 : vector<16xi32>
    %broadcast_in_dim3A_650 = arith.constant 0 : i32
    %broadcast_in_dim3A_651 = vector.broadcast %broadcast_in_dim3A_650 : i32 to vector<16xi32>
    %gather3A_652 = tpu.vector_load_idx %arg15[%add3A_649, %broadcast_in_dim3A_651] : memref<128x16xf32, #tpu.memory_space<vmem>>[vector<16xi32>, vector<16xi32>], vector<16xf32>,
    %broadcast_in_dim3A_653 = arith.constant 1 : i32
    %broadcast_in_dim3A_654 = vector.broadcast %broadcast_in_dim3A_653 : i32 to vector<16xi32>
    %gather3A_655 = tpu.vector_load_idx %arg15[%add3A_649, %broadcast_in_dim3A_654] : memref<128x16xf32, #tpu.memory_space<vmem>>[vector<16xi32>, vector<16xi32>], vector<16xf32>,
    %broadcast_in_dim3A_656 = arith.constant 2 : i32
    %broadcast_in_dim3A_657 = vector.broadcast %broadcast_in_dim3A_656 : i32 to vector<16xi32>
    %gather3A_658 = tpu.vector_load_idx %arg15[%add3A_649, %broadcast_in_dim3A_657] : memref<128x16xf32, #tpu.memory_space<vmem>>[vector<16xi32>, vector<16xi32>], vector<16xf32>,
    %broadcast_in_dim3A_659 = arith.constant 3 : i32
    %broadcast_in_dim3A_660 = vector.broadcast %broadcast_in_dim3A_659 : i32 to vector<16xi32>
    %gather3A_661 = tpu.vector_load_idx %arg15[%add3A_649, %broadcast_in_dim3A_660] : memref<128x16xf32, #tpu.memory_space<vmem>>[vector<16xi32>, vector<16xi32>], vector<16xf32>,
    %broadcast_in_dim3A_662 = arith.constant 4 : i32
    %broadcast_in_dim3A_663 = vector.broadcast %broadcast_in_dim3A_662 : i32 to vector<16xi32>
    %gather3A_664 = tpu.vector_load_idx %arg15[%add3A_649, %broadcast_in_dim3A_663] : memref<128x16xf32, #tpu.memory_space<vmem>>[vector<16xi32>, vector<16xi32>], vector<16xf32>,
    %broadcast_in_dim3A_665 = arith.constant 5 : i32
    %broadcast_in_dim3A_666 = vector.broadcast %broadcast_in_dim3A_665 : i32 to vector<16xi32>
    %gather3A_667 = tpu.vector_load_idx %arg15[%add3A_649, %broadcast_in_dim3A_666] : memref<128x16xf32, #tpu.memory_space<vmem>>[vector<16xi32>, vector<16xi32>], vector<16xf32>,
    %broadcast_in_dim3A_668 = arith.constant 6 : i32
    %broadcast_in_dim3A_669 = vector.broadcast %broadcast_in_dim3A_668 : i32 to vector<16xi32>
    %gather3A_670 = tpu.vector_load_idx %arg15[%add3A_649, %broadcast_in_dim3A_669] : memref<128x16xf32, #tpu.memory_space<vmem>>[vector<16xi32>, vector<16xi32>], vector<16xf32>,
    %broadcast_in_dim3A_671 = arith.constant 7 : i32
    %broadcast_in_dim3A_672 = vector.broadcast %broadcast_in_dim3A_671 : i32 to vector<16xi32>
    %gather3A_673 = tpu.vector_load_idx %arg15[%add3A_649, %broadcast_in_dim3A_672] : memref<128x16xf32, #tpu.memory_space<vmem>>[vector<16xi32>, vector<16xi32>], vector<16xf32>,
    %broadcast_in_dim3A_674 = arith.constant 8 : i32
    %broadcast_in_dim3A_675 = vector.broadcast %broadcast_in_dim3A_674 : i32 to vector<16xi32>
    %gather3A_676 = tpu.vector_load_idx %arg15[%add3A_649, %broadcast_in_dim3A_675] : memref<128x16xf32, #tpu.memory_space<vmem>>[vector<16xi32>, vector<16xi32>], vector<16xf32>,
    %broadcast_in_dim3A_677 = arith.constant 9 : i32
    %broadcast_in_dim3A_678 = vector.broadcast %broadcast_in_dim3A_677 : i32 to vector<16xi32>
    %gather3A_679 = tpu.vector_load_idx %arg15[%add3A_649, %broadcast_in_dim3A_678] : memref<128x16xf32, #tpu.memory_space<vmem>>[vector<16xi32>, vector<16xi32>], vector<16xf32>,
    %broadcast_in_dim3A_680 = arith.constant 10 : i32
    %broadcast_in_dim3A_681 = vector.broadcast %broadcast_in_dim3A_680 : i32 to vector<16xi32>
    %gather3A_682 = tpu.vector_load_idx %arg15[%add3A_649, %broadcast_in_dim3A_681] : memref<128x16xf32, #tpu.memory_space<vmem>>[vector<16xi32>, vector<16xi32>], vector<16xf32>,
    %broadcast_in_dim3A_683 = arith.constant 11 : i32
    %broadcast_in_dim3A_684 = vector.broadcast %broadcast_in_dim3A_683 : i32 to vector<16xi32>
    %gather3A_685 = tpu.vector_load_idx %arg15[%add3A_649, %broadcast_in_dim3A_684] : memref<128x16xf32, #tpu.memory_space<vmem>>[vector<16xi32>, vector<16xi32>], vector<16xf32>,
    %broadcast_in_dim3A_686 = arith.constant 12 : i32
    %broadcast_in_dim3A_687 = vector.broadcast %broadcast_in_dim3A_686 : i32 to vector<16xi32>
    %gather3A_688 = tpu.vector_load_idx %arg15[%add3A_649, %broadcast_in_dim3A_687] : memref<128x16xf32, #tpu.memory_space<vmem>>[vector<16xi32>, vector<16xi32>], vector<16xf32>,
    %broadcast_in_dim3A_689 = arith.constant 13 : i32
    %broadcast_in_dim3A_690 = vector.broadcast %broadcast_in_dim3A_689 : i32 to vector<16xi32>
    %gather3A_691 = tpu.vector_load_idx %arg15[%add3A_649, %broadcast_in_dim3A_690] : memref<128x16xf32, #tpu.memory_space<vmem>>[vector<16xi32>, vector<16xi32>], vector<16xf32>,
    %broadcast_in_dim3A_692 = arith.constant 14 : i32
    %broadcast_in_dim3A_693 = vector.broadcast %broadcast_in_dim3A_692 : i32 to vector<16xi32>
    %gather3A_694 = tpu.vector_load_idx %arg15[%add3A_649, %broadcast_in_dim3A_693] : memref<128x16xf32, #tpu.memory_space<vmem>>[vector<16xi32>, vector<16xi32>], vector<16xf32>,
    %broadcast_in_dim3A_695 = arith.constant 15 : i32
    %broadcast_in_dim3A_696 = vector.broadcast %broadcast_in_dim3A_695 : i32 to vector<16xi32>
    %gather3A_697 = tpu.vector_load_idx %arg15[%add3A_649, %broadcast_in_dim3A_696] : memref<128x16xf32, #tpu.memory_space<vmem>>[vector<16xi32>, vector<16xi32>], vector<16xf32>,
    %add3A_698 = arith.addf %gather3A_652, %gather3A_655 : vector<16xf32>
    %add3A_699 = arith.addf %gather3A_658, %gather3A_661 : vector<16xf32>
    %add3A_700 = arith.addf %gather3A_664, %gather3A_667 : vector<16xf32>
    %add3A_701 = arith.addf %gather3A_670, %gather3A_673 : vector<16xf32>
    %add3A_702 = arith.addf %gather3A_676, %gather3A_679 : vector<16xf32>
    %add3A_703 = arith.addf %gather3A_682, %gather3A_685 : vector<16xf32>
    %add3A_704 = arith.addf %gather3A_688, %gather3A_691 : vector<16xf32>
    %add3A_705 = arith.addf %gather3A_694, %gather3A_697 : vector<16xf32>
    %add3A_706 = arith.addf %add3A_698, %add3A_699 : vector<16xf32>
    %add3A_707 = arith.addf %add3A_700, %add3A_701 : vector<16xf32>
    %add3A_708 = arith.addf %add3A_702, %add3A_703 : vector<16xf32>
    %add3A_709 = arith.addf %add3A_704, %add3A_705 : vector<16xf32>
    %add3A_710 = arith.addf %add3A_706, %add3A_707 : vector<16xf32>
    %add3A_711 = arith.addf %add3A_708, %add3A_709 : vector<16xf32>
    %add3A_712 = arith.addf %add3A_710, %add3A_711 : vector<16xf32>
    %get3A_713 = arith.constant 112 : index
    %get3A_714 = tpu.vector_load %arg12[%get3A_713] {strides = array<i32>} : memref<512xi32, #tpu.memory_space<vmem>>, vector<16xi32>,
    %gather3A_715 = tpu.vector_load_idx %arg17[%get3A_714] : memref<1024xf32, #tpu.memory_space<vmem>>[vector<16xi32>], vector<16xf32>,
    %add3A_716 = arith.addf %add3A_712, %get3A_90 : vector<16xf32>
    %mul3A_717 = arith.constant 1.000000e-01 : f32
    %mul3A_718 = vector.broadcast %mul3A_717 : f32 to vector<16xf32>
    %mul3A_719 = arith.mulf %gather3A_715, %mul3A_718 : vector<16xf32>
    %add3A_720 = arith.addf %add3A_716, %mul3A_719 : vector<16xf32>
    %swap3A_721 = arith.constant 112 : index
    %swap3A_722 = tpu.vector_load %arg20[%swap3A_721] {strides = array<i32>} : memref<512xf32, #tpu.memory_space<vmem>>, vector<16xf32>,
    tpu.vector_store %arg20[%swap3A_721], %add3A_720 {strides = array<i32>} : memref<512xf32, #tpu.memory_space<vmem>>, vector<16xf32>,
    %dma_start3A_723 = arith.constant 0 : i32
    %dma_start3A_724 = arith.constant 0 : i32
    %dma_start3A_725 = arith.constant 0 : i32
    %dma_start3A_726 = arith.constant 0 : i32
    %dma_start3A_727 = tpu.memref_slice %arg13[%dma_start3A_723, %dma_start3A_725, %dma_start3A_726] : memref<3x128x128xf32, #tpu.memory_space<vmem>> -> memref<1x128x128xf32, #tpu.memory_space<vmem>>
    %dma_start3A_728 = tpu.memref_squeeze %dma_start3A_727 : memref<1x128x128xf32, #tpu.memory_space<vmem>> -> memref<128x128xf32, #tpu.memory_space<vmem>>
    %dma_start3A_729 = arith.constant 384 : i32
    %dma_start3A_730 = tpu.memref_slice %arg10[%dma_start3A_729] : memref<512xi32, #tpu.memory_space<vmem>> -> memref<128xi32, #tpu.memory_space<vmem>>
    %dma_start3A_731 = arith.constant 0 : i32
    %dma_start3A_732 = arith.constant 0 : i32
    %dma_start3A_733 = tpu.memref_slice %arg5[%dma_start3A_731, %dma_start3A_732] : memref<1000000x128xf32, #tpu.memory_space<hbm>> -> memref<1000000x128xf32, #tpu.memory_space<hbm>>
    %dma_start3A_734 = tpu.memref_slice %arg21[%dma_start3A_724] : memref<3x!tpu.dma_semaphore, #tpu.memory_space<semaphore_mem>> -> memref<1x!tpu.dma_semaphore, #tpu.memory_space<semaphore_mem>>
    %dma_start3A_735 = tpu.memref_squeeze %dma_start3A_734 : memref<1x!tpu.dma_semaphore, #tpu.memory_space<semaphore_mem>> -> memref<!tpu.dma_semaphore, #tpu.memory_space<semaphore_mem>>
    tpu.enqueue_indirect_dma source(%dma_start3A_733 : memref<1000000x128xf32, #tpu.memory_space<hbm>>) target(%dma_start3A_728 : memref<128x128xf32, #tpu.memory_space<vmem>>) offsets(%dma_start3A_730 : memref<128xi32, #tpu.memory_space<vmem>>) semaphore(%dma_start3A_735 : memref<!tpu.dma_semaphore, #tpu.memory_space<semaphore_mem>>)
    %dma_start3A_736 = arith.constant 0 : i32
    %dma_start3A_737 = arith.constant 0 : i32
    %dma_start3A_738 = arith.constant 0 : i32
    %dma_start3A_739 = arith.constant 0 : i32
    %dma_start3A_740 = tpu.memref_slice %arg14[%dma_start3A_736, %dma_start3A_738, %dma_start3A_739] : memref<3x128x128xf32, #tpu.memory_space<vmem>> -> memref<1x128x128xf32, #tpu.memory_space<vmem>>
    %dma_start3A_741 = tpu.memref_squeeze %dma_start3A_740 : memref<1x128x128xf32, #tpu.memory_space<vmem>> -> memref<128x128xf32, #tpu.memory_space<vmem>>
    %dma_start3A_742 = arith.constant 384 : i32
    %dma_start3A_743 = tpu.memref_slice %arg11[%dma_start3A_742] : memref<512xi32, #tpu.memory_space<vmem>> -> memref<128xi32, #tpu.memory_space<vmem>>
    %dma_start3A_744 = arith.constant 0 : i32
    %dma_start3A_745 = arith.constant 0 : i32
    %dma_start3A_746 = tpu.memref_slice %arg6[%dma_start3A_744, %dma_start3A_745] : memref<100000x128xf32, #tpu.memory_space<hbm>> -> memref<100000x128xf32, #tpu.memory_space<hbm>>
    %dma_start3A_747 = tpu.memref_slice %arg21[%dma_start3A_737] : memref<3x!tpu.dma_semaphore, #tpu.memory_space<semaphore_mem>> -> memref<1x!tpu.dma_semaphore, #tpu.memory_space<semaphore_mem>>
    %dma_start3A_748 = tpu.memref_squeeze %dma_start3A_747 : memref<1x!tpu.dma_semaphore, #tpu.memory_space<semaphore_mem>> -> memref<!tpu.dma_semaphore, #tpu.memory_space<semaphore_mem>>
    tpu.enqueue_indirect_dma source(%dma_start3A_746 : memref<100000x128xf32, #tpu.memory_space<hbm>>) target(%dma_start3A_741 : memref<128x128xf32, #tpu.memory_space<vmem>>) offsets(%dma_start3A_743 : memref<128xi32, #tpu.memory_space<vmem>>) semaphore(%dma_start3A_748 : memref<!tpu.dma_semaphore, #tpu.memory_space<semaphore_mem>>)
    %dma_wait3A_749 = arith.constant 1 : i32
    %dma_wait3A_750 = arith.constant 1 : i32
    %dma_wait3A_751 = arith.constant 0 : i32
    %dma_wait3A_752 = arith.constant 0 : i32
    %dma_wait3A_753 = tpu.memref_slice %arg13[%dma_wait3A_749, %dma_wait3A_751, %dma_wait3A_752] : memref<3x128x128xf32, #tpu.memory_space<vmem>> -> memref<1x128x128xf32, #tpu.memory_space<vmem>>
    %dma_wait3A_754 = tpu.memref_squeeze %dma_wait3A_753 : memref<1x128x128xf32, #tpu.memory_space<vmem>> -> memref<128x128xf32, #tpu.memory_space<vmem>>
    %dma_wait3A_755 = arith.constant 128 : i32
    %dma_wait3A_756 = tpu.memref_slice %arg10[%dma_wait3A_755] : memref<512xi32, #tpu.memory_space<vmem>> -> memref<128xi32, #tpu.memory_space<vmem>>
    %dma_wait3A_757 = arith.constant 0 : i32
    %dma_wait3A_758 = arith.constant 0 : i32
    %dma_wait3A_759 = tpu.memref_slice %arg5[%dma_wait3A_757, %dma_wait3A_758] : memref<1000000x128xf32, #tpu.memory_space<hbm>> -> memref<1000000x128xf32, #tpu.memory_space<hbm>>
    %dma_wait3A_760 = tpu.memref_slice %arg21[%dma_wait3A_750] : memref<3x!tpu.dma_semaphore, #tpu.memory_space<semaphore_mem>> -> memref<1x!tpu.dma_semaphore, #tpu.memory_space<semaphore_mem>>
    %dma_wait3A_761 = tpu.memref_squeeze %dma_wait3A_760 : memref<1x!tpu.dma_semaphore, #tpu.memory_space<semaphore_mem>> -> memref<!tpu.dma_semaphore, #tpu.memory_space<semaphore_mem>>
    tpu.wait_indirect_dma semaphore(%dma_wait3A_761 : memref<!tpu.dma_semaphore, #tpu.memory_space<semaphore_mem>>) src(%dma_wait3A_759 : memref<1000000x128xf32, #tpu.memory_space<hbm>>) dst(%dma_wait3A_754 : memref<128x128xf32, #tpu.memory_space<vmem>>)
    %dma_wait3A_762 = arith.constant 1 : i32
    %dma_wait3A_763 = arith.constant 1 : i32
    %dma_wait3A_764 = arith.constant 0 : i32
    %dma_wait3A_765 = arith.constant 0 : i32
    %dma_wait3A_766 = tpu.memref_slice %arg14[%dma_wait3A_762, %dma_wait3A_764, %dma_wait3A_765] : memref<3x128x128xf32, #tpu.memory_space<vmem>> -> memref<1x128x128xf32, #tpu.memory_space<vmem>>
    %dma_wait3A_767 = tpu.memref_squeeze %dma_wait3A_766 : memref<1x128x128xf32, #tpu.memory_space<vmem>> -> memref<128x128xf32, #tpu.memory_space<vmem>>
    %dma_wait3A_768 = arith.constant 128 : i32
    %dma_wait3A_769 = tpu.memref_slice %arg11[%dma_wait3A_768] : memref<512xi32, #tpu.memory_space<vmem>> -> memref<128xi32, #tpu.memory_space<vmem>>
    %dma_wait3A_770 = arith.constant 0 : i32
    %dma_wait3A_771 = arith.constant 0 : i32
    %dma_wait3A_772 = tpu.memref_slice %arg6[%dma_wait3A_770, %dma_wait3A_771] : memref<100000x128xf32, #tpu.memory_space<hbm>> -> memref<100000x128xf32, #tpu.memory_space<hbm>>
    %dma_wait3A_773 = tpu.memref_slice %arg21[%dma_wait3A_763] : memref<3x!tpu.dma_semaphore, #tpu.memory_space<semaphore_mem>> -> memref<1x!tpu.dma_semaphore, #tpu.memory_space<semaphore_mem>>
    %dma_wait3A_774 = tpu.memref_squeeze %dma_wait3A_773 : memref<1x!tpu.dma_semaphore, #tpu.memory_space<semaphore_mem>> -> memref<!tpu.dma_semaphore, #tpu.memory_space<semaphore_mem>>
    tpu.wait_indirect_dma semaphore(%dma_wait3A_774 : memref<!tpu.dma_semaphore, #tpu.memory_space<semaphore_mem>>) src(%dma_wait3A_772 : memref<100000x128xf32, #tpu.memory_space<hbm>>) dst(%dma_wait3A_767 : memref<128x128xf32, #tpu.memory_space<vmem>>)
    %parallel_loop3A_775 = arith.constant 0 : i32
    %parallel_loop3A_776 = arith.constant 128 : i32
    %parallel_loop3A_777 = arith.constant 1 : i32
    scf.for %parallel_loop3A_2660 = %parallel_loop3A_775 to %parallel_loop3A_776 step %parallel_loop3A_777  : i32 {
      %parallel_loop3A_2661 = arith.constant 1 : i32
      %parallel_loop3A_2662 = arith.index_cast %parallel_loop3A_2661 : i32 to index
      %parallel_loop3A_2663 = arith.index_cast %parallel_loop3A_2660 : i32 to index
      %parallel_loop3A_2664 = arith.constant 0 : index
      %parallel_loop3A_2665 = tpu.vector_load %arg13[%parallel_loop3A_2662, %parallel_loop3A_2663, %parallel_loop3A_2664] {strides = array<i32>} : memref<3x128x128xf32, #tpu.memory_space<vmem>>, vector<16xf32>,
      %parallel_loop3A_2666 = arith.constant 1 : i32
      %parallel_loop3A_2667 = arith.index_cast %parallel_loop3A_2666 : i32 to index
      %parallel_loop3A_2668 = arith.index_cast %parallel_loop3A_2660 : i32 to index
      %parallel_loop3A_2669 = arith.constant 0 : index
      %parallel_loop3A_2670 = tpu.vector_load %arg14[%parallel_loop3A_2667, %parallel_loop3A_2668, %parallel_loop3A_2669] {strides = array<i32>} : memref<3x128x128xf32, #tpu.memory_space<vmem>>, vector<16xf32>,
      %parallel_loop3A_2671 = arith.mulf %parallel_loop3A_2665, %parallel_loop3A_2670 : vector<16xf32>
      %parallel_loop3A_2672 = arith.constant 1 : i32
      %parallel_loop3A_2673 = arith.index_cast %parallel_loop3A_2672 : i32 to index
      %parallel_loop3A_2674 = arith.index_cast %parallel_loop3A_2660 : i32 to index
      %parallel_loop3A_2675 = arith.constant 16 : index
      %parallel_loop3A_2676 = tpu.vector_load %arg13[%parallel_loop3A_2673, %parallel_loop3A_2674, %parallel_loop3A_2675] {strides = array<i32>} : memref<3x128x128xf32, #tpu.memory_space<vmem>>, vector<16xf32>,
      %parallel_loop3A_2677 = arith.constant 1 : i32
      %parallel_loop3A_2678 = arith.index_cast %parallel_loop3A_2677 : i32 to index
      %parallel_loop3A_2679 = arith.index_cast %parallel_loop3A_2660 : i32 to index
      %parallel_loop3A_2680 = arith.constant 16 : index
      %parallel_loop3A_2681 = tpu.vector_load %arg14[%parallel_loop3A_2678, %parallel_loop3A_2679, %parallel_loop3A_2680] {strides = array<i32>} : memref<3x128x128xf32, #tpu.memory_space<vmem>>, vector<16xf32>,
      %parallel_loop3A_2682 = arith.mulf %parallel_loop3A_2676, %parallel_loop3A_2681 : vector<16xf32>
      %parallel_loop3A_2683 = arith.constant 1 : i32
      %parallel_loop3A_2684 = arith.index_cast %parallel_loop3A_2683 : i32 to index
      %parallel_loop3A_2685 = arith.index_cast %parallel_loop3A_2660 : i32 to index
      %parallel_loop3A_2686 = arith.constant 32 : index
      %parallel_loop3A_2687 = tpu.vector_load %arg13[%parallel_loop3A_2684, %parallel_loop3A_2685, %parallel_loop3A_2686] {strides = array<i32>} : memref<3x128x128xf32, #tpu.memory_space<vmem>>, vector<16xf32>,
      %parallel_loop3A_2688 = arith.constant 1 : i32
      %parallel_loop3A_2689 = arith.index_cast %parallel_loop3A_2688 : i32 to index
      %parallel_loop3A_2690 = arith.index_cast %parallel_loop3A_2660 : i32 to index
      %parallel_loop3A_2691 = arith.constant 32 : index
      %parallel_loop3A_2692 = tpu.vector_load %arg14[%parallel_loop3A_2689, %parallel_loop3A_2690, %parallel_loop3A_2691] {strides = array<i32>} : memref<3x128x128xf32, #tpu.memory_space<vmem>>, vector<16xf32>,
      %parallel_loop3A_2693 = arith.mulf %parallel_loop3A_2687, %parallel_loop3A_2692 : vector<16xf32>
      %parallel_loop3A_2694 = arith.constant 1 : i32
      %parallel_loop3A_2695 = arith.index_cast %parallel_loop3A_2694 : i32 to index
      %parallel_loop3A_2696 = arith.index_cast %parallel_loop3A_2660 : i32 to index
      %parallel_loop3A_2697 = arith.constant 48 : index
      %parallel_loop3A_2698 = tpu.vector_load %arg13[%parallel_loop3A_2695, %parallel_loop3A_2696, %parallel_loop3A_2697] {strides = array<i32>} : memref<3x128x128xf32, #tpu.memory_space<vmem>>, vector<16xf32>,
      %parallel_loop3A_2699 = arith.constant 1 : i32
      %parallel_loop3A_2700 = arith.index_cast %parallel_loop3A_2699 : i32 to index
      %parallel_loop3A_2701 = arith.index_cast %parallel_loop3A_2660 : i32 to index
      %parallel_loop3A_2702 = arith.constant 48 : index
      %parallel_loop3A_2703 = tpu.vector_load %arg14[%parallel_loop3A_2700, %parallel_loop3A_2701, %parallel_loop3A_2702] {strides = array<i32>} : memref<3x128x128xf32, #tpu.memory_space<vmem>>, vector<16xf32>,
      %parallel_loop3A_2704 = arith.mulf %parallel_loop3A_2698, %parallel_loop3A_2703 : vector<16xf32>
      %parallel_loop3A_2705 = arith.constant 1 : i32
      %parallel_loop3A_2706 = arith.index_cast %parallel_loop3A_2705 : i32 to index
      %parallel_loop3A_2707 = arith.index_cast %parallel_loop3A_2660 : i32 to index
      %parallel_loop3A_2708 = arith.constant 64 : index
      %parallel_loop3A_2709 = tpu.vector_load %arg13[%parallel_loop3A_2706, %parallel_loop3A_2707, %parallel_loop3A_2708] {strides = array<i32>} : memref<3x128x128xf32, #tpu.memory_space<vmem>>, vector<16xf32>,
      %parallel_loop3A_2710 = arith.constant 1 : i32
      %parallel_loop3A_2711 = arith.index_cast %parallel_loop3A_2710 : i32 to index
      %parallel_loop3A_2712 = arith.index_cast %parallel_loop3A_2660 : i32 to index
      %parallel_loop3A_2713 = arith.constant 64 : index
      %parallel_loop3A_2714 = tpu.vector_load %arg14[%parallel_loop3A_2711, %parallel_loop3A_2712, %parallel_loop3A_2713] {strides = array<i32>} : memref<3x128x128xf32, #tpu.memory_space<vmem>>, vector<16xf32>,
      %parallel_loop3A_2715 = arith.mulf %parallel_loop3A_2709, %parallel_loop3A_2714 : vector<16xf32>
      %parallel_loop3A_2716 = arith.constant 1 : i32
      %parallel_loop3A_2717 = arith.index_cast %parallel_loop3A_2716 : i32 to index
      %parallel_loop3A_2718 = arith.index_cast %parallel_loop3A_2660 : i32 to index
      %parallel_loop3A_2719 = arith.constant 80 : index
      %parallel_loop3A_2720 = tpu.vector_load %arg13[%parallel_loop3A_2717, %parallel_loop3A_2718, %parallel_loop3A_2719] {strides = array<i32>} : memref<3x128x128xf32, #tpu.memory_space<vmem>>, vector<16xf32>,
      %parallel_loop3A_2721 = arith.constant 1 : i32
      %parallel_loop3A_2722 = arith.index_cast %parallel_loop3A_2721 : i32 to index
      %parallel_loop3A_2723 = arith.index_cast %parallel_loop3A_2660 : i32 to index
      %parallel_loop3A_2724 = arith.constant 80 : index
      %parallel_loop3A_2725 = tpu.vector_load %arg14[%parallel_loop3A_2722, %parallel_loop3A_2723, %parallel_loop3A_2724] {strides = array<i32>} : memref<3x128x128xf32, #tpu.memory_space<vmem>>, vector<16xf32>,
      %parallel_loop3A_2726 = arith.mulf %parallel_loop3A_2720, %parallel_loop3A_2725 : vector<16xf32>
      %parallel_loop3A_2727 = arith.constant 1 : i32
      %parallel_loop3A_2728 = arith.index_cast %parallel_loop3A_2727 : i32 to index
      %parallel_loop3A_2729 = arith.index_cast %parallel_loop3A_2660 : i32 to index
      %parallel_loop3A_2730 = arith.constant 96 : index
      %parallel_loop3A_2731 = tpu.vector_load %arg13[%parallel_loop3A_2728, %parallel_loop3A_2729, %parallel_loop3A_2730] {strides = array<i32>} : memref<3x128x128xf32, #tpu.memory_space<vmem>>, vector<16xf32>,
      %parallel_loop3A_2732 = arith.constant 1 : i32
      %parallel_loop3A_2733 = arith.index_cast %parallel_loop3A_2732 : i32 to index
      %parallel_loop3A_2734 = arith.index_cast %parallel_loop3A_2660 : i32 to index
      %parallel_loop3A_2735 = arith.constant 96 : index
      %parallel_loop3A_2736 = tpu.vector_load %arg14[%parallel_loop3A_2733, %parallel_loop3A_2734, %parallel_loop3A_2735] {strides = array<i32>} : memref<3x128x128xf32, #tpu.memory_space<vmem>>, vector<16xf32>,
      %parallel_loop3A_2737 = arith.mulf %parallel_loop3A_2731, %parallel_loop3A_2736 : vector<16xf32>
      %parallel_loop3A_2738 = arith.constant 1 : i32
      %parallel_loop3A_2739 = arith.index_cast %parallel_loop3A_2738 : i32 to index
      %parallel_loop3A_2740 = arith.index_cast %parallel_loop3A_2660 : i32 to index
      %parallel_loop3A_2741 = arith.constant 112 : index
      %parallel_loop3A_2742 = tpu.vector_load %arg13[%parallel_loop3A_2739, %parallel_loop3A_2740, %parallel_loop3A_2741] {strides = array<i32>} : memref<3x128x128xf32, #tpu.memory_space<vmem>>, vector<16xf32>,
      %parallel_loop3A_2743 = arith.constant 1 : i32
      %parallel_loop3A_2744 = arith.index_cast %parallel_loop3A_2743 : i32 to index
      %parallel_loop3A_2745 = arith.index_cast %parallel_loop3A_2660 : i32 to index
      %parallel_loop3A_2746 = arith.constant 112 : index
      %parallel_loop3A_2747 = tpu.vector_load %arg14[%parallel_loop3A_2744, %parallel_loop3A_2745, %parallel_loop3A_2746] {strides = array<i32>} : memref<3x128x128xf32, #tpu.memory_space<vmem>>, vector<16xf32>,
      %parallel_loop3A_2748 = arith.mulf %parallel_loop3A_2742, %parallel_loop3A_2747 : vector<16xf32>
      %parallel_loop3A_2749 = arith.addf %parallel_loop3A_2671, %parallel_loop3A_2682 : vector<16xf32>
      %parallel_loop3A_2750 = arith.addf %parallel_loop3A_2693, %parallel_loop3A_2704 : vector<16xf32>
      %parallel_loop3A_2751 = arith.addf %parallel_loop3A_2715, %parallel_loop3A_2726 : vector<16xf32>
      %parallel_loop3A_2752 = arith.addf %parallel_loop3A_2737, %parallel_loop3A_2748 : vector<16xf32>
      %parallel_loop3A_2753 = arith.addf %parallel_loop3A_2749, %parallel_loop3A_2750 : vector<16xf32>
      %parallel_loop3A_2754 = arith.addf %parallel_loop3A_2751, %parallel_loop3A_2752 : vector<16xf32>
      %parallel_loop3A_2755 = arith.addf %parallel_loop3A_2753, %parallel_loop3A_2754 : vector<16xf32>
      %parallel_loop3A_2756 = arith.index_cast %parallel_loop3A_2660 : i32 to index
      %parallel_loop3A_2757 = arith.constant 0 : index
      %parallel_loop3A_2758 = tpu.vector_load %arg15[%parallel_loop3A_2756, %parallel_loop3A_2757] {strides = array<i32>} : memref<128x16xf32, #tpu.memory_space<vmem>>, vector<16xf32>,
      tpu.vector_store %arg15[%parallel_loop3A_2756, %parallel_loop3A_2757], %parallel_loop3A_2755 {strides = array<i32>} : memref<128x16xf32, #tpu.memory_space<vmem>>, vector<16xf32>,
    } {sc.loop_unroll_factor = 2 : i64, sc.parallel_access}
    %add3A_778 = arith.constant 0 : i32
    %add3A_779 = vector.broadcast %add3A_778 : i32 to vector<16xi32>
    %add3A_780 = arith.addi %iota3A, %add3A_779 : vector<16xi32>
    %broadcast_in_dim3A_781 = arith.constant 0 : i32
    %broadcast_in_dim3A_782 = vector.broadcast %broadcast_in_dim3A_781 : i32 to vector<16xi32>
    %gather3A_783 = tpu.vector_load_idx %arg15[%add3A_780, %broadcast_in_dim3A_782] : memref<128x16xf32, #tpu.memory_space<vmem>>[vector<16xi32>, vector<16xi32>], vector<16xf32>,
    %broadcast_in_dim3A_784 = arith.constant 1 : i32
    %broadcast_in_dim3A_785 = vector.broadcast %broadcast_in_dim3A_784 : i32 to vector<16xi32>
    %gather3A_786 = tpu.vector_load_idx %arg15[%add3A_780, %broadcast_in_dim3A_785] : memref<128x16xf32, #tpu.memory_space<vmem>>[vector<16xi32>, vector<16xi32>], vector<16xf32>,
    %broadcast_in_dim3A_787 = arith.constant 2 : i32
    %broadcast_in_dim3A_788 = vector.broadcast %broadcast_in_dim3A_787 : i32 to vector<16xi32>
    %gather3A_789 = tpu.vector_load_idx %arg15[%add3A_780, %broadcast_in_dim3A_788] : memref<128x16xf32, #tpu.memory_space<vmem>>[vector<16xi32>, vector<16xi32>], vector<16xf32>,
    %broadcast_in_dim3A_790 = arith.constant 3 : i32
    %broadcast_in_dim3A_791 = vector.broadcast %broadcast_in_dim3A_790 : i32 to vector<16xi32>
    %gather3A_792 = tpu.vector_load_idx %arg15[%add3A_780, %broadcast_in_dim3A_791] : memref<128x16xf32, #tpu.memory_space<vmem>>[vector<16xi32>, vector<16xi32>], vector<16xf32>,
    %broadcast_in_dim3A_793 = arith.constant 4 : i32
    %broadcast_in_dim3A_794 = vector.broadcast %broadcast_in_dim3A_793 : i32 to vector<16xi32>
    %gather3A_795 = tpu.vector_load_idx %arg15[%add3A_780, %broadcast_in_dim3A_794] : memref<128x16xf32, #tpu.memory_space<vmem>>[vector<16xi32>, vector<16xi32>], vector<16xf32>,
    %broadcast_in_dim3A_796 = arith.constant 5 : i32
    %broadcast_in_dim3A_797 = vector.broadcast %broadcast_in_dim3A_796 : i32 to vector<16xi32>
    %gather3A_798 = tpu.vector_load_idx %arg15[%add3A_780, %broadcast_in_dim3A_797] : memref<128x16xf32, #tpu.memory_space<vmem>>[vector<16xi32>, vector<16xi32>], vector<16xf32>,
    %broadcast_in_dim3A_799 = arith.constant 6 : i32
    %broadcast_in_dim3A_800 = vector.broadcast %broadcast_in_dim3A_799 : i32 to vector<16xi32>
    %gather3A_801 = tpu.vector_load_idx %arg15[%add3A_780, %broadcast_in_dim3A_800] : memref<128x16xf32, #tpu.memory_space<vmem>>[vector<16xi32>, vector<16xi32>], vector<16xf32>,
    %broadcast_in_dim3A_802 = arith.constant 7 : i32
    %broadcast_in_dim3A_803 = vector.broadcast %broadcast_in_dim3A_802 : i32 to vector<16xi32>
    %gather3A_804 = tpu.vector_load_idx %arg15[%add3A_780, %broadcast_in_dim3A_803] : memref<128x16xf32, #tpu.memory_space<vmem>>[vector<16xi32>, vector<16xi32>], vector<16xf32>,
    %broadcast_in_dim3A_805 = arith.constant 8 : i32
    %broadcast_in_dim3A_806 = vector.broadcast %broadcast_in_dim3A_805 : i32 to vector<16xi32>
    %gather3A_807 = tpu.vector_load_idx %arg15[%add3A_780, %broadcast_in_dim3A_806] : memref<128x16xf32, #tpu.memory_space<vmem>>[vector<16xi32>, vector<16xi32>], vector<16xf32>,
    %broadcast_in_dim3A_808 = arith.constant 9 : i32
    %broadcast_in_dim3A_809 = vector.broadcast %broadcast_in_dim3A_808 : i32 to vector<16xi32>
    %gather3A_810 = tpu.vector_load_idx %arg15[%add3A_780, %broadcast_in_dim3A_809] : memref<128x16xf32, #tpu.memory_space<vmem>>[vector<16xi32>, vector<16xi32>], vector<16xf32>,
    %broadcast_in_dim3A_811 = arith.constant 10 : i32
    %broadcast_in_dim3A_812 = vector.broadcast %broadcast_in_dim3A_811 : i32 to vector<16xi32>
    %gather3A_813 = tpu.vector_load_idx %arg15[%add3A_780, %broadcast_in_dim3A_812] : memref<128x16xf32, #tpu.memory_space<vmem>>[vector<16xi32>, vector<16xi32>], vector<16xf32>,
    %broadcast_in_dim3A_814 = arith.constant 11 : i32
    %broadcast_in_dim3A_815 = vector.broadcast %broadcast_in_dim3A_814 : i32 to vector<16xi32>
    %gather3A_816 = tpu.vector_load_idx %arg15[%add3A_780, %broadcast_in_dim3A_815] : memref<128x16xf32, #tpu.memory_space<vmem>>[vector<16xi32>, vector<16xi32>], vector<16xf32>,
    %broadcast_in_dim3A_817 = arith.constant 12 : i32
    %broadcast_in_dim3A_818 = vector.broadcast %broadcast_in_dim3A_817 : i32 to vector<16xi32>
    %gather3A_819 = tpu.vector_load_idx %arg15[%add3A_780, %broadcast_in_dim3A_818] : memref<128x16xf32, #tpu.memory_space<vmem>>[vector<16xi32>, vector<16xi32>], vector<16xf32>,
    %broadcast_in_dim3A_820 = arith.constant 13 : i32
    %broadcast_in_dim3A_821 = vector.broadcast %broadcast_in_dim3A_820 : i32 to vector<16xi32>
    %gather3A_822 = tpu.vector_load_idx %arg15[%add3A_780, %broadcast_in_dim3A_821] : memref<128x16xf32, #tpu.memory_space<vmem>>[vector<16xi32>, vector<16xi32>], vector<16xf32>,
    %broadcast_in_dim3A_823 = arith.constant 14 : i32
    %broadcast_in_dim3A_824 = vector.broadcast %broadcast_in_dim3A_823 : i32 to vector<16xi32>
    %gather3A_825 = tpu.vector_load_idx %arg15[%add3A_780, %broadcast_in_dim3A_824] : memref<128x16xf32, #tpu.memory_space<vmem>>[vector<16xi32>, vector<16xi32>], vector<16xf32>,
    %broadcast_in_dim3A_826 = arith.constant 15 : i32
    %broadcast_in_dim3A_827 = vector.broadcast %broadcast_in_dim3A_826 : i32 to vector<16xi32>
    %gather3A_828 = tpu.vector_load_idx %arg15[%add3A_780, %broadcast_in_dim3A_827] : memref<128x16xf32, #tpu.memory_space<vmem>>[vector<16xi32>, vector<16xi32>], vector<16xf32>,
    %add3A_829 = arith.addf %gather3A_783, %gather3A_786 : vector<16xf32>
    %add3A_830 = arith.addf %gather3A_789, %gather3A_792 : vector<16xf32>
    %add3A_831 = arith.addf %gather3A_795, %gather3A_798 : vector<16xf32>
    %add3A_832 = arith.addf %gather3A_801, %gather3A_804 : vector<16xf32>
    %add3A_833 = arith.addf %gather3A_807, %gather3A_810 : vector<16xf32>
    %add3A_834 = arith.addf %gather3A_813, %gather3A_816 : vector<16xf32>
    %add3A_835 = arith.addf %gather3A_819, %gather3A_822 : vector<16xf32>
    %add3A_836 = arith.addf %gather3A_825, %gather3A_828 : vector<16xf32>
    %add3A_837 = arith.addf %add3A_829, %add3A_830 : vector<16xf32>
    %add3A_838 = arith.addf %add3A_831, %add3A_832 : vector<16xf32>
    %add3A_839 = arith.addf %add3A_833, %add3A_834 : vector<16xf32>
    %add3A_840 = arith.addf %add3A_835, %add3A_836 : vector<16xf32>
    %add3A_841 = arith.addf %add3A_837, %add3A_838 : vector<16xf32>
    %add3A_842 = arith.addf %add3A_839, %add3A_840 : vector<16xf32>
    %add3A_843 = arith.addf %add3A_841, %add3A_842 : vector<16xf32>
    %get3A_844 = arith.constant 128 : index
    %get3A_845 = tpu.vector_load %arg12[%get3A_844] {strides = array<i32>} : memref<512xi32, #tpu.memory_space<vmem>>, vector<16xi32>,
    %gather3A_846 = tpu.vector_load_idx %arg17[%get3A_845] : memref<1024xf32, #tpu.memory_space<vmem>>[vector<16xi32>], vector<16xf32>,
    %add3A_847 = arith.addf %add3A_843, %get3A_90 : vector<16xf32>
    %mul3A_848 = arith.constant 1.000000e-01 : f32
    %mul3A_849 = vector.broadcast %mul3A_848 : f32 to vector<16xf32>
    %mul3A_850 = arith.mulf %gather3A_846, %mul3A_849 : vector<16xf32>
    %add3A_851 = arith.addf %add3A_847, %mul3A_850 : vector<16xf32>
    %swap3A_852 = arith.constant 128 : index
    %swap3A_853 = tpu.vector_load %arg20[%swap3A_852] {strides = array<i32>} : memref<512xf32, #tpu.memory_space<vmem>>, vector<16xf32>,
    tpu.vector_store %arg20[%swap3A_852], %add3A_851 {strides = array<i32>} : memref<512xf32, #tpu.memory_space<vmem>>, vector<16xf32>,
    %add3A_854 = arith.constant 16 : i32
    %add3A_855 = vector.broadcast %add3A_854 : i32 to vector<16xi32>
    %add3A_856 = arith.addi %iota3A, %add3A_855 : vector<16xi32>
    %broadcast_in_dim3A_857 = arith.constant 0 : i32
    %broadcast_in_dim3A_858 = vector.broadcast %broadcast_in_dim3A_857 : i32 to vector<16xi32>
    %gather3A_859 = tpu.vector_load_idx %arg15[%add3A_856, %broadcast_in_dim3A_858] : memref<128x16xf32, #tpu.memory_space<vmem>>[vector<16xi32>, vector<16xi32>], vector<16xf32>,
    %broadcast_in_dim3A_860 = arith.constant 1 : i32
    %broadcast_in_dim3A_861 = vector.broadcast %broadcast_in_dim3A_860 : i32 to vector<16xi32>
    %gather3A_862 = tpu.vector_load_idx %arg15[%add3A_856, %broadcast_in_dim3A_861] : memref<128x16xf32, #tpu.memory_space<vmem>>[vector<16xi32>, vector<16xi32>], vector<16xf32>,
    %broadcast_in_dim3A_863 = arith.constant 2 : i32
    %broadcast_in_dim3A_864 = vector.broadcast %broadcast_in_dim3A_863 : i32 to vector<16xi32>
    %gather3A_865 = tpu.vector_load_idx %arg15[%add3A_856, %broadcast_in_dim3A_864] : memref<128x16xf32, #tpu.memory_space<vmem>>[vector<16xi32>, vector<16xi32>], vector<16xf32>,
    %broadcast_in_dim3A_866 = arith.constant 3 : i32
    %broadcast_in_dim3A_867 = vector.broadcast %broadcast_in_dim3A_866 : i32 to vector<16xi32>
    %gather3A_868 = tpu.vector_load_idx %arg15[%add3A_856, %broadcast_in_dim3A_867] : memref<128x16xf32, #tpu.memory_space<vmem>>[vector<16xi32>, vector<16xi32>], vector<16xf32>,
    %broadcast_in_dim3A_869 = arith.constant 4 : i32
    %broadcast_in_dim3A_870 = vector.broadcast %broadcast_in_dim3A_869 : i32 to vector<16xi32>
    %gather3A_871 = tpu.vector_load_idx %arg15[%add3A_856, %broadcast_in_dim3A_870] : memref<128x16xf32, #tpu.memory_space<vmem>>[vector<16xi32>, vector<16xi32>], vector<16xf32>,
    %broadcast_in_dim3A_872 = arith.constant 5 : i32
    %broadcast_in_dim3A_873 = vector.broadcast %broadcast_in_dim3A_872 : i32 to vector<16xi32>
    %gather3A_874 = tpu.vector_load_idx %arg15[%add3A_856, %broadcast_in_dim3A_873] : memref<128x16xf32, #tpu.memory_space<vmem>>[vector<16xi32>, vector<16xi32>], vector<16xf32>,
    %broadcast_in_dim3A_875 = arith.constant 6 : i32
    %broadcast_in_dim3A_876 = vector.broadcast %broadcast_in_dim3A_875 : i32 to vector<16xi32>
    %gather3A_877 = tpu.vector_load_idx %arg15[%add3A_856, %broadcast_in_dim3A_876] : memref<128x16xf32, #tpu.memory_space<vmem>>[vector<16xi32>, vector<16xi32>], vector<16xf32>,
    %broadcast_in_dim3A_878 = arith.constant 7 : i32
    %broadcast_in_dim3A_879 = vector.broadcast %broadcast_in_dim3A_878 : i32 to vector<16xi32>
    %gather3A_880 = tpu.vector_load_idx %arg15[%add3A_856, %broadcast_in_dim3A_879] : memref<128x16xf32, #tpu.memory_space<vmem>>[vector<16xi32>, vector<16xi32>], vector<16xf32>,
    %broadcast_in_dim3A_881 = arith.constant 8 : i32
    %broadcast_in_dim3A_882 = vector.broadcast %broadcast_in_dim3A_881 : i32 to vector<16xi32>
    %gather3A_883 = tpu.vector_load_idx %arg15[%add3A_856, %broadcast_in_dim3A_882] : memref<128x16xf32, #tpu.memory_space<vmem>>[vector<16xi32>, vector<16xi32>], vector<16xf32>,
    %broadcast_in_dim3A_884 = arith.constant 9 : i32
    %broadcast_in_dim3A_885 = vector.broadcast %broadcast_in_dim3A_884 : i32 to vector<16xi32>
    %gather3A_886 = tpu.vector_load_idx %arg15[%add3A_856, %broadcast_in_dim3A_885] : memref<128x16xf32, #tpu.memory_space<vmem>>[vector<16xi32>, vector<16xi32>], vector<16xf32>,
    %broadcast_in_dim3A_887 = arith.constant 10 : i32
    %broadcast_in_dim3A_888 = vector.broadcast %broadcast_in_dim3A_887 : i32 to vector<16xi32>
    %gather3A_889 = tpu.vector_load_idx %arg15[%add3A_856, %broadcast_in_dim3A_888] : memref<128x16xf32, #tpu.memory_space<vmem>>[vector<16xi32>, vector<16xi32>], vector<16xf32>,
    %broadcast_in_dim3A_890 = arith.constant 11 : i32
    %broadcast_in_dim3A_891 = vector.broadcast %broadcast_in_dim3A_890 : i32 to vector<16xi32>
    %gather3A_892 = tpu.vector_load_idx %arg15[%add3A_856, %broadcast_in_dim3A_891] : memref<128x16xf32, #tpu.memory_space<vmem>>[vector<16xi32>, vector<16xi32>], vector<16xf32>,
    %broadcast_in_dim3A_893 = arith.constant 12 : i32
    %broadcast_in_dim3A_894 = vector.broadcast %broadcast_in_dim3A_893 : i32 to vector<16xi32>
    %gather3A_895 = tpu.vector_load_idx %arg15[%add3A_856, %broadcast_in_dim3A_894] : memref<128x16xf32, #tpu.memory_space<vmem>>[vector<16xi32>, vector<16xi32>], vector<16xf32>,
    %broadcast_in_dim3A_896 = arith.constant 13 : i32
    %broadcast_in_dim3A_897 = vector.broadcast %broadcast_in_dim3A_896 : i32 to vector<16xi32>
    %gather3A_898 = tpu.vector_load_idx %arg15[%add3A_856, %broadcast_in_dim3A_897] : memref<128x16xf32, #tpu.memory_space<vmem>>[vector<16xi32>, vector<16xi32>], vector<16xf32>,
    %broadcast_in_dim3A_899 = arith.constant 14 : i32
    %broadcast_in_dim3A_900 = vector.broadcast %broadcast_in_dim3A_899 : i32 to vector<16xi32>
    %gather3A_901 = tpu.vector_load_idx %arg15[%add3A_856, %broadcast_in_dim3A_900] : memref<128x16xf32, #tpu.memory_space<vmem>>[vector<16xi32>, vector<16xi32>], vector<16xf32>,
    %broadcast_in_dim3A_902 = arith.constant 15 : i32
    %broadcast_in_dim3A_903 = vector.broadcast %broadcast_in_dim3A_902 : i32 to vector<16xi32>
    %gather3A_904 = tpu.vector_load_idx %arg15[%add3A_856, %broadcast_in_dim3A_903] : memref<128x16xf32, #tpu.memory_space<vmem>>[vector<16xi32>, vector<16xi32>], vector<16xf32>,
    %add3A_905 = arith.addf %gather3A_859, %gather3A_862 : vector<16xf32>
    %add3A_906 = arith.addf %gather3A_865, %gather3A_868 : vector<16xf32>
    %add3A_907 = arith.addf %gather3A_871, %gather3A_874 : vector<16xf32>
    %add3A_908 = arith.addf %gather3A_877, %gather3A_880 : vector<16xf32>
    %add3A_909 = arith.addf %gather3A_883, %gather3A_886 : vector<16xf32>
    %add3A_910 = arith.addf %gather3A_889, %gather3A_892 : vector<16xf32>
    %add3A_911 = arith.addf %gather3A_895, %gather3A_898 : vector<16xf32>
    %add3A_912 = arith.addf %gather3A_901, %gather3A_904 : vector<16xf32>
    %add3A_913 = arith.addf %add3A_905, %add3A_906 : vector<16xf32>
    %add3A_914 = arith.addf %add3A_907, %add3A_908 : vector<16xf32>
    %add3A_915 = arith.addf %add3A_909, %add3A_910 : vector<16xf32>
    %add3A_916 = arith.addf %add3A_911, %add3A_912 : vector<16xf32>
    %add3A_917 = arith.addf %add3A_913, %add3A_914 : vector<16xf32>
    %add3A_918 = arith.addf %add3A_915, %add3A_916 : vector<16xf32>
    %add3A_919 = arith.addf %add3A_917, %add3A_918 : vector<16xf32>
    %get3A_920 = arith.constant 144 : index
    %get3A_921 = tpu.vector_load %arg12[%get3A_920] {strides = array<i32>} : memref<512xi32, #tpu.memory_space<vmem>>, vector<16xi32>,
    %gather3A_922 = tpu.vector_load_idx %arg17[%get3A_921] : memref<1024xf32, #tpu.memory_space<vmem>>[vector<16xi32>], vector<16xf32>,
    %add3A_923 = arith.addf %add3A_919, %get3A_90 : vector<16xf32>
    %mul3A_924 = arith.constant 1.000000e-01 : f32
    %mul3A_925 = vector.broadcast %mul3A_924 : f32 to vector<16xf32>
    %mul3A_926 = arith.mulf %gather3A_922, %mul3A_925 : vector<16xf32>
    %add3A_927 = arith.addf %add3A_923, %mul3A_926 : vector<16xf32>
    %swap3A_928 = arith.constant 144 : index
    %swap3A_929 = tpu.vector_load %arg20[%swap3A_928] {strides = array<i32>} : memref<512xf32, #tpu.memory_space<vmem>>, vector<16xf32>,
    tpu.vector_store %arg20[%swap3A_928], %add3A_927 {strides = array<i32>} : memref<512xf32, #tpu.memory_space<vmem>>, vector<16xf32>,
    %add3A_930 = arith.constant 32 : i32
    %add3A_931 = vector.broadcast %add3A_930 : i32 to vector<16xi32>
    %add3A_932 = arith.addi %iota3A, %add3A_931 : vector<16xi32>
    %broadcast_in_dim3A_933 = arith.constant 0 : i32
    %broadcast_in_dim3A_934 = vector.broadcast %broadcast_in_dim3A_933 : i32 to vector<16xi32>
    %gather3A_935 = tpu.vector_load_idx %arg15[%add3A_932, %broadcast_in_dim3A_934] : memref<128x16xf32, #tpu.memory_space<vmem>>[vector<16xi32>, vector<16xi32>], vector<16xf32>,
    %broadcast_in_dim3A_936 = arith.constant 1 : i32
    %broadcast_in_dim3A_937 = vector.broadcast %broadcast_in_dim3A_936 : i32 to vector<16xi32>
    %gather3A_938 = tpu.vector_load_idx %arg15[%add3A_932, %broadcast_in_dim3A_937] : memref<128x16xf32, #tpu.memory_space<vmem>>[vector<16xi32>, vector<16xi32>], vector<16xf32>,
    %broadcast_in_dim3A_939 = arith.constant 2 : i32
    %broadcast_in_dim3A_940 = vector.broadcast %broadcast_in_dim3A_939 : i32 to vector<16xi32>
    %gather3A_941 = tpu.vector_load_idx %arg15[%add3A_932, %broadcast_in_dim3A_940] : memref<128x16xf32, #tpu.memory_space<vmem>>[vector<16xi32>, vector<16xi32>], vector<16xf32>,
    %broadcast_in_dim3A_942 = arith.constant 3 : i32
    %broadcast_in_dim3A_943 = vector.broadcast %broadcast_in_dim3A_942 : i32 to vector<16xi32>
    %gather3A_944 = tpu.vector_load_idx %arg15[%add3A_932, %broadcast_in_dim3A_943] : memref<128x16xf32, #tpu.memory_space<vmem>>[vector<16xi32>, vector<16xi32>], vector<16xf32>,
    %broadcast_in_dim3A_945 = arith.constant 4 : i32
    %broadcast_in_dim3A_946 = vector.broadcast %broadcast_in_dim3A_945 : i32 to vector<16xi32>
    %gather3A_947 = tpu.vector_load_idx %arg15[%add3A_932, %broadcast_in_dim3A_946] : memref<128x16xf32, #tpu.memory_space<vmem>>[vector<16xi32>, vector<16xi32>], vector<16xf32>,
    %broadcast_in_dim3A_948 = arith.constant 5 : i32
    %broadcast_in_dim3A_949 = vector.broadcast %broadcast_in_dim3A_948 : i32 to vector<16xi32>
    %gather3A_950 = tpu.vector_load_idx %arg15[%add3A_932, %broadcast_in_dim3A_949] : memref<128x16xf32, #tpu.memory_space<vmem>>[vector<16xi32>, vector<16xi32>], vector<16xf32>,
    %broadcast_in_dim3A_951 = arith.constant 6 : i32
    %broadcast_in_dim3A_952 = vector.broadcast %broadcast_in_dim3A_951 : i32 to vector<16xi32>
    %gather3A_953 = tpu.vector_load_idx %arg15[%add3A_932, %broadcast_in_dim3A_952] : memref<128x16xf32, #tpu.memory_space<vmem>>[vector<16xi32>, vector<16xi32>], vector<16xf32>,
    %broadcast_in_dim3A_954 = arith.constant 7 : i32
    %broadcast_in_dim3A_955 = vector.broadcast %broadcast_in_dim3A_954 : i32 to vector<16xi32>
    %gather3A_956 = tpu.vector_load_idx %arg15[%add3A_932, %broadcast_in_dim3A_955] : memref<128x16xf32, #tpu.memory_space<vmem>>[vector<16xi32>, vector<16xi32>], vector<16xf32>,
    %broadcast_in_dim3A_957 = arith.constant 8 : i32
    %broadcast_in_dim3A_958 = vector.broadcast %broadcast_in_dim3A_957 : i32 to vector<16xi32>
    %gather3A_959 = tpu.vector_load_idx %arg15[%add3A_932, %broadcast_in_dim3A_958] : memref<128x16xf32, #tpu.memory_space<vmem>>[vector<16xi32>, vector<16xi32>], vector<16xf32>,
    %broadcast_in_dim3A_960 = arith.constant 9 : i32
    %broadcast_in_dim3A_961 = vector.broadcast %broadcast_in_dim3A_960 : i32 to vector<16xi32>
    %gather3A_962 = tpu.vector_load_idx %arg15[%add3A_932, %broadcast_in_dim3A_961] : memref<128x16xf32, #tpu.memory_space<vmem>>[vector<16xi32>, vector<16xi32>], vector<16xf32>,
    %broadcast_in_dim3A_963 = arith.constant 10 : i32
    %broadcast_in_dim3A_964 = vector.broadcast %broadcast_in_dim3A_963 : i32 to vector<16xi32>
    %gather3A_965 = tpu.vector_load_idx %arg15[%add3A_932, %broadcast_in_dim3A_964] : memref<128x16xf32, #tpu.memory_space<vmem>>[vector<16xi32>, vector<16xi32>], vector<16xf32>,
    %broadcast_in_dim3A_966 = arith.constant 11 : i32
    %broadcast_in_dim3A_967 = vector.broadcast %broadcast_in_dim3A_966 : i32 to vector<16xi32>
    %gather3A_968 = tpu.vector_load_idx %arg15[%add3A_932, %broadcast_in_dim3A_967] : memref<128x16xf32, #tpu.memory_space<vmem>>[vector<16xi32>, vector<16xi32>], vector<16xf32>,
    %broadcast_in_dim3A_969 = arith.constant 12 : i32
    %broadcast_in_dim3A_970 = vector.broadcast %broadcast_in_dim3A_969 : i32 to vector<16xi32>
    %gather3A_971 = tpu.vector_load_idx %arg15[%add3A_932, %broadcast_in_dim3A_970] : memref<128x16xf32, #tpu.memory_space<vmem>>[vector<16xi32>, vector<16xi32>], vector<16xf32>,
    %broadcast_in_dim3A_972 = arith.constant 13 : i32
    %broadcast_in_dim3A_973 = vector.broadcast %broadcast_in_dim3A_972 : i32 to vector<16xi32>
    %gather3A_974 = tpu.vector_load_idx %arg15[%add3A_932, %broadcast_in_dim3A_973] : memref<128x16xf32, #tpu.memory_space<vmem>>[vector<16xi32>, vector<16xi32>], vector<16xf32>,
    %broadcast_in_dim3A_975 = arith.constant 14 : i32
    %broadcast_in_dim3A_976 = vector.broadcast %broadcast_in_dim3A_975 : i32 to vector<16xi32>
    %gather3A_977 = tpu.vector_load_idx %arg15[%add3A_932, %broadcast_in_dim3A_976] : memref<128x16xf32, #tpu.memory_space<vmem>>[vector<16xi32>, vector<16xi32>], vector<16xf32>,
    %broadcast_in_dim3A_978 = arith.constant 15 : i32
    %broadcast_in_dim3A_979 = vector.broadcast %broadcast_in_dim3A_978 : i32 to vector<16xi32>
    %gather3A_980 = tpu.vector_load_idx %arg15[%add3A_932, %broadcast_in_dim3A_979] : memref<128x16xf32, #tpu.memory_space<vmem>>[vector<16xi32>, vector<16xi32>], vector<16xf32>,
    %add3A_981 = arith.addf %gather3A_935, %gather3A_938 : vector<16xf32>
    %add3A_982 = arith.addf %gather3A_941, %gather3A_944 : vector<16xf32>
    %add3A_983 = arith.addf %gather3A_947, %gather3A_950 : vector<16xf32>
    %add3A_984 = arith.addf %gather3A_953, %gather3A_956 : vector<16xf32>
    %add3A_985 = arith.addf %gather3A_959, %gather3A_962 : vector<16xf32>
    %add3A_986 = arith.addf %gather3A_965, %gather3A_968 : vector<16xf32>
    %add3A_987 = arith.addf %gather3A_971, %gather3A_974 : vector<16xf32>
    %add3A_988 = arith.addf %gather3A_977, %gather3A_980 : vector<16xf32>
    %add3A_989 = arith.addf %add3A_981, %add3A_982 : vector<16xf32>
    %add3A_990 = arith.addf %add3A_983, %add3A_984 : vector<16xf32>
    %add3A_991 = arith.addf %add3A_985, %add3A_986 : vector<16xf32>
    %add3A_992 = arith.addf %add3A_987, %add3A_988 : vector<16xf32>
    %add3A_993 = arith.addf %add3A_989, %add3A_990 : vector<16xf32>
    %add3A_994 = arith.addf %add3A_991, %add3A_992 : vector<16xf32>
    %add3A_995 = arith.addf %add3A_993, %add3A_994 : vector<16xf32>
    %get3A_996 = arith.constant 160 : index
    %get3A_997 = tpu.vector_load %arg12[%get3A_996] {strides = array<i32>} : memref<512xi32, #tpu.memory_space<vmem>>, vector<16xi32>,
    %gather3A_998 = tpu.vector_load_idx %arg17[%get3A_997] : memref<1024xf32, #tpu.memory_space<vmem>>[vector<16xi32>], vector<16xf32>,
    %add3A_999 = arith.addf %add3A_995, %get3A_90 : vector<16xf32>
    %mul3A_1000 = arith.constant 1.000000e-01 : f32
    %mul3A_1001 = vector.broadcast %mul3A_1000 : f32 to vector<16xf32>
    %mul3A_1002 = arith.mulf %gather3A_998, %mul3A_1001 : vector<16xf32>
    %add3A_1003 = arith.addf %add3A_999, %mul3A_1002 : vector<16xf32>
    %swap3A_1004 = arith.constant 160 : index
    %swap3A_1005 = tpu.vector_load %arg20[%swap3A_1004] {strides = array<i32>} : memref<512xf32, #tpu.memory_space<vmem>>, vector<16xf32>,
    tpu.vector_store %arg20[%swap3A_1004], %add3A_1003 {strides = array<i32>} : memref<512xf32, #tpu.memory_space<vmem>>, vector<16xf32>,
    %add3A_1006 = arith.constant 48 : i32
    %add3A_1007 = vector.broadcast %add3A_1006 : i32 to vector<16xi32>
    %add3A_1008 = arith.addi %iota3A, %add3A_1007 : vector<16xi32>
    %broadcast_in_dim3A_1009 = arith.constant 0 : i32
    %broadcast_in_dim3A_1010 = vector.broadcast %broadcast_in_dim3A_1009 : i32 to vector<16xi32>
    %gather3A_1011 = tpu.vector_load_idx %arg15[%add3A_1008, %broadcast_in_dim3A_1010] : memref<128x16xf32, #tpu.memory_space<vmem>>[vector<16xi32>, vector<16xi32>], vector<16xf32>,
    %broadcast_in_dim3A_1012 = arith.constant 1 : i32
    %broadcast_in_dim3A_1013 = vector.broadcast %broadcast_in_dim3A_1012 : i32 to vector<16xi32>
    %gather3A_1014 = tpu.vector_load_idx %arg15[%add3A_1008, %broadcast_in_dim3A_1013] : memref<128x16xf32, #tpu.memory_space<vmem>>[vector<16xi32>, vector<16xi32>], vector<16xf32>,
    %broadcast_in_dim3A_1015 = arith.constant 2 : i32
    %broadcast_in_dim3A_1016 = vector.broadcast %broadcast_in_dim3A_1015 : i32 to vector<16xi32>
    %gather3A_1017 = tpu.vector_load_idx %arg15[%add3A_1008, %broadcast_in_dim3A_1016] : memref<128x16xf32, #tpu.memory_space<vmem>>[vector<16xi32>, vector<16xi32>], vector<16xf32>,
    %broadcast_in_dim3A_1018 = arith.constant 3 : i32
    %broadcast_in_dim3A_1019 = vector.broadcast %broadcast_in_dim3A_1018 : i32 to vector<16xi32>
    %gather3A_1020 = tpu.vector_load_idx %arg15[%add3A_1008, %broadcast_in_dim3A_1019] : memref<128x16xf32, #tpu.memory_space<vmem>>[vector<16xi32>, vector<16xi32>], vector<16xf32>,
    %broadcast_in_dim3A_1021 = arith.constant 4 : i32
    %broadcast_in_dim3A_1022 = vector.broadcast %broadcast_in_dim3A_1021 : i32 to vector<16xi32>
    %gather3A_1023 = tpu.vector_load_idx %arg15[%add3A_1008, %broadcast_in_dim3A_1022] : memref<128x16xf32, #tpu.memory_space<vmem>>[vector<16xi32>, vector<16xi32>], vector<16xf32>,
    %broadcast_in_dim3A_1024 = arith.constant 5 : i32
    %broadcast_in_dim3A_1025 = vector.broadcast %broadcast_in_dim3A_1024 : i32 to vector<16xi32>
    %gather3A_1026 = tpu.vector_load_idx %arg15[%add3A_1008, %broadcast_in_dim3A_1025] : memref<128x16xf32, #tpu.memory_space<vmem>>[vector<16xi32>, vector<16xi32>], vector<16xf32>,
    %broadcast_in_dim3A_1027 = arith.constant 6 : i32
    %broadcast_in_dim3A_1028 = vector.broadcast %broadcast_in_dim3A_1027 : i32 to vector<16xi32>
    %gather3A_1029 = tpu.vector_load_idx %arg15[%add3A_1008, %broadcast_in_dim3A_1028] : memref<128x16xf32, #tpu.memory_space<vmem>>[vector<16xi32>, vector<16xi32>], vector<16xf32>,
    %broadcast_in_dim3A_1030 = arith.constant 7 : i32
    %broadcast_in_dim3A_1031 = vector.broadcast %broadcast_in_dim3A_1030 : i32 to vector<16xi32>
    %gather3A_1032 = tpu.vector_load_idx %arg15[%add3A_1008, %broadcast_in_dim3A_1031] : memref<128x16xf32, #tpu.memory_space<vmem>>[vector<16xi32>, vector<16xi32>], vector<16xf32>,
    %broadcast_in_dim3A_1033 = arith.constant 8 : i32
    %broadcast_in_dim3A_1034 = vector.broadcast %broadcast_in_dim3A_1033 : i32 to vector<16xi32>
    %gather3A_1035 = tpu.vector_load_idx %arg15[%add3A_1008, %broadcast_in_dim3A_1034] : memref<128x16xf32, #tpu.memory_space<vmem>>[vector<16xi32>, vector<16xi32>], vector<16xf32>,
    %broadcast_in_dim3A_1036 = arith.constant 9 : i32
    %broadcast_in_dim3A_1037 = vector.broadcast %broadcast_in_dim3A_1036 : i32 to vector<16xi32>
    %gather3A_1038 = tpu.vector_load_idx %arg15[%add3A_1008, %broadcast_in_dim3A_1037] : memref<128x16xf32, #tpu.memory_space<vmem>>[vector<16xi32>, vector<16xi32>], vector<16xf32>,
    %broadcast_in_dim3A_1039 = arith.constant 10 : i32
    %broadcast_in_dim3A_1040 = vector.broadcast %broadcast_in_dim3A_1039 : i32 to vector<16xi32>
    %gather3A_1041 = tpu.vector_load_idx %arg15[%add3A_1008, %broadcast_in_dim3A_1040] : memref<128x16xf32, #tpu.memory_space<vmem>>[vector<16xi32>, vector<16xi32>], vector<16xf32>,
    %broadcast_in_dim3A_1042 = arith.constant 11 : i32
    %broadcast_in_dim3A_1043 = vector.broadcast %broadcast_in_dim3A_1042 : i32 to vector<16xi32>
    %gather3A_1044 = tpu.vector_load_idx %arg15[%add3A_1008, %broadcast_in_dim3A_1043] : memref<128x16xf32, #tpu.memory_space<vmem>>[vector<16xi32>, vector<16xi32>], vector<16xf32>,
    %broadcast_in_dim3A_1045 = arith.constant 12 : i32
    %broadcast_in_dim3A_1046 = vector.broadcast %broadcast_in_dim3A_1045 : i32 to vector<16xi32>
    %gather3A_1047 = tpu.vector_load_idx %arg15[%add3A_1008, %broadcast_in_dim3A_1046] : memref<128x16xf32, #tpu.memory_space<vmem>>[vector<16xi32>, vector<16xi32>], vector<16xf32>,
    %broadcast_in_dim3A_1048 = arith.constant 13 : i32
    %broadcast_in_dim3A_1049 = vector.broadcast %broadcast_in_dim3A_1048 : i32 to vector<16xi32>
    %gather3A_1050 = tpu.vector_load_idx %arg15[%add3A_1008, %broadcast_in_dim3A_1049] : memref<128x16xf32, #tpu.memory_space<vmem>>[vector<16xi32>, vector<16xi32>], vector<16xf32>,
    %broadcast_in_dim3A_1051 = arith.constant 14 : i32
    %broadcast_in_dim3A_1052 = vector.broadcast %broadcast_in_dim3A_1051 : i32 to vector<16xi32>
    %gather3A_1053 = tpu.vector_load_idx %arg15[%add3A_1008, %broadcast_in_dim3A_1052] : memref<128x16xf32, #tpu.memory_space<vmem>>[vector<16xi32>, vector<16xi32>], vector<16xf32>,
    %broadcast_in_dim3A_1054 = arith.constant 15 : i32
    %broadcast_in_dim3A_1055 = vector.broadcast %broadcast_in_dim3A_1054 : i32 to vector<16xi32>
    %gather3A_1056 = tpu.vector_load_idx %arg15[%add3A_1008, %broadcast_in_dim3A_1055] : memref<128x16xf32, #tpu.memory_space<vmem>>[vector<16xi32>, vector<16xi32>], vector<16xf32>,
    %add3A_1057 = arith.addf %gather3A_1011, %gather3A_1014 : vector<16xf32>
    %add3A_1058 = arith.addf %gather3A_1017, %gather3A_1020 : vector<16xf32>
    %add3A_1059 = arith.addf %gather3A_1023, %gather3A_1026 : vector<16xf32>
    %add3A_1060 = arith.addf %gather3A_1029, %gather3A_1032 : vector<16xf32>
    %add3A_1061 = arith.addf %gather3A_1035, %gather3A_1038 : vector<16xf32>
    %add3A_1062 = arith.addf %gather3A_1041, %gather3A_1044 : vector<16xf32>
    %add3A_1063 = arith.addf %gather3A_1047, %gather3A_1050 : vector<16xf32>
    %add3A_1064 = arith.addf %gather3A_1053, %gather3A_1056 : vector<16xf32>
    %add3A_1065 = arith.addf %add3A_1057, %add3A_1058 : vector<16xf32>
    %add3A_1066 = arith.addf %add3A_1059, %add3A_1060 : vector<16xf32>
    %add3A_1067 = arith.addf %add3A_1061, %add3A_1062 : vector<16xf32>
    %add3A_1068 = arith.addf %add3A_1063, %add3A_1064 : vector<16xf32>
    %add3A_1069 = arith.addf %add3A_1065, %add3A_1066 : vector<16xf32>
    %add3A_1070 = arith.addf %add3A_1067, %add3A_1068 : vector<16xf32>
    %add3A_1071 = arith.addf %add3A_1069, %add3A_1070 : vector<16xf32>
    %get3A_1072 = arith.constant 176 : index
    %get3A_1073 = tpu.vector_load %arg12[%get3A_1072] {strides = array<i32>} : memref<512xi32, #tpu.memory_space<vmem>>, vector<16xi32>,
    %gather3A_1074 = tpu.vector_load_idx %arg17[%get3A_1073] : memref<1024xf32, #tpu.memory_space<vmem>>[vector<16xi32>], vector<16xf32>,
    %add3A_1075 = arith.addf %add3A_1071, %get3A_90 : vector<16xf32>
    %mul3A_1076 = arith.constant 1.000000e-01 : f32
    %mul3A_1077 = vector.broadcast %mul3A_1076 : f32 to vector<16xf32>
    %mul3A_1078 = arith.mulf %gather3A_1074, %mul3A_1077 : vector<16xf32>
    %add3A_1079 = arith.addf %add3A_1075, %mul3A_1078 : vector<16xf32>
    %swap3A_1080 = arith.constant 176 : index
    %swap3A_1081 = tpu.vector_load %arg20[%swap3A_1080] {strides = array<i32>} : memref<512xf32, #tpu.memory_space<vmem>>, vector<16xf32>,
    tpu.vector_store %arg20[%swap3A_1080], %add3A_1079 {strides = array<i32>} : memref<512xf32, #tpu.memory_space<vmem>>, vector<16xf32>,
    %add3A_1082 = arith.constant 64 : i32
    %add3A_1083 = vector.broadcast %add3A_1082 : i32 to vector<16xi32>
    %add3A_1084 = arith.addi %iota3A, %add3A_1083 : vector<16xi32>
    %broadcast_in_dim3A_1085 = arith.constant 0 : i32
    %broadcast_in_dim3A_1086 = vector.broadcast %broadcast_in_dim3A_1085 : i32 to vector<16xi32>
    %gather3A_1087 = tpu.vector_load_idx %arg15[%add3A_1084, %broadcast_in_dim3A_1086] : memref<128x16xf32, #tpu.memory_space<vmem>>[vector<16xi32>, vector<16xi32>], vector<16xf32>,
    %broadcast_in_dim3A_1088 = arith.constant 1 : i32
    %broadcast_in_dim3A_1089 = vector.broadcast %broadcast_in_dim3A_1088 : i32 to vector<16xi32>
    %gather3A_1090 = tpu.vector_load_idx %arg15[%add3A_1084, %broadcast_in_dim3A_1089] : memref<128x16xf32, #tpu.memory_space<vmem>>[vector<16xi32>, vector<16xi32>], vector<16xf32>,
    %broadcast_in_dim3A_1091 = arith.constant 2 : i32
    %broadcast_in_dim3A_1092 = vector.broadcast %broadcast_in_dim3A_1091 : i32 to vector<16xi32>
    %gather3A_1093 = tpu.vector_load_idx %arg15[%add3A_1084, %broadcast_in_dim3A_1092] : memref<128x16xf32, #tpu.memory_space<vmem>>[vector<16xi32>, vector<16xi32>], vector<16xf32>,
    %broadcast_in_dim3A_1094 = arith.constant 3 : i32
    %broadcast_in_dim3A_1095 = vector.broadcast %broadcast_in_dim3A_1094 : i32 to vector<16xi32>
    %gather3A_1096 = tpu.vector_load_idx %arg15[%add3A_1084, %broadcast_in_dim3A_1095] : memref<128x16xf32, #tpu.memory_space<vmem>>[vector<16xi32>, vector<16xi32>], vector<16xf32>,
    %broadcast_in_dim3A_1097 = arith.constant 4 : i32
    %broadcast_in_dim3A_1098 = vector.broadcast %broadcast_in_dim3A_1097 : i32 to vector<16xi32>
    %gather3A_1099 = tpu.vector_load_idx %arg15[%add3A_1084, %broadcast_in_dim3A_1098] : memref<128x16xf32, #tpu.memory_space<vmem>>[vector<16xi32>, vector<16xi32>], vector<16xf32>,
    %broadcast_in_dim3A_1100 = arith.constant 5 : i32
    %broadcast_in_dim3A_1101 = vector.broadcast %broadcast_in_dim3A_1100 : i32 to vector<16xi32>
    %gather3A_1102 = tpu.vector_load_idx %arg15[%add3A_1084, %broadcast_in_dim3A_1101] : memref<128x16xf32, #tpu.memory_space<vmem>>[vector<16xi32>, vector<16xi32>], vector<16xf32>,
    %broadcast_in_dim3A_1103 = arith.constant 6 : i32
    %broadcast_in_dim3A_1104 = vector.broadcast %broadcast_in_dim3A_1103 : i32 to vector<16xi32>
    %gather3A_1105 = tpu.vector_load_idx %arg15[%add3A_1084, %broadcast_in_dim3A_1104] : memref<128x16xf32, #tpu.memory_space<vmem>>[vector<16xi32>, vector<16xi32>], vector<16xf32>,
    %broadcast_in_dim3A_1106 = arith.constant 7 : i32
    %broadcast_in_dim3A_1107 = vector.broadcast %broadcast_in_dim3A_1106 : i32 to vector<16xi32>
    %gather3A_1108 = tpu.vector_load_idx %arg15[%add3A_1084, %broadcast_in_dim3A_1107] : memref<128x16xf32, #tpu.memory_space<vmem>>[vector<16xi32>, vector<16xi32>], vector<16xf32>,
    %broadcast_in_dim3A_1109 = arith.constant 8 : i32
    %broadcast_in_dim3A_1110 = vector.broadcast %broadcast_in_dim3A_1109 : i32 to vector<16xi32>
    %gather3A_1111 = tpu.vector_load_idx %arg15[%add3A_1084, %broadcast_in_dim3A_1110] : memref<128x16xf32, #tpu.memory_space<vmem>>[vector<16xi32>, vector<16xi32>], vector<16xf32>,
    %broadcast_in_dim3A_1112 = arith.constant 9 : i32
    %broadcast_in_dim3A_1113 = vector.broadcast %broadcast_in_dim3A_1112 : i32 to vector<16xi32>
    %gather3A_1114 = tpu.vector_load_idx %arg15[%add3A_1084, %broadcast_in_dim3A_1113] : memref<128x16xf32, #tpu.memory_space<vmem>>[vector<16xi32>, vector<16xi32>], vector<16xf32>,
    %broadcast_in_dim3A_1115 = arith.constant 10 : i32
    %broadcast_in_dim3A_1116 = vector.broadcast %broadcast_in_dim3A_1115 : i32 to vector<16xi32>
    %gather3A_1117 = tpu.vector_load_idx %arg15[%add3A_1084, %broadcast_in_dim3A_1116] : memref<128x16xf32, #tpu.memory_space<vmem>>[vector<16xi32>, vector<16xi32>], vector<16xf32>,
    %broadcast_in_dim3A_1118 = arith.constant 11 : i32
    %broadcast_in_dim3A_1119 = vector.broadcast %broadcast_in_dim3A_1118 : i32 to vector<16xi32>
    %gather3A_1120 = tpu.vector_load_idx %arg15[%add3A_1084, %broadcast_in_dim3A_1119] : memref<128x16xf32, #tpu.memory_space<vmem>>[vector<16xi32>, vector<16xi32>], vector<16xf32>,
    %broadcast_in_dim3A_1121 = arith.constant 12 : i32
    %broadcast_in_dim3A_1122 = vector.broadcast %broadcast_in_dim3A_1121 : i32 to vector<16xi32>
    %gather3A_1123 = tpu.vector_load_idx %arg15[%add3A_1084, %broadcast_in_dim3A_1122] : memref<128x16xf32, #tpu.memory_space<vmem>>[vector<16xi32>, vector<16xi32>], vector<16xf32>,
    %broadcast_in_dim3A_1124 = arith.constant 13 : i32
    %broadcast_in_dim3A_1125 = vector.broadcast %broadcast_in_dim3A_1124 : i32 to vector<16xi32>
    %gather3A_1126 = tpu.vector_load_idx %arg15[%add3A_1084, %broadcast_in_dim3A_1125] : memref<128x16xf32, #tpu.memory_space<vmem>>[vector<16xi32>, vector<16xi32>], vector<16xf32>,
    %broadcast_in_dim3A_1127 = arith.constant 14 : i32
    %broadcast_in_dim3A_1128 = vector.broadcast %broadcast_in_dim3A_1127 : i32 to vector<16xi32>
    %gather3A_1129 = tpu.vector_load_idx %arg15[%add3A_1084, %broadcast_in_dim3A_1128] : memref<128x16xf32, #tpu.memory_space<vmem>>[vector<16xi32>, vector<16xi32>], vector<16xf32>,
    %broadcast_in_dim3A_1130 = arith.constant 15 : i32
    %broadcast_in_dim3A_1131 = vector.broadcast %broadcast_in_dim3A_1130 : i32 to vector<16xi32>
    %gather3A_1132 = tpu.vector_load_idx %arg15[%add3A_1084, %broadcast_in_dim3A_1131] : memref<128x16xf32, #tpu.memory_space<vmem>>[vector<16xi32>, vector<16xi32>], vector<16xf32>,
    %add3A_1133 = arith.addf %gather3A_1087, %gather3A_1090 : vector<16xf32>
    %add3A_1134 = arith.addf %gather3A_1093, %gather3A_1096 : vector<16xf32>
    %add3A_1135 = arith.addf %gather3A_1099, %gather3A_1102 : vector<16xf32>
    %add3A_1136 = arith.addf %gather3A_1105, %gather3A_1108 : vector<16xf32>
    %add3A_1137 = arith.addf %gather3A_1111, %gather3A_1114 : vector<16xf32>
    %add3A_1138 = arith.addf %gather3A_1117, %gather3A_1120 : vector<16xf32>
    %add3A_1139 = arith.addf %gather3A_1123, %gather3A_1126 : vector<16xf32>
    %add3A_1140 = arith.addf %gather3A_1129, %gather3A_1132 : vector<16xf32>
    %add3A_1141 = arith.addf %add3A_1133, %add3A_1134 : vector<16xf32>
    %add3A_1142 = arith.addf %add3A_1135, %add3A_1136 : vector<16xf32>
    %add3A_1143 = arith.addf %add3A_1137, %add3A_1138 : vector<16xf32>
    %add3A_1144 = arith.addf %add3A_1139, %add3A_1140 : vector<16xf32>
    %add3A_1145 = arith.addf %add3A_1141, %add3A_1142 : vector<16xf32>
    %add3A_1146 = arith.addf %add3A_1143, %add3A_1144 : vector<16xf32>
    %add3A_1147 = arith.addf %add3A_1145, %add3A_1146 : vector<16xf32>
    %get3A_1148 = arith.constant 192 : index
    %get3A_1149 = tpu.vector_load %arg12[%get3A_1148] {strides = array<i32>} : memref<512xi32, #tpu.memory_space<vmem>>, vector<16xi32>,
    %gather3A_1150 = tpu.vector_load_idx %arg17[%get3A_1149] : memref<1024xf32, #tpu.memory_space<vmem>>[vector<16xi32>], vector<16xf32>,
    %add3A_1151 = arith.addf %add3A_1147, %get3A_90 : vector<16xf32>
    %mul3A_1152 = arith.constant 1.000000e-01 : f32
    %mul3A_1153 = vector.broadcast %mul3A_1152 : f32 to vector<16xf32>
    %mul3A_1154 = arith.mulf %gather3A_1150, %mul3A_1153 : vector<16xf32>
    %add3A_1155 = arith.addf %add3A_1151, %mul3A_1154 : vector<16xf32>
    %swap3A_1156 = arith.constant 192 : index
    %swap3A_1157 = tpu.vector_load %arg20[%swap3A_1156] {strides = array<i32>} : memref<512xf32, #tpu.memory_space<vmem>>, vector<16xf32>,
    tpu.vector_store %arg20[%swap3A_1156], %add3A_1155 {strides = array<i32>} : memref<512xf32, #tpu.memory_space<vmem>>, vector<16xf32>,
    %add3A_1158 = arith.constant 80 : i32
    %add3A_1159 = vector.broadcast %add3A_1158 : i32 to vector<16xi32>
    %add3A_1160 = arith.addi %iota3A, %add3A_1159 : vector<16xi32>
    %broadcast_in_dim3A_1161 = arith.constant 0 : i32
    %broadcast_in_dim3A_1162 = vector.broadcast %broadcast_in_dim3A_1161 : i32 to vector<16xi32>
    %gather3A_1163 = tpu.vector_load_idx %arg15[%add3A_1160, %broadcast_in_dim3A_1162] : memref<128x16xf32, #tpu.memory_space<vmem>>[vector<16xi32>, vector<16xi32>], vector<16xf32>,
    %broadcast_in_dim3A_1164 = arith.constant 1 : i32
    %broadcast_in_dim3A_1165 = vector.broadcast %broadcast_in_dim3A_1164 : i32 to vector<16xi32>
    %gather3A_1166 = tpu.vector_load_idx %arg15[%add3A_1160, %broadcast_in_dim3A_1165] : memref<128x16xf32, #tpu.memory_space<vmem>>[vector<16xi32>, vector<16xi32>], vector<16xf32>,
    %broadcast_in_dim3A_1167 = arith.constant 2 : i32
    %broadcast_in_dim3A_1168 = vector.broadcast %broadcast_in_dim3A_1167 : i32 to vector<16xi32>
    %gather3A_1169 = tpu.vector_load_idx %arg15[%add3A_1160, %broadcast_in_dim3A_1168] : memref<128x16xf32, #tpu.memory_space<vmem>>[vector<16xi32>, vector<16xi32>], vector<16xf32>,
    %broadcast_in_dim3A_1170 = arith.constant 3 : i32
    %broadcast_in_dim3A_1171 = vector.broadcast %broadcast_in_dim3A_1170 : i32 to vector<16xi32>
    %gather3A_1172 = tpu.vector_load_idx %arg15[%add3A_1160, %broadcast_in_dim3A_1171] : memref<128x16xf32, #tpu.memory_space<vmem>>[vector<16xi32>, vector<16xi32>], vector<16xf32>,
    %broadcast_in_dim3A_1173 = arith.constant 4 : i32
    %broadcast_in_dim3A_1174 = vector.broadcast %broadcast_in_dim3A_1173 : i32 to vector<16xi32>
    %gather3A_1175 = tpu.vector_load_idx %arg15[%add3A_1160, %broadcast_in_dim3A_1174] : memref<128x16xf32, #tpu.memory_space<vmem>>[vector<16xi32>, vector<16xi32>], vector<16xf32>,
    %broadcast_in_dim3A_1176 = arith.constant 5 : i32
    %broadcast_in_dim3A_1177 = vector.broadcast %broadcast_in_dim3A_1176 : i32 to vector<16xi32>
    %gather3A_1178 = tpu.vector_load_idx %arg15[%add3A_1160, %broadcast_in_dim3A_1177] : memref<128x16xf32, #tpu.memory_space<vmem>>[vector<16xi32>, vector<16xi32>], vector<16xf32>,
    %broadcast_in_dim3A_1179 = arith.constant 6 : i32
    %broadcast_in_dim3A_1180 = vector.broadcast %broadcast_in_dim3A_1179 : i32 to vector<16xi32>
    %gather3A_1181 = tpu.vector_load_idx %arg15[%add3A_1160, %broadcast_in_dim3A_1180] : memref<128x16xf32, #tpu.memory_space<vmem>>[vector<16xi32>, vector<16xi32>], vector<16xf32>,
    %broadcast_in_dim3A_1182 = arith.constant 7 : i32
    %broadcast_in_dim3A_1183 = vector.broadcast %broadcast_in_dim3A_1182 : i32 to vector<16xi32>
    %gather3A_1184 = tpu.vector_load_idx %arg15[%add3A_1160, %broadcast_in_dim3A_1183] : memref<128x16xf32, #tpu.memory_space<vmem>>[vector<16xi32>, vector<16xi32>], vector<16xf32>,
    %broadcast_in_dim3A_1185 = arith.constant 8 : i32
    %broadcast_in_dim3A_1186 = vector.broadcast %broadcast_in_dim3A_1185 : i32 to vector<16xi32>
    %gather3A_1187 = tpu.vector_load_idx %arg15[%add3A_1160, %broadcast_in_dim3A_1186] : memref<128x16xf32, #tpu.memory_space<vmem>>[vector<16xi32>, vector<16xi32>], vector<16xf32>,
    %broadcast_in_dim3A_1188 = arith.constant 9 : i32
    %broadcast_in_dim3A_1189 = vector.broadcast %broadcast_in_dim3A_1188 : i32 to vector<16xi32>
    %gather3A_1190 = tpu.vector_load_idx %arg15[%add3A_1160, %broadcast_in_dim3A_1189] : memref<128x16xf32, #tpu.memory_space<vmem>>[vector<16xi32>, vector<16xi32>], vector<16xf32>,
    %broadcast_in_dim3A_1191 = arith.constant 10 : i32
    %broadcast_in_dim3A_1192 = vector.broadcast %broadcast_in_dim3A_1191 : i32 to vector<16xi32>
    %gather3A_1193 = tpu.vector_load_idx %arg15[%add3A_1160, %broadcast_in_dim3A_1192] : memref<128x16xf32, #tpu.memory_space<vmem>>[vector<16xi32>, vector<16xi32>], vector<16xf32>,
    %broadcast_in_dim3A_1194 = arith.constant 11 : i32
    %broadcast_in_dim3A_1195 = vector.broadcast %broadcast_in_dim3A_1194 : i32 to vector<16xi32>
    %gather3A_1196 = tpu.vector_load_idx %arg15[%add3A_1160, %broadcast_in_dim3A_1195] : memref<128x16xf32, #tpu.memory_space<vmem>>[vector<16xi32>, vector<16xi32>], vector<16xf32>,
    %broadcast_in_dim3A_1197 = arith.constant 12 : i32
    %broadcast_in_dim3A_1198 = vector.broadcast %broadcast_in_dim3A_1197 : i32 to vector<16xi32>
    %gather3A_1199 = tpu.vector_load_idx %arg15[%add3A_1160, %broadcast_in_dim3A_1198] : memref<128x16xf32, #tpu.memory_space<vmem>>[vector<16xi32>, vector<16xi32>], vector<16xf32>,
    %broadcast_in_dim3A_1200 = arith.constant 13 : i32
    %broadcast_in_dim3A_1201 = vector.broadcast %broadcast_in_dim3A_1200 : i32 to vector<16xi32>
    %gather3A_1202 = tpu.vector_load_idx %arg15[%add3A_1160, %broadcast_in_dim3A_1201] : memref<128x16xf32, #tpu.memory_space<vmem>>[vector<16xi32>, vector<16xi32>], vector<16xf32>,
    %broadcast_in_dim3A_1203 = arith.constant 14 : i32
    %broadcast_in_dim3A_1204 = vector.broadcast %broadcast_in_dim3A_1203 : i32 to vector<16xi32>
    %gather3A_1205 = tpu.vector_load_idx %arg15[%add3A_1160, %broadcast_in_dim3A_1204] : memref<128x16xf32, #tpu.memory_space<vmem>>[vector<16xi32>, vector<16xi32>], vector<16xf32>,
    %broadcast_in_dim3A_1206 = arith.constant 15 : i32
    %broadcast_in_dim3A_1207 = vector.broadcast %broadcast_in_dim3A_1206 : i32 to vector<16xi32>
    %gather3A_1208 = tpu.vector_load_idx %arg15[%add3A_1160, %broadcast_in_dim3A_1207] : memref<128x16xf32, #tpu.memory_space<vmem>>[vector<16xi32>, vector<16xi32>], vector<16xf32>,
    %add3A_1209 = arith.addf %gather3A_1163, %gather3A_1166 : vector<16xf32>
    %add3A_1210 = arith.addf %gather3A_1169, %gather3A_1172 : vector<16xf32>
    %add3A_1211 = arith.addf %gather3A_1175, %gather3A_1178 : vector<16xf32>
    %add3A_1212 = arith.addf %gather3A_1181, %gather3A_1184 : vector<16xf32>
    %add3A_1213 = arith.addf %gather3A_1187, %gather3A_1190 : vector<16xf32>
    %add3A_1214 = arith.addf %gather3A_1193, %gather3A_1196 : vector<16xf32>
    %add3A_1215 = arith.addf %gather3A_1199, %gather3A_1202 : vector<16xf32>
    %add3A_1216 = arith.addf %gather3A_1205, %gather3A_1208 : vector<16xf32>
    %add3A_1217 = arith.addf %add3A_1209, %add3A_1210 : vector<16xf32>
    %add3A_1218 = arith.addf %add3A_1211, %add3A_1212 : vector<16xf32>
    %add3A_1219 = arith.addf %add3A_1213, %add3A_1214 : vector<16xf32>
    %add3A_1220 = arith.addf %add3A_1215, %add3A_1216 : vector<16xf32>
    %add3A_1221 = arith.addf %add3A_1217, %add3A_1218 : vector<16xf32>
    %add3A_1222 = arith.addf %add3A_1219, %add3A_1220 : vector<16xf32>
    %add3A_1223 = arith.addf %add3A_1221, %add3A_1222 : vector<16xf32>
    %get3A_1224 = arith.constant 208 : index
    %get3A_1225 = tpu.vector_load %arg12[%get3A_1224] {strides = array<i32>} : memref<512xi32, #tpu.memory_space<vmem>>, vector<16xi32>,
    %gather3A_1226 = tpu.vector_load_idx %arg17[%get3A_1225] : memref<1024xf32, #tpu.memory_space<vmem>>[vector<16xi32>], vector<16xf32>,
    %add3A_1227 = arith.addf %add3A_1223, %get3A_90 : vector<16xf32>
    %mul3A_1228 = arith.constant 1.000000e-01 : f32
    %mul3A_1229 = vector.broadcast %mul3A_1228 : f32 to vector<16xf32>
    %mul3A_1230 = arith.mulf %gather3A_1226, %mul3A_1229 : vector<16xf32>
    %add3A_1231 = arith.addf %add3A_1227, %mul3A_1230 : vector<16xf32>
    %swap3A_1232 = arith.constant 208 : index
    %swap3A_1233 = tpu.vector_load %arg20[%swap3A_1232] {strides = array<i32>} : memref<512xf32, #tpu.memory_space<vmem>>, vector<16xf32>,
    tpu.vector_store %arg20[%swap3A_1232], %add3A_1231 {strides = array<i32>} : memref<512xf32, #tpu.memory_space<vmem>>, vector<16xf32>,
    %add3A_1234 = arith.constant 96 : i32
    %add3A_1235 = vector.broadcast %add3A_1234 : i32 to vector<16xi32>
    %add3A_1236 = arith.addi %iota3A, %add3A_1235 : vector<16xi32>
    %broadcast_in_dim3A_1237 = arith.constant 0 : i32
    %broadcast_in_dim3A_1238 = vector.broadcast %broadcast_in_dim3A_1237 : i32 to vector<16xi32>
    %gather3A_1239 = tpu.vector_load_idx %arg15[%add3A_1236, %broadcast_in_dim3A_1238] : memref<128x16xf32, #tpu.memory_space<vmem>>[vector<16xi32>, vector<16xi32>], vector<16xf32>,
    %broadcast_in_dim3A_1240 = arith.constant 1 : i32
    %broadcast_in_dim3A_1241 = vector.broadcast %broadcast_in_dim3A_1240 : i32 to vector<16xi32>
    %gather3A_1242 = tpu.vector_load_idx %arg15[%add3A_1236, %broadcast_in_dim3A_1241] : memref<128x16xf32, #tpu.memory_space<vmem>>[vector<16xi32>, vector<16xi32>], vector<16xf32>,
    %broadcast_in_dim3A_1243 = arith.constant 2 : i32
    %broadcast_in_dim3A_1244 = vector.broadcast %broadcast_in_dim3A_1243 : i32 to vector<16xi32>
    %gather3A_1245 = tpu.vector_load_idx %arg15[%add3A_1236, %broadcast_in_dim3A_1244] : memref<128x16xf32, #tpu.memory_space<vmem>>[vector<16xi32>, vector<16xi32>], vector<16xf32>,
    %broadcast_in_dim3A_1246 = arith.constant 3 : i32
    %broadcast_in_dim3A_1247 = vector.broadcast %broadcast_in_dim3A_1246 : i32 to vector<16xi32>
    %gather3A_1248 = tpu.vector_load_idx %arg15[%add3A_1236, %broadcast_in_dim3A_1247] : memref<128x16xf32, #tpu.memory_space<vmem>>[vector<16xi32>, vector<16xi32>], vector<16xf32>,
    %broadcast_in_dim3A_1249 = arith.constant 4 : i32
    %broadcast_in_dim3A_1250 = vector.broadcast %broadcast_in_dim3A_1249 : i32 to vector<16xi32>
    %gather3A_1251 = tpu.vector_load_idx %arg15[%add3A_1236, %broadcast_in_dim3A_1250] : memref<128x16xf32, #tpu.memory_space<vmem>>[vector<16xi32>, vector<16xi32>], vector<16xf32>,
    %broadcast_in_dim3A_1252 = arith.constant 5 : i32
    %broadcast_in_dim3A_1253 = vector.broadcast %broadcast_in_dim3A_1252 : i32 to vector<16xi32>
    %gather3A_1254 = tpu.vector_load_idx %arg15[%add3A_1236, %broadcast_in_dim3A_1253] : memref<128x16xf32, #tpu.memory_space<vmem>>[vector<16xi32>, vector<16xi32>], vector<16xf32>,
    %broadcast_in_dim3A_1255 = arith.constant 6 : i32
    %broadcast_in_dim3A_1256 = vector.broadcast %broadcast_in_dim3A_1255 : i32 to vector<16xi32>
    %gather3A_1257 = tpu.vector_load_idx %arg15[%add3A_1236, %broadcast_in_dim3A_1256] : memref<128x16xf32, #tpu.memory_space<vmem>>[vector<16xi32>, vector<16xi32>], vector<16xf32>,
    %broadcast_in_dim3A_1258 = arith.constant 7 : i32
    %broadcast_in_dim3A_1259 = vector.broadcast %broadcast_in_dim3A_1258 : i32 to vector<16xi32>
    %gather3A_1260 = tpu.vector_load_idx %arg15[%add3A_1236, %broadcast_in_dim3A_1259] : memref<128x16xf32, #tpu.memory_space<vmem>>[vector<16xi32>, vector<16xi32>], vector<16xf32>,
    %broadcast_in_dim3A_1261 = arith.constant 8 : i32
    %broadcast_in_dim3A_1262 = vector.broadcast %broadcast_in_dim3A_1261 : i32 to vector<16xi32>
    %gather3A_1263 = tpu.vector_load_idx %arg15[%add3A_1236, %broadcast_in_dim3A_1262] : memref<128x16xf32, #tpu.memory_space<vmem>>[vector<16xi32>, vector<16xi32>], vector<16xf32>,
    %broadcast_in_dim3A_1264 = arith.constant 9 : i32
    %broadcast_in_dim3A_1265 = vector.broadcast %broadcast_in_dim3A_1264 : i32 to vector<16xi32>
    %gather3A_1266 = tpu.vector_load_idx %arg15[%add3A_1236, %broadcast_in_dim3A_1265] : memref<128x16xf32, #tpu.memory_space<vmem>>[vector<16xi32>, vector<16xi32>], vector<16xf32>,
    %broadcast_in_dim3A_1267 = arith.constant 10 : i32
    %broadcast_in_dim3A_1268 = vector.broadcast %broadcast_in_dim3A_1267 : i32 to vector<16xi32>
    %gather3A_1269 = tpu.vector_load_idx %arg15[%add3A_1236, %broadcast_in_dim3A_1268] : memref<128x16xf32, #tpu.memory_space<vmem>>[vector<16xi32>, vector<16xi32>], vector<16xf32>,
    %broadcast_in_dim3A_1270 = arith.constant 11 : i32
    %broadcast_in_dim3A_1271 = vector.broadcast %broadcast_in_dim3A_1270 : i32 to vector<16xi32>
    %gather3A_1272 = tpu.vector_load_idx %arg15[%add3A_1236, %broadcast_in_dim3A_1271] : memref<128x16xf32, #tpu.memory_space<vmem>>[vector<16xi32>, vector<16xi32>], vector<16xf32>,
    %broadcast_in_dim3A_1273 = arith.constant 12 : i32
    %broadcast_in_dim3A_1274 = vector.broadcast %broadcast_in_dim3A_1273 : i32 to vector<16xi32>
    %gather3A_1275 = tpu.vector_load_idx %arg15[%add3A_1236, %broadcast_in_dim3A_1274] : memref<128x16xf32, #tpu.memory_space<vmem>>[vector<16xi32>, vector<16xi32>], vector<16xf32>,
    %broadcast_in_dim3A_1276 = arith.constant 13 : i32
    %broadcast_in_dim3A_1277 = vector.broadcast %broadcast_in_dim3A_1276 : i32 to vector<16xi32>
    %gather3A_1278 = tpu.vector_load_idx %arg15[%add3A_1236, %broadcast_in_dim3A_1277] : memref<128x16xf32, #tpu.memory_space<vmem>>[vector<16xi32>, vector<16xi32>], vector<16xf32>,
    %broadcast_in_dim3A_1279 = arith.constant 14 : i32
    %broadcast_in_dim3A_1280 = vector.broadcast %broadcast_in_dim3A_1279 : i32 to vector<16xi32>
    %gather3A_1281 = tpu.vector_load_idx %arg15[%add3A_1236, %broadcast_in_dim3A_1280] : memref<128x16xf32, #tpu.memory_space<vmem>>[vector<16xi32>, vector<16xi32>], vector<16xf32>,
    %broadcast_in_dim3A_1282 = arith.constant 15 : i32
    %broadcast_in_dim3A_1283 = vector.broadcast %broadcast_in_dim3A_1282 : i32 to vector<16xi32>
    %gather3A_1284 = tpu.vector_load_idx %arg15[%add3A_1236, %broadcast_in_dim3A_1283] : memref<128x16xf32, #tpu.memory_space<vmem>>[vector<16xi32>, vector<16xi32>], vector<16xf32>,
    %add3A_1285 = arith.addf %gather3A_1239, %gather3A_1242 : vector<16xf32>
    %add3A_1286 = arith.addf %gather3A_1245, %gather3A_1248 : vector<16xf32>
    %add3A_1287 = arith.addf %gather3A_1251, %gather3A_1254 : vector<16xf32>
    %add3A_1288 = arith.addf %gather3A_1257, %gather3A_1260 : vector<16xf32>
    %add3A_1289 = arith.addf %gather3A_1263, %gather3A_1266 : vector<16xf32>
    %add3A_1290 = arith.addf %gather3A_1269, %gather3A_1272 : vector<16xf32>
    %add3A_1291 = arith.addf %gather3A_1275, %gather3A_1278 : vector<16xf32>
    %add3A_1292 = arith.addf %gather3A_1281, %gather3A_1284 : vector<16xf32>
    %add3A_1293 = arith.addf %add3A_1285, %add3A_1286 : vector<16xf32>
    %add3A_1294 = arith.addf %add3A_1287, %add3A_1288 : vector<16xf32>
    %add3A_1295 = arith.addf %add3A_1289, %add3A_1290 : vector<16xf32>
    %add3A_1296 = arith.addf %add3A_1291, %add3A_1292 : vector<16xf32>
    %add3A_1297 = arith.addf %add3A_1293, %add3A_1294 : vector<16xf32>
    %add3A_1298 = arith.addf %add3A_1295, %add3A_1296 : vector<16xf32>
    %add3A_1299 = arith.addf %add3A_1297, %add3A_1298 : vector<16xf32>
    %get3A_1300 = arith.constant 224 : index
    %get3A_1301 = tpu.vector_load %arg12[%get3A_1300] {strides = array<i32>} : memref<512xi32, #tpu.memory_space<vmem>>, vector<16xi32>,
    %gather3A_1302 = tpu.vector_load_idx %arg17[%get3A_1301] : memref<1024xf32, #tpu.memory_space<vmem>>[vector<16xi32>], vector<16xf32>,
    %add3A_1303 = arith.addf %add3A_1299, %get3A_90 : vector<16xf32>
    %mul3A_1304 = arith.constant 1.000000e-01 : f32
    %mul3A_1305 = vector.broadcast %mul3A_1304 : f32 to vector<16xf32>
    %mul3A_1306 = arith.mulf %gather3A_1302, %mul3A_1305 : vector<16xf32>
    %add3A_1307 = arith.addf %add3A_1303, %mul3A_1306 : vector<16xf32>
    %swap3A_1308 = arith.constant 224 : index
    %swap3A_1309 = tpu.vector_load %arg20[%swap3A_1308] {strides = array<i32>} : memref<512xf32, #tpu.memory_space<vmem>>, vector<16xf32>,
    tpu.vector_store %arg20[%swap3A_1308], %add3A_1307 {strides = array<i32>} : memref<512xf32, #tpu.memory_space<vmem>>, vector<16xf32>,
    %add3A_1310 = arith.constant 112 : i32
    %add3A_1311 = vector.broadcast %add3A_1310 : i32 to vector<16xi32>
    %add3A_1312 = arith.addi %iota3A, %add3A_1311 : vector<16xi32>
    %broadcast_in_dim3A_1313 = arith.constant 0 : i32
    %broadcast_in_dim3A_1314 = vector.broadcast %broadcast_in_dim3A_1313 : i32 to vector<16xi32>
    %gather3A_1315 = tpu.vector_load_idx %arg15[%add3A_1312, %broadcast_in_dim3A_1314] : memref<128x16xf32, #tpu.memory_space<vmem>>[vector<16xi32>, vector<16xi32>], vector<16xf32>,
    %broadcast_in_dim3A_1316 = arith.constant 1 : i32
    %broadcast_in_dim3A_1317 = vector.broadcast %broadcast_in_dim3A_1316 : i32 to vector<16xi32>
    %gather3A_1318 = tpu.vector_load_idx %arg15[%add3A_1312, %broadcast_in_dim3A_1317] : memref<128x16xf32, #tpu.memory_space<vmem>>[vector<16xi32>, vector<16xi32>], vector<16xf32>,
    %broadcast_in_dim3A_1319 = arith.constant 2 : i32
    %broadcast_in_dim3A_1320 = vector.broadcast %broadcast_in_dim3A_1319 : i32 to vector<16xi32>
    %gather3A_1321 = tpu.vector_load_idx %arg15[%add3A_1312, %broadcast_in_dim3A_1320] : memref<128x16xf32, #tpu.memory_space<vmem>>[vector<16xi32>, vector<16xi32>], vector<16xf32>,
    %broadcast_in_dim3A_1322 = arith.constant 3 : i32
    %broadcast_in_dim3A_1323 = vector.broadcast %broadcast_in_dim3A_1322 : i32 to vector<16xi32>
    %gather3A_1324 = tpu.vector_load_idx %arg15[%add3A_1312, %broadcast_in_dim3A_1323] : memref<128x16xf32, #tpu.memory_space<vmem>>[vector<16xi32>, vector<16xi32>], vector<16xf32>,
    %broadcast_in_dim3A_1325 = arith.constant 4 : i32
    %broadcast_in_dim3A_1326 = vector.broadcast %broadcast_in_dim3A_1325 : i32 to vector<16xi32>
    %gather3A_1327 = tpu.vector_load_idx %arg15[%add3A_1312, %broadcast_in_dim3A_1326] : memref<128x16xf32, #tpu.memory_space<vmem>>[vector<16xi32>, vector<16xi32>], vector<16xf32>,
    %broadcast_in_dim3A_1328 = arith.constant 5 : i32
    %broadcast_in_dim3A_1329 = vector.broadcast %broadcast_in_dim3A_1328 : i32 to vector<16xi32>
    %gather3A_1330 = tpu.vector_load_idx %arg15[%add3A_1312, %broadcast_in_dim3A_1329] : memref<128x16xf32, #tpu.memory_space<vmem>>[vector<16xi32>, vector<16xi32>], vector<16xf32>,
    %broadcast_in_dim3A_1331 = arith.constant 6 : i32
    %broadcast_in_dim3A_1332 = vector.broadcast %broadcast_in_dim3A_1331 : i32 to vector<16xi32>
    %gather3A_1333 = tpu.vector_load_idx %arg15[%add3A_1312, %broadcast_in_dim3A_1332] : memref<128x16xf32, #tpu.memory_space<vmem>>[vector<16xi32>, vector<16xi32>], vector<16xf32>,
    %broadcast_in_dim3A_1334 = arith.constant 7 : i32
    %broadcast_in_dim3A_1335 = vector.broadcast %broadcast_in_dim3A_1334 : i32 to vector<16xi32>
    %gather3A_1336 = tpu.vector_load_idx %arg15[%add3A_1312, %broadcast_in_dim3A_1335] : memref<128x16xf32, #tpu.memory_space<vmem>>[vector<16xi32>, vector<16xi32>], vector<16xf32>,
    %broadcast_in_dim3A_1337 = arith.constant 8 : i32
    %broadcast_in_dim3A_1338 = vector.broadcast %broadcast_in_dim3A_1337 : i32 to vector<16xi32>
    %gather3A_1339 = tpu.vector_load_idx %arg15[%add3A_1312, %broadcast_in_dim3A_1338] : memref<128x16xf32, #tpu.memory_space<vmem>>[vector<16xi32>, vector<16xi32>], vector<16xf32>,
    %broadcast_in_dim3A_1340 = arith.constant 9 : i32
    %broadcast_in_dim3A_1341 = vector.broadcast %broadcast_in_dim3A_1340 : i32 to vector<16xi32>
    %gather3A_1342 = tpu.vector_load_idx %arg15[%add3A_1312, %broadcast_in_dim3A_1341] : memref<128x16xf32, #tpu.memory_space<vmem>>[vector<16xi32>, vector<16xi32>], vector<16xf32>,
    %broadcast_in_dim3A_1343 = arith.constant 10 : i32
    %broadcast_in_dim3A_1344 = vector.broadcast %broadcast_in_dim3A_1343 : i32 to vector<16xi32>
    %gather3A_1345 = tpu.vector_load_idx %arg15[%add3A_1312, %broadcast_in_dim3A_1344] : memref<128x16xf32, #tpu.memory_space<vmem>>[vector<16xi32>, vector<16xi32>], vector<16xf32>,
    %broadcast_in_dim3A_1346 = arith.constant 11 : i32
    %broadcast_in_dim3A_1347 = vector.broadcast %broadcast_in_dim3A_1346 : i32 to vector<16xi32>
    %gather3A_1348 = tpu.vector_load_idx %arg15[%add3A_1312, %broadcast_in_dim3A_1347] : memref<128x16xf32, #tpu.memory_space<vmem>>[vector<16xi32>, vector<16xi32>], vector<16xf32>,
    %broadcast_in_dim3A_1349 = arith.constant 12 : i32
    %broadcast_in_dim3A_1350 = vector.broadcast %broadcast_in_dim3A_1349 : i32 to vector<16xi32>
    %gather3A_1351 = tpu.vector_load_idx %arg15[%add3A_1312, %broadcast_in_dim3A_1350] : memref<128x16xf32, #tpu.memory_space<vmem>>[vector<16xi32>, vector<16xi32>], vector<16xf32>,
    %broadcast_in_dim3A_1352 = arith.constant 13 : i32
    %broadcast_in_dim3A_1353 = vector.broadcast %broadcast_in_dim3A_1352 : i32 to vector<16xi32>
    %gather3A_1354 = tpu.vector_load_idx %arg15[%add3A_1312, %broadcast_in_dim3A_1353] : memref<128x16xf32, #tpu.memory_space<vmem>>[vector<16xi32>, vector<16xi32>], vector<16xf32>,
    %broadcast_in_dim3A_1355 = arith.constant 14 : i32
    %broadcast_in_dim3A_1356 = vector.broadcast %broadcast_in_dim3A_1355 : i32 to vector<16xi32>
    %gather3A_1357 = tpu.vector_load_idx %arg15[%add3A_1312, %broadcast_in_dim3A_1356] : memref<128x16xf32, #tpu.memory_space<vmem>>[vector<16xi32>, vector<16xi32>], vector<16xf32>,
    %broadcast_in_dim3A_1358 = arith.constant 15 : i32
    %broadcast_in_dim3A_1359 = vector.broadcast %broadcast_in_dim3A_1358 : i32 to vector<16xi32>
    %gather3A_1360 = tpu.vector_load_idx %arg15[%add3A_1312, %broadcast_in_dim3A_1359] : memref<128x16xf32, #tpu.memory_space<vmem>>[vector<16xi32>, vector<16xi32>], vector<16xf32>,
    %add3A_1361 = arith.addf %gather3A_1315, %gather3A_1318 : vector<16xf32>
    %add3A_1362 = arith.addf %gather3A_1321, %gather3A_1324 : vector<16xf32>
    %add3A_1363 = arith.addf %gather3A_1327, %gather3A_1330 : vector<16xf32>
    %add3A_1364 = arith.addf %gather3A_1333, %gather3A_1336 : vector<16xf32>
    %add3A_1365 = arith.addf %gather3A_1339, %gather3A_1342 : vector<16xf32>
    %add3A_1366 = arith.addf %gather3A_1345, %gather3A_1348 : vector<16xf32>
    %add3A_1367 = arith.addf %gather3A_1351, %gather3A_1354 : vector<16xf32>
    %add3A_1368 = arith.addf %gather3A_1357, %gather3A_1360 : vector<16xf32>
    %add3A_1369 = arith.addf %add3A_1361, %add3A_1362 : vector<16xf32>
    %add3A_1370 = arith.addf %add3A_1363, %add3A_1364 : vector<16xf32>
    %add3A_1371 = arith.addf %add3A_1365, %add3A_1366 : vector<16xf32>
    %add3A_1372 = arith.addf %add3A_1367, %add3A_1368 : vector<16xf32>
    %add3A_1373 = arith.addf %add3A_1369, %add3A_1370 : vector<16xf32>
    %add3A_1374 = arith.addf %add3A_1371, %add3A_1372 : vector<16xf32>
    %add3A_1375 = arith.addf %add3A_1373, %add3A_1374 : vector<16xf32>
    %get3A_1376 = arith.constant 240 : index
    %get3A_1377 = tpu.vector_load %arg12[%get3A_1376] {strides = array<i32>} : memref<512xi32, #tpu.memory_space<vmem>>, vector<16xi32>,
    %gather3A_1378 = tpu.vector_load_idx %arg17[%get3A_1377] : memref<1024xf32, #tpu.memory_space<vmem>>[vector<16xi32>], vector<16xf32>,
    %add3A_1379 = arith.addf %add3A_1375, %get3A_90 : vector<16xf32>
    %mul3A_1380 = arith.constant 1.000000e-01 : f32
    %mul3A_1381 = vector.broadcast %mul3A_1380 : f32 to vector<16xf32>
    %mul3A_1382 = arith.mulf %gather3A_1378, %mul3A_1381 : vector<16xf32>
    %add3A_1383 = arith.addf %add3A_1379, %mul3A_1382 : vector<16xf32>
    %swap3A_1384 = arith.constant 240 : index
    %swap3A_1385 = tpu.vector_load %arg20[%swap3A_1384] {strides = array<i32>} : memref<512xf32, #tpu.memory_space<vmem>>, vector<16xf32>,
    tpu.vector_store %arg20[%swap3A_1384], %add3A_1383 {strides = array<i32>} : memref<512xf32, #tpu.memory_space<vmem>>, vector<16xf32>,
    %dma_wait3A_1386 = arith.constant 2 : i32
    %dma_wait3A_1387 = arith.constant 2 : i32
    %dma_wait3A_1388 = arith.constant 0 : i32
    %dma_wait3A_1389 = arith.constant 0 : i32
    %dma_wait3A_1390 = tpu.memref_slice %arg13[%dma_wait3A_1386, %dma_wait3A_1388, %dma_wait3A_1389] : memref<3x128x128xf32, #tpu.memory_space<vmem>> -> memref<1x128x128xf32, #tpu.memory_space<vmem>>
    %dma_wait3A_1391 = tpu.memref_squeeze %dma_wait3A_1390 : memref<1x128x128xf32, #tpu.memory_space<vmem>> -> memref<128x128xf32, #tpu.memory_space<vmem>>
    %dma_wait3A_1392 = arith.constant 256 : i32
    %dma_wait3A_1393 = tpu.memref_slice %arg10[%dma_wait3A_1392] : memref<512xi32, #tpu.memory_space<vmem>> -> memref<128xi32, #tpu.memory_space<vmem>>
    %dma_wait3A_1394 = arith.constant 0 : i32
    %dma_wait3A_1395 = arith.constant 0 : i32
    %dma_wait3A_1396 = tpu.memref_slice %arg5[%dma_wait3A_1394, %dma_wait3A_1395] : memref<1000000x128xf32, #tpu.memory_space<hbm>> -> memref<1000000x128xf32, #tpu.memory_space<hbm>>
    %dma_wait3A_1397 = tpu.memref_slice %arg21[%dma_wait3A_1387] : memref<3x!tpu.dma_semaphore, #tpu.memory_space<semaphore_mem>> -> memref<1x!tpu.dma_semaphore, #tpu.memory_space<semaphore_mem>>
    %dma_wait3A_1398 = tpu.memref_squeeze %dma_wait3A_1397 : memref<1x!tpu.dma_semaphore, #tpu.memory_space<semaphore_mem>> -> memref<!tpu.dma_semaphore, #tpu.memory_space<semaphore_mem>>
    tpu.wait_indirect_dma semaphore(%dma_wait3A_1398 : memref<!tpu.dma_semaphore, #tpu.memory_space<semaphore_mem>>) src(%dma_wait3A_1396 : memref<1000000x128xf32, #tpu.memory_space<hbm>>) dst(%dma_wait3A_1391 : memref<128x128xf32, #tpu.memory_space<vmem>>)
    %dma_wait3A_1399 = arith.constant 2 : i32
    %dma_wait3A_1400 = arith.constant 2 : i32
    %dma_wait3A_1401 = arith.constant 0 : i32
    %dma_wait3A_1402 = arith.constant 0 : i32
    %dma_wait3A_1403 = tpu.memref_slice %arg14[%dma_wait3A_1399, %dma_wait3A_1401, %dma_wait3A_1402] : memref<3x128x128xf32, #tpu.memory_space<vmem>> -> memref<1x128x128xf32, #tpu.memory_space<vmem>>
    %dma_wait3A_1404 = tpu.memref_squeeze %dma_wait3A_1403 : memref<1x128x128xf32, #tpu.memory_space<vmem>> -> memref<128x128xf32, #tpu.memory_space<vmem>>
    %dma_wait3A_1405 = arith.constant 256 : i32
    %dma_wait3A_1406 = tpu.memref_slice %arg11[%dma_wait3A_1405] : memref<512xi32, #tpu.memory_space<vmem>> -> memref<128xi32, #tpu.memory_space<vmem>>
    %dma_wait3A_1407 = arith.constant 0 : i32
    %dma_wait3A_1408 = arith.constant 0 : i32
    %dma_wait3A_1409 = tpu.memref_slice %arg6[%dma_wait3A_1407, %dma_wait3A_1408] : memref<100000x128xf32, #tpu.memory_space<hbm>> -> memref<100000x128xf32, #tpu.memory_space<hbm>>
    %dma_wait3A_1410 = tpu.memref_slice %arg21[%dma_wait3A_1400] : memref<3x!tpu.dma_semaphore, #tpu.memory_space<semaphore_mem>> -> memref<1x!tpu.dma_semaphore, #tpu.memory_space<semaphore_mem>>
    %dma_wait3A_1411 = tpu.memref_squeeze %dma_wait3A_1410 : memref<1x!tpu.dma_semaphore, #tpu.memory_space<semaphore_mem>> -> memref<!tpu.dma_semaphore, #tpu.memory_space<semaphore_mem>>
    tpu.wait_indirect_dma semaphore(%dma_wait3A_1411 : memref<!tpu.dma_semaphore, #tpu.memory_space<semaphore_mem>>) src(%dma_wait3A_1409 : memref<100000x128xf32, #tpu.memory_space<hbm>>) dst(%dma_wait3A_1404 : memref<128x128xf32, #tpu.memory_space<vmem>>)
    %parallel_loop3A_1412 = arith.constant 0 : i32
    %parallel_loop3A_1413 = arith.constant 128 : i32
    %parallel_loop3A_1414 = arith.constant 1 : i32
    scf.for %parallel_loop3A_2660 = %parallel_loop3A_1412 to %parallel_loop3A_1413 step %parallel_loop3A_1414  : i32 {
      %parallel_loop3A_2661 = arith.constant 2 : i32
      %parallel_loop3A_2662 = arith.index_cast %parallel_loop3A_2661 : i32 to index
      %parallel_loop3A_2663 = arith.index_cast %parallel_loop3A_2660 : i32 to index
      %parallel_loop3A_2664 = arith.constant 0 : index
      %parallel_loop3A_2665 = tpu.vector_load %arg13[%parallel_loop3A_2662, %parallel_loop3A_2663, %parallel_loop3A_2664] {strides = array<i32>} : memref<3x128x128xf32, #tpu.memory_space<vmem>>, vector<16xf32>,
      %parallel_loop3A_2666 = arith.constant 2 : i32
      %parallel_loop3A_2667 = arith.index_cast %parallel_loop3A_2666 : i32 to index
      %parallel_loop3A_2668 = arith.index_cast %parallel_loop3A_2660 : i32 to index
      %parallel_loop3A_2669 = arith.constant 0 : index
      %parallel_loop3A_2670 = tpu.vector_load %arg14[%parallel_loop3A_2667, %parallel_loop3A_2668, %parallel_loop3A_2669] {strides = array<i32>} : memref<3x128x128xf32, #tpu.memory_space<vmem>>, vector<16xf32>,
      %parallel_loop3A_2671 = arith.mulf %parallel_loop3A_2665, %parallel_loop3A_2670 : vector<16xf32>
      %parallel_loop3A_2672 = arith.constant 2 : i32
      %parallel_loop3A_2673 = arith.index_cast %parallel_loop3A_2672 : i32 to index
      %parallel_loop3A_2674 = arith.index_cast %parallel_loop3A_2660 : i32 to index
      %parallel_loop3A_2675 = arith.constant 16 : index
      %parallel_loop3A_2676 = tpu.vector_load %arg13[%parallel_loop3A_2673, %parallel_loop3A_2674, %parallel_loop3A_2675] {strides = array<i32>} : memref<3x128x128xf32, #tpu.memory_space<vmem>>, vector<16xf32>,
      %parallel_loop3A_2677 = arith.constant 2 : i32
      %parallel_loop3A_2678 = arith.index_cast %parallel_loop3A_2677 : i32 to index
      %parallel_loop3A_2679 = arith.index_cast %parallel_loop3A_2660 : i32 to index
      %parallel_loop3A_2680 = arith.constant 16 : index
      %parallel_loop3A_2681 = tpu.vector_load %arg14[%parallel_loop3A_2678, %parallel_loop3A_2679, %parallel_loop3A_2680] {strides = array<i32>} : memref<3x128x128xf32, #tpu.memory_space<vmem>>, vector<16xf32>,
      %parallel_loop3A_2682 = arith.mulf %parallel_loop3A_2676, %parallel_loop3A_2681 : vector<16xf32>
      %parallel_loop3A_2683 = arith.constant 2 : i32
      %parallel_loop3A_2684 = arith.index_cast %parallel_loop3A_2683 : i32 to index
      %parallel_loop3A_2685 = arith.index_cast %parallel_loop3A_2660 : i32 to index
      %parallel_loop3A_2686 = arith.constant 32 : index
      %parallel_loop3A_2687 = tpu.vector_load %arg13[%parallel_loop3A_2684, %parallel_loop3A_2685, %parallel_loop3A_2686] {strides = array<i32>} : memref<3x128x128xf32, #tpu.memory_space<vmem>>, vector<16xf32>,
      %parallel_loop3A_2688 = arith.constant 2 : i32
      %parallel_loop3A_2689 = arith.index_cast %parallel_loop3A_2688 : i32 to index
      %parallel_loop3A_2690 = arith.index_cast %parallel_loop3A_2660 : i32 to index
      %parallel_loop3A_2691 = arith.constant 32 : index
      %parallel_loop3A_2692 = tpu.vector_load %arg14[%parallel_loop3A_2689, %parallel_loop3A_2690, %parallel_loop3A_2691] {strides = array<i32>} : memref<3x128x128xf32, #tpu.memory_space<vmem>>, vector<16xf32>,
      %parallel_loop3A_2693 = arith.mulf %parallel_loop3A_2687, %parallel_loop3A_2692 : vector<16xf32>
      %parallel_loop3A_2694 = arith.constant 2 : i32
      %parallel_loop3A_2695 = arith.index_cast %parallel_loop3A_2694 : i32 to index
      %parallel_loop3A_2696 = arith.index_cast %parallel_loop3A_2660 : i32 to index
      %parallel_loop3A_2697 = arith.constant 48 : index
      %parallel_loop3A_2698 = tpu.vector_load %arg13[%parallel_loop3A_2695, %parallel_loop3A_2696, %parallel_loop3A_2697] {strides = array<i32>} : memref<3x128x128xf32, #tpu.memory_space<vmem>>, vector<16xf32>,
      %parallel_loop3A_2699 = arith.constant 2 : i32
      %parallel_loop3A_2700 = arith.index_cast %parallel_loop3A_2699 : i32 to index
      %parallel_loop3A_2701 = arith.index_cast %parallel_loop3A_2660 : i32 to index
      %parallel_loop3A_2702 = arith.constant 48 : index
      %parallel_loop3A_2703 = tpu.vector_load %arg14[%parallel_loop3A_2700, %parallel_loop3A_2701, %parallel_loop3A_2702] {strides = array<i32>} : memref<3x128x128xf32, #tpu.memory_space<vmem>>, vector<16xf32>,
      %parallel_loop3A_2704 = arith.mulf %parallel_loop3A_2698, %parallel_loop3A_2703 : vector<16xf32>
      %parallel_loop3A_2705 = arith.constant 2 : i32
      %parallel_loop3A_2706 = arith.index_cast %parallel_loop3A_2705 : i32 to index
      %parallel_loop3A_2707 = arith.index_cast %parallel_loop3A_2660 : i32 to index
      %parallel_loop3A_2708 = arith.constant 64 : index
      %parallel_loop3A_2709 = tpu.vector_load %arg13[%parallel_loop3A_2706, %parallel_loop3A_2707, %parallel_loop3A_2708] {strides = array<i32>} : memref<3x128x128xf32, #tpu.memory_space<vmem>>, vector<16xf32>,
      %parallel_loop3A_2710 = arith.constant 2 : i32
      %parallel_loop3A_2711 = arith.index_cast %parallel_loop3A_2710 : i32 to index
      %parallel_loop3A_2712 = arith.index_cast %parallel_loop3A_2660 : i32 to index
      %parallel_loop3A_2713 = arith.constant 64 : index
      %parallel_loop3A_2714 = tpu.vector_load %arg14[%parallel_loop3A_2711, %parallel_loop3A_2712, %parallel_loop3A_2713] {strides = array<i32>} : memref<3x128x128xf32, #tpu.memory_space<vmem>>, vector<16xf32>,
      %parallel_loop3A_2715 = arith.mulf %parallel_loop3A_2709, %parallel_loop3A_2714 : vector<16xf32>
      %parallel_loop3A_2716 = arith.constant 2 : i32
      %parallel_loop3A_2717 = arith.index_cast %parallel_loop3A_2716 : i32 to index
      %parallel_loop3A_2718 = arith.index_cast %parallel_loop3A_2660 : i32 to index
      %parallel_loop3A_2719 = arith.constant 80 : index
      %parallel_loop3A_2720 = tpu.vector_load %arg13[%parallel_loop3A_2717, %parallel_loop3A_2718, %parallel_loop3A_2719] {strides = array<i32>} : memref<3x128x128xf32, #tpu.memory_space<vmem>>, vector<16xf32>,
      %parallel_loop3A_2721 = arith.constant 2 : i32
      %parallel_loop3A_2722 = arith.index_cast %parallel_loop3A_2721 : i32 to index
      %parallel_loop3A_2723 = arith.index_cast %parallel_loop3A_2660 : i32 to index
      %parallel_loop3A_2724 = arith.constant 80 : index
      %parallel_loop3A_2725 = tpu.vector_load %arg14[%parallel_loop3A_2722, %parallel_loop3A_2723, %parallel_loop3A_2724] {strides = array<i32>} : memref<3x128x128xf32, #tpu.memory_space<vmem>>, vector<16xf32>,
      %parallel_loop3A_2726 = arith.mulf %parallel_loop3A_2720, %parallel_loop3A_2725 : vector<16xf32>
      %parallel_loop3A_2727 = arith.constant 2 : i32
      %parallel_loop3A_2728 = arith.index_cast %parallel_loop3A_2727 : i32 to index
      %parallel_loop3A_2729 = arith.index_cast %parallel_loop3A_2660 : i32 to index
      %parallel_loop3A_2730 = arith.constant 96 : index
      %parallel_loop3A_2731 = tpu.vector_load %arg13[%parallel_loop3A_2728, %parallel_loop3A_2729, %parallel_loop3A_2730] {strides = array<i32>} : memref<3x128x128xf32, #tpu.memory_space<vmem>>, vector<16xf32>,
      %parallel_loop3A_2732 = arith.constant 2 : i32
      %parallel_loop3A_2733 = arith.index_cast %parallel_loop3A_2732 : i32 to index
      %parallel_loop3A_2734 = arith.index_cast %parallel_loop3A_2660 : i32 to index
      %parallel_loop3A_2735 = arith.constant 96 : index
      %parallel_loop3A_2736 = tpu.vector_load %arg14[%parallel_loop3A_2733, %parallel_loop3A_2734, %parallel_loop3A_2735] {strides = array<i32>} : memref<3x128x128xf32, #tpu.memory_space<vmem>>, vector<16xf32>,
      %parallel_loop3A_2737 = arith.mulf %parallel_loop3A_2731, %parallel_loop3A_2736 : vector<16xf32>
      %parallel_loop3A_2738 = arith.constant 2 : i32
      %parallel_loop3A_2739 = arith.index_cast %parallel_loop3A_2738 : i32 to index
      %parallel_loop3A_2740 = arith.index_cast %parallel_loop3A_2660 : i32 to index
      %parallel_loop3A_2741 = arith.constant 112 : index
      %parallel_loop3A_2742 = tpu.vector_load %arg13[%parallel_loop3A_2739, %parallel_loop3A_2740, %parallel_loop3A_2741] {strides = array<i32>} : memref<3x128x128xf32, #tpu.memory_space<vmem>>, vector<16xf32>,
      %parallel_loop3A_2743 = arith.constant 2 : i32
      %parallel_loop3A_2744 = arith.index_cast %parallel_loop3A_2743 : i32 to index
      %parallel_loop3A_2745 = arith.index_cast %parallel_loop3A_2660 : i32 to index
      %parallel_loop3A_2746 = arith.constant 112 : index
      %parallel_loop3A_2747 = tpu.vector_load %arg14[%parallel_loop3A_2744, %parallel_loop3A_2745, %parallel_loop3A_2746] {strides = array<i32>} : memref<3x128x128xf32, #tpu.memory_space<vmem>>, vector<16xf32>,
      %parallel_loop3A_2748 = arith.mulf %parallel_loop3A_2742, %parallel_loop3A_2747 : vector<16xf32>
      %parallel_loop3A_2749 = arith.addf %parallel_loop3A_2671, %parallel_loop3A_2682 : vector<16xf32>
      %parallel_loop3A_2750 = arith.addf %parallel_loop3A_2693, %parallel_loop3A_2704 : vector<16xf32>
      %parallel_loop3A_2751 = arith.addf %parallel_loop3A_2715, %parallel_loop3A_2726 : vector<16xf32>
      %parallel_loop3A_2752 = arith.addf %parallel_loop3A_2737, %parallel_loop3A_2748 : vector<16xf32>
      %parallel_loop3A_2753 = arith.addf %parallel_loop3A_2749, %parallel_loop3A_2750 : vector<16xf32>
      %parallel_loop3A_2754 = arith.addf %parallel_loop3A_2751, %parallel_loop3A_2752 : vector<16xf32>
      %parallel_loop3A_2755 = arith.addf %parallel_loop3A_2753, %parallel_loop3A_2754 : vector<16xf32>
      %parallel_loop3A_2756 = arith.index_cast %parallel_loop3A_2660 : i32 to index
      %parallel_loop3A_2757 = arith.constant 0 : index
      %parallel_loop3A_2758 = tpu.vector_load %arg15[%parallel_loop3A_2756, %parallel_loop3A_2757] {strides = array<i32>} : memref<128x16xf32, #tpu.memory_space<vmem>>, vector<16xf32>,
      tpu.vector_store %arg15[%parallel_loop3A_2756, %parallel_loop3A_2757], %parallel_loop3A_2755 {strides = array<i32>} : memref<128x16xf32, #tpu.memory_space<vmem>>, vector<16xf32>,
    } {sc.loop_unroll_factor = 2 : i64, sc.parallel_access}
    %add3A_1415 = arith.constant 0 : i32
    %add3A_1416 = vector.broadcast %add3A_1415 : i32 to vector<16xi32>
    %add3A_1417 = arith.addi %iota3A, %add3A_1416 : vector<16xi32>
    %broadcast_in_dim3A_1418 = arith.constant 0 : i32
    %broadcast_in_dim3A_1419 = vector.broadcast %broadcast_in_dim3A_1418 : i32 to vector<16xi32>
    %gather3A_1420 = tpu.vector_load_idx %arg15[%add3A_1417, %broadcast_in_dim3A_1419] : memref<128x16xf32, #tpu.memory_space<vmem>>[vector<16xi32>, vector<16xi32>], vector<16xf32>,
    %broadcast_in_dim3A_1421 = arith.constant 1 : i32
    %broadcast_in_dim3A_1422 = vector.broadcast %broadcast_in_dim3A_1421 : i32 to vector<16xi32>
    %gather3A_1423 = tpu.vector_load_idx %arg15[%add3A_1417, %broadcast_in_dim3A_1422] : memref<128x16xf32, #tpu.memory_space<vmem>>[vector<16xi32>, vector<16xi32>], vector<16xf32>,
    %broadcast_in_dim3A_1424 = arith.constant 2 : i32
    %broadcast_in_dim3A_1425 = vector.broadcast %broadcast_in_dim3A_1424 : i32 to vector<16xi32>
    %gather3A_1426 = tpu.vector_load_idx %arg15[%add3A_1417, %broadcast_in_dim3A_1425] : memref<128x16xf32, #tpu.memory_space<vmem>>[vector<16xi32>, vector<16xi32>], vector<16xf32>,
    %broadcast_in_dim3A_1427 = arith.constant 3 : i32
    %broadcast_in_dim3A_1428 = vector.broadcast %broadcast_in_dim3A_1427 : i32 to vector<16xi32>
    %gather3A_1429 = tpu.vector_load_idx %arg15[%add3A_1417, %broadcast_in_dim3A_1428] : memref<128x16xf32, #tpu.memory_space<vmem>>[vector<16xi32>, vector<16xi32>], vector<16xf32>,
    %broadcast_in_dim3A_1430 = arith.constant 4 : i32
    %broadcast_in_dim3A_1431 = vector.broadcast %broadcast_in_dim3A_1430 : i32 to vector<16xi32>
    %gather3A_1432 = tpu.vector_load_idx %arg15[%add3A_1417, %broadcast_in_dim3A_1431] : memref<128x16xf32, #tpu.memory_space<vmem>>[vector<16xi32>, vector<16xi32>], vector<16xf32>,
    %broadcast_in_dim3A_1433 = arith.constant 5 : i32
    %broadcast_in_dim3A_1434 = vector.broadcast %broadcast_in_dim3A_1433 : i32 to vector<16xi32>
    %gather3A_1435 = tpu.vector_load_idx %arg15[%add3A_1417, %broadcast_in_dim3A_1434] : memref<128x16xf32, #tpu.memory_space<vmem>>[vector<16xi32>, vector<16xi32>], vector<16xf32>,
    %broadcast_in_dim3A_1436 = arith.constant 6 : i32
    %broadcast_in_dim3A_1437 = vector.broadcast %broadcast_in_dim3A_1436 : i32 to vector<16xi32>
    %gather3A_1438 = tpu.vector_load_idx %arg15[%add3A_1417, %broadcast_in_dim3A_1437] : memref<128x16xf32, #tpu.memory_space<vmem>>[vector<16xi32>, vector<16xi32>], vector<16xf32>,
    %broadcast_in_dim3A_1439 = arith.constant 7 : i32
    %broadcast_in_dim3A_1440 = vector.broadcast %broadcast_in_dim3A_1439 : i32 to vector<16xi32>
    %gather3A_1441 = tpu.vector_load_idx %arg15[%add3A_1417, %broadcast_in_dim3A_1440] : memref<128x16xf32, #tpu.memory_space<vmem>>[vector<16xi32>, vector<16xi32>], vector<16xf32>,
    %broadcast_in_dim3A_1442 = arith.constant 8 : i32
    %broadcast_in_dim3A_1443 = vector.broadcast %broadcast_in_dim3A_1442 : i32 to vector<16xi32>
    %gather3A_1444 = tpu.vector_load_idx %arg15[%add3A_1417, %broadcast_in_dim3A_1443] : memref<128x16xf32, #tpu.memory_space<vmem>>[vector<16xi32>, vector<16xi32>], vector<16xf32>,
    %broadcast_in_dim3A_1445 = arith.constant 9 : i32
    %broadcast_in_dim3A_1446 = vector.broadcast %broadcast_in_dim3A_1445 : i32 to vector<16xi32>
    %gather3A_1447 = tpu.vector_load_idx %arg15[%add3A_1417, %broadcast_in_dim3A_1446] : memref<128x16xf32, #tpu.memory_space<vmem>>[vector<16xi32>, vector<16xi32>], vector<16xf32>,
    %broadcast_in_dim3A_1448 = arith.constant 10 : i32
    %broadcast_in_dim3A_1449 = vector.broadcast %broadcast_in_dim3A_1448 : i32 to vector<16xi32>
    %gather3A_1450 = tpu.vector_load_idx %arg15[%add3A_1417, %broadcast_in_dim3A_1449] : memref<128x16xf32, #tpu.memory_space<vmem>>[vector<16xi32>, vector<16xi32>], vector<16xf32>,
    %broadcast_in_dim3A_1451 = arith.constant 11 : i32
    %broadcast_in_dim3A_1452 = vector.broadcast %broadcast_in_dim3A_1451 : i32 to vector<16xi32>
    %gather3A_1453 = tpu.vector_load_idx %arg15[%add3A_1417, %broadcast_in_dim3A_1452] : memref<128x16xf32, #tpu.memory_space<vmem>>[vector<16xi32>, vector<16xi32>], vector<16xf32>,
    %broadcast_in_dim3A_1454 = arith.constant 12 : i32
    %broadcast_in_dim3A_1455 = vector.broadcast %broadcast_in_dim3A_1454 : i32 to vector<16xi32>
    %gather3A_1456 = tpu.vector_load_idx %arg15[%add3A_1417, %broadcast_in_dim3A_1455] : memref<128x16xf32, #tpu.memory_space<vmem>>[vector<16xi32>, vector<16xi32>], vector<16xf32>,
    %broadcast_in_dim3A_1457 = arith.constant 13 : i32
    %broadcast_in_dim3A_1458 = vector.broadcast %broadcast_in_dim3A_1457 : i32 to vector<16xi32>
    %gather3A_1459 = tpu.vector_load_idx %arg15[%add3A_1417, %broadcast_in_dim3A_1458] : memref<128x16xf32, #tpu.memory_space<vmem>>[vector<16xi32>, vector<16xi32>], vector<16xf32>,
    %broadcast_in_dim3A_1460 = arith.constant 14 : i32
    %broadcast_in_dim3A_1461 = vector.broadcast %broadcast_in_dim3A_1460 : i32 to vector<16xi32>
    %gather3A_1462 = tpu.vector_load_idx %arg15[%add3A_1417, %broadcast_in_dim3A_1461] : memref<128x16xf32, #tpu.memory_space<vmem>>[vector<16xi32>, vector<16xi32>], vector<16xf32>,
    %broadcast_in_dim3A_1463 = arith.constant 15 : i32
    %broadcast_in_dim3A_1464 = vector.broadcast %broadcast_in_dim3A_1463 : i32 to vector<16xi32>
    %gather3A_1465 = tpu.vector_load_idx %arg15[%add3A_1417, %broadcast_in_dim3A_1464] : memref<128x16xf32, #tpu.memory_space<vmem>>[vector<16xi32>, vector<16xi32>], vector<16xf32>,
    %add3A_1466 = arith.addf %gather3A_1420, %gather3A_1423 : vector<16xf32>
    %add3A_1467 = arith.addf %gather3A_1426, %gather3A_1429 : vector<16xf32>
    %add3A_1468 = arith.addf %gather3A_1432, %gather3A_1435 : vector<16xf32>
    %add3A_1469 = arith.addf %gather3A_1438, %gather3A_1441 : vector<16xf32>
    %add3A_1470 = arith.addf %gather3A_1444, %gather3A_1447 : vector<16xf32>
    %add3A_1471 = arith.addf %gather3A_1450, %gather3A_1453 : vector<16xf32>
    %add3A_1472 = arith.addf %gather3A_1456, %gather3A_1459 : vector<16xf32>
    %add3A_1473 = arith.addf %gather3A_1462, %gather3A_1465 : vector<16xf32>
    %add3A_1474 = arith.addf %add3A_1466, %add3A_1467 : vector<16xf32>
    %add3A_1475 = arith.addf %add3A_1468, %add3A_1469 : vector<16xf32>
    %add3A_1476 = arith.addf %add3A_1470, %add3A_1471 : vector<16xf32>
    %add3A_1477 = arith.addf %add3A_1472, %add3A_1473 : vector<16xf32>
    %add3A_1478 = arith.addf %add3A_1474, %add3A_1475 : vector<16xf32>
    %add3A_1479 = arith.addf %add3A_1476, %add3A_1477 : vector<16xf32>
    %add3A_1480 = arith.addf %add3A_1478, %add3A_1479 : vector<16xf32>
    %get3A_1481 = arith.constant 256 : index
    %get3A_1482 = tpu.vector_load %arg12[%get3A_1481] {strides = array<i32>} : memref<512xi32, #tpu.memory_space<vmem>>, vector<16xi32>,
    %gather3A_1483 = tpu.vector_load_idx %arg17[%get3A_1482] : memref<1024xf32, #tpu.memory_space<vmem>>[vector<16xi32>], vector<16xf32>,
    %add3A_1484 = arith.addf %add3A_1480, %get3A_90 : vector<16xf32>
    %mul3A_1485 = arith.constant 1.000000e-01 : f32
    %mul3A_1486 = vector.broadcast %mul3A_1485 : f32 to vector<16xf32>
    %mul3A_1487 = arith.mulf %gather3A_1483, %mul3A_1486 : vector<16xf32>
    %add3A_1488 = arith.addf %add3A_1484, %mul3A_1487 : vector<16xf32>
    %swap3A_1489 = arith.constant 256 : index
    %swap3A_1490 = tpu.vector_load %arg20[%swap3A_1489] {strides = array<i32>} : memref<512xf32, #tpu.memory_space<vmem>>, vector<16xf32>,
    tpu.vector_store %arg20[%swap3A_1489], %add3A_1488 {strides = array<i32>} : memref<512xf32, #tpu.memory_space<vmem>>, vector<16xf32>,
    %add3A_1491 = arith.constant 16 : i32
    %add3A_1492 = vector.broadcast %add3A_1491 : i32 to vector<16xi32>
    %add3A_1493 = arith.addi %iota3A, %add3A_1492 : vector<16xi32>
    %broadcast_in_dim3A_1494 = arith.constant 0 : i32
    %broadcast_in_dim3A_1495 = vector.broadcast %broadcast_in_dim3A_1494 : i32 to vector<16xi32>
    %gather3A_1496 = tpu.vector_load_idx %arg15[%add3A_1493, %broadcast_in_dim3A_1495] : memref<128x16xf32, #tpu.memory_space<vmem>>[vector<16xi32>, vector<16xi32>], vector<16xf32>,
    %broadcast_in_dim3A_1497 = arith.constant 1 : i32
    %broadcast_in_dim3A_1498 = vector.broadcast %broadcast_in_dim3A_1497 : i32 to vector<16xi32>
    %gather3A_1499 = tpu.vector_load_idx %arg15[%add3A_1493, %broadcast_in_dim3A_1498] : memref<128x16xf32, #tpu.memory_space<vmem>>[vector<16xi32>, vector<16xi32>], vector<16xf32>,
    %broadcast_in_dim3A_1500 = arith.constant 2 : i32
    %broadcast_in_dim3A_1501 = vector.broadcast %broadcast_in_dim3A_1500 : i32 to vector<16xi32>
    %gather3A_1502 = tpu.vector_load_idx %arg15[%add3A_1493, %broadcast_in_dim3A_1501] : memref<128x16xf32, #tpu.memory_space<vmem>>[vector<16xi32>, vector<16xi32>], vector<16xf32>,
    %broadcast_in_dim3A_1503 = arith.constant 3 : i32
    %broadcast_in_dim3A_1504 = vector.broadcast %broadcast_in_dim3A_1503 : i32 to vector<16xi32>
    %gather3A_1505 = tpu.vector_load_idx %arg15[%add3A_1493, %broadcast_in_dim3A_1504] : memref<128x16xf32, #tpu.memory_space<vmem>>[vector<16xi32>, vector<16xi32>], vector<16xf32>,
    %broadcast_in_dim3A_1506 = arith.constant 4 : i32
    %broadcast_in_dim3A_1507 = vector.broadcast %broadcast_in_dim3A_1506 : i32 to vector<16xi32>
    %gather3A_1508 = tpu.vector_load_idx %arg15[%add3A_1493, %broadcast_in_dim3A_1507] : memref<128x16xf32, #tpu.memory_space<vmem>>[vector<16xi32>, vector<16xi32>], vector<16xf32>,
    %broadcast_in_dim3A_1509 = arith.constant 5 : i32
    %broadcast_in_dim3A_1510 = vector.broadcast %broadcast_in_dim3A_1509 : i32 to vector<16xi32>
    %gather3A_1511 = tpu.vector_load_idx %arg15[%add3A_1493, %broadcast_in_dim3A_1510] : memref<128x16xf32, #tpu.memory_space<vmem>>[vector<16xi32>, vector<16xi32>], vector<16xf32>,
    %broadcast_in_dim3A_1512 = arith.constant 6 : i32
    %broadcast_in_dim3A_1513 = vector.broadcast %broadcast_in_dim3A_1512 : i32 to vector<16xi32>
    %gather3A_1514 = tpu.vector_load_idx %arg15[%add3A_1493, %broadcast_in_dim3A_1513] : memref<128x16xf32, #tpu.memory_space<vmem>>[vector<16xi32>, vector<16xi32>], vector<16xf32>,
    %broadcast_in_dim3A_1515 = arith.constant 7 : i32
    %broadcast_in_dim3A_1516 = vector.broadcast %broadcast_in_dim3A_1515 : i32 to vector<16xi32>
    %gather3A_1517 = tpu.vector_load_idx %arg15[%add3A_1493, %broadcast_in_dim3A_1516] : memref<128x16xf32, #tpu.memory_space<vmem>>[vector<16xi32>, vector<16xi32>], vector<16xf32>,
    %broadcast_in_dim3A_1518 = arith.constant 8 : i32
    %broadcast_in_dim3A_1519 = vector.broadcast %broadcast_in_dim3A_1518 : i32 to vector<16xi32>
    %gather3A_1520 = tpu.vector_load_idx %arg15[%add3A_1493, %broadcast_in_dim3A_1519] : memref<128x16xf32, #tpu.memory_space<vmem>>[vector<16xi32>, vector<16xi32>], vector<16xf32>,
    %broadcast_in_dim3A_1521 = arith.constant 9 : i32
    %broadcast_in_dim3A_1522 = vector.broadcast %broadcast_in_dim3A_1521 : i32 to vector<16xi32>
    %gather3A_1523 = tpu.vector_load_idx %arg15[%add3A_1493, %broadcast_in_dim3A_1522] : memref<128x16xf32, #tpu.memory_space<vmem>>[vector<16xi32>, vector<16xi32>], vector<16xf32>,
    %broadcast_in_dim3A_1524 = arith.constant 10 : i32
    %broadcast_in_dim3A_1525 = vector.broadcast %broadcast_in_dim3A_1524 : i32 to vector<16xi32>
    %gather3A_1526 = tpu.vector_load_idx %arg15[%add3A_1493, %broadcast_in_dim3A_1525] : memref<128x16xf32, #tpu.memory_space<vmem>>[vector<16xi32>, vector<16xi32>], vector<16xf32>,
    %broadcast_in_dim3A_1527 = arith.constant 11 : i32
    %broadcast_in_dim3A_1528 = vector.broadcast %broadcast_in_dim3A_1527 : i32 to vector<16xi32>
    %gather3A_1529 = tpu.vector_load_idx %arg15[%add3A_1493, %broadcast_in_dim3A_1528] : memref<128x16xf32, #tpu.memory_space<vmem>>[vector<16xi32>, vector<16xi32>], vector<16xf32>,
    %broadcast_in_dim3A_1530 = arith.constant 12 : i32
    %broadcast_in_dim3A_1531 = vector.broadcast %broadcast_in_dim3A_1530 : i32 to vector<16xi32>
    %gather3A_1532 = tpu.vector_load_idx %arg15[%add3A_1493, %broadcast_in_dim3A_1531] : memref<128x16xf32, #tpu.memory_space<vmem>>[vector<16xi32>, vector<16xi32>], vector<16xf32>,
    %broadcast_in_dim3A_1533 = arith.constant 13 : i32
    %broadcast_in_dim3A_1534 = vector.broadcast %broadcast_in_dim3A_1533 : i32 to vector<16xi32>
    %gather3A_1535 = tpu.vector_load_idx %arg15[%add3A_1493, %broadcast_in_dim3A_1534] : memref<128x16xf32, #tpu.memory_space<vmem>>[vector<16xi32>, vector<16xi32>], vector<16xf32>,
    %broadcast_in_dim3A_1536 = arith.constant 14 : i32
    %broadcast_in_dim3A_1537 = vector.broadcast %broadcast_in_dim3A_1536 : i32 to vector<16xi32>
    %gather3A_1538 = tpu.vector_load_idx %arg15[%add3A_1493, %broadcast_in_dim3A_1537] : memref<128x16xf32, #tpu.memory_space<vmem>>[vector<16xi32>, vector<16xi32>], vector<16xf32>,
    %broadcast_in_dim3A_1539 = arith.constant 15 : i32
    %broadcast_in_dim3A_1540 = vector.broadcast %broadcast_in_dim3A_1539 : i32 to vector<16xi32>
    %gather3A_1541 = tpu.vector_load_idx %arg15[%add3A_1493, %broadcast_in_dim3A_1540] : memref<128x16xf32, #tpu.memory_space<vmem>>[vector<16xi32>, vector<16xi32>], vector<16xf32>,
    %add3A_1542 = arith.addf %gather3A_1496, %gather3A_1499 : vector<16xf32>
    %add3A_1543 = arith.addf %gather3A_1502, %gather3A_1505 : vector<16xf32>
    %add3A_1544 = arith.addf %gather3A_1508, %gather3A_1511 : vector<16xf32>
    %add3A_1545 = arith.addf %gather3A_1514, %gather3A_1517 : vector<16xf32>
    %add3A_1546 = arith.addf %gather3A_1520, %gather3A_1523 : vector<16xf32>
    %add3A_1547 = arith.addf %gather3A_1526, %gather3A_1529 : vector<16xf32>
    %add3A_1548 = arith.addf %gather3A_1532, %gather3A_1535 : vector<16xf32>
    %add3A_1549 = arith.addf %gather3A_1538, %gather3A_1541 : vector<16xf32>
    %add3A_1550 = arith.addf %add3A_1542, %add3A_1543 : vector<16xf32>
    %add3A_1551 = arith.addf %add3A_1544, %add3A_1545 : vector<16xf32>
    %add3A_1552 = arith.addf %add3A_1546, %add3A_1547 : vector<16xf32>
    %add3A_1553 = arith.addf %add3A_1548, %add3A_1549 : vector<16xf32>
    %add3A_1554 = arith.addf %add3A_1550, %add3A_1551 : vector<16xf32>
    %add3A_1555 = arith.addf %add3A_1552, %add3A_1553 : vector<16xf32>
    %add3A_1556 = arith.addf %add3A_1554, %add3A_1555 : vector<16xf32>
    %get3A_1557 = arith.constant 272 : index
    %get3A_1558 = tpu.vector_load %arg12[%get3A_1557] {strides = array<i32>} : memref<512xi32, #tpu.memory_space<vmem>>, vector<16xi32>,
    %gather3A_1559 = tpu.vector_load_idx %arg17[%get3A_1558] : memref<1024xf32, #tpu.memory_space<vmem>>[vector<16xi32>], vector<16xf32>,
    %add3A_1560 = arith.addf %add3A_1556, %get3A_90 : vector<16xf32>
    %mul3A_1561 = arith.constant 1.000000e-01 : f32
    %mul3A_1562 = vector.broadcast %mul3A_1561 : f32 to vector<16xf32>
    %mul3A_1563 = arith.mulf %gather3A_1559, %mul3A_1562 : vector<16xf32>
    %add3A_1564 = arith.addf %add3A_1560, %mul3A_1563 : vector<16xf32>
    %swap3A_1565 = arith.constant 272 : index
    %swap3A_1566 = tpu.vector_load %arg20[%swap3A_1565] {strides = array<i32>} : memref<512xf32, #tpu.memory_space<vmem>>, vector<16xf32>,
    tpu.vector_store %arg20[%swap3A_1565], %add3A_1564 {strides = array<i32>} : memref<512xf32, #tpu.memory_space<vmem>>, vector<16xf32>,
    %add3A_1567 = arith.constant 32 : i32
    %add3A_1568 = vector.broadcast %add3A_1567 : i32 to vector<16xi32>
    %add3A_1569 = arith.addi %iota3A, %add3A_1568 : vector<16xi32>
    %broadcast_in_dim3A_1570 = arith.constant 0 : i32
    %broadcast_in_dim3A_1571 = vector.broadcast %broadcast_in_dim3A_1570 : i32 to vector<16xi32>
    %gather3A_1572 = tpu.vector_load_idx %arg15[%add3A_1569, %broadcast_in_dim3A_1571] : memref<128x16xf32, #tpu.memory_space<vmem>>[vector<16xi32>, vector<16xi32>], vector<16xf32>,
    %broadcast_in_dim3A_1573 = arith.constant 1 : i32
    %broadcast_in_dim3A_1574 = vector.broadcast %broadcast_in_dim3A_1573 : i32 to vector<16xi32>
    %gather3A_1575 = tpu.vector_load_idx %arg15[%add3A_1569, %broadcast_in_dim3A_1574] : memref<128x16xf32, #tpu.memory_space<vmem>>[vector<16xi32>, vector<16xi32>], vector<16xf32>,
    %broadcast_in_dim3A_1576 = arith.constant 2 : i32
    %broadcast_in_dim3A_1577 = vector.broadcast %broadcast_in_dim3A_1576 : i32 to vector<16xi32>
    %gather3A_1578 = tpu.vector_load_idx %arg15[%add3A_1569, %broadcast_in_dim3A_1577] : memref<128x16xf32, #tpu.memory_space<vmem>>[vector<16xi32>, vector<16xi32>], vector<16xf32>,
    %broadcast_in_dim3A_1579 = arith.constant 3 : i32
    %broadcast_in_dim3A_1580 = vector.broadcast %broadcast_in_dim3A_1579 : i32 to vector<16xi32>
    %gather3A_1581 = tpu.vector_load_idx %arg15[%add3A_1569, %broadcast_in_dim3A_1580] : memref<128x16xf32, #tpu.memory_space<vmem>>[vector<16xi32>, vector<16xi32>], vector<16xf32>,
    %broadcast_in_dim3A_1582 = arith.constant 4 : i32
    %broadcast_in_dim3A_1583 = vector.broadcast %broadcast_in_dim3A_1582 : i32 to vector<16xi32>
    %gather3A_1584 = tpu.vector_load_idx %arg15[%add3A_1569, %broadcast_in_dim3A_1583] : memref<128x16xf32, #tpu.memory_space<vmem>>[vector<16xi32>, vector<16xi32>], vector<16xf32>,
    %broadcast_in_dim3A_1585 = arith.constant 5 : i32
    %broadcast_in_dim3A_1586 = vector.broadcast %broadcast_in_dim3A_1585 : i32 to vector<16xi32>
    %gather3A_1587 = tpu.vector_load_idx %arg15[%add3A_1569, %broadcast_in_dim3A_1586] : memref<128x16xf32, #tpu.memory_space<vmem>>[vector<16xi32>, vector<16xi32>], vector<16xf32>,
    %broadcast_in_dim3A_1588 = arith.constant 6 : i32
    %broadcast_in_dim3A_1589 = vector.broadcast %broadcast_in_dim3A_1588 : i32 to vector<16xi32>
    %gather3A_1590 = tpu.vector_load_idx %arg15[%add3A_1569, %broadcast_in_dim3A_1589] : memref<128x16xf32, #tpu.memory_space<vmem>>[vector<16xi32>, vector<16xi32>], vector<16xf32>,
    %broadcast_in_dim3A_1591 = arith.constant 7 : i32
    %broadcast_in_dim3A_1592 = vector.broadcast %broadcast_in_dim3A_1591 : i32 to vector<16xi32>
    %gather3A_1593 = tpu.vector_load_idx %arg15[%add3A_1569, %broadcast_in_dim3A_1592] : memref<128x16xf32, #tpu.memory_space<vmem>>[vector<16xi32>, vector<16xi32>], vector<16xf32>,
    %broadcast_in_dim3A_1594 = arith.constant 8 : i32
    %broadcast_in_dim3A_1595 = vector.broadcast %broadcast_in_dim3A_1594 : i32 to vector<16xi32>
    %gather3A_1596 = tpu.vector_load_idx %arg15[%add3A_1569, %broadcast_in_dim3A_1595] : memref<128x16xf32, #tpu.memory_space<vmem>>[vector<16xi32>, vector<16xi32>], vector<16xf32>,
    %broadcast_in_dim3A_1597 = arith.constant 9 : i32
    %broadcast_in_dim3A_1598 = vector.broadcast %broadcast_in_dim3A_1597 : i32 to vector<16xi32>
    %gather3A_1599 = tpu.vector_load_idx %arg15[%add3A_1569, %broadcast_in_dim3A_1598] : memref<128x16xf32, #tpu.memory_space<vmem>>[vector<16xi32>, vector<16xi32>], vector<16xf32>,
    %broadcast_in_dim3A_1600 = arith.constant 10 : i32
    %broadcast_in_dim3A_1601 = vector.broadcast %broadcast_in_dim3A_1600 : i32 to vector<16xi32>
    %gather3A_1602 = tpu.vector_load_idx %arg15[%add3A_1569, %broadcast_in_dim3A_1601] : memref<128x16xf32, #tpu.memory_space<vmem>>[vector<16xi32>, vector<16xi32>], vector<16xf32>,
    %broadcast_in_dim3A_1603 = arith.constant 11 : i32
    %broadcast_in_dim3A_1604 = vector.broadcast %broadcast_in_dim3A_1603 : i32 to vector<16xi32>
    %gather3A_1605 = tpu.vector_load_idx %arg15[%add3A_1569, %broadcast_in_dim3A_1604] : memref<128x16xf32, #tpu.memory_space<vmem>>[vector<16xi32>, vector<16xi32>], vector<16xf32>,
    %broadcast_in_dim3A_1606 = arith.constant 12 : i32
    %broadcast_in_dim3A_1607 = vector.broadcast %broadcast_in_dim3A_1606 : i32 to vector<16xi32>
    %gather3A_1608 = tpu.vector_load_idx %arg15[%add3A_1569, %broadcast_in_dim3A_1607] : memref<128x16xf32, #tpu.memory_space<vmem>>[vector<16xi32>, vector<16xi32>], vector<16xf32>,
    %broadcast_in_dim3A_1609 = arith.constant 13 : i32
    %broadcast_in_dim3A_1610 = vector.broadcast %broadcast_in_dim3A_1609 : i32 to vector<16xi32>
    %gather3A_1611 = tpu.vector_load_idx %arg15[%add3A_1569, %broadcast_in_dim3A_1610] : memref<128x16xf32, #tpu.memory_space<vmem>>[vector<16xi32>, vector<16xi32>], vector<16xf32>,
    %broadcast_in_dim3A_1612 = arith.constant 14 : i32
    %broadcast_in_dim3A_1613 = vector.broadcast %broadcast_in_dim3A_1612 : i32 to vector<16xi32>
    %gather3A_1614 = tpu.vector_load_idx %arg15[%add3A_1569, %broadcast_in_dim3A_1613] : memref<128x16xf32, #tpu.memory_space<vmem>>[vector<16xi32>, vector<16xi32>], vector<16xf32>,
    %broadcast_in_dim3A_1615 = arith.constant 15 : i32
    %broadcast_in_dim3A_1616 = vector.broadcast %broadcast_in_dim3A_1615 : i32 to vector<16xi32>
    %gather3A_1617 = tpu.vector_load_idx %arg15[%add3A_1569, %broadcast_in_dim3A_1616] : memref<128x16xf32, #tpu.memory_space<vmem>>[vector<16xi32>, vector<16xi32>], vector<16xf32>,
    %add3A_1618 = arith.addf %gather3A_1572, %gather3A_1575 : vector<16xf32>
    %add3A_1619 = arith.addf %gather3A_1578, %gather3A_1581 : vector<16xf32>
    %add3A_1620 = arith.addf %gather3A_1584, %gather3A_1587 : vector<16xf32>
    %add3A_1621 = arith.addf %gather3A_1590, %gather3A_1593 : vector<16xf32>
    %add3A_1622 = arith.addf %gather3A_1596, %gather3A_1599 : vector<16xf32>
    %add3A_1623 = arith.addf %gather3A_1602, %gather3A_1605 : vector<16xf32>
    %add3A_1624 = arith.addf %gather3A_1608, %gather3A_1611 : vector<16xf32>
    %add3A_1625 = arith.addf %gather3A_1614, %gather3A_1617 : vector<16xf32>
    %add3A_1626 = arith.addf %add3A_1618, %add3A_1619 : vector<16xf32>
    %add3A_1627 = arith.addf %add3A_1620, %add3A_1621 : vector<16xf32>
    %add3A_1628 = arith.addf %add3A_1622, %add3A_1623 : vector<16xf32>
    %add3A_1629 = arith.addf %add3A_1624, %add3A_1625 : vector<16xf32>
    %add3A_1630 = arith.addf %add3A_1626, %add3A_1627 : vector<16xf32>
    %add3A_1631 = arith.addf %add3A_1628, %add3A_1629 : vector<16xf32>
    %add3A_1632 = arith.addf %add3A_1630, %add3A_1631 : vector<16xf32>
    %get3A_1633 = arith.constant 288 : index
    %get3A_1634 = tpu.vector_load %arg12[%get3A_1633] {strides = array<i32>} : memref<512xi32, #tpu.memory_space<vmem>>, vector<16xi32>,
    %gather3A_1635 = tpu.vector_load_idx %arg17[%get3A_1634] : memref<1024xf32, #tpu.memory_space<vmem>>[vector<16xi32>], vector<16xf32>,
    %add3A_1636 = arith.addf %add3A_1632, %get3A_90 : vector<16xf32>
    %mul3A_1637 = arith.constant 1.000000e-01 : f32
    %mul3A_1638 = vector.broadcast %mul3A_1637 : f32 to vector<16xf32>
    %mul3A_1639 = arith.mulf %gather3A_1635, %mul3A_1638 : vector<16xf32>
    %add3A_1640 = arith.addf %add3A_1636, %mul3A_1639 : vector<16xf32>
    %swap3A_1641 = arith.constant 288 : index
    %swap3A_1642 = tpu.vector_load %arg20[%swap3A_1641] {strides = array<i32>} : memref<512xf32, #tpu.memory_space<vmem>>, vector<16xf32>,
    tpu.vector_store %arg20[%swap3A_1641], %add3A_1640 {strides = array<i32>} : memref<512xf32, #tpu.memory_space<vmem>>, vector<16xf32>,
    %add3A_1643 = arith.constant 48 : i32
    %add3A_1644 = vector.broadcast %add3A_1643 : i32 to vector<16xi32>
    %add3A_1645 = arith.addi %iota3A, %add3A_1644 : vector<16xi32>
    %broadcast_in_dim3A_1646 = arith.constant 0 : i32
    %broadcast_in_dim3A_1647 = vector.broadcast %broadcast_in_dim3A_1646 : i32 to vector<16xi32>
    %gather3A_1648 = tpu.vector_load_idx %arg15[%add3A_1645, %broadcast_in_dim3A_1647] : memref<128x16xf32, #tpu.memory_space<vmem>>[vector<16xi32>, vector<16xi32>], vector<16xf32>,
    %broadcast_in_dim3A_1649 = arith.constant 1 : i32
    %broadcast_in_dim3A_1650 = vector.broadcast %broadcast_in_dim3A_1649 : i32 to vector<16xi32>
    %gather3A_1651 = tpu.vector_load_idx %arg15[%add3A_1645, %broadcast_in_dim3A_1650] : memref<128x16xf32, #tpu.memory_space<vmem>>[vector<16xi32>, vector<16xi32>], vector<16xf32>,
    %broadcast_in_dim3A_1652 = arith.constant 2 : i32
    %broadcast_in_dim3A_1653 = vector.broadcast %broadcast_in_dim3A_1652 : i32 to vector<16xi32>
    %gather3A_1654 = tpu.vector_load_idx %arg15[%add3A_1645, %broadcast_in_dim3A_1653] : memref<128x16xf32, #tpu.memory_space<vmem>>[vector<16xi32>, vector<16xi32>], vector<16xf32>,
    %broadcast_in_dim3A_1655 = arith.constant 3 : i32
    %broadcast_in_dim3A_1656 = vector.broadcast %broadcast_in_dim3A_1655 : i32 to vector<16xi32>
    %gather3A_1657 = tpu.vector_load_idx %arg15[%add3A_1645, %broadcast_in_dim3A_1656] : memref<128x16xf32, #tpu.memory_space<vmem>>[vector<16xi32>, vector<16xi32>], vector<16xf32>,
    %broadcast_in_dim3A_1658 = arith.constant 4 : i32
    %broadcast_in_dim3A_1659 = vector.broadcast %broadcast_in_dim3A_1658 : i32 to vector<16xi32>
    %gather3A_1660 = tpu.vector_load_idx %arg15[%add3A_1645, %broadcast_in_dim3A_1659] : memref<128x16xf32, #tpu.memory_space<vmem>>[vector<16xi32>, vector<16xi32>], vector<16xf32>,
    %broadcast_in_dim3A_1661 = arith.constant 5 : i32
    %broadcast_in_dim3A_1662 = vector.broadcast %broadcast_in_dim3A_1661 : i32 to vector<16xi32>
    %gather3A_1663 = tpu.vector_load_idx %arg15[%add3A_1645, %broadcast_in_dim3A_1662] : memref<128x16xf32, #tpu.memory_space<vmem>>[vector<16xi32>, vector<16xi32>], vector<16xf32>,
    %broadcast_in_dim3A_1664 = arith.constant 6 : i32
    %broadcast_in_dim3A_1665 = vector.broadcast %broadcast_in_dim3A_1664 : i32 to vector<16xi32>
    %gather3A_1666 = tpu.vector_load_idx %arg15[%add3A_1645, %broadcast_in_dim3A_1665] : memref<128x16xf32, #tpu.memory_space<vmem>>[vector<16xi32>, vector<16xi32>], vector<16xf32>,
    %broadcast_in_dim3A_1667 = arith.constant 7 : i32
    %broadcast_in_dim3A_1668 = vector.broadcast %broadcast_in_dim3A_1667 : i32 to vector<16xi32>
    %gather3A_1669 = tpu.vector_load_idx %arg15[%add3A_1645, %broadcast_in_dim3A_1668] : memref<128x16xf32, #tpu.memory_space<vmem>>[vector<16xi32>, vector<16xi32>], vector<16xf32>,
    %broadcast_in_dim3A_1670 = arith.constant 8 : i32
    %broadcast_in_dim3A_1671 = vector.broadcast %broadcast_in_dim3A_1670 : i32 to vector<16xi32>
    %gather3A_1672 = tpu.vector_load_idx %arg15[%add3A_1645, %broadcast_in_dim3A_1671] : memref<128x16xf32, #tpu.memory_space<vmem>>[vector<16xi32>, vector<16xi32>], vector<16xf32>,
    %broadcast_in_dim3A_1673 = arith.constant 9 : i32
    %broadcast_in_dim3A_1674 = vector.broadcast %broadcast_in_dim3A_1673 : i32 to vector<16xi32>
    %gather3A_1675 = tpu.vector_load_idx %arg15[%add3A_1645, %broadcast_in_dim3A_1674] : memref<128x16xf32, #tpu.memory_space<vmem>>[vector<16xi32>, vector<16xi32>], vector<16xf32>,
    %broadcast_in_dim3A_1676 = arith.constant 10 : i32
    %broadcast_in_dim3A_1677 = vector.broadcast %broadcast_in_dim3A_1676 : i32 to vector<16xi32>
    %gather3A_1678 = tpu.vector_load_idx %arg15[%add3A_1645, %broadcast_in_dim3A_1677] : memref<128x16xf32, #tpu.memory_space<vmem>>[vector<16xi32>, vector<16xi32>], vector<16xf32>,
    %broadcast_in_dim3A_1679 = arith.constant 11 : i32
    %broadcast_in_dim3A_1680 = vector.broadcast %broadcast_in_dim3A_1679 : i32 to vector<16xi32>
    %gather3A_1681 = tpu.vector_load_idx %arg15[%add3A_1645, %broadcast_in_dim3A_1680] : memref<128x16xf32, #tpu.memory_space<vmem>>[vector<16xi32>, vector<16xi32>], vector<16xf32>,
    %broadcast_in_dim3A_1682 = arith.constant 12 : i32
    %broadcast_in_dim3A_1683 = vector.broadcast %broadcast_in_dim3A_1682 : i32 to vector<16xi32>
    %gather3A_1684 = tpu.vector_load_idx %arg15[%add3A_1645, %broadcast_in_dim3A_1683] : memref<128x16xf32, #tpu.memory_space<vmem>>[vector<16xi32>, vector<16xi32>], vector<16xf32>,
    %broadcast_in_dim3A_1685 = arith.constant 13 : i32
    %broadcast_in_dim3A_1686 = vector.broadcast %broadcast_in_dim3A_1685 : i32 to vector<16xi32>
    %gather3A_1687 = tpu.vector_load_idx %arg15[%add3A_1645, %broadcast_in_dim3A_1686] : memref<128x16xf32, #tpu.memory_space<vmem>>[vector<16xi32>, vector<16xi32>], vector<16xf32>,
    %broadcast_in_dim3A_1688 = arith.constant 14 : i32
    %broadcast_in_dim3A_1689 = vector.broadcast %broadcast_in_dim3A_1688 : i32 to vector<16xi32>
    %gather3A_1690 = tpu.vector_load_idx %arg15[%add3A_1645, %broadcast_in_dim3A_1689] : memref<128x16xf32, #tpu.memory_space<vmem>>[vector<16xi32>, vector<16xi32>], vector<16xf32>,
    %broadcast_in_dim3A_1691 = arith.constant 15 : i32
    %broadcast_in_dim3A_1692 = vector.broadcast %broadcast_in_dim3A_1691 : i32 to vector<16xi32>
    %gather3A_1693 = tpu.vector_load_idx %arg15[%add3A_1645, %broadcast_in_dim3A_1692] : memref<128x16xf32, #tpu.memory_space<vmem>>[vector<16xi32>, vector<16xi32>], vector<16xf32>,
    %add3A_1694 = arith.addf %gather3A_1648, %gather3A_1651 : vector<16xf32>
    %add3A_1695 = arith.addf %gather3A_1654, %gather3A_1657 : vector<16xf32>
    %add3A_1696 = arith.addf %gather3A_1660, %gather3A_1663 : vector<16xf32>
    %add3A_1697 = arith.addf %gather3A_1666, %gather3A_1669 : vector<16xf32>
    %add3A_1698 = arith.addf %gather3A_1672, %gather3A_1675 : vector<16xf32>
    %add3A_1699 = arith.addf %gather3A_1678, %gather3A_1681 : vector<16xf32>
    %add3A_1700 = arith.addf %gather3A_1684, %gather3A_1687 : vector<16xf32>
    %add3A_1701 = arith.addf %gather3A_1690, %gather3A_1693 : vector<16xf32>
    %add3A_1702 = arith.addf %add3A_1694, %add3A_1695 : vector<16xf32>
    %add3A_1703 = arith.addf %add3A_1696, %add3A_1697 : vector<16xf32>
    %add3A_1704 = arith.addf %add3A_1698, %add3A_1699 : vector<16xf32>
    %add3A_1705 = arith.addf %add3A_1700, %add3A_1701 : vector<16xf32>
    %add3A_1706 = arith.addf %add3A_1702, %add3A_1703 : vector<16xf32>
    %add3A_1707 = arith.addf %add3A_1704, %add3A_1705 : vector<16xf32>
    %add3A_1708 = arith.addf %add3A_1706, %add3A_1707 : vector<16xf32>
    %get3A_1709 = arith.constant 304 : index
    %get3A_1710 = tpu.vector_load %arg12[%get3A_1709] {strides = array<i32>} : memref<512xi32, #tpu.memory_space<vmem>>, vector<16xi32>,
    %gather3A_1711 = tpu.vector_load_idx %arg17[%get3A_1710] : memref<1024xf32, #tpu.memory_space<vmem>>[vector<16xi32>], vector<16xf32>,
    %add3A_1712 = arith.addf %add3A_1708, %get3A_90 : vector<16xf32>
    %mul3A_1713 = arith.constant 1.000000e-01 : f32
    %mul3A_1714 = vector.broadcast %mul3A_1713 : f32 to vector<16xf32>
    %mul3A_1715 = arith.mulf %gather3A_1711, %mul3A_1714 : vector<16xf32>
    %add3A_1716 = arith.addf %add3A_1712, %mul3A_1715 : vector<16xf32>
    %swap3A_1717 = arith.constant 304 : index
    %swap3A_1718 = tpu.vector_load %arg20[%swap3A_1717] {strides = array<i32>} : memref<512xf32, #tpu.memory_space<vmem>>, vector<16xf32>,
    tpu.vector_store %arg20[%swap3A_1717], %add3A_1716 {strides = array<i32>} : memref<512xf32, #tpu.memory_space<vmem>>, vector<16xf32>,
    %add3A_1719 = arith.constant 64 : i32
    %add3A_1720 = vector.broadcast %add3A_1719 : i32 to vector<16xi32>
    %add3A_1721 = arith.addi %iota3A, %add3A_1720 : vector<16xi32>
    %broadcast_in_dim3A_1722 = arith.constant 0 : i32
    %broadcast_in_dim3A_1723 = vector.broadcast %broadcast_in_dim3A_1722 : i32 to vector<16xi32>
    %gather3A_1724 = tpu.vector_load_idx %arg15[%add3A_1721, %broadcast_in_dim3A_1723] : memref<128x16xf32, #tpu.memory_space<vmem>>[vector<16xi32>, vector<16xi32>], vector<16xf32>,
    %broadcast_in_dim3A_1725 = arith.constant 1 : i32
    %broadcast_in_dim3A_1726 = vector.broadcast %broadcast_in_dim3A_1725 : i32 to vector<16xi32>
    %gather3A_1727 = tpu.vector_load_idx %arg15[%add3A_1721, %broadcast_in_dim3A_1726] : memref<128x16xf32, #tpu.memory_space<vmem>>[vector<16xi32>, vector<16xi32>], vector<16xf32>,
    %broadcast_in_dim3A_1728 = arith.constant 2 : i32
    %broadcast_in_dim3A_1729 = vector.broadcast %broadcast_in_dim3A_1728 : i32 to vector<16xi32>
    %gather3A_1730 = tpu.vector_load_idx %arg15[%add3A_1721, %broadcast_in_dim3A_1729] : memref<128x16xf32, #tpu.memory_space<vmem>>[vector<16xi32>, vector<16xi32>], vector<16xf32>,
    %broadcast_in_dim3A_1731 = arith.constant 3 : i32
    %broadcast_in_dim3A_1732 = vector.broadcast %broadcast_in_dim3A_1731 : i32 to vector<16xi32>
    %gather3A_1733 = tpu.vector_load_idx %arg15[%add3A_1721, %broadcast_in_dim3A_1732] : memref<128x16xf32, #tpu.memory_space<vmem>>[vector<16xi32>, vector<16xi32>], vector<16xf32>,
    %broadcast_in_dim3A_1734 = arith.constant 4 : i32
    %broadcast_in_dim3A_1735 = vector.broadcast %broadcast_in_dim3A_1734 : i32 to vector<16xi32>
    %gather3A_1736 = tpu.vector_load_idx %arg15[%add3A_1721, %broadcast_in_dim3A_1735] : memref<128x16xf32, #tpu.memory_space<vmem>>[vector<16xi32>, vector<16xi32>], vector<16xf32>,
    %broadcast_in_dim3A_1737 = arith.constant 5 : i32
    %broadcast_in_dim3A_1738 = vector.broadcast %broadcast_in_dim3A_1737 : i32 to vector<16xi32>
    %gather3A_1739 = tpu.vector_load_idx %arg15[%add3A_1721, %broadcast_in_dim3A_1738] : memref<128x16xf32, #tpu.memory_space<vmem>>[vector<16xi32>, vector<16xi32>], vector<16xf32>,
    %broadcast_in_dim3A_1740 = arith.constant 6 : i32
    %broadcast_in_dim3A_1741 = vector.broadcast %broadcast_in_dim3A_1740 : i32 to vector<16xi32>
    %gather3A_1742 = tpu.vector_load_idx %arg15[%add3A_1721, %broadcast_in_dim3A_1741] : memref<128x16xf32, #tpu.memory_space<vmem>>[vector<16xi32>, vector<16xi32>], vector<16xf32>,
    %broadcast_in_dim3A_1743 = arith.constant 7 : i32
    %broadcast_in_dim3A_1744 = vector.broadcast %broadcast_in_dim3A_1743 : i32 to vector<16xi32>
    %gather3A_1745 = tpu.vector_load_idx %arg15[%add3A_1721, %broadcast_in_dim3A_1744] : memref<128x16xf32, #tpu.memory_space<vmem>>[vector<16xi32>, vector<16xi32>], vector<16xf32>,
    %broadcast_in_dim3A_1746 = arith.constant 8 : i32
    %broadcast_in_dim3A_1747 = vector.broadcast %broadcast_in_dim3A_1746 : i32 to vector<16xi32>
    %gather3A_1748 = tpu.vector_load_idx %arg15[%add3A_1721, %broadcast_in_dim3A_1747] : memref<128x16xf32, #tpu.memory_space<vmem>>[vector<16xi32>, vector<16xi32>], vector<16xf32>,
    %broadcast_in_dim3A_1749 = arith.constant 9 : i32
    %broadcast_in_dim3A_1750 = vector.broadcast %broadcast_in_dim3A_1749 : i32 to vector<16xi32>
    %gather3A_1751 = tpu.vector_load_idx %arg15[%add3A_1721, %broadcast_in_dim3A_1750] : memref<128x16xf32, #tpu.memory_space<vmem>>[vector<16xi32>, vector<16xi32>], vector<16xf32>,
    %broadcast_in_dim3A_1752 = arith.constant 10 : i32
    %broadcast_in_dim3A_1753 = vector.broadcast %broadcast_in_dim3A_1752 : i32 to vector<16xi32>
    %gather3A_1754 = tpu.vector_load_idx %arg15[%add3A_1721, %broadcast_in_dim3A_1753] : memref<128x16xf32, #tpu.memory_space<vmem>>[vector<16xi32>, vector<16xi32>], vector<16xf32>,
    %broadcast_in_dim3A_1755 = arith.constant 11 : i32
    %broadcast_in_dim3A_1756 = vector.broadcast %broadcast_in_dim3A_1755 : i32 to vector<16xi32>
    %gather3A_1757 = tpu.vector_load_idx %arg15[%add3A_1721, %broadcast_in_dim3A_1756] : memref<128x16xf32, #tpu.memory_space<vmem>>[vector<16xi32>, vector<16xi32>], vector<16xf32>,
    %broadcast_in_dim3A_1758 = arith.constant 12 : i32
    %broadcast_in_dim3A_1759 = vector.broadcast %broadcast_in_dim3A_1758 : i32 to vector<16xi32>
    %gather3A_1760 = tpu.vector_load_idx %arg15[%add3A_1721, %broadcast_in_dim3A_1759] : memref<128x16xf32, #tpu.memory_space<vmem>>[vector<16xi32>, vector<16xi32>], vector<16xf32>,
    %broadcast_in_dim3A_1761 = arith.constant 13 : i32
    %broadcast_in_dim3A_1762 = vector.broadcast %broadcast_in_dim3A_1761 : i32 to vector<16xi32>
    %gather3A_1763 = tpu.vector_load_idx %arg15[%add3A_1721, %broadcast_in_dim3A_1762] : memref<128x16xf32, #tpu.memory_space<vmem>>[vector<16xi32>, vector<16xi32>], vector<16xf32>,
    %broadcast_in_dim3A_1764 = arith.constant 14 : i32
    %broadcast_in_dim3A_1765 = vector.broadcast %broadcast_in_dim3A_1764 : i32 to vector<16xi32>
    %gather3A_1766 = tpu.vector_load_idx %arg15[%add3A_1721, %broadcast_in_dim3A_1765] : memref<128x16xf32, #tpu.memory_space<vmem>>[vector<16xi32>, vector<16xi32>], vector<16xf32>,
    %broadcast_in_dim3A_1767 = arith.constant 15 : i32
    %broadcast_in_dim3A_1768 = vector.broadcast %broadcast_in_dim3A_1767 : i32 to vector<16xi32>
    %gather3A_1769 = tpu.vector_load_idx %arg15[%add3A_1721, %broadcast_in_dim3A_1768] : memref<128x16xf32, #tpu.memory_space<vmem>>[vector<16xi32>, vector<16xi32>], vector<16xf32>,
    %add3A_1770 = arith.addf %gather3A_1724, %gather3A_1727 : vector<16xf32>
    %add3A_1771 = arith.addf %gather3A_1730, %gather3A_1733 : vector<16xf32>
    %add3A_1772 = arith.addf %gather3A_1736, %gather3A_1739 : vector<16xf32>
    %add3A_1773 = arith.addf %gather3A_1742, %gather3A_1745 : vector<16xf32>
    %add3A_1774 = arith.addf %gather3A_1748, %gather3A_1751 : vector<16xf32>
    %add3A_1775 = arith.addf %gather3A_1754, %gather3A_1757 : vector<16xf32>
    %add3A_1776 = arith.addf %gather3A_1760, %gather3A_1763 : vector<16xf32>
    %add3A_1777 = arith.addf %gather3A_1766, %gather3A_1769 : vector<16xf32>
    %add3A_1778 = arith.addf %add3A_1770, %add3A_1771 : vector<16xf32>
    %add3A_1779 = arith.addf %add3A_1772, %add3A_1773 : vector<16xf32>
    %add3A_1780 = arith.addf %add3A_1774, %add3A_1775 : vector<16xf32>
    %add3A_1781 = arith.addf %add3A_1776, %add3A_1777 : vector<16xf32>
    %add3A_1782 = arith.addf %add3A_1778, %add3A_1779 : vector<16xf32>
    %add3A_1783 = arith.addf %add3A_1780, %add3A_1781 : vector<16xf32>
    %add3A_1784 = arith.addf %add3A_1782, %add3A_1783 : vector<16xf32>
    %get3A_1785 = arith.constant 320 : index
    %get3A_1786 = tpu.vector_load %arg12[%get3A_1785] {strides = array<i32>} : memref<512xi32, #tpu.memory_space<vmem>>, vector<16xi32>,
    %gather3A_1787 = tpu.vector_load_idx %arg17[%get3A_1786] : memref<1024xf32, #tpu.memory_space<vmem>>[vector<16xi32>], vector<16xf32>,
    %add3A_1788 = arith.addf %add3A_1784, %get3A_90 : vector<16xf32>
    %mul3A_1789 = arith.constant 1.000000e-01 : f32
    %mul3A_1790 = vector.broadcast %mul3A_1789 : f32 to vector<16xf32>
    %mul3A_1791 = arith.mulf %gather3A_1787, %mul3A_1790 : vector<16xf32>
    %add3A_1792 = arith.addf %add3A_1788, %mul3A_1791 : vector<16xf32>
    %swap3A_1793 = arith.constant 320 : index
    %swap3A_1794 = tpu.vector_load %arg20[%swap3A_1793] {strides = array<i32>} : memref<512xf32, #tpu.memory_space<vmem>>, vector<16xf32>,
    tpu.vector_store %arg20[%swap3A_1793], %add3A_1792 {strides = array<i32>} : memref<512xf32, #tpu.memory_space<vmem>>, vector<16xf32>,
    %add3A_1795 = arith.constant 80 : i32
    %add3A_1796 = vector.broadcast %add3A_1795 : i32 to vector<16xi32>
    %add3A_1797 = arith.addi %iota3A, %add3A_1796 : vector<16xi32>
    %broadcast_in_dim3A_1798 = arith.constant 0 : i32
    %broadcast_in_dim3A_1799 = vector.broadcast %broadcast_in_dim3A_1798 : i32 to vector<16xi32>
    %gather3A_1800 = tpu.vector_load_idx %arg15[%add3A_1797, %broadcast_in_dim3A_1799] : memref<128x16xf32, #tpu.memory_space<vmem>>[vector<16xi32>, vector<16xi32>], vector<16xf32>,
    %broadcast_in_dim3A_1801 = arith.constant 1 : i32
    %broadcast_in_dim3A_1802 = vector.broadcast %broadcast_in_dim3A_1801 : i32 to vector<16xi32>
    %gather3A_1803 = tpu.vector_load_idx %arg15[%add3A_1797, %broadcast_in_dim3A_1802] : memref<128x16xf32, #tpu.memory_space<vmem>>[vector<16xi32>, vector<16xi32>], vector<16xf32>,
    %broadcast_in_dim3A_1804 = arith.constant 2 : i32
    %broadcast_in_dim3A_1805 = vector.broadcast %broadcast_in_dim3A_1804 : i32 to vector<16xi32>
    %gather3A_1806 = tpu.vector_load_idx %arg15[%add3A_1797, %broadcast_in_dim3A_1805] : memref<128x16xf32, #tpu.memory_space<vmem>>[vector<16xi32>, vector<16xi32>], vector<16xf32>,
    %broadcast_in_dim3A_1807 = arith.constant 3 : i32
    %broadcast_in_dim3A_1808 = vector.broadcast %broadcast_in_dim3A_1807 : i32 to vector<16xi32>
    %gather3A_1809 = tpu.vector_load_idx %arg15[%add3A_1797, %broadcast_in_dim3A_1808] : memref<128x16xf32, #tpu.memory_space<vmem>>[vector<16xi32>, vector<16xi32>], vector<16xf32>,
    %broadcast_in_dim3A_1810 = arith.constant 4 : i32
    %broadcast_in_dim3A_1811 = vector.broadcast %broadcast_in_dim3A_1810 : i32 to vector<16xi32>
    %gather3A_1812 = tpu.vector_load_idx %arg15[%add3A_1797, %broadcast_in_dim3A_1811] : memref<128x16xf32, #tpu.memory_space<vmem>>[vector<16xi32>, vector<16xi32>], vector<16xf32>,
    %broadcast_in_dim3A_1813 = arith.constant 5 : i32
    %broadcast_in_dim3A_1814 = vector.broadcast %broadcast_in_dim3A_1813 : i32 to vector<16xi32>
    %gather3A_1815 = tpu.vector_load_idx %arg15[%add3A_1797, %broadcast_in_dim3A_1814] : memref<128x16xf32, #tpu.memory_space<vmem>>[vector<16xi32>, vector<16xi32>], vector<16xf32>,
    %broadcast_in_dim3A_1816 = arith.constant 6 : i32
    %broadcast_in_dim3A_1817 = vector.broadcast %broadcast_in_dim3A_1816 : i32 to vector<16xi32>
    %gather3A_1818 = tpu.vector_load_idx %arg15[%add3A_1797, %broadcast_in_dim3A_1817] : memref<128x16xf32, #tpu.memory_space<vmem>>[vector<16xi32>, vector<16xi32>], vector<16xf32>,
    %broadcast_in_dim3A_1819 = arith.constant 7 : i32
    %broadcast_in_dim3A_1820 = vector.broadcast %broadcast_in_dim3A_1819 : i32 to vector<16xi32>
    %gather3A_1821 = tpu.vector_load_idx %arg15[%add3A_1797, %broadcast_in_dim3A_1820] : memref<128x16xf32, #tpu.memory_space<vmem>>[vector<16xi32>, vector<16xi32>], vector<16xf32>,
    %broadcast_in_dim3A_1822 = arith.constant 8 : i32
    %broadcast_in_dim3A_1823 = vector.broadcast %broadcast_in_dim3A_1822 : i32 to vector<16xi32>
    %gather3A_1824 = tpu.vector_load_idx %arg15[%add3A_1797, %broadcast_in_dim3A_1823] : memref<128x16xf32, #tpu.memory_space<vmem>>[vector<16xi32>, vector<16xi32>], vector<16xf32>,
    %broadcast_in_dim3A_1825 = arith.constant 9 : i32
    %broadcast_in_dim3A_1826 = vector.broadcast %broadcast_in_dim3A_1825 : i32 to vector<16xi32>
    %gather3A_1827 = tpu.vector_load_idx %arg15[%add3A_1797, %broadcast_in_dim3A_1826] : memref<128x16xf32, #tpu.memory_space<vmem>>[vector<16xi32>, vector<16xi32>], vector<16xf32>,
    %broadcast_in_dim3A_1828 = arith.constant 10 : i32
    %broadcast_in_dim3A_1829 = vector.broadcast %broadcast_in_dim3A_1828 : i32 to vector<16xi32>
    %gather3A_1830 = tpu.vector_load_idx %arg15[%add3A_1797, %broadcast_in_dim3A_1829] : memref<128x16xf32, #tpu.memory_space<vmem>>[vector<16xi32>, vector<16xi32>], vector<16xf32>,
    %broadcast_in_dim3A_1831 = arith.constant 11 : i32
    %broadcast_in_dim3A_1832 = vector.broadcast %broadcast_in_dim3A_1831 : i32 to vector<16xi32>
    %gather3A_1833 = tpu.vector_load_idx %arg15[%add3A_1797, %broadcast_in_dim3A_1832] : memref<128x16xf32, #tpu.memory_space<vmem>>[vector<16xi32>, vector<16xi32>], vector<16xf32>,
    %broadcast_in_dim3A_1834 = arith.constant 12 : i32
    %broadcast_in_dim3A_1835 = vector.broadcast %broadcast_in_dim3A_1834 : i32 to vector<16xi32>
    %gather3A_1836 = tpu.vector_load_idx %arg15[%add3A_1797, %broadcast_in_dim3A_1835] : memref<128x16xf32, #tpu.memory_space<vmem>>[vector<16xi32>, vector<16xi32>], vector<16xf32>,
    %broadcast_in_dim3A_1837 = arith.constant 13 : i32
    %broadcast_in_dim3A_1838 = vector.broadcast %broadcast_in_dim3A_1837 : i32 to vector<16xi32>
    %gather3A_1839 = tpu.vector_load_idx %arg15[%add3A_1797, %broadcast_in_dim3A_1838] : memref<128x16xf32, #tpu.memory_space<vmem>>[vector<16xi32>, vector<16xi32>], vector<16xf32>,
    %broadcast_in_dim3A_1840 = arith.constant 14 : i32
    %broadcast_in_dim3A_1841 = vector.broadcast %broadcast_in_dim3A_1840 : i32 to vector<16xi32>
    %gather3A_1842 = tpu.vector_load_idx %arg15[%add3A_1797, %broadcast_in_dim3A_1841] : memref<128x16xf32, #tpu.memory_space<vmem>>[vector<16xi32>, vector<16xi32>], vector<16xf32>,
    %broadcast_in_dim3A_1843 = arith.constant 15 : i32
    %broadcast_in_dim3A_1844 = vector.broadcast %broadcast_in_dim3A_1843 : i32 to vector<16xi32>
    %gather3A_1845 = tpu.vector_load_idx %arg15[%add3A_1797, %broadcast_in_dim3A_1844] : memref<128x16xf32, #tpu.memory_space<vmem>>[vector<16xi32>, vector<16xi32>], vector<16xf32>,
    %add3A_1846 = arith.addf %gather3A_1800, %gather3A_1803 : vector<16xf32>
    %add3A_1847 = arith.addf %gather3A_1806, %gather3A_1809 : vector<16xf32>
    %add3A_1848 = arith.addf %gather3A_1812, %gather3A_1815 : vector<16xf32>
    %add3A_1849 = arith.addf %gather3A_1818, %gather3A_1821 : vector<16xf32>
    %add3A_1850 = arith.addf %gather3A_1824, %gather3A_1827 : vector<16xf32>
    %add3A_1851 = arith.addf %gather3A_1830, %gather3A_1833 : vector<16xf32>
    %add3A_1852 = arith.addf %gather3A_1836, %gather3A_1839 : vector<16xf32>
    %add3A_1853 = arith.addf %gather3A_1842, %gather3A_1845 : vector<16xf32>
    %add3A_1854 = arith.addf %add3A_1846, %add3A_1847 : vector<16xf32>
    %add3A_1855 = arith.addf %add3A_1848, %add3A_1849 : vector<16xf32>
    %add3A_1856 = arith.addf %add3A_1850, %add3A_1851 : vector<16xf32>
    %add3A_1857 = arith.addf %add3A_1852, %add3A_1853 : vector<16xf32>
    %add3A_1858 = arith.addf %add3A_1854, %add3A_1855 : vector<16xf32>
    %add3A_1859 = arith.addf %add3A_1856, %add3A_1857 : vector<16xf32>
    %add3A_1860 = arith.addf %add3A_1858, %add3A_1859 : vector<16xf32>
    %get3A_1861 = arith.constant 336 : index
    %get3A_1862 = tpu.vector_load %arg12[%get3A_1861] {strides = array<i32>} : memref<512xi32, #tpu.memory_space<vmem>>, vector<16xi32>,
    %gather3A_1863 = tpu.vector_load_idx %arg17[%get3A_1862] : memref<1024xf32, #tpu.memory_space<vmem>>[vector<16xi32>], vector<16xf32>,
    %add3A_1864 = arith.addf %add3A_1860, %get3A_90 : vector<16xf32>
    %mul3A_1865 = arith.constant 1.000000e-01 : f32
    %mul3A_1866 = vector.broadcast %mul3A_1865 : f32 to vector<16xf32>
    %mul3A_1867 = arith.mulf %gather3A_1863, %mul3A_1866 : vector<16xf32>
    %add3A_1868 = arith.addf %add3A_1864, %mul3A_1867 : vector<16xf32>
    %swap3A_1869 = arith.constant 336 : index
    %swap3A_1870 = tpu.vector_load %arg20[%swap3A_1869] {strides = array<i32>} : memref<512xf32, #tpu.memory_space<vmem>>, vector<16xf32>,
    tpu.vector_store %arg20[%swap3A_1869], %add3A_1868 {strides = array<i32>} : memref<512xf32, #tpu.memory_space<vmem>>, vector<16xf32>,
    %add3A_1871 = arith.constant 96 : i32
    %add3A_1872 = vector.broadcast %add3A_1871 : i32 to vector<16xi32>
    %add3A_1873 = arith.addi %iota3A, %add3A_1872 : vector<16xi32>
    %broadcast_in_dim3A_1874 = arith.constant 0 : i32
    %broadcast_in_dim3A_1875 = vector.broadcast %broadcast_in_dim3A_1874 : i32 to vector<16xi32>
    %gather3A_1876 = tpu.vector_load_idx %arg15[%add3A_1873, %broadcast_in_dim3A_1875] : memref<128x16xf32, #tpu.memory_space<vmem>>[vector<16xi32>, vector<16xi32>], vector<16xf32>,
    %broadcast_in_dim3A_1877 = arith.constant 1 : i32
    %broadcast_in_dim3A_1878 = vector.broadcast %broadcast_in_dim3A_1877 : i32 to vector<16xi32>
    %gather3A_1879 = tpu.vector_load_idx %arg15[%add3A_1873, %broadcast_in_dim3A_1878] : memref<128x16xf32, #tpu.memory_space<vmem>>[vector<16xi32>, vector<16xi32>], vector<16xf32>,
    %broadcast_in_dim3A_1880 = arith.constant 2 : i32
    %broadcast_in_dim3A_1881 = vector.broadcast %broadcast_in_dim3A_1880 : i32 to vector<16xi32>
    %gather3A_1882 = tpu.vector_load_idx %arg15[%add3A_1873, %broadcast_in_dim3A_1881] : memref<128x16xf32, #tpu.memory_space<vmem>>[vector<16xi32>, vector<16xi32>], vector<16xf32>,
    %broadcast_in_dim3A_1883 = arith.constant 3 : i32
    %broadcast_in_dim3A_1884 = vector.broadcast %broadcast_in_dim3A_1883 : i32 to vector<16xi32>
    %gather3A_1885 = tpu.vector_load_idx %arg15[%add3A_1873, %broadcast_in_dim3A_1884] : memref<128x16xf32, #tpu.memory_space<vmem>>[vector<16xi32>, vector<16xi32>], vector<16xf32>,
    %broadcast_in_dim3A_1886 = arith.constant 4 : i32
    %broadcast_in_dim3A_1887 = vector.broadcast %broadcast_in_dim3A_1886 : i32 to vector<16xi32>
    %gather3A_1888 = tpu.vector_load_idx %arg15[%add3A_1873, %broadcast_in_dim3A_1887] : memref<128x16xf32, #tpu.memory_space<vmem>>[vector<16xi32>, vector<16xi32>], vector<16xf32>,
    %broadcast_in_dim3A_1889 = arith.constant 5 : i32
    %broadcast_in_dim3A_1890 = vector.broadcast %broadcast_in_dim3A_1889 : i32 to vector<16xi32>
    %gather3A_1891 = tpu.vector_load_idx %arg15[%add3A_1873, %broadcast_in_dim3A_1890] : memref<128x16xf32, #tpu.memory_space<vmem>>[vector<16xi32>, vector<16xi32>], vector<16xf32>,
    %broadcast_in_dim3A_1892 = arith.constant 6 : i32
    %broadcast_in_dim3A_1893 = vector.broadcast %broadcast_in_dim3A_1892 : i32 to vector<16xi32>
    %gather3A_1894 = tpu.vector_load_idx %arg15[%add3A_1873, %broadcast_in_dim3A_1893] : memref<128x16xf32, #tpu.memory_space<vmem>>[vector<16xi32>, vector<16xi32>], vector<16xf32>,
    %broadcast_in_dim3A_1895 = arith.constant 7 : i32
    %broadcast_in_dim3A_1896 = vector.broadcast %broadcast_in_dim3A_1895 : i32 to vector<16xi32>
    %gather3A_1897 = tpu.vector_load_idx %arg15[%add3A_1873, %broadcast_in_dim3A_1896] : memref<128x16xf32, #tpu.memory_space<vmem>>[vector<16xi32>, vector<16xi32>], vector<16xf32>,
    %broadcast_in_dim3A_1898 = arith.constant 8 : i32
    %broadcast_in_dim3A_1899 = vector.broadcast %broadcast_in_dim3A_1898 : i32 to vector<16xi32>
    %gather3A_1900 = tpu.vector_load_idx %arg15[%add3A_1873, %broadcast_in_dim3A_1899] : memref<128x16xf32, #tpu.memory_space<vmem>>[vector<16xi32>, vector<16xi32>], vector<16xf32>,
    %broadcast_in_dim3A_1901 = arith.constant 9 : i32
    %broadcast_in_dim3A_1902 = vector.broadcast %broadcast_in_dim3A_1901 : i32 to vector<16xi32>
    %gather3A_1903 = tpu.vector_load_idx %arg15[%add3A_1873, %broadcast_in_dim3A_1902] : memref<128x16xf32, #tpu.memory_space<vmem>>[vector<16xi32>, vector<16xi32>], vector<16xf32>,
    %broadcast_in_dim3A_1904 = arith.constant 10 : i32
    %broadcast_in_dim3A_1905 = vector.broadcast %broadcast_in_dim3A_1904 : i32 to vector<16xi32>
    %gather3A_1906 = tpu.vector_load_idx %arg15[%add3A_1873, %broadcast_in_dim3A_1905] : memref<128x16xf32, #tpu.memory_space<vmem>>[vector<16xi32>, vector<16xi32>], vector<16xf32>,
    %broadcast_in_dim3A_1907 = arith.constant 11 : i32
    %broadcast_in_dim3A_1908 = vector.broadcast %broadcast_in_dim3A_1907 : i32 to vector<16xi32>
    %gather3A_1909 = tpu.vector_load_idx %arg15[%add3A_1873, %broadcast_in_dim3A_1908] : memref<128x16xf32, #tpu.memory_space<vmem>>[vector<16xi32>, vector<16xi32>], vector<16xf32>,
    %broadcast_in_dim3A_1910 = arith.constant 12 : i32
    %broadcast_in_dim3A_1911 = vector.broadcast %broadcast_in_dim3A_1910 : i32 to vector<16xi32>
    %gather3A_1912 = tpu.vector_load_idx %arg15[%add3A_1873, %broadcast_in_dim3A_1911] : memref<128x16xf32, #tpu.memory_space<vmem>>[vector<16xi32>, vector<16xi32>], vector<16xf32>,
    %broadcast_in_dim3A_1913 = arith.constant 13 : i32
    %broadcast_in_dim3A_1914 = vector.broadcast %broadcast_in_dim3A_1913 : i32 to vector<16xi32>
    %gather3A_1915 = tpu.vector_load_idx %arg15[%add3A_1873, %broadcast_in_dim3A_1914] : memref<128x16xf32, #tpu.memory_space<vmem>>[vector<16xi32>, vector<16xi32>], vector<16xf32>,
    %broadcast_in_dim3A_1916 = arith.constant 14 : i32
    %broadcast_in_dim3A_1917 = vector.broadcast %broadcast_in_dim3A_1916 : i32 to vector<16xi32>
    %gather3A_1918 = tpu.vector_load_idx %arg15[%add3A_1873, %broadcast_in_dim3A_1917] : memref<128x16xf32, #tpu.memory_space<vmem>>[vector<16xi32>, vector<16xi32>], vector<16xf32>,
    %broadcast_in_dim3A_1919 = arith.constant 15 : i32
    %broadcast_in_dim3A_1920 = vector.broadcast %broadcast_in_dim3A_1919 : i32 to vector<16xi32>
    %gather3A_1921 = tpu.vector_load_idx %arg15[%add3A_1873, %broadcast_in_dim3A_1920] : memref<128x16xf32, #tpu.memory_space<vmem>>[vector<16xi32>, vector<16xi32>], vector<16xf32>,
    %add3A_1922 = arith.addf %gather3A_1876, %gather3A_1879 : vector<16xf32>
    %add3A_1923 = arith.addf %gather3A_1882, %gather3A_1885 : vector<16xf32>
    %add3A_1924 = arith.addf %gather3A_1888, %gather3A_1891 : vector<16xf32>
    %add3A_1925 = arith.addf %gather3A_1894, %gather3A_1897 : vector<16xf32>
    %add3A_1926 = arith.addf %gather3A_1900, %gather3A_1903 : vector<16xf32>
    %add3A_1927 = arith.addf %gather3A_1906, %gather3A_1909 : vector<16xf32>
    %add3A_1928 = arith.addf %gather3A_1912, %gather3A_1915 : vector<16xf32>
    %add3A_1929 = arith.addf %gather3A_1918, %gather3A_1921 : vector<16xf32>
    %add3A_1930 = arith.addf %add3A_1922, %add3A_1923 : vector<16xf32>
    %add3A_1931 = arith.addf %add3A_1924, %add3A_1925 : vector<16xf32>
    %add3A_1932 = arith.addf %add3A_1926, %add3A_1927 : vector<16xf32>
    %add3A_1933 = arith.addf %add3A_1928, %add3A_1929 : vector<16xf32>
    %add3A_1934 = arith.addf %add3A_1930, %add3A_1931 : vector<16xf32>
    %add3A_1935 = arith.addf %add3A_1932, %add3A_1933 : vector<16xf32>
    %add3A_1936 = arith.addf %add3A_1934, %add3A_1935 : vector<16xf32>
    %get3A_1937 = arith.constant 352 : index
    %get3A_1938 = tpu.vector_load %arg12[%get3A_1937] {strides = array<i32>} : memref<512xi32, #tpu.memory_space<vmem>>, vector<16xi32>,
    %gather3A_1939 = tpu.vector_load_idx %arg17[%get3A_1938] : memref<1024xf32, #tpu.memory_space<vmem>>[vector<16xi32>], vector<16xf32>,
    %add3A_1940 = arith.addf %add3A_1936, %get3A_90 : vector<16xf32>
    %mul3A_1941 = arith.constant 1.000000e-01 : f32
    %mul3A_1942 = vector.broadcast %mul3A_1941 : f32 to vector<16xf32>
    %mul3A_1943 = arith.mulf %gather3A_1939, %mul3A_1942 : vector<16xf32>
    %add3A_1944 = arith.addf %add3A_1940, %mul3A_1943 : vector<16xf32>
    %swap3A_1945 = arith.constant 352 : index
    %swap3A_1946 = tpu.vector_load %arg20[%swap3A_1945] {strides = array<i32>} : memref<512xf32, #tpu.memory_space<vmem>>, vector<16xf32>,
    tpu.vector_store %arg20[%swap3A_1945], %add3A_1944 {strides = array<i32>} : memref<512xf32, #tpu.memory_space<vmem>>, vector<16xf32>,
    %add3A_1947 = arith.constant 112 : i32
    %add3A_1948 = vector.broadcast %add3A_1947 : i32 to vector<16xi32>
    %add3A_1949 = arith.addi %iota3A, %add3A_1948 : vector<16xi32>
    %broadcast_in_dim3A_1950 = arith.constant 0 : i32
    %broadcast_in_dim3A_1951 = vector.broadcast %broadcast_in_dim3A_1950 : i32 to vector<16xi32>
    %gather3A_1952 = tpu.vector_load_idx %arg15[%add3A_1949, %broadcast_in_dim3A_1951] : memref<128x16xf32, #tpu.memory_space<vmem>>[vector<16xi32>, vector<16xi32>], vector<16xf32>,
    %broadcast_in_dim3A_1953 = arith.constant 1 : i32
    %broadcast_in_dim3A_1954 = vector.broadcast %broadcast_in_dim3A_1953 : i32 to vector<16xi32>
    %gather3A_1955 = tpu.vector_load_idx %arg15[%add3A_1949, %broadcast_in_dim3A_1954] : memref<128x16xf32, #tpu.memory_space<vmem>>[vector<16xi32>, vector<16xi32>], vector<16xf32>,
    %broadcast_in_dim3A_1956 = arith.constant 2 : i32
    %broadcast_in_dim3A_1957 = vector.broadcast %broadcast_in_dim3A_1956 : i32 to vector<16xi32>
    %gather3A_1958 = tpu.vector_load_idx %arg15[%add3A_1949, %broadcast_in_dim3A_1957] : memref<128x16xf32, #tpu.memory_space<vmem>>[vector<16xi32>, vector<16xi32>], vector<16xf32>,
    %broadcast_in_dim3A_1959 = arith.constant 3 : i32
    %broadcast_in_dim3A_1960 = vector.broadcast %broadcast_in_dim3A_1959 : i32 to vector<16xi32>
    %gather3A_1961 = tpu.vector_load_idx %arg15[%add3A_1949, %broadcast_in_dim3A_1960] : memref<128x16xf32, #tpu.memory_space<vmem>>[vector<16xi32>, vector<16xi32>], vector<16xf32>,
    %broadcast_in_dim3A_1962 = arith.constant 4 : i32
    %broadcast_in_dim3A_1963 = vector.broadcast %broadcast_in_dim3A_1962 : i32 to vector<16xi32>
    %gather3A_1964 = tpu.vector_load_idx %arg15[%add3A_1949, %broadcast_in_dim3A_1963] : memref<128x16xf32, #tpu.memory_space<vmem>>[vector<16xi32>, vector<16xi32>], vector<16xf32>,
    %broadcast_in_dim3A_1965 = arith.constant 5 : i32
    %broadcast_in_dim3A_1966 = vector.broadcast %broadcast_in_dim3A_1965 : i32 to vector<16xi32>
    %gather3A_1967 = tpu.vector_load_idx %arg15[%add3A_1949, %broadcast_in_dim3A_1966] : memref<128x16xf32, #tpu.memory_space<vmem>>[vector<16xi32>, vector<16xi32>], vector<16xf32>,
    %broadcast_in_dim3A_1968 = arith.constant 6 : i32
    %broadcast_in_dim3A_1969 = vector.broadcast %broadcast_in_dim3A_1968 : i32 to vector<16xi32>
    %gather3A_1970 = tpu.vector_load_idx %arg15[%add3A_1949, %broadcast_in_dim3A_1969] : memref<128x16xf32, #tpu.memory_space<vmem>>[vector<16xi32>, vector<16xi32>], vector<16xf32>,
    %broadcast_in_dim3A_1971 = arith.constant 7 : i32
    %broadcast_in_dim3A_1972 = vector.broadcast %broadcast_in_dim3A_1971 : i32 to vector<16xi32>
    %gather3A_1973 = tpu.vector_load_idx %arg15[%add3A_1949, %broadcast_in_dim3A_1972] : memref<128x16xf32, #tpu.memory_space<vmem>>[vector<16xi32>, vector<16xi32>], vector<16xf32>,
    %broadcast_in_dim3A_1974 = arith.constant 8 : i32
    %broadcast_in_dim3A_1975 = vector.broadcast %broadcast_in_dim3A_1974 : i32 to vector<16xi32>
    %gather3A_1976 = tpu.vector_load_idx %arg15[%add3A_1949, %broadcast_in_dim3A_1975] : memref<128x16xf32, #tpu.memory_space<vmem>>[vector<16xi32>, vector<16xi32>], vector<16xf32>,
    %broadcast_in_dim3A_1977 = arith.constant 9 : i32
    %broadcast_in_dim3A_1978 = vector.broadcast %broadcast_in_dim3A_1977 : i32 to vector<16xi32>
    %gather3A_1979 = tpu.vector_load_idx %arg15[%add3A_1949, %broadcast_in_dim3A_1978] : memref<128x16xf32, #tpu.memory_space<vmem>>[vector<16xi32>, vector<16xi32>], vector<16xf32>,
    %broadcast_in_dim3A_1980 = arith.constant 10 : i32
    %broadcast_in_dim3A_1981 = vector.broadcast %broadcast_in_dim3A_1980 : i32 to vector<16xi32>
    %gather3A_1982 = tpu.vector_load_idx %arg15[%add3A_1949, %broadcast_in_dim3A_1981] : memref<128x16xf32, #tpu.memory_space<vmem>>[vector<16xi32>, vector<16xi32>], vector<16xf32>,
    %broadcast_in_dim3A_1983 = arith.constant 11 : i32
    %broadcast_in_dim3A_1984 = vector.broadcast %broadcast_in_dim3A_1983 : i32 to vector<16xi32>
    %gather3A_1985 = tpu.vector_load_idx %arg15[%add3A_1949, %broadcast_in_dim3A_1984] : memref<128x16xf32, #tpu.memory_space<vmem>>[vector<16xi32>, vector<16xi32>], vector<16xf32>,
    %broadcast_in_dim3A_1986 = arith.constant 12 : i32
    %broadcast_in_dim3A_1987 = vector.broadcast %broadcast_in_dim3A_1986 : i32 to vector<16xi32>
    %gather3A_1988 = tpu.vector_load_idx %arg15[%add3A_1949, %broadcast_in_dim3A_1987] : memref<128x16xf32, #tpu.memory_space<vmem>>[vector<16xi32>, vector<16xi32>], vector<16xf32>,
    %broadcast_in_dim3A_1989 = arith.constant 13 : i32
    %broadcast_in_dim3A_1990 = vector.broadcast %broadcast_in_dim3A_1989 : i32 to vector<16xi32>
    %gather3A_1991 = tpu.vector_load_idx %arg15[%add3A_1949, %broadcast_in_dim3A_1990] : memref<128x16xf32, #tpu.memory_space<vmem>>[vector<16xi32>, vector<16xi32>], vector<16xf32>,
    %broadcast_in_dim3A_1992 = arith.constant 14 : i32
    %broadcast_in_dim3A_1993 = vector.broadcast %broadcast_in_dim3A_1992 : i32 to vector<16xi32>
    %gather3A_1994 = tpu.vector_load_idx %arg15[%add3A_1949, %broadcast_in_dim3A_1993] : memref<128x16xf32, #tpu.memory_space<vmem>>[vector<16xi32>, vector<16xi32>], vector<16xf32>,
    %broadcast_in_dim3A_1995 = arith.constant 15 : i32
    %broadcast_in_dim3A_1996 = vector.broadcast %broadcast_in_dim3A_1995 : i32 to vector<16xi32>
    %gather3A_1997 = tpu.vector_load_idx %arg15[%add3A_1949, %broadcast_in_dim3A_1996] : memref<128x16xf32, #tpu.memory_space<vmem>>[vector<16xi32>, vector<16xi32>], vector<16xf32>,
    %add3A_1998 = arith.addf %gather3A_1952, %gather3A_1955 : vector<16xf32>
    %add3A_1999 = arith.addf %gather3A_1958, %gather3A_1961 : vector<16xf32>
    %add3A_2000 = arith.addf %gather3A_1964, %gather3A_1967 : vector<16xf32>
    %add3A_2001 = arith.addf %gather3A_1970, %gather3A_1973 : vector<16xf32>
    %add3A_2002 = arith.addf %gather3A_1976, %gather3A_1979 : vector<16xf32>
    %add3A_2003 = arith.addf %gather3A_1982, %gather3A_1985 : vector<16xf32>
    %add3A_2004 = arith.addf %gather3A_1988, %gather3A_1991 : vector<16xf32>
    %add3A_2005 = arith.addf %gather3A_1994, %gather3A_1997 : vector<16xf32>
    %add3A_2006 = arith.addf %add3A_1998, %add3A_1999 : vector<16xf32>
    %add3A_2007 = arith.addf %add3A_2000, %add3A_2001 : vector<16xf32>
    %add3A_2008 = arith.addf %add3A_2002, %add3A_2003 : vector<16xf32>
    %add3A_2009 = arith.addf %add3A_2004, %add3A_2005 : vector<16xf32>
    %add3A_2010 = arith.addf %add3A_2006, %add3A_2007 : vector<16xf32>
    %add3A_2011 = arith.addf %add3A_2008, %add3A_2009 : vector<16xf32>
    %add3A_2012 = arith.addf %add3A_2010, %add3A_2011 : vector<16xf32>
    %get3A_2013 = arith.constant 368 : index
    %get3A_2014 = tpu.vector_load %arg12[%get3A_2013] {strides = array<i32>} : memref<512xi32, #tpu.memory_space<vmem>>, vector<16xi32>,
    %gather3A_2015 = tpu.vector_load_idx %arg17[%get3A_2014] : memref<1024xf32, #tpu.memory_space<vmem>>[vector<16xi32>], vector<16xf32>,
    %add3A_2016 = arith.addf %add3A_2012, %get3A_90 : vector<16xf32>
    %mul3A_2017 = arith.constant 1.000000e-01 : f32
    %mul3A_2018 = vector.broadcast %mul3A_2017 : f32 to vector<16xf32>
    %mul3A_2019 = arith.mulf %gather3A_2015, %mul3A_2018 : vector<16xf32>
    %add3A_2020 = arith.addf %add3A_2016, %mul3A_2019 : vector<16xf32>
    %swap3A_2021 = arith.constant 368 : index
    %swap3A_2022 = tpu.vector_load %arg20[%swap3A_2021] {strides = array<i32>} : memref<512xf32, #tpu.memory_space<vmem>>, vector<16xf32>,
    tpu.vector_store %arg20[%swap3A_2021], %add3A_2020 {strides = array<i32>} : memref<512xf32, #tpu.memory_space<vmem>>, vector<16xf32>,
    %dma_wait3A_2023 = arith.constant 0 : i32
    %dma_wait3A_2024 = arith.constant 0 : i32
    %dma_wait3A_2025 = arith.constant 0 : i32
    %dma_wait3A_2026 = arith.constant 0 : i32
    %dma_wait3A_2027 = tpu.memref_slice %arg13[%dma_wait3A_2023, %dma_wait3A_2025, %dma_wait3A_2026] : memref<3x128x128xf32, #tpu.memory_space<vmem>> -> memref<1x128x128xf32, #tpu.memory_space<vmem>>
    %dma_wait3A_2028 = tpu.memref_squeeze %dma_wait3A_2027 : memref<1x128x128xf32, #tpu.memory_space<vmem>> -> memref<128x128xf32, #tpu.memory_space<vmem>>
    %dma_wait3A_2029 = arith.constant 384 : i32
    %dma_wait3A_2030 = tpu.memref_slice %arg10[%dma_wait3A_2029] : memref<512xi32, #tpu.memory_space<vmem>> -> memref<128xi32, #tpu.memory_space<vmem>>
    %dma_wait3A_2031 = arith.constant 0 : i32
    %dma_wait3A_2032 = arith.constant 0 : i32
    %dma_wait3A_2033 = tpu.memref_slice %arg5[%dma_wait3A_2031, %dma_wait3A_2032] : memref<1000000x128xf32, #tpu.memory_space<hbm>> -> memref<1000000x128xf32, #tpu.memory_space<hbm>>
    %dma_wait3A_2034 = tpu.memref_slice %arg21[%dma_wait3A_2024] : memref<3x!tpu.dma_semaphore, #tpu.memory_space<semaphore_mem>> -> memref<1x!tpu.dma_semaphore, #tpu.memory_space<semaphore_mem>>
    %dma_wait3A_2035 = tpu.memref_squeeze %dma_wait3A_2034 : memref<1x!tpu.dma_semaphore, #tpu.memory_space<semaphore_mem>> -> memref<!tpu.dma_semaphore, #tpu.memory_space<semaphore_mem>>
    tpu.wait_indirect_dma semaphore(%dma_wait3A_2035 : memref<!tpu.dma_semaphore, #tpu.memory_space<semaphore_mem>>) src(%dma_wait3A_2033 : memref<1000000x128xf32, #tpu.memory_space<hbm>>) dst(%dma_wait3A_2028 : memref<128x128xf32, #tpu.memory_space<vmem>>)
    %dma_wait3A_2036 = arith.constant 0 : i32
    %dma_wait3A_2037 = arith.constant 0 : i32
    %dma_wait3A_2038 = arith.constant 0 : i32
    %dma_wait3A_2039 = arith.constant 0 : i32
    %dma_wait3A_2040 = tpu.memref_slice %arg14[%dma_wait3A_2036, %dma_wait3A_2038, %dma_wait3A_2039] : memref<3x128x128xf32, #tpu.memory_space<vmem>> -> memref<1x128x128xf32, #tpu.memory_space<vmem>>
    %dma_wait3A_2041 = tpu.memref_squeeze %dma_wait3A_2040 : memref<1x128x128xf32, #tpu.memory_space<vmem>> -> memref<128x128xf32, #tpu.memory_space<vmem>>
    %dma_wait3A_2042 = arith.constant 384 : i32
    %dma_wait3A_2043 = tpu.memref_slice %arg11[%dma_wait3A_2042] : memref<512xi32, #tpu.memory_space<vmem>> -> memref<128xi32, #tpu.memory_space<vmem>>
    %dma_wait3A_2044 = arith.constant 0 : i32
    %dma_wait3A_2045 = arith.constant 0 : i32
    %dma_wait3A_2046 = tpu.memref_slice %arg6[%dma_wait3A_2044, %dma_wait3A_2045] : memref<100000x128xf32, #tpu.memory_space<hbm>> -> memref<100000x128xf32, #tpu.memory_space<hbm>>
    %dma_wait3A_2047 = tpu.memref_slice %arg21[%dma_wait3A_2037] : memref<3x!tpu.dma_semaphore, #tpu.memory_space<semaphore_mem>> -> memref<1x!tpu.dma_semaphore, #tpu.memory_space<semaphore_mem>>
    %dma_wait3A_2048 = tpu.memref_squeeze %dma_wait3A_2047 : memref<1x!tpu.dma_semaphore, #tpu.memory_space<semaphore_mem>> -> memref<!tpu.dma_semaphore, #tpu.memory_space<semaphore_mem>>
    tpu.wait_indirect_dma semaphore(%dma_wait3A_2048 : memref<!tpu.dma_semaphore, #tpu.memory_space<semaphore_mem>>) src(%dma_wait3A_2046 : memref<100000x128xf32, #tpu.memory_space<hbm>>) dst(%dma_wait3A_2041 : memref<128x128xf32, #tpu.memory_space<vmem>>)
    %parallel_loop3A_2049 = arith.constant 0 : i32
    %parallel_loop3A_2050 = arith.constant 128 : i32
    %parallel_loop3A_2051 = arith.constant 1 : i32
    scf.for %parallel_loop3A_2660 = %parallel_loop3A_2049 to %parallel_loop3A_2050 step %parallel_loop3A_2051  : i32 {
      %parallel_loop3A_2661 = arith.constant 0 : i32
      %parallel_loop3A_2662 = arith.index_cast %parallel_loop3A_2661 : i32 to index
      %parallel_loop3A_2663 = arith.index_cast %parallel_loop3A_2660 : i32 to index
      %parallel_loop3A_2664 = arith.constant 0 : index
      %parallel_loop3A_2665 = tpu.vector_load %arg13[%parallel_loop3A_2662, %parallel_loop3A_2663, %parallel_loop3A_2664] {strides = array<i32>} : memref<3x128x128xf32, #tpu.memory_space<vmem>>, vector<16xf32>,
      %parallel_loop3A_2666 = arith.constant 0 : i32
      %parallel_loop3A_2667 = arith.index_cast %parallel_loop3A_2666 : i32 to index
      %parallel_loop3A_2668 = arith.index_cast %parallel_loop3A_2660 : i32 to index
      %parallel_loop3A_2669 = arith.constant 0 : index
      %parallel_loop3A_2670 = tpu.vector_load %arg14[%parallel_loop3A_2667, %parallel_loop3A_2668, %parallel_loop3A_2669] {strides = array<i32>} : memref<3x128x128xf32, #tpu.memory_space<vmem>>, vector<16xf32>,
      %parallel_loop3A_2671 = arith.mulf %parallel_loop3A_2665, %parallel_loop3A_2670 : vector<16xf32>
      %parallel_loop3A_2672 = arith.constant 0 : i32
      %parallel_loop3A_2673 = arith.index_cast %parallel_loop3A_2672 : i32 to index
      %parallel_loop3A_2674 = arith.index_cast %parallel_loop3A_2660 : i32 to index
      %parallel_loop3A_2675 = arith.constant 16 : index
      %parallel_loop3A_2676 = tpu.vector_load %arg13[%parallel_loop3A_2673, %parallel_loop3A_2674, %parallel_loop3A_2675] {strides = array<i32>} : memref<3x128x128xf32, #tpu.memory_space<vmem>>, vector<16xf32>,
      %parallel_loop3A_2677 = arith.constant 0 : i32
      %parallel_loop3A_2678 = arith.index_cast %parallel_loop3A_2677 : i32 to index
      %parallel_loop3A_2679 = arith.index_cast %parallel_loop3A_2660 : i32 to index
      %parallel_loop3A_2680 = arith.constant 16 : index
      %parallel_loop3A_2681 = tpu.vector_load %arg14[%parallel_loop3A_2678, %parallel_loop3A_2679, %parallel_loop3A_2680] {strides = array<i32>} : memref<3x128x128xf32, #tpu.memory_space<vmem>>, vector<16xf32>,
      %parallel_loop3A_2682 = arith.mulf %parallel_loop3A_2676, %parallel_loop3A_2681 : vector<16xf32>
      %parallel_loop3A_2683 = arith.constant 0 : i32
      %parallel_loop3A_2684 = arith.index_cast %parallel_loop3A_2683 : i32 to index
      %parallel_loop3A_2685 = arith.index_cast %parallel_loop3A_2660 : i32 to index
      %parallel_loop3A_2686 = arith.constant 32 : index
      %parallel_loop3A_2687 = tpu.vector_load %arg13[%parallel_loop3A_2684, %parallel_loop3A_2685, %parallel_loop3A_2686] {strides = array<i32>} : memref<3x128x128xf32, #tpu.memory_space<vmem>>, vector<16xf32>,
      %parallel_loop3A_2688 = arith.constant 0 : i32
      %parallel_loop3A_2689 = arith.index_cast %parallel_loop3A_2688 : i32 to index
      %parallel_loop3A_2690 = arith.index_cast %parallel_loop3A_2660 : i32 to index
      %parallel_loop3A_2691 = arith.constant 32 : index
      %parallel_loop3A_2692 = tpu.vector_load %arg14[%parallel_loop3A_2689, %parallel_loop3A_2690, %parallel_loop3A_2691] {strides = array<i32>} : memref<3x128x128xf32, #tpu.memory_space<vmem>>, vector<16xf32>,
      %parallel_loop3A_2693 = arith.mulf %parallel_loop3A_2687, %parallel_loop3A_2692 : vector<16xf32>
      %parallel_loop3A_2694 = arith.constant 0 : i32
      %parallel_loop3A_2695 = arith.index_cast %parallel_loop3A_2694 : i32 to index
      %parallel_loop3A_2696 = arith.index_cast %parallel_loop3A_2660 : i32 to index
      %parallel_loop3A_2697 = arith.constant 48 : index
      %parallel_loop3A_2698 = tpu.vector_load %arg13[%parallel_loop3A_2695, %parallel_loop3A_2696, %parallel_loop3A_2697] {strides = array<i32>} : memref<3x128x128xf32, #tpu.memory_space<vmem>>, vector<16xf32>,
      %parallel_loop3A_2699 = arith.constant 0 : i32
      %parallel_loop3A_2700 = arith.index_cast %parallel_loop3A_2699 : i32 to index
      %parallel_loop3A_2701 = arith.index_cast %parallel_loop3A_2660 : i32 to index
      %parallel_loop3A_2702 = arith.constant 48 : index
      %parallel_loop3A_2703 = tpu.vector_load %arg14[%parallel_loop3A_2700, %parallel_loop3A_2701, %parallel_loop3A_2702] {strides = array<i32>} : memref<3x128x128xf32, #tpu.memory_space<vmem>>, vector<16xf32>,
      %parallel_loop3A_2704 = arith.mulf %parallel_loop3A_2698, %parallel_loop3A_2703 : vector<16xf32>
      %parallel_loop3A_2705 = arith.constant 0 : i32
      %parallel_loop3A_2706 = arith.index_cast %parallel_loop3A_2705 : i32 to index
      %parallel_loop3A_2707 = arith.index_cast %parallel_loop3A_2660 : i32 to index
      %parallel_loop3A_2708 = arith.constant 64 : index
      %parallel_loop3A_2709 = tpu.vector_load %arg13[%parallel_loop3A_2706, %parallel_loop3A_2707, %parallel_loop3A_2708] {strides = array<i32>} : memref<3x128x128xf32, #tpu.memory_space<vmem>>, vector<16xf32>,
      %parallel_loop3A_2710 = arith.constant 0 : i32
      %parallel_loop3A_2711 = arith.index_cast %parallel_loop3A_2710 : i32 to index
      %parallel_loop3A_2712 = arith.index_cast %parallel_loop3A_2660 : i32 to index
      %parallel_loop3A_2713 = arith.constant 64 : index
      %parallel_loop3A_2714 = tpu.vector_load %arg14[%parallel_loop3A_2711, %parallel_loop3A_2712, %parallel_loop3A_2713] {strides = array<i32>} : memref<3x128x128xf32, #tpu.memory_space<vmem>>, vector<16xf32>,
      %parallel_loop3A_2715 = arith.mulf %parallel_loop3A_2709, %parallel_loop3A_2714 : vector<16xf32>
      %parallel_loop3A_2716 = arith.constant 0 : i32
      %parallel_loop3A_2717 = arith.index_cast %parallel_loop3A_2716 : i32 to index
      %parallel_loop3A_2718 = arith.index_cast %parallel_loop3A_2660 : i32 to index
      %parallel_loop3A_2719 = arith.constant 80 : index
      %parallel_loop3A_2720 = tpu.vector_load %arg13[%parallel_loop3A_2717, %parallel_loop3A_2718, %parallel_loop3A_2719] {strides = array<i32>} : memref<3x128x128xf32, #tpu.memory_space<vmem>>, vector<16xf32>,
      %parallel_loop3A_2721 = arith.constant 0 : i32
      %parallel_loop3A_2722 = arith.index_cast %parallel_loop3A_2721 : i32 to index
      %parallel_loop3A_2723 = arith.index_cast %parallel_loop3A_2660 : i32 to index
      %parallel_loop3A_2724 = arith.constant 80 : index
      %parallel_loop3A_2725 = tpu.vector_load %arg14[%parallel_loop3A_2722, %parallel_loop3A_2723, %parallel_loop3A_2724] {strides = array<i32>} : memref<3x128x128xf32, #tpu.memory_space<vmem>>, vector<16xf32>,
      %parallel_loop3A_2726 = arith.mulf %parallel_loop3A_2720, %parallel_loop3A_2725 : vector<16xf32>
      %parallel_loop3A_2727 = arith.constant 0 : i32
      %parallel_loop3A_2728 = arith.index_cast %parallel_loop3A_2727 : i32 to index
      %parallel_loop3A_2729 = arith.index_cast %parallel_loop3A_2660 : i32 to index
      %parallel_loop3A_2730 = arith.constant 96 : index
      %parallel_loop3A_2731 = tpu.vector_load %arg13[%parallel_loop3A_2728, %parallel_loop3A_2729, %parallel_loop3A_2730] {strides = array<i32>} : memref<3x128x128xf32, #tpu.memory_space<vmem>>, vector<16xf32>,
      %parallel_loop3A_2732 = arith.constant 0 : i32
      %parallel_loop3A_2733 = arith.index_cast %parallel_loop3A_2732 : i32 to index
      %parallel_loop3A_2734 = arith.index_cast %parallel_loop3A_2660 : i32 to index
      %parallel_loop3A_2735 = arith.constant 96 : index
      %parallel_loop3A_2736 = tpu.vector_load %arg14[%parallel_loop3A_2733, %parallel_loop3A_2734, %parallel_loop3A_2735] {strides = array<i32>} : memref<3x128x128xf32, #tpu.memory_space<vmem>>, vector<16xf32>,
      %parallel_loop3A_2737 = arith.mulf %parallel_loop3A_2731, %parallel_loop3A_2736 : vector<16xf32>
      %parallel_loop3A_2738 = arith.constant 0 : i32
      %parallel_loop3A_2739 = arith.index_cast %parallel_loop3A_2738 : i32 to index
      %parallel_loop3A_2740 = arith.index_cast %parallel_loop3A_2660 : i32 to index
      %parallel_loop3A_2741 = arith.constant 112 : index
      %parallel_loop3A_2742 = tpu.vector_load %arg13[%parallel_loop3A_2739, %parallel_loop3A_2740, %parallel_loop3A_2741] {strides = array<i32>} : memref<3x128x128xf32, #tpu.memory_space<vmem>>, vector<16xf32>,
      %parallel_loop3A_2743 = arith.constant 0 : i32
      %parallel_loop3A_2744 = arith.index_cast %parallel_loop3A_2743 : i32 to index
      %parallel_loop3A_2745 = arith.index_cast %parallel_loop3A_2660 : i32 to index
      %parallel_loop3A_2746 = arith.constant 112 : index
      %parallel_loop3A_2747 = tpu.vector_load %arg14[%parallel_loop3A_2744, %parallel_loop3A_2745, %parallel_loop3A_2746] {strides = array<i32>} : memref<3x128x128xf32, #tpu.memory_space<vmem>>, vector<16xf32>,
      %parallel_loop3A_2748 = arith.mulf %parallel_loop3A_2742, %parallel_loop3A_2747 : vector<16xf32>
      %parallel_loop3A_2749 = arith.addf %parallel_loop3A_2671, %parallel_loop3A_2682 : vector<16xf32>
      %parallel_loop3A_2750 = arith.addf %parallel_loop3A_2693, %parallel_loop3A_2704 : vector<16xf32>
      %parallel_loop3A_2751 = arith.addf %parallel_loop3A_2715, %parallel_loop3A_2726 : vector<16xf32>
      %parallel_loop3A_2752 = arith.addf %parallel_loop3A_2737, %parallel_loop3A_2748 : vector<16xf32>
      %parallel_loop3A_2753 = arith.addf %parallel_loop3A_2749, %parallel_loop3A_2750 : vector<16xf32>
      %parallel_loop3A_2754 = arith.addf %parallel_loop3A_2751, %parallel_loop3A_2752 : vector<16xf32>
      %parallel_loop3A_2755 = arith.addf %parallel_loop3A_2753, %parallel_loop3A_2754 : vector<16xf32>
      %parallel_loop3A_2756 = arith.index_cast %parallel_loop3A_2660 : i32 to index
      %parallel_loop3A_2757 = arith.constant 0 : index
      %parallel_loop3A_2758 = tpu.vector_load %arg15[%parallel_loop3A_2756, %parallel_loop3A_2757] {strides = array<i32>} : memref<128x16xf32, #tpu.memory_space<vmem>>, vector<16xf32>,
      tpu.vector_store %arg15[%parallel_loop3A_2756, %parallel_loop3A_2757], %parallel_loop3A_2755 {strides = array<i32>} : memref<128x16xf32, #tpu.memory_space<vmem>>, vector<16xf32>,
    } {sc.loop_unroll_factor = 2 : i64, sc.parallel_access}
    %add3A_2052 = arith.constant 0 : i32
    %add3A_2053 = vector.broadcast %add3A_2052 : i32 to vector<16xi32>
    %add3A_2054 = arith.addi %iota3A, %add3A_2053 : vector<16xi32>
    %broadcast_in_dim3A_2055 = arith.constant 0 : i32
    %broadcast_in_dim3A_2056 = vector.broadcast %broadcast_in_dim3A_2055 : i32 to vector<16xi32>
    %gather3A_2057 = tpu.vector_load_idx %arg15[%add3A_2054, %broadcast_in_dim3A_2056] : memref<128x16xf32, #tpu.memory_space<vmem>>[vector<16xi32>, vector<16xi32>], vector<16xf32>,
    %broadcast_in_dim3A_2058 = arith.constant 1 : i32
    %broadcast_in_dim3A_2059 = vector.broadcast %broadcast_in_dim3A_2058 : i32 to vector<16xi32>
    %gather3A_2060 = tpu.vector_load_idx %arg15[%add3A_2054, %broadcast_in_dim3A_2059] : memref<128x16xf32, #tpu.memory_space<vmem>>[vector<16xi32>, vector<16xi32>], vector<16xf32>,
    %broadcast_in_dim3A_2061 = arith.constant 2 : i32
    %broadcast_in_dim3A_2062 = vector.broadcast %broadcast_in_dim3A_2061 : i32 to vector<16xi32>
    %gather3A_2063 = tpu.vector_load_idx %arg15[%add3A_2054, %broadcast_in_dim3A_2062] : memref<128x16xf32, #tpu.memory_space<vmem>>[vector<16xi32>, vector<16xi32>], vector<16xf32>,
    %broadcast_in_dim3A_2064 = arith.constant 3 : i32
    %broadcast_in_dim3A_2065 = vector.broadcast %broadcast_in_dim3A_2064 : i32 to vector<16xi32>
    %gather3A_2066 = tpu.vector_load_idx %arg15[%add3A_2054, %broadcast_in_dim3A_2065] : memref<128x16xf32, #tpu.memory_space<vmem>>[vector<16xi32>, vector<16xi32>], vector<16xf32>,
    %broadcast_in_dim3A_2067 = arith.constant 4 : i32
    %broadcast_in_dim3A_2068 = vector.broadcast %broadcast_in_dim3A_2067 : i32 to vector<16xi32>
    %gather3A_2069 = tpu.vector_load_idx %arg15[%add3A_2054, %broadcast_in_dim3A_2068] : memref<128x16xf32, #tpu.memory_space<vmem>>[vector<16xi32>, vector<16xi32>], vector<16xf32>,
    %broadcast_in_dim3A_2070 = arith.constant 5 : i32
    %broadcast_in_dim3A_2071 = vector.broadcast %broadcast_in_dim3A_2070 : i32 to vector<16xi32>
    %gather3A_2072 = tpu.vector_load_idx %arg15[%add3A_2054, %broadcast_in_dim3A_2071] : memref<128x16xf32, #tpu.memory_space<vmem>>[vector<16xi32>, vector<16xi32>], vector<16xf32>,
    %broadcast_in_dim3A_2073 = arith.constant 6 : i32
    %broadcast_in_dim3A_2074 = vector.broadcast %broadcast_in_dim3A_2073 : i32 to vector<16xi32>
    %gather3A_2075 = tpu.vector_load_idx %arg15[%add3A_2054, %broadcast_in_dim3A_2074] : memref<128x16xf32, #tpu.memory_space<vmem>>[vector<16xi32>, vector<16xi32>], vector<16xf32>,
    %broadcast_in_dim3A_2076 = arith.constant 7 : i32
    %broadcast_in_dim3A_2077 = vector.broadcast %broadcast_in_dim3A_2076 : i32 to vector<16xi32>
    %gather3A_2078 = tpu.vector_load_idx %arg15[%add3A_2054, %broadcast_in_dim3A_2077] : memref<128x16xf32, #tpu.memory_space<vmem>>[vector<16xi32>, vector<16xi32>], vector<16xf32>,
    %broadcast_in_dim3A_2079 = arith.constant 8 : i32
    %broadcast_in_dim3A_2080 = vector.broadcast %broadcast_in_dim3A_2079 : i32 to vector<16xi32>
    %gather3A_2081 = tpu.vector_load_idx %arg15[%add3A_2054, %broadcast_in_dim3A_2080] : memref<128x16xf32, #tpu.memory_space<vmem>>[vector<16xi32>, vector<16xi32>], vector<16xf32>,
    %broadcast_in_dim3A_2082 = arith.constant 9 : i32
    %broadcast_in_dim3A_2083 = vector.broadcast %broadcast_in_dim3A_2082 : i32 to vector<16xi32>
    %gather3A_2084 = tpu.vector_load_idx %arg15[%add3A_2054, %broadcast_in_dim3A_2083] : memref<128x16xf32, #tpu.memory_space<vmem>>[vector<16xi32>, vector<16xi32>], vector<16xf32>,
    %broadcast_in_dim3A_2085 = arith.constant 10 : i32
    %broadcast_in_dim3A_2086 = vector.broadcast %broadcast_in_dim3A_2085 : i32 to vector<16xi32>
    %gather3A_2087 = tpu.vector_load_idx %arg15[%add3A_2054, %broadcast_in_dim3A_2086] : memref<128x16xf32, #tpu.memory_space<vmem>>[vector<16xi32>, vector<16xi32>], vector<16xf32>,
    %broadcast_in_dim3A_2088 = arith.constant 11 : i32
    %broadcast_in_dim3A_2089 = vector.broadcast %broadcast_in_dim3A_2088 : i32 to vector<16xi32>
    %gather3A_2090 = tpu.vector_load_idx %arg15[%add3A_2054, %broadcast_in_dim3A_2089] : memref<128x16xf32, #tpu.memory_space<vmem>>[vector<16xi32>, vector<16xi32>], vector<16xf32>,
    %broadcast_in_dim3A_2091 = arith.constant 12 : i32
    %broadcast_in_dim3A_2092 = vector.broadcast %broadcast_in_dim3A_2091 : i32 to vector<16xi32>
    %gather3A_2093 = tpu.vector_load_idx %arg15[%add3A_2054, %broadcast_in_dim3A_2092] : memref<128x16xf32, #tpu.memory_space<vmem>>[vector<16xi32>, vector<16xi32>], vector<16xf32>,
    %broadcast_in_dim3A_2094 = arith.constant 13 : i32
    %broadcast_in_dim3A_2095 = vector.broadcast %broadcast_in_dim3A_2094 : i32 to vector<16xi32>
    %gather3A_2096 = tpu.vector_load_idx %arg15[%add3A_2054, %broadcast_in_dim3A_2095] : memref<128x16xf32, #tpu.memory_space<vmem>>[vector<16xi32>, vector<16xi32>], vector<16xf32>,
    %broadcast_in_dim3A_2097 = arith.constant 14 : i32
    %broadcast_in_dim3A_2098 = vector.broadcast %broadcast_in_dim3A_2097 : i32 to vector<16xi32>
    %gather3A_2099 = tpu.vector_load_idx %arg15[%add3A_2054, %broadcast_in_dim3A_2098] : memref<128x16xf32, #tpu.memory_space<vmem>>[vector<16xi32>, vector<16xi32>], vector<16xf32>,
    %broadcast_in_dim3A_2100 = arith.constant 15 : i32
    %broadcast_in_dim3A_2101 = vector.broadcast %broadcast_in_dim3A_2100 : i32 to vector<16xi32>
    %gather3A_2102 = tpu.vector_load_idx %arg15[%add3A_2054, %broadcast_in_dim3A_2101] : memref<128x16xf32, #tpu.memory_space<vmem>>[vector<16xi32>, vector<16xi32>], vector<16xf32>,
    %add3A_2103 = arith.addf %gather3A_2057, %gather3A_2060 : vector<16xf32>
    %add3A_2104 = arith.addf %gather3A_2063, %gather3A_2066 : vector<16xf32>
    %add3A_2105 = arith.addf %gather3A_2069, %gather3A_2072 : vector<16xf32>
    %add3A_2106 = arith.addf %gather3A_2075, %gather3A_2078 : vector<16xf32>
    %add3A_2107 = arith.addf %gather3A_2081, %gather3A_2084 : vector<16xf32>
    %add3A_2108 = arith.addf %gather3A_2087, %gather3A_2090 : vector<16xf32>
    %add3A_2109 = arith.addf %gather3A_2093, %gather3A_2096 : vector<16xf32>
    %add3A_2110 = arith.addf %gather3A_2099, %gather3A_2102 : vector<16xf32>
    %add3A_2111 = arith.addf %add3A_2103, %add3A_2104 : vector<16xf32>
    %add3A_2112 = arith.addf %add3A_2105, %add3A_2106 : vector<16xf32>
    %add3A_2113 = arith.addf %add3A_2107, %add3A_2108 : vector<16xf32>
    %add3A_2114 = arith.addf %add3A_2109, %add3A_2110 : vector<16xf32>
    %add3A_2115 = arith.addf %add3A_2111, %add3A_2112 : vector<16xf32>
    %add3A_2116 = arith.addf %add3A_2113, %add3A_2114 : vector<16xf32>
    %add3A_2117 = arith.addf %add3A_2115, %add3A_2116 : vector<16xf32>
    %get3A_2118 = arith.constant 384 : index
    %get3A_2119 = tpu.vector_load %arg12[%get3A_2118] {strides = array<i32>} : memref<512xi32, #tpu.memory_space<vmem>>, vector<16xi32>,
    %gather3A_2120 = tpu.vector_load_idx %arg17[%get3A_2119] : memref<1024xf32, #tpu.memory_space<vmem>>[vector<16xi32>], vector<16xf32>,
    %add3A_2121 = arith.addf %add3A_2117, %get3A_90 : vector<16xf32>
    %mul3A_2122 = arith.constant 1.000000e-01 : f32
    %mul3A_2123 = vector.broadcast %mul3A_2122 : f32 to vector<16xf32>
    %mul3A_2124 = arith.mulf %gather3A_2120, %mul3A_2123 : vector<16xf32>
    %add3A_2125 = arith.addf %add3A_2121, %mul3A_2124 : vector<16xf32>
    %swap3A_2126 = arith.constant 384 : index
    %swap3A_2127 = tpu.vector_load %arg20[%swap3A_2126] {strides = array<i32>} : memref<512xf32, #tpu.memory_space<vmem>>, vector<16xf32>,
    tpu.vector_store %arg20[%swap3A_2126], %add3A_2125 {strides = array<i32>} : memref<512xf32, #tpu.memory_space<vmem>>, vector<16xf32>,
    %add3A_2128 = arith.constant 16 : i32
    %add3A_2129 = vector.broadcast %add3A_2128 : i32 to vector<16xi32>
    %add3A_2130 = arith.addi %iota3A, %add3A_2129 : vector<16xi32>
    %broadcast_in_dim3A_2131 = arith.constant 0 : i32
    %broadcast_in_dim3A_2132 = vector.broadcast %broadcast_in_dim3A_2131 : i32 to vector<16xi32>
    %gather3A_2133 = tpu.vector_load_idx %arg15[%add3A_2130, %broadcast_in_dim3A_2132] : memref<128x16xf32, #tpu.memory_space<vmem>>[vector<16xi32>, vector<16xi32>], vector<16xf32>,
    %broadcast_in_dim3A_2134 = arith.constant 1 : i32
    %broadcast_in_dim3A_2135 = vector.broadcast %broadcast_in_dim3A_2134 : i32 to vector<16xi32>
    %gather3A_2136 = tpu.vector_load_idx %arg15[%add3A_2130, %broadcast_in_dim3A_2135] : memref<128x16xf32, #tpu.memory_space<vmem>>[vector<16xi32>, vector<16xi32>], vector<16xf32>,
    %broadcast_in_dim3A_2137 = arith.constant 2 : i32
    %broadcast_in_dim3A_2138 = vector.broadcast %broadcast_in_dim3A_2137 : i32 to vector<16xi32>
    %gather3A_2139 = tpu.vector_load_idx %arg15[%add3A_2130, %broadcast_in_dim3A_2138] : memref<128x16xf32, #tpu.memory_space<vmem>>[vector<16xi32>, vector<16xi32>], vector<16xf32>,
    %broadcast_in_dim3A_2140 = arith.constant 3 : i32
    %broadcast_in_dim3A_2141 = vector.broadcast %broadcast_in_dim3A_2140 : i32 to vector<16xi32>
    %gather3A_2142 = tpu.vector_load_idx %arg15[%add3A_2130, %broadcast_in_dim3A_2141] : memref<128x16xf32, #tpu.memory_space<vmem>>[vector<16xi32>, vector<16xi32>], vector<16xf32>,
    %broadcast_in_dim3A_2143 = arith.constant 4 : i32
    %broadcast_in_dim3A_2144 = vector.broadcast %broadcast_in_dim3A_2143 : i32 to vector<16xi32>
    %gather3A_2145 = tpu.vector_load_idx %arg15[%add3A_2130, %broadcast_in_dim3A_2144] : memref<128x16xf32, #tpu.memory_space<vmem>>[vector<16xi32>, vector<16xi32>], vector<16xf32>,
    %broadcast_in_dim3A_2146 = arith.constant 5 : i32
    %broadcast_in_dim3A_2147 = vector.broadcast %broadcast_in_dim3A_2146 : i32 to vector<16xi32>
    %gather3A_2148 = tpu.vector_load_idx %arg15[%add3A_2130, %broadcast_in_dim3A_2147] : memref<128x16xf32, #tpu.memory_space<vmem>>[vector<16xi32>, vector<16xi32>], vector<16xf32>,
    %broadcast_in_dim3A_2149 = arith.constant 6 : i32
    %broadcast_in_dim3A_2150 = vector.broadcast %broadcast_in_dim3A_2149 : i32 to vector<16xi32>
    %gather3A_2151 = tpu.vector_load_idx %arg15[%add3A_2130, %broadcast_in_dim3A_2150] : memref<128x16xf32, #tpu.memory_space<vmem>>[vector<16xi32>, vector<16xi32>], vector<16xf32>,
    %broadcast_in_dim3A_2152 = arith.constant 7 : i32
    %broadcast_in_dim3A_2153 = vector.broadcast %broadcast_in_dim3A_2152 : i32 to vector<16xi32>
    %gather3A_2154 = tpu.vector_load_idx %arg15[%add3A_2130, %broadcast_in_dim3A_2153] : memref<128x16xf32, #tpu.memory_space<vmem>>[vector<16xi32>, vector<16xi32>], vector<16xf32>,
    %broadcast_in_dim3A_2155 = arith.constant 8 : i32
    %broadcast_in_dim3A_2156 = vector.broadcast %broadcast_in_dim3A_2155 : i32 to vector<16xi32>
    %gather3A_2157 = tpu.vector_load_idx %arg15[%add3A_2130, %broadcast_in_dim3A_2156] : memref<128x16xf32, #tpu.memory_space<vmem>>[vector<16xi32>, vector<16xi32>], vector<16xf32>,
    %broadcast_in_dim3A_2158 = arith.constant 9 : i32
    %broadcast_in_dim3A_2159 = vector.broadcast %broadcast_in_dim3A_2158 : i32 to vector<16xi32>
    %gather3A_2160 = tpu.vector_load_idx %arg15[%add3A_2130, %broadcast_in_dim3A_2159] : memref<128x16xf32, #tpu.memory_space<vmem>>[vector<16xi32>, vector<16xi32>], vector<16xf32>,
    %broadcast_in_dim3A_2161 = arith.constant 10 : i32
    %broadcast_in_dim3A_2162 = vector.broadcast %broadcast_in_dim3A_2161 : i32 to vector<16xi32>
    %gather3A_2163 = tpu.vector_load_idx %arg15[%add3A_2130, %broadcast_in_dim3A_2162] : memref<128x16xf32, #tpu.memory_space<vmem>>[vector<16xi32>, vector<16xi32>], vector<16xf32>,
    %broadcast_in_dim3A_2164 = arith.constant 11 : i32
    %broadcast_in_dim3A_2165 = vector.broadcast %broadcast_in_dim3A_2164 : i32 to vector<16xi32>
    %gather3A_2166 = tpu.vector_load_idx %arg15[%add3A_2130, %broadcast_in_dim3A_2165] : memref<128x16xf32, #tpu.memory_space<vmem>>[vector<16xi32>, vector<16xi32>], vector<16xf32>,
    %broadcast_in_dim3A_2167 = arith.constant 12 : i32
    %broadcast_in_dim3A_2168 = vector.broadcast %broadcast_in_dim3A_2167 : i32 to vector<16xi32>
    %gather3A_2169 = tpu.vector_load_idx %arg15[%add3A_2130, %broadcast_in_dim3A_2168] : memref<128x16xf32, #tpu.memory_space<vmem>>[vector<16xi32>, vector<16xi32>], vector<16xf32>,
    %broadcast_in_dim3A_2170 = arith.constant 13 : i32
    %broadcast_in_dim3A_2171 = vector.broadcast %broadcast_in_dim3A_2170 : i32 to vector<16xi32>
    %gather3A_2172 = tpu.vector_load_idx %arg15[%add3A_2130, %broadcast_in_dim3A_2171] : memref<128x16xf32, #tpu.memory_space<vmem>>[vector<16xi32>, vector<16xi32>], vector<16xf32>,
    %broadcast_in_dim3A_2173 = arith.constant 14 : i32
    %broadcast_in_dim3A_2174 = vector.broadcast %broadcast_in_dim3A_2173 : i32 to vector<16xi32>
    %gather3A_2175 = tpu.vector_load_idx %arg15[%add3A_2130, %broadcast_in_dim3A_2174] : memref<128x16xf32, #tpu.memory_space<vmem>>[vector<16xi32>, vector<16xi32>], vector<16xf32>,
    %broadcast_in_dim3A_2176 = arith.constant 15 : i32
    %broadcast_in_dim3A_2177 = vector.broadcast %broadcast_in_dim3A_2176 : i32 to vector<16xi32>
    %gather3A_2178 = tpu.vector_load_idx %arg15[%add3A_2130, %broadcast_in_dim3A_2177] : memref<128x16xf32, #tpu.memory_space<vmem>>[vector<16xi32>, vector<16xi32>], vector<16xf32>,
    %add3A_2179 = arith.addf %gather3A_2133, %gather3A_2136 : vector<16xf32>
    %add3A_2180 = arith.addf %gather3A_2139, %gather3A_2142 : vector<16xf32>
    %add3A_2181 = arith.addf %gather3A_2145, %gather3A_2148 : vector<16xf32>
    %add3A_2182 = arith.addf %gather3A_2151, %gather3A_2154 : vector<16xf32>
    %add3A_2183 = arith.addf %gather3A_2157, %gather3A_2160 : vector<16xf32>
    %add3A_2184 = arith.addf %gather3A_2163, %gather3A_2166 : vector<16xf32>
    %add3A_2185 = arith.addf %gather3A_2169, %gather3A_2172 : vector<16xf32>
    %add3A_2186 = arith.addf %gather3A_2175, %gather3A_2178 : vector<16xf32>
    %add3A_2187 = arith.addf %add3A_2179, %add3A_2180 : vector<16xf32>
    %add3A_2188 = arith.addf %add3A_2181, %add3A_2182 : vector<16xf32>
    %add3A_2189 = arith.addf %add3A_2183, %add3A_2184 : vector<16xf32>
    %add3A_2190 = arith.addf %add3A_2185, %add3A_2186 : vector<16xf32>
    %add3A_2191 = arith.addf %add3A_2187, %add3A_2188 : vector<16xf32>
    %add3A_2192 = arith.addf %add3A_2189, %add3A_2190 : vector<16xf32>
    %add3A_2193 = arith.addf %add3A_2191, %add3A_2192 : vector<16xf32>
    %get3A_2194 = arith.constant 400 : index
    %get3A_2195 = tpu.vector_load %arg12[%get3A_2194] {strides = array<i32>} : memref<512xi32, #tpu.memory_space<vmem>>, vector<16xi32>,
    %gather3A_2196 = tpu.vector_load_idx %arg17[%get3A_2195] : memref<1024xf32, #tpu.memory_space<vmem>>[vector<16xi32>], vector<16xf32>,
    %add3A_2197 = arith.addf %add3A_2193, %get3A_90 : vector<16xf32>
    %mul3A_2198 = arith.constant 1.000000e-01 : f32
    %mul3A_2199 = vector.broadcast %mul3A_2198 : f32 to vector<16xf32>
    %mul3A_2200 = arith.mulf %gather3A_2196, %mul3A_2199 : vector<16xf32>
    %add3A_2201 = arith.addf %add3A_2197, %mul3A_2200 : vector<16xf32>
    %swap3A_2202 = arith.constant 400 : index
    %swap3A_2203 = tpu.vector_load %arg20[%swap3A_2202] {strides = array<i32>} : memref<512xf32, #tpu.memory_space<vmem>>, vector<16xf32>,
    tpu.vector_store %arg20[%swap3A_2202], %add3A_2201 {strides = array<i32>} : memref<512xf32, #tpu.memory_space<vmem>>, vector<16xf32>,
    %add3A_2204 = arith.constant 32 : i32
    %add3A_2205 = vector.broadcast %add3A_2204 : i32 to vector<16xi32>
    %add3A_2206 = arith.addi %iota3A, %add3A_2205 : vector<16xi32>
    %broadcast_in_dim3A_2207 = arith.constant 0 : i32
    %broadcast_in_dim3A_2208 = vector.broadcast %broadcast_in_dim3A_2207 : i32 to vector<16xi32>
    %gather3A_2209 = tpu.vector_load_idx %arg15[%add3A_2206, %broadcast_in_dim3A_2208] : memref<128x16xf32, #tpu.memory_space<vmem>>[vector<16xi32>, vector<16xi32>], vector<16xf32>,
    %broadcast_in_dim3A_2210 = arith.constant 1 : i32
    %broadcast_in_dim3A_2211 = vector.broadcast %broadcast_in_dim3A_2210 : i32 to vector<16xi32>
    %gather3A_2212 = tpu.vector_load_idx %arg15[%add3A_2206, %broadcast_in_dim3A_2211] : memref<128x16xf32, #tpu.memory_space<vmem>>[vector<16xi32>, vector<16xi32>], vector<16xf32>,
    %broadcast_in_dim3A_2213 = arith.constant 2 : i32
    %broadcast_in_dim3A_2214 = vector.broadcast %broadcast_in_dim3A_2213 : i32 to vector<16xi32>
    %gather3A_2215 = tpu.vector_load_idx %arg15[%add3A_2206, %broadcast_in_dim3A_2214] : memref<128x16xf32, #tpu.memory_space<vmem>>[vector<16xi32>, vector<16xi32>], vector<16xf32>,
    %broadcast_in_dim3A_2216 = arith.constant 3 : i32
    %broadcast_in_dim3A_2217 = vector.broadcast %broadcast_in_dim3A_2216 : i32 to vector<16xi32>
    %gather3A_2218 = tpu.vector_load_idx %arg15[%add3A_2206, %broadcast_in_dim3A_2217] : memref<128x16xf32, #tpu.memory_space<vmem>>[vector<16xi32>, vector<16xi32>], vector<16xf32>,
    %broadcast_in_dim3A_2219 = arith.constant 4 : i32
    %broadcast_in_dim3A_2220 = vector.broadcast %broadcast_in_dim3A_2219 : i32 to vector<16xi32>
    %gather3A_2221 = tpu.vector_load_idx %arg15[%add3A_2206, %broadcast_in_dim3A_2220] : memref<128x16xf32, #tpu.memory_space<vmem>>[vector<16xi32>, vector<16xi32>], vector<16xf32>,
    %broadcast_in_dim3A_2222 = arith.constant 5 : i32
    %broadcast_in_dim3A_2223 = vector.broadcast %broadcast_in_dim3A_2222 : i32 to vector<16xi32>
    %gather3A_2224 = tpu.vector_load_idx %arg15[%add3A_2206, %broadcast_in_dim3A_2223] : memref<128x16xf32, #tpu.memory_space<vmem>>[vector<16xi32>, vector<16xi32>], vector<16xf32>,
    %broadcast_in_dim3A_2225 = arith.constant 6 : i32
    %broadcast_in_dim3A_2226 = vector.broadcast %broadcast_in_dim3A_2225 : i32 to vector<16xi32>
    %gather3A_2227 = tpu.vector_load_idx %arg15[%add3A_2206, %broadcast_in_dim3A_2226] : memref<128x16xf32, #tpu.memory_space<vmem>>[vector<16xi32>, vector<16xi32>], vector<16xf32>,
    %broadcast_in_dim3A_2228 = arith.constant 7 : i32
    %broadcast_in_dim3A_2229 = vector.broadcast %broadcast_in_dim3A_2228 : i32 to vector<16xi32>
    %gather3A_2230 = tpu.vector_load_idx %arg15[%add3A_2206, %broadcast_in_dim3A_2229] : memref<128x16xf32, #tpu.memory_space<vmem>>[vector<16xi32>, vector<16xi32>], vector<16xf32>,
    %broadcast_in_dim3A_2231 = arith.constant 8 : i32
    %broadcast_in_dim3A_2232 = vector.broadcast %broadcast_in_dim3A_2231 : i32 to vector<16xi32>
    %gather3A_2233 = tpu.vector_load_idx %arg15[%add3A_2206, %broadcast_in_dim3A_2232] : memref<128x16xf32, #tpu.memory_space<vmem>>[vector<16xi32>, vector<16xi32>], vector<16xf32>,
    %broadcast_in_dim3A_2234 = arith.constant 9 : i32
    %broadcast_in_dim3A_2235 = vector.broadcast %broadcast_in_dim3A_2234 : i32 to vector<16xi32>
    %gather3A_2236 = tpu.vector_load_idx %arg15[%add3A_2206, %broadcast_in_dim3A_2235] : memref<128x16xf32, #tpu.memory_space<vmem>>[vector<16xi32>, vector<16xi32>], vector<16xf32>,
    %broadcast_in_dim3A_2237 = arith.constant 10 : i32
    %broadcast_in_dim3A_2238 = vector.broadcast %broadcast_in_dim3A_2237 : i32 to vector<16xi32>
    %gather3A_2239 = tpu.vector_load_idx %arg15[%add3A_2206, %broadcast_in_dim3A_2238] : memref<128x16xf32, #tpu.memory_space<vmem>>[vector<16xi32>, vector<16xi32>], vector<16xf32>,
    %broadcast_in_dim3A_2240 = arith.constant 11 : i32
    %broadcast_in_dim3A_2241 = vector.broadcast %broadcast_in_dim3A_2240 : i32 to vector<16xi32>
    %gather3A_2242 = tpu.vector_load_idx %arg15[%add3A_2206, %broadcast_in_dim3A_2241] : memref<128x16xf32, #tpu.memory_space<vmem>>[vector<16xi32>, vector<16xi32>], vector<16xf32>,
    %broadcast_in_dim3A_2243 = arith.constant 12 : i32
    %broadcast_in_dim3A_2244 = vector.broadcast %broadcast_in_dim3A_2243 : i32 to vector<16xi32>
    %gather3A_2245 = tpu.vector_load_idx %arg15[%add3A_2206, %broadcast_in_dim3A_2244] : memref<128x16xf32, #tpu.memory_space<vmem>>[vector<16xi32>, vector<16xi32>], vector<16xf32>,
    %broadcast_in_dim3A_2246 = arith.constant 13 : i32
    %broadcast_in_dim3A_2247 = vector.broadcast %broadcast_in_dim3A_2246 : i32 to vector<16xi32>
    %gather3A_2248 = tpu.vector_load_idx %arg15[%add3A_2206, %broadcast_in_dim3A_2247] : memref<128x16xf32, #tpu.memory_space<vmem>>[vector<16xi32>, vector<16xi32>], vector<16xf32>,
    %broadcast_in_dim3A_2249 = arith.constant 14 : i32
    %broadcast_in_dim3A_2250 = vector.broadcast %broadcast_in_dim3A_2249 : i32 to vector<16xi32>
    %gather3A_2251 = tpu.vector_load_idx %arg15[%add3A_2206, %broadcast_in_dim3A_2250] : memref<128x16xf32, #tpu.memory_space<vmem>>[vector<16xi32>, vector<16xi32>], vector<16xf32>,
    %broadcast_in_dim3A_2252 = arith.constant 15 : i32
    %broadcast_in_dim3A_2253 = vector.broadcast %broadcast_in_dim3A_2252 : i32 to vector<16xi32>
    %gather3A_2254 = tpu.vector_load_idx %arg15[%add3A_2206, %broadcast_in_dim3A_2253] : memref<128x16xf32, #tpu.memory_space<vmem>>[vector<16xi32>, vector<16xi32>], vector<16xf32>,
    %add3A_2255 = arith.addf %gather3A_2209, %gather3A_2212 : vector<16xf32>
    %add3A_2256 = arith.addf %gather3A_2215, %gather3A_2218 : vector<16xf32>
    %add3A_2257 = arith.addf %gather3A_2221, %gather3A_2224 : vector<16xf32>
    %add3A_2258 = arith.addf %gather3A_2227, %gather3A_2230 : vector<16xf32>
    %add3A_2259 = arith.addf %gather3A_2233, %gather3A_2236 : vector<16xf32>
    %add3A_2260 = arith.addf %gather3A_2239, %gather3A_2242 : vector<16xf32>
    %add3A_2261 = arith.addf %gather3A_2245, %gather3A_2248 : vector<16xf32>
    %add3A_2262 = arith.addf %gather3A_2251, %gather3A_2254 : vector<16xf32>
    %add3A_2263 = arith.addf %add3A_2255, %add3A_2256 : vector<16xf32>
    %add3A_2264 = arith.addf %add3A_2257, %add3A_2258 : vector<16xf32>
    %add3A_2265 = arith.addf %add3A_2259, %add3A_2260 : vector<16xf32>
    %add3A_2266 = arith.addf %add3A_2261, %add3A_2262 : vector<16xf32>
    %add3A_2267 = arith.addf %add3A_2263, %add3A_2264 : vector<16xf32>
    %add3A_2268 = arith.addf %add3A_2265, %add3A_2266 : vector<16xf32>
    %add3A_2269 = arith.addf %add3A_2267, %add3A_2268 : vector<16xf32>
    %get3A_2270 = arith.constant 416 : index
    %get3A_2271 = tpu.vector_load %arg12[%get3A_2270] {strides = array<i32>} : memref<512xi32, #tpu.memory_space<vmem>>, vector<16xi32>,
    %gather3A_2272 = tpu.vector_load_idx %arg17[%get3A_2271] : memref<1024xf32, #tpu.memory_space<vmem>>[vector<16xi32>], vector<16xf32>,
    %add3A_2273 = arith.addf %add3A_2269, %get3A_90 : vector<16xf32>
    %mul3A_2274 = arith.constant 1.000000e-01 : f32
    %mul3A_2275 = vector.broadcast %mul3A_2274 : f32 to vector<16xf32>
    %mul3A_2276 = arith.mulf %gather3A_2272, %mul3A_2275 : vector<16xf32>
    %add3A_2277 = arith.addf %add3A_2273, %mul3A_2276 : vector<16xf32>
    %swap3A_2278 = arith.constant 416 : index
    %swap3A_2279 = tpu.vector_load %arg20[%swap3A_2278] {strides = array<i32>} : memref<512xf32, #tpu.memory_space<vmem>>, vector<16xf32>,
    tpu.vector_store %arg20[%swap3A_2278], %add3A_2277 {strides = array<i32>} : memref<512xf32, #tpu.memory_space<vmem>>, vector<16xf32>,
    %add3A_2280 = arith.constant 48 : i32
    %add3A_2281 = vector.broadcast %add3A_2280 : i32 to vector<16xi32>
    %add3A_2282 = arith.addi %iota3A, %add3A_2281 : vector<16xi32>
    %broadcast_in_dim3A_2283 = arith.constant 0 : i32
    %broadcast_in_dim3A_2284 = vector.broadcast %broadcast_in_dim3A_2283 : i32 to vector<16xi32>
    %gather3A_2285 = tpu.vector_load_idx %arg15[%add3A_2282, %broadcast_in_dim3A_2284] : memref<128x16xf32, #tpu.memory_space<vmem>>[vector<16xi32>, vector<16xi32>], vector<16xf32>,
    %broadcast_in_dim3A_2286 = arith.constant 1 : i32
    %broadcast_in_dim3A_2287 = vector.broadcast %broadcast_in_dim3A_2286 : i32 to vector<16xi32>
    %gather3A_2288 = tpu.vector_load_idx %arg15[%add3A_2282, %broadcast_in_dim3A_2287] : memref<128x16xf32, #tpu.memory_space<vmem>>[vector<16xi32>, vector<16xi32>], vector<16xf32>,
    %broadcast_in_dim3A_2289 = arith.constant 2 : i32
    %broadcast_in_dim3A_2290 = vector.broadcast %broadcast_in_dim3A_2289 : i32 to vector<16xi32>
    %gather3A_2291 = tpu.vector_load_idx %arg15[%add3A_2282, %broadcast_in_dim3A_2290] : memref<128x16xf32, #tpu.memory_space<vmem>>[vector<16xi32>, vector<16xi32>], vector<16xf32>,
    %broadcast_in_dim3A_2292 = arith.constant 3 : i32
    %broadcast_in_dim3A_2293 = vector.broadcast %broadcast_in_dim3A_2292 : i32 to vector<16xi32>
    %gather3A_2294 = tpu.vector_load_idx %arg15[%add3A_2282, %broadcast_in_dim3A_2293] : memref<128x16xf32, #tpu.memory_space<vmem>>[vector<16xi32>, vector<16xi32>], vector<16xf32>,
    %broadcast_in_dim3A_2295 = arith.constant 4 : i32
    %broadcast_in_dim3A_2296 = vector.broadcast %broadcast_in_dim3A_2295 : i32 to vector<16xi32>
    %gather3A_2297 = tpu.vector_load_idx %arg15[%add3A_2282, %broadcast_in_dim3A_2296] : memref<128x16xf32, #tpu.memory_space<vmem>>[vector<16xi32>, vector<16xi32>], vector<16xf32>,
    %broadcast_in_dim3A_2298 = arith.constant 5 : i32
    %broadcast_in_dim3A_2299 = vector.broadcast %broadcast_in_dim3A_2298 : i32 to vector<16xi32>
    %gather3A_2300 = tpu.vector_load_idx %arg15[%add3A_2282, %broadcast_in_dim3A_2299] : memref<128x16xf32, #tpu.memory_space<vmem>>[vector<16xi32>, vector<16xi32>], vector<16xf32>,
    %broadcast_in_dim3A_2301 = arith.constant 6 : i32
    %broadcast_in_dim3A_2302 = vector.broadcast %broadcast_in_dim3A_2301 : i32 to vector<16xi32>
    %gather3A_2303 = tpu.vector_load_idx %arg15[%add3A_2282, %broadcast_in_dim3A_2302] : memref<128x16xf32, #tpu.memory_space<vmem>>[vector<16xi32>, vector<16xi32>], vector<16xf32>,
    %broadcast_in_dim3A_2304 = arith.constant 7 : i32
    %broadcast_in_dim3A_2305 = vector.broadcast %broadcast_in_dim3A_2304 : i32 to vector<16xi32>
    %gather3A_2306 = tpu.vector_load_idx %arg15[%add3A_2282, %broadcast_in_dim3A_2305] : memref<128x16xf32, #tpu.memory_space<vmem>>[vector<16xi32>, vector<16xi32>], vector<16xf32>,
    %broadcast_in_dim3A_2307 = arith.constant 8 : i32
    %broadcast_in_dim3A_2308 = vector.broadcast %broadcast_in_dim3A_2307 : i32 to vector<16xi32>
    %gather3A_2309 = tpu.vector_load_idx %arg15[%add3A_2282, %broadcast_in_dim3A_2308] : memref<128x16xf32, #tpu.memory_space<vmem>>[vector<16xi32>, vector<16xi32>], vector<16xf32>,
    %broadcast_in_dim3A_2310 = arith.constant 9 : i32
    %broadcast_in_dim3A_2311 = vector.broadcast %broadcast_in_dim3A_2310 : i32 to vector<16xi32>
    %gather3A_2312 = tpu.vector_load_idx %arg15[%add3A_2282, %broadcast_in_dim3A_2311] : memref<128x16xf32, #tpu.memory_space<vmem>>[vector<16xi32>, vector<16xi32>], vector<16xf32>,
    %broadcast_in_dim3A_2313 = arith.constant 10 : i32
    %broadcast_in_dim3A_2314 = vector.broadcast %broadcast_in_dim3A_2313 : i32 to vector<16xi32>
    %gather3A_2315 = tpu.vector_load_idx %arg15[%add3A_2282, %broadcast_in_dim3A_2314] : memref<128x16xf32, #tpu.memory_space<vmem>>[vector<16xi32>, vector<16xi32>], vector<16xf32>,
    %broadcast_in_dim3A_2316 = arith.constant 11 : i32
    %broadcast_in_dim3A_2317 = vector.broadcast %broadcast_in_dim3A_2316 : i32 to vector<16xi32>
    %gather3A_2318 = tpu.vector_load_idx %arg15[%add3A_2282, %broadcast_in_dim3A_2317] : memref<128x16xf32, #tpu.memory_space<vmem>>[vector<16xi32>, vector<16xi32>], vector<16xf32>,
    %broadcast_in_dim3A_2319 = arith.constant 12 : i32
    %broadcast_in_dim3A_2320 = vector.broadcast %broadcast_in_dim3A_2319 : i32 to vector<16xi32>
    %gather3A_2321 = tpu.vector_load_idx %arg15[%add3A_2282, %broadcast_in_dim3A_2320] : memref<128x16xf32, #tpu.memory_space<vmem>>[vector<16xi32>, vector<16xi32>], vector<16xf32>,
    %broadcast_in_dim3A_2322 = arith.constant 13 : i32
    %broadcast_in_dim3A_2323 = vector.broadcast %broadcast_in_dim3A_2322 : i32 to vector<16xi32>
    %gather3A_2324 = tpu.vector_load_idx %arg15[%add3A_2282, %broadcast_in_dim3A_2323] : memref<128x16xf32, #tpu.memory_space<vmem>>[vector<16xi32>, vector<16xi32>], vector<16xf32>,
    %broadcast_in_dim3A_2325 = arith.constant 14 : i32
    %broadcast_in_dim3A_2326 = vector.broadcast %broadcast_in_dim3A_2325 : i32 to vector<16xi32>
    %gather3A_2327 = tpu.vector_load_idx %arg15[%add3A_2282, %broadcast_in_dim3A_2326] : memref<128x16xf32, #tpu.memory_space<vmem>>[vector<16xi32>, vector<16xi32>], vector<16xf32>,
    %broadcast_in_dim3A_2328 = arith.constant 15 : i32
    %broadcast_in_dim3A_2329 = vector.broadcast %broadcast_in_dim3A_2328 : i32 to vector<16xi32>
    %gather3A_2330 = tpu.vector_load_idx %arg15[%add3A_2282, %broadcast_in_dim3A_2329] : memref<128x16xf32, #tpu.memory_space<vmem>>[vector<16xi32>, vector<16xi32>], vector<16xf32>,
    %add3A_2331 = arith.addf %gather3A_2285, %gather3A_2288 : vector<16xf32>
    %add3A_2332 = arith.addf %gather3A_2291, %gather3A_2294 : vector<16xf32>
    %add3A_2333 = arith.addf %gather3A_2297, %gather3A_2300 : vector<16xf32>
    %add3A_2334 = arith.addf %gather3A_2303, %gather3A_2306 : vector<16xf32>
    %add3A_2335 = arith.addf %gather3A_2309, %gather3A_2312 : vector<16xf32>
    %add3A_2336 = arith.addf %gather3A_2315, %gather3A_2318 : vector<16xf32>
    %add3A_2337 = arith.addf %gather3A_2321, %gather3A_2324 : vector<16xf32>
    %add3A_2338 = arith.addf %gather3A_2327, %gather3A_2330 : vector<16xf32>
    %add3A_2339 = arith.addf %add3A_2331, %add3A_2332 : vector<16xf32>
    %add3A_2340 = arith.addf %add3A_2333, %add3A_2334 : vector<16xf32>
    %add3A_2341 = arith.addf %add3A_2335, %add3A_2336 : vector<16xf32>
    %add3A_2342 = arith.addf %add3A_2337, %add3A_2338 : vector<16xf32>
    %add3A_2343 = arith.addf %add3A_2339, %add3A_2340 : vector<16xf32>
    %add3A_2344 = arith.addf %add3A_2341, %add3A_2342 : vector<16xf32>
    %add3A_2345 = arith.addf %add3A_2343, %add3A_2344 : vector<16xf32>
    %get3A_2346 = arith.constant 432 : index
    %get3A_2347 = tpu.vector_load %arg12[%get3A_2346] {strides = array<i32>} : memref<512xi32, #tpu.memory_space<vmem>>, vector<16xi32>,
    %gather3A_2348 = tpu.vector_load_idx %arg17[%get3A_2347] : memref<1024xf32, #tpu.memory_space<vmem>>[vector<16xi32>], vector<16xf32>,
    %add3A_2349 = arith.addf %add3A_2345, %get3A_90 : vector<16xf32>
    %mul3A_2350 = arith.constant 1.000000e-01 : f32
    %mul3A_2351 = vector.broadcast %mul3A_2350 : f32 to vector<16xf32>
    %mul3A_2352 = arith.mulf %gather3A_2348, %mul3A_2351 : vector<16xf32>
    %add3A_2353 = arith.addf %add3A_2349, %mul3A_2352 : vector<16xf32>
    %swap3A_2354 = arith.constant 432 : index
    %swap3A_2355 = tpu.vector_load %arg20[%swap3A_2354] {strides = array<i32>} : memref<512xf32, #tpu.memory_space<vmem>>, vector<16xf32>,
    tpu.vector_store %arg20[%swap3A_2354], %add3A_2353 {strides = array<i32>} : memref<512xf32, #tpu.memory_space<vmem>>, vector<16xf32>,
    %add3A_2356 = arith.constant 64 : i32
    %add3A_2357 = vector.broadcast %add3A_2356 : i32 to vector<16xi32>
    %add3A_2358 = arith.addi %iota3A, %add3A_2357 : vector<16xi32>
    %broadcast_in_dim3A_2359 = arith.constant 0 : i32
    %broadcast_in_dim3A_2360 = vector.broadcast %broadcast_in_dim3A_2359 : i32 to vector<16xi32>
    %gather3A_2361 = tpu.vector_load_idx %arg15[%add3A_2358, %broadcast_in_dim3A_2360] : memref<128x16xf32, #tpu.memory_space<vmem>>[vector<16xi32>, vector<16xi32>], vector<16xf32>,
    %broadcast_in_dim3A_2362 = arith.constant 1 : i32
    %broadcast_in_dim3A_2363 = vector.broadcast %broadcast_in_dim3A_2362 : i32 to vector<16xi32>
    %gather3A_2364 = tpu.vector_load_idx %arg15[%add3A_2358, %broadcast_in_dim3A_2363] : memref<128x16xf32, #tpu.memory_space<vmem>>[vector<16xi32>, vector<16xi32>], vector<16xf32>,
    %broadcast_in_dim3A_2365 = arith.constant 2 : i32
    %broadcast_in_dim3A_2366 = vector.broadcast %broadcast_in_dim3A_2365 : i32 to vector<16xi32>
    %gather3A_2367 = tpu.vector_load_idx %arg15[%add3A_2358, %broadcast_in_dim3A_2366] : memref<128x16xf32, #tpu.memory_space<vmem>>[vector<16xi32>, vector<16xi32>], vector<16xf32>,
    %broadcast_in_dim3A_2368 = arith.constant 3 : i32
    %broadcast_in_dim3A_2369 = vector.broadcast %broadcast_in_dim3A_2368 : i32 to vector<16xi32>
    %gather3A_2370 = tpu.vector_load_idx %arg15[%add3A_2358, %broadcast_in_dim3A_2369] : memref<128x16xf32, #tpu.memory_space<vmem>>[vector<16xi32>, vector<16xi32>], vector<16xf32>,
    %broadcast_in_dim3A_2371 = arith.constant 4 : i32
    %broadcast_in_dim3A_2372 = vector.broadcast %broadcast_in_dim3A_2371 : i32 to vector<16xi32>
    %gather3A_2373 = tpu.vector_load_idx %arg15[%add3A_2358, %broadcast_in_dim3A_2372] : memref<128x16xf32, #tpu.memory_space<vmem>>[vector<16xi32>, vector<16xi32>], vector<16xf32>,
    %broadcast_in_dim3A_2374 = arith.constant 5 : i32
    %broadcast_in_dim3A_2375 = vector.broadcast %broadcast_in_dim3A_2374 : i32 to vector<16xi32>
    %gather3A_2376 = tpu.vector_load_idx %arg15[%add3A_2358, %broadcast_in_dim3A_2375] : memref<128x16xf32, #tpu.memory_space<vmem>>[vector<16xi32>, vector<16xi32>], vector<16xf32>,
    %broadcast_in_dim3A_2377 = arith.constant 6 : i32
    %broadcast_in_dim3A_2378 = vector.broadcast %broadcast_in_dim3A_2377 : i32 to vector<16xi32>
    %gather3A_2379 = tpu.vector_load_idx %arg15[%add3A_2358, %broadcast_in_dim3A_2378] : memref<128x16xf32, #tpu.memory_space<vmem>>[vector<16xi32>, vector<16xi32>], vector<16xf32>,
    %broadcast_in_dim3A_2380 = arith.constant 7 : i32
    %broadcast_in_dim3A_2381 = vector.broadcast %broadcast_in_dim3A_2380 : i32 to vector<16xi32>
    %gather3A_2382 = tpu.vector_load_idx %arg15[%add3A_2358, %broadcast_in_dim3A_2381] : memref<128x16xf32, #tpu.memory_space<vmem>>[vector<16xi32>, vector<16xi32>], vector<16xf32>,
    %broadcast_in_dim3A_2383 = arith.constant 8 : i32
    %broadcast_in_dim3A_2384 = vector.broadcast %broadcast_in_dim3A_2383 : i32 to vector<16xi32>
    %gather3A_2385 = tpu.vector_load_idx %arg15[%add3A_2358, %broadcast_in_dim3A_2384] : memref<128x16xf32, #tpu.memory_space<vmem>>[vector<16xi32>, vector<16xi32>], vector<16xf32>,
    %broadcast_in_dim3A_2386 = arith.constant 9 : i32
    %broadcast_in_dim3A_2387 = vector.broadcast %broadcast_in_dim3A_2386 : i32 to vector<16xi32>
    %gather3A_2388 = tpu.vector_load_idx %arg15[%add3A_2358, %broadcast_in_dim3A_2387] : memref<128x16xf32, #tpu.memory_space<vmem>>[vector<16xi32>, vector<16xi32>], vector<16xf32>,
    %broadcast_in_dim3A_2389 = arith.constant 10 : i32
    %broadcast_in_dim3A_2390 = vector.broadcast %broadcast_in_dim3A_2389 : i32 to vector<16xi32>
    %gather3A_2391 = tpu.vector_load_idx %arg15[%add3A_2358, %broadcast_in_dim3A_2390] : memref<128x16xf32, #tpu.memory_space<vmem>>[vector<16xi32>, vector<16xi32>], vector<16xf32>,
    %broadcast_in_dim3A_2392 = arith.constant 11 : i32
    %broadcast_in_dim3A_2393 = vector.broadcast %broadcast_in_dim3A_2392 : i32 to vector<16xi32>
    %gather3A_2394 = tpu.vector_load_idx %arg15[%add3A_2358, %broadcast_in_dim3A_2393] : memref<128x16xf32, #tpu.memory_space<vmem>>[vector<16xi32>, vector<16xi32>], vector<16xf32>,
    %broadcast_in_dim3A_2395 = arith.constant 12 : i32
    %broadcast_in_dim3A_2396 = vector.broadcast %broadcast_in_dim3A_2395 : i32 to vector<16xi32>
    %gather3A_2397 = tpu.vector_load_idx %arg15[%add3A_2358, %broadcast_in_dim3A_2396] : memref<128x16xf32, #tpu.memory_space<vmem>>[vector<16xi32>, vector<16xi32>], vector<16xf32>,
    %broadcast_in_dim3A_2398 = arith.constant 13 : i32
    %broadcast_in_dim3A_2399 = vector.broadcast %broadcast_in_dim3A_2398 : i32 to vector<16xi32>
    %gather3A_2400 = tpu.vector_load_idx %arg15[%add3A_2358, %broadcast_in_dim3A_2399] : memref<128x16xf32, #tpu.memory_space<vmem>>[vector<16xi32>, vector<16xi32>], vector<16xf32>,
    %broadcast_in_dim3A_2401 = arith.constant 14 : i32
    %broadcast_in_dim3A_2402 = vector.broadcast %broadcast_in_dim3A_2401 : i32 to vector<16xi32>
    %gather3A_2403 = tpu.vector_load_idx %arg15[%add3A_2358, %broadcast_in_dim3A_2402] : memref<128x16xf32, #tpu.memory_space<vmem>>[vector<16xi32>, vector<16xi32>], vector<16xf32>,
    %broadcast_in_dim3A_2404 = arith.constant 15 : i32
    %broadcast_in_dim3A_2405 = vector.broadcast %broadcast_in_dim3A_2404 : i32 to vector<16xi32>
    %gather3A_2406 = tpu.vector_load_idx %arg15[%add3A_2358, %broadcast_in_dim3A_2405] : memref<128x16xf32, #tpu.memory_space<vmem>>[vector<16xi32>, vector<16xi32>], vector<16xf32>,
    %add3A_2407 = arith.addf %gather3A_2361, %gather3A_2364 : vector<16xf32>
    %add3A_2408 = arith.addf %gather3A_2367, %gather3A_2370 : vector<16xf32>
    %add3A_2409 = arith.addf %gather3A_2373, %gather3A_2376 : vector<16xf32>
    %add3A_2410 = arith.addf %gather3A_2379, %gather3A_2382 : vector<16xf32>
    %add3A_2411 = arith.addf %gather3A_2385, %gather3A_2388 : vector<16xf32>
    %add3A_2412 = arith.addf %gather3A_2391, %gather3A_2394 : vector<16xf32>
    %add3A_2413 = arith.addf %gather3A_2397, %gather3A_2400 : vector<16xf32>
    %add3A_2414 = arith.addf %gather3A_2403, %gather3A_2406 : vector<16xf32>
    %add3A_2415 = arith.addf %add3A_2407, %add3A_2408 : vector<16xf32>
    %add3A_2416 = arith.addf %add3A_2409, %add3A_2410 : vector<16xf32>
    %add3A_2417 = arith.addf %add3A_2411, %add3A_2412 : vector<16xf32>
    %add3A_2418 = arith.addf %add3A_2413, %add3A_2414 : vector<16xf32>
    %add3A_2419 = arith.addf %add3A_2415, %add3A_2416 : vector<16xf32>
    %add3A_2420 = arith.addf %add3A_2417, %add3A_2418 : vector<16xf32>
    %add3A_2421 = arith.addf %add3A_2419, %add3A_2420 : vector<16xf32>
    %get3A_2422 = arith.constant 448 : index
    %get3A_2423 = tpu.vector_load %arg12[%get3A_2422] {strides = array<i32>} : memref<512xi32, #tpu.memory_space<vmem>>, vector<16xi32>,
    %gather3A_2424 = tpu.vector_load_idx %arg17[%get3A_2423] : memref<1024xf32, #tpu.memory_space<vmem>>[vector<16xi32>], vector<16xf32>,
    %add3A_2425 = arith.addf %add3A_2421, %get3A_90 : vector<16xf32>
    %mul3A_2426 = arith.constant 1.000000e-01 : f32
    %mul3A_2427 = vector.broadcast %mul3A_2426 : f32 to vector<16xf32>
    %mul3A_2428 = arith.mulf %gather3A_2424, %mul3A_2427 : vector<16xf32>
    %add3A_2429 = arith.addf %add3A_2425, %mul3A_2428 : vector<16xf32>
    %swap3A_2430 = arith.constant 448 : index
    %swap3A_2431 = tpu.vector_load %arg20[%swap3A_2430] {strides = array<i32>} : memref<512xf32, #tpu.memory_space<vmem>>, vector<16xf32>,
    tpu.vector_store %arg20[%swap3A_2430], %add3A_2429 {strides = array<i32>} : memref<512xf32, #tpu.memory_space<vmem>>, vector<16xf32>,
    %add3A_2432 = arith.constant 80 : i32
    %add3A_2433 = vector.broadcast %add3A_2432 : i32 to vector<16xi32>
    %add3A_2434 = arith.addi %iota3A, %add3A_2433 : vector<16xi32>
    %broadcast_in_dim3A_2435 = arith.constant 0 : i32
    %broadcast_in_dim3A_2436 = vector.broadcast %broadcast_in_dim3A_2435 : i32 to vector<16xi32>
    %gather3A_2437 = tpu.vector_load_idx %arg15[%add3A_2434, %broadcast_in_dim3A_2436] : memref<128x16xf32, #tpu.memory_space<vmem>>[vector<16xi32>, vector<16xi32>], vector<16xf32>,
    %broadcast_in_dim3A_2438 = arith.constant 1 : i32
    %broadcast_in_dim3A_2439 = vector.broadcast %broadcast_in_dim3A_2438 : i32 to vector<16xi32>
    %gather3A_2440 = tpu.vector_load_idx %arg15[%add3A_2434, %broadcast_in_dim3A_2439] : memref<128x16xf32, #tpu.memory_space<vmem>>[vector<16xi32>, vector<16xi32>], vector<16xf32>,
    %broadcast_in_dim3A_2441 = arith.constant 2 : i32
    %broadcast_in_dim3A_2442 = vector.broadcast %broadcast_in_dim3A_2441 : i32 to vector<16xi32>
    %gather3A_2443 = tpu.vector_load_idx %arg15[%add3A_2434, %broadcast_in_dim3A_2442] : memref<128x16xf32, #tpu.memory_space<vmem>>[vector<16xi32>, vector<16xi32>], vector<16xf32>,
    %broadcast_in_dim3A_2444 = arith.constant 3 : i32
    %broadcast_in_dim3A_2445 = vector.broadcast %broadcast_in_dim3A_2444 : i32 to vector<16xi32>
    %gather3A_2446 = tpu.vector_load_idx %arg15[%add3A_2434, %broadcast_in_dim3A_2445] : memref<128x16xf32, #tpu.memory_space<vmem>>[vector<16xi32>, vector<16xi32>], vector<16xf32>,
    %broadcast_in_dim3A_2447 = arith.constant 4 : i32
    %broadcast_in_dim3A_2448 = vector.broadcast %broadcast_in_dim3A_2447 : i32 to vector<16xi32>
    %gather3A_2449 = tpu.vector_load_idx %arg15[%add3A_2434, %broadcast_in_dim3A_2448] : memref<128x16xf32, #tpu.memory_space<vmem>>[vector<16xi32>, vector<16xi32>], vector<16xf32>,
    %broadcast_in_dim3A_2450 = arith.constant 5 : i32
    %broadcast_in_dim3A_2451 = vector.broadcast %broadcast_in_dim3A_2450 : i32 to vector<16xi32>
    %gather3A_2452 = tpu.vector_load_idx %arg15[%add3A_2434, %broadcast_in_dim3A_2451] : memref<128x16xf32, #tpu.memory_space<vmem>>[vector<16xi32>, vector<16xi32>], vector<16xf32>,
    %broadcast_in_dim3A_2453 = arith.constant 6 : i32
    %broadcast_in_dim3A_2454 = vector.broadcast %broadcast_in_dim3A_2453 : i32 to vector<16xi32>
    %gather3A_2455 = tpu.vector_load_idx %arg15[%add3A_2434, %broadcast_in_dim3A_2454] : memref<128x16xf32, #tpu.memory_space<vmem>>[vector<16xi32>, vector<16xi32>], vector<16xf32>,
    %broadcast_in_dim3A_2456 = arith.constant 7 : i32
    %broadcast_in_dim3A_2457 = vector.broadcast %broadcast_in_dim3A_2456 : i32 to vector<16xi32>
    %gather3A_2458 = tpu.vector_load_idx %arg15[%add3A_2434, %broadcast_in_dim3A_2457] : memref<128x16xf32, #tpu.memory_space<vmem>>[vector<16xi32>, vector<16xi32>], vector<16xf32>,
    %broadcast_in_dim3A_2459 = arith.constant 8 : i32
    %broadcast_in_dim3A_2460 = vector.broadcast %broadcast_in_dim3A_2459 : i32 to vector<16xi32>
    %gather3A_2461 = tpu.vector_load_idx %arg15[%add3A_2434, %broadcast_in_dim3A_2460] : memref<128x16xf32, #tpu.memory_space<vmem>>[vector<16xi32>, vector<16xi32>], vector<16xf32>,
    %broadcast_in_dim3A_2462 = arith.constant 9 : i32
    %broadcast_in_dim3A_2463 = vector.broadcast %broadcast_in_dim3A_2462 : i32 to vector<16xi32>
    %gather3A_2464 = tpu.vector_load_idx %arg15[%add3A_2434, %broadcast_in_dim3A_2463] : memref<128x16xf32, #tpu.memory_space<vmem>>[vector<16xi32>, vector<16xi32>], vector<16xf32>,
    %broadcast_in_dim3A_2465 = arith.constant 10 : i32
    %broadcast_in_dim3A_2466 = vector.broadcast %broadcast_in_dim3A_2465 : i32 to vector<16xi32>
    %gather3A_2467 = tpu.vector_load_idx %arg15[%add3A_2434, %broadcast_in_dim3A_2466] : memref<128x16xf32, #tpu.memory_space<vmem>>[vector<16xi32>, vector<16xi32>], vector<16xf32>,
    %broadcast_in_dim3A_2468 = arith.constant 11 : i32
    %broadcast_in_dim3A_2469 = vector.broadcast %broadcast_in_dim3A_2468 : i32 to vector<16xi32>
    %gather3A_2470 = tpu.vector_load_idx %arg15[%add3A_2434, %broadcast_in_dim3A_2469] : memref<128x16xf32, #tpu.memory_space<vmem>>[vector<16xi32>, vector<16xi32>], vector<16xf32>,
    %broadcast_in_dim3A_2471 = arith.constant 12 : i32
    %broadcast_in_dim3A_2472 = vector.broadcast %broadcast_in_dim3A_2471 : i32 to vector<16xi32>
    %gather3A_2473 = tpu.vector_load_idx %arg15[%add3A_2434, %broadcast_in_dim3A_2472] : memref<128x16xf32, #tpu.memory_space<vmem>>[vector<16xi32>, vector<16xi32>], vector<16xf32>,
    %broadcast_in_dim3A_2474 = arith.constant 13 : i32
    %broadcast_in_dim3A_2475 = vector.broadcast %broadcast_in_dim3A_2474 : i32 to vector<16xi32>
    %gather3A_2476 = tpu.vector_load_idx %arg15[%add3A_2434, %broadcast_in_dim3A_2475] : memref<128x16xf32, #tpu.memory_space<vmem>>[vector<16xi32>, vector<16xi32>], vector<16xf32>,
    %broadcast_in_dim3A_2477 = arith.constant 14 : i32
    %broadcast_in_dim3A_2478 = vector.broadcast %broadcast_in_dim3A_2477 : i32 to vector<16xi32>
    %gather3A_2479 = tpu.vector_load_idx %arg15[%add3A_2434, %broadcast_in_dim3A_2478] : memref<128x16xf32, #tpu.memory_space<vmem>>[vector<16xi32>, vector<16xi32>], vector<16xf32>,
    %broadcast_in_dim3A_2480 = arith.constant 15 : i32
    %broadcast_in_dim3A_2481 = vector.broadcast %broadcast_in_dim3A_2480 : i32 to vector<16xi32>
    %gather3A_2482 = tpu.vector_load_idx %arg15[%add3A_2434, %broadcast_in_dim3A_2481] : memref<128x16xf32, #tpu.memory_space<vmem>>[vector<16xi32>, vector<16xi32>], vector<16xf32>,
    %add3A_2483 = arith.addf %gather3A_2437, %gather3A_2440 : vector<16xf32>
    %add3A_2484 = arith.addf %gather3A_2443, %gather3A_2446 : vector<16xf32>
    %add3A_2485 = arith.addf %gather3A_2449, %gather3A_2452 : vector<16xf32>
    %add3A_2486 = arith.addf %gather3A_2455, %gather3A_2458 : vector<16xf32>
    %add3A_2487 = arith.addf %gather3A_2461, %gather3A_2464 : vector<16xf32>
    %add3A_2488 = arith.addf %gather3A_2467, %gather3A_2470 : vector<16xf32>
    %add3A_2489 = arith.addf %gather3A_2473, %gather3A_2476 : vector<16xf32>
    %add3A_2490 = arith.addf %gather3A_2479, %gather3A_2482 : vector<16xf32>
    %add3A_2491 = arith.addf %add3A_2483, %add3A_2484 : vector<16xf32>
    %add3A_2492 = arith.addf %add3A_2485, %add3A_2486 : vector<16xf32>
    %add3A_2493 = arith.addf %add3A_2487, %add3A_2488 : vector<16xf32>
    %add3A_2494 = arith.addf %add3A_2489, %add3A_2490 : vector<16xf32>
    %add3A_2495 = arith.addf %add3A_2491, %add3A_2492 : vector<16xf32>
    %add3A_2496 = arith.addf %add3A_2493, %add3A_2494 : vector<16xf32>
    %add3A_2497 = arith.addf %add3A_2495, %add3A_2496 : vector<16xf32>
    %get3A_2498 = arith.constant 464 : index
    %get3A_2499 = tpu.vector_load %arg12[%get3A_2498] {strides = array<i32>} : memref<512xi32, #tpu.memory_space<vmem>>, vector<16xi32>,
    %gather3A_2500 = tpu.vector_load_idx %arg17[%get3A_2499] : memref<1024xf32, #tpu.memory_space<vmem>>[vector<16xi32>], vector<16xf32>,
    %add3A_2501 = arith.addf %add3A_2497, %get3A_90 : vector<16xf32>
    %mul3A_2502 = arith.constant 1.000000e-01 : f32
    %mul3A_2503 = vector.broadcast %mul3A_2502 : f32 to vector<16xf32>
    %mul3A_2504 = arith.mulf %gather3A_2500, %mul3A_2503 : vector<16xf32>
    %add3A_2505 = arith.addf %add3A_2501, %mul3A_2504 : vector<16xf32>
    %swap3A_2506 = arith.constant 464 : index
    %swap3A_2507 = tpu.vector_load %arg20[%swap3A_2506] {strides = array<i32>} : memref<512xf32, #tpu.memory_space<vmem>>, vector<16xf32>,
    tpu.vector_store %arg20[%swap3A_2506], %add3A_2505 {strides = array<i32>} : memref<512xf32, #tpu.memory_space<vmem>>, vector<16xf32>,
    %add3A_2508 = arith.constant 96 : i32
    %add3A_2509 = vector.broadcast %add3A_2508 : i32 to vector<16xi32>
    %add3A_2510 = arith.addi %iota3A, %add3A_2509 : vector<16xi32>
    %broadcast_in_dim3A_2511 = arith.constant 0 : i32
    %broadcast_in_dim3A_2512 = vector.broadcast %broadcast_in_dim3A_2511 : i32 to vector<16xi32>
    %gather3A_2513 = tpu.vector_load_idx %arg15[%add3A_2510, %broadcast_in_dim3A_2512] : memref<128x16xf32, #tpu.memory_space<vmem>>[vector<16xi32>, vector<16xi32>], vector<16xf32>,
    %broadcast_in_dim3A_2514 = arith.constant 1 : i32
    %broadcast_in_dim3A_2515 = vector.broadcast %broadcast_in_dim3A_2514 : i32 to vector<16xi32>
    %gather3A_2516 = tpu.vector_load_idx %arg15[%add3A_2510, %broadcast_in_dim3A_2515] : memref<128x16xf32, #tpu.memory_space<vmem>>[vector<16xi32>, vector<16xi32>], vector<16xf32>,
    %broadcast_in_dim3A_2517 = arith.constant 2 : i32
    %broadcast_in_dim3A_2518 = vector.broadcast %broadcast_in_dim3A_2517 : i32 to vector<16xi32>
    %gather3A_2519 = tpu.vector_load_idx %arg15[%add3A_2510, %broadcast_in_dim3A_2518] : memref<128x16xf32, #tpu.memory_space<vmem>>[vector<16xi32>, vector<16xi32>], vector<16xf32>,
    %broadcast_in_dim3A_2520 = arith.constant 3 : i32
    %broadcast_in_dim3A_2521 = vector.broadcast %broadcast_in_dim3A_2520 : i32 to vector<16xi32>
    %gather3A_2522 = tpu.vector_load_idx %arg15[%add3A_2510, %broadcast_in_dim3A_2521] : memref<128x16xf32, #tpu.memory_space<vmem>>[vector<16xi32>, vector<16xi32>], vector<16xf32>,
    %broadcast_in_dim3A_2523 = arith.constant 4 : i32
    %broadcast_in_dim3A_2524 = vector.broadcast %broadcast_in_dim3A_2523 : i32 to vector<16xi32>
    %gather3A_2525 = tpu.vector_load_idx %arg15[%add3A_2510, %broadcast_in_dim3A_2524] : memref<128x16xf32, #tpu.memory_space<vmem>>[vector<16xi32>, vector<16xi32>], vector<16xf32>,
    %broadcast_in_dim3A_2526 = arith.constant 5 : i32
    %broadcast_in_dim3A_2527 = vector.broadcast %broadcast_in_dim3A_2526 : i32 to vector<16xi32>
    %gather3A_2528 = tpu.vector_load_idx %arg15[%add3A_2510, %broadcast_in_dim3A_2527] : memref<128x16xf32, #tpu.memory_space<vmem>>[vector<16xi32>, vector<16xi32>], vector<16xf32>,
    %broadcast_in_dim3A_2529 = arith.constant 6 : i32
    %broadcast_in_dim3A_2530 = vector.broadcast %broadcast_in_dim3A_2529 : i32 to vector<16xi32>
    %gather3A_2531 = tpu.vector_load_idx %arg15[%add3A_2510, %broadcast_in_dim3A_2530] : memref<128x16xf32, #tpu.memory_space<vmem>>[vector<16xi32>, vector<16xi32>], vector<16xf32>,
    %broadcast_in_dim3A_2532 = arith.constant 7 : i32
    %broadcast_in_dim3A_2533 = vector.broadcast %broadcast_in_dim3A_2532 : i32 to vector<16xi32>
    %gather3A_2534 = tpu.vector_load_idx %arg15[%add3A_2510, %broadcast_in_dim3A_2533] : memref<128x16xf32, #tpu.memory_space<vmem>>[vector<16xi32>, vector<16xi32>], vector<16xf32>,
    %broadcast_in_dim3A_2535 = arith.constant 8 : i32
    %broadcast_in_dim3A_2536 = vector.broadcast %broadcast_in_dim3A_2535 : i32 to vector<16xi32>
    %gather3A_2537 = tpu.vector_load_idx %arg15[%add3A_2510, %broadcast_in_dim3A_2536] : memref<128x16xf32, #tpu.memory_space<vmem>>[vector<16xi32>, vector<16xi32>], vector<16xf32>,
    %broadcast_in_dim3A_2538 = arith.constant 9 : i32
    %broadcast_in_dim3A_2539 = vector.broadcast %broadcast_in_dim3A_2538 : i32 to vector<16xi32>
    %gather3A_2540 = tpu.vector_load_idx %arg15[%add3A_2510, %broadcast_in_dim3A_2539] : memref<128x16xf32, #tpu.memory_space<vmem>>[vector<16xi32>, vector<16xi32>], vector<16xf32>,
    %broadcast_in_dim3A_2541 = arith.constant 10 : i32
    %broadcast_in_dim3A_2542 = vector.broadcast %broadcast_in_dim3A_2541 : i32 to vector<16xi32>
    %gather3A_2543 = tpu.vector_load_idx %arg15[%add3A_2510, %broadcast_in_dim3A_2542] : memref<128x16xf32, #tpu.memory_space<vmem>>[vector<16xi32>, vector<16xi32>], vector<16xf32>,
    %broadcast_in_dim3A_2544 = arith.constant 11 : i32
    %broadcast_in_dim3A_2545 = vector.broadcast %broadcast_in_dim3A_2544 : i32 to vector<16xi32>
    %gather3A_2546 = tpu.vector_load_idx %arg15[%add3A_2510, %broadcast_in_dim3A_2545] : memref<128x16xf32, #tpu.memory_space<vmem>>[vector<16xi32>, vector<16xi32>], vector<16xf32>,
    %broadcast_in_dim3A_2547 = arith.constant 12 : i32
    %broadcast_in_dim3A_2548 = vector.broadcast %broadcast_in_dim3A_2547 : i32 to vector<16xi32>
    %gather3A_2549 = tpu.vector_load_idx %arg15[%add3A_2510, %broadcast_in_dim3A_2548] : memref<128x16xf32, #tpu.memory_space<vmem>>[vector<16xi32>, vector<16xi32>], vector<16xf32>,
    %broadcast_in_dim3A_2550 = arith.constant 13 : i32
    %broadcast_in_dim3A_2551 = vector.broadcast %broadcast_in_dim3A_2550 : i32 to vector<16xi32>
    %gather3A_2552 = tpu.vector_load_idx %arg15[%add3A_2510, %broadcast_in_dim3A_2551] : memref<128x16xf32, #tpu.memory_space<vmem>>[vector<16xi32>, vector<16xi32>], vector<16xf32>,
    %broadcast_in_dim3A_2553 = arith.constant 14 : i32
    %broadcast_in_dim3A_2554 = vector.broadcast %broadcast_in_dim3A_2553 : i32 to vector<16xi32>
    %gather3A_2555 = tpu.vector_load_idx %arg15[%add3A_2510, %broadcast_in_dim3A_2554] : memref<128x16xf32, #tpu.memory_space<vmem>>[vector<16xi32>, vector<16xi32>], vector<16xf32>,
    %broadcast_in_dim3A_2556 = arith.constant 15 : i32
    %broadcast_in_dim3A_2557 = vector.broadcast %broadcast_in_dim3A_2556 : i32 to vector<16xi32>
    %gather3A_2558 = tpu.vector_load_idx %arg15[%add3A_2510, %broadcast_in_dim3A_2557] : memref<128x16xf32, #tpu.memory_space<vmem>>[vector<16xi32>, vector<16xi32>], vector<16xf32>,
    %add3A_2559 = arith.addf %gather3A_2513, %gather3A_2516 : vector<16xf32>
    %add3A_2560 = arith.addf %gather3A_2519, %gather3A_2522 : vector<16xf32>
    %add3A_2561 = arith.addf %gather3A_2525, %gather3A_2528 : vector<16xf32>
    %add3A_2562 = arith.addf %gather3A_2531, %gather3A_2534 : vector<16xf32>
    %add3A_2563 = arith.addf %gather3A_2537, %gather3A_2540 : vector<16xf32>
    %add3A_2564 = arith.addf %gather3A_2543, %gather3A_2546 : vector<16xf32>
    %add3A_2565 = arith.addf %gather3A_2549, %gather3A_2552 : vector<16xf32>
    %add3A_2566 = arith.addf %gather3A_2555, %gather3A_2558 : vector<16xf32>
    %add3A_2567 = arith.addf %add3A_2559, %add3A_2560 : vector<16xf32>
    %add3A_2568 = arith.addf %add3A_2561, %add3A_2562 : vector<16xf32>
    %add3A_2569 = arith.addf %add3A_2563, %add3A_2564 : vector<16xf32>
    %add3A_2570 = arith.addf %add3A_2565, %add3A_2566 : vector<16xf32>
    %add3A_2571 = arith.addf %add3A_2567, %add3A_2568 : vector<16xf32>
    %add3A_2572 = arith.addf %add3A_2569, %add3A_2570 : vector<16xf32>
    %add3A_2573 = arith.addf %add3A_2571, %add3A_2572 : vector<16xf32>
    %get3A_2574 = arith.constant 480 : index
    %get3A_2575 = tpu.vector_load %arg12[%get3A_2574] {strides = array<i32>} : memref<512xi32, #tpu.memory_space<vmem>>, vector<16xi32>,
    %gather3A_2576 = tpu.vector_load_idx %arg17[%get3A_2575] : memref<1024xf32, #tpu.memory_space<vmem>>[vector<16xi32>], vector<16xf32>,
    %add3A_2577 = arith.addf %add3A_2573, %get3A_90 : vector<16xf32>
    %mul3A_2578 = arith.constant 1.000000e-01 : f32
    %mul3A_2579 = vector.broadcast %mul3A_2578 : f32 to vector<16xf32>
    %mul3A_2580 = arith.mulf %gather3A_2576, %mul3A_2579 : vector<16xf32>
    %add3A_2581 = arith.addf %add3A_2577, %mul3A_2580 : vector<16xf32>
    %swap3A_2582 = arith.constant 480 : index
    %swap3A_2583 = tpu.vector_load %arg20[%swap3A_2582] {strides = array<i32>} : memref<512xf32, #tpu.memory_space<vmem>>, vector<16xf32>,
    tpu.vector_store %arg20[%swap3A_2582], %add3A_2581 {strides = array<i32>} : memref<512xf32, #tpu.memory_space<vmem>>, vector<16xf32>,
    %add3A_2584 = arith.constant 112 : i32
    %add3A_2585 = vector.broadcast %add3A_2584 : i32 to vector<16xi32>
    %add3A_2586 = arith.addi %iota3A, %add3A_2585 : vector<16xi32>
    %broadcast_in_dim3A_2587 = arith.constant 0 : i32
    %broadcast_in_dim3A_2588 = vector.broadcast %broadcast_in_dim3A_2587 : i32 to vector<16xi32>
    %gather3A_2589 = tpu.vector_load_idx %arg15[%add3A_2586, %broadcast_in_dim3A_2588] : memref<128x16xf32, #tpu.memory_space<vmem>>[vector<16xi32>, vector<16xi32>], vector<16xf32>,
    %broadcast_in_dim3A_2590 = arith.constant 1 : i32
    %broadcast_in_dim3A_2591 = vector.broadcast %broadcast_in_dim3A_2590 : i32 to vector<16xi32>
    %gather3A_2592 = tpu.vector_load_idx %arg15[%add3A_2586, %broadcast_in_dim3A_2591] : memref<128x16xf32, #tpu.memory_space<vmem>>[vector<16xi32>, vector<16xi32>], vector<16xf32>,
    %broadcast_in_dim3A_2593 = arith.constant 2 : i32
    %broadcast_in_dim3A_2594 = vector.broadcast %broadcast_in_dim3A_2593 : i32 to vector<16xi32>
    %gather3A_2595 = tpu.vector_load_idx %arg15[%add3A_2586, %broadcast_in_dim3A_2594] : memref<128x16xf32, #tpu.memory_space<vmem>>[vector<16xi32>, vector<16xi32>], vector<16xf32>,
    %broadcast_in_dim3A_2596 = arith.constant 3 : i32
    %broadcast_in_dim3A_2597 = vector.broadcast %broadcast_in_dim3A_2596 : i32 to vector<16xi32>
    %gather3A_2598 = tpu.vector_load_idx %arg15[%add3A_2586, %broadcast_in_dim3A_2597] : memref<128x16xf32, #tpu.memory_space<vmem>>[vector<16xi32>, vector<16xi32>], vector<16xf32>,
    %broadcast_in_dim3A_2599 = arith.constant 4 : i32
    %broadcast_in_dim3A_2600 = vector.broadcast %broadcast_in_dim3A_2599 : i32 to vector<16xi32>
    %gather3A_2601 = tpu.vector_load_idx %arg15[%add3A_2586, %broadcast_in_dim3A_2600] : memref<128x16xf32, #tpu.memory_space<vmem>>[vector<16xi32>, vector<16xi32>], vector<16xf32>,
    %broadcast_in_dim3A_2602 = arith.constant 5 : i32
    %broadcast_in_dim3A_2603 = vector.broadcast %broadcast_in_dim3A_2602 : i32 to vector<16xi32>
    %gather3A_2604 = tpu.vector_load_idx %arg15[%add3A_2586, %broadcast_in_dim3A_2603] : memref<128x16xf32, #tpu.memory_space<vmem>>[vector<16xi32>, vector<16xi32>], vector<16xf32>,
    %broadcast_in_dim3A_2605 = arith.constant 6 : i32
    %broadcast_in_dim3A_2606 = vector.broadcast %broadcast_in_dim3A_2605 : i32 to vector<16xi32>
    %gather3A_2607 = tpu.vector_load_idx %arg15[%add3A_2586, %broadcast_in_dim3A_2606] : memref<128x16xf32, #tpu.memory_space<vmem>>[vector<16xi32>, vector<16xi32>], vector<16xf32>,
    %broadcast_in_dim3A_2608 = arith.constant 7 : i32
    %broadcast_in_dim3A_2609 = vector.broadcast %broadcast_in_dim3A_2608 : i32 to vector<16xi32>
    %gather3A_2610 = tpu.vector_load_idx %arg15[%add3A_2586, %broadcast_in_dim3A_2609] : memref<128x16xf32, #tpu.memory_space<vmem>>[vector<16xi32>, vector<16xi32>], vector<16xf32>,
    %broadcast_in_dim3A_2611 = arith.constant 8 : i32
    %broadcast_in_dim3A_2612 = vector.broadcast %broadcast_in_dim3A_2611 : i32 to vector<16xi32>
    %gather3A_2613 = tpu.vector_load_idx %arg15[%add3A_2586, %broadcast_in_dim3A_2612] : memref<128x16xf32, #tpu.memory_space<vmem>>[vector<16xi32>, vector<16xi32>], vector<16xf32>,
    %broadcast_in_dim3A_2614 = arith.constant 9 : i32
    %broadcast_in_dim3A_2615 = vector.broadcast %broadcast_in_dim3A_2614 : i32 to vector<16xi32>
    %gather3A_2616 = tpu.vector_load_idx %arg15[%add3A_2586, %broadcast_in_dim3A_2615] : memref<128x16xf32, #tpu.memory_space<vmem>>[vector<16xi32>, vector<16xi32>], vector<16xf32>,
    %broadcast_in_dim3A_2617 = arith.constant 10 : i32
    %broadcast_in_dim3A_2618 = vector.broadcast %broadcast_in_dim3A_2617 : i32 to vector<16xi32>
    %gather3A_2619 = tpu.vector_load_idx %arg15[%add3A_2586, %broadcast_in_dim3A_2618] : memref<128x16xf32, #tpu.memory_space<vmem>>[vector<16xi32>, vector<16xi32>], vector<16xf32>,
    %broadcast_in_dim3A_2620 = arith.constant 11 : i32
    %broadcast_in_dim3A_2621 = vector.broadcast %broadcast_in_dim3A_2620 : i32 to vector<16xi32>
    %gather3A_2622 = tpu.vector_load_idx %arg15[%add3A_2586, %broadcast_in_dim3A_2621] : memref<128x16xf32, #tpu.memory_space<vmem>>[vector<16xi32>, vector<16xi32>], vector<16xf32>,
    %broadcast_in_dim3A_2623 = arith.constant 12 : i32
    %broadcast_in_dim3A_2624 = vector.broadcast %broadcast_in_dim3A_2623 : i32 to vector<16xi32>
    %gather3A_2625 = tpu.vector_load_idx %arg15[%add3A_2586, %broadcast_in_dim3A_2624] : memref<128x16xf32, #tpu.memory_space<vmem>>[vector<16xi32>, vector<16xi32>], vector<16xf32>,
    %broadcast_in_dim3A_2626 = arith.constant 13 : i32
    %broadcast_in_dim3A_2627 = vector.broadcast %broadcast_in_dim3A_2626 : i32 to vector<16xi32>
    %gather3A_2628 = tpu.vector_load_idx %arg15[%add3A_2586, %broadcast_in_dim3A_2627] : memref<128x16xf32, #tpu.memory_space<vmem>>[vector<16xi32>, vector<16xi32>], vector<16xf32>,
    %broadcast_in_dim3A_2629 = arith.constant 14 : i32
    %broadcast_in_dim3A_2630 = vector.broadcast %broadcast_in_dim3A_2629 : i32 to vector<16xi32>
    %gather3A_2631 = tpu.vector_load_idx %arg15[%add3A_2586, %broadcast_in_dim3A_2630] : memref<128x16xf32, #tpu.memory_space<vmem>>[vector<16xi32>, vector<16xi32>], vector<16xf32>,
    %broadcast_in_dim3A_2632 = arith.constant 15 : i32
    %broadcast_in_dim3A_2633 = vector.broadcast %broadcast_in_dim3A_2632 : i32 to vector<16xi32>
    %gather3A_2634 = tpu.vector_load_idx %arg15[%add3A_2586, %broadcast_in_dim3A_2633] : memref<128x16xf32, #tpu.memory_space<vmem>>[vector<16xi32>, vector<16xi32>], vector<16xf32>,
    %add3A_2635 = arith.addf %gather3A_2589, %gather3A_2592 : vector<16xf32>
    %add3A_2636 = arith.addf %gather3A_2595, %gather3A_2598 : vector<16xf32>
    %add3A_2637 = arith.addf %gather3A_2601, %gather3A_2604 : vector<16xf32>
    %add3A_2638 = arith.addf %gather3A_2607, %gather3A_2610 : vector<16xf32>
    %add3A_2639 = arith.addf %gather3A_2613, %gather3A_2616 : vector<16xf32>
    %add3A_2640 = arith.addf %gather3A_2619, %gather3A_2622 : vector<16xf32>
    %add3A_2641 = arith.addf %gather3A_2625, %gather3A_2628 : vector<16xf32>
    %add3A_2642 = arith.addf %gather3A_2631, %gather3A_2634 : vector<16xf32>
    %add3A_2643 = arith.addf %add3A_2635, %add3A_2636 : vector<16xf32>
    %add3A_2644 = arith.addf %add3A_2637, %add3A_2638 : vector<16xf32>
    %add3A_2645 = arith.addf %add3A_2639, %add3A_2640 : vector<16xf32>
    %add3A_2646 = arith.addf %add3A_2641, %add3A_2642 : vector<16xf32>
    %add3A_2647 = arith.addf %add3A_2643, %add3A_2644 : vector<16xf32>
    %add3A_2648 = arith.addf %add3A_2645, %add3A_2646 : vector<16xf32>
    %add3A_2649 = arith.addf %add3A_2647, %add3A_2648 : vector<16xf32>
    %get3A_2650 = arith.constant 496 : index
    %get3A_2651 = tpu.vector_load %arg12[%get3A_2650] {strides = array<i32>} : memref<512xi32, #tpu.memory_space<vmem>>, vector<16xi32>,
    %gather3A_2652 = tpu.vector_load_idx %arg17[%get3A_2651] : memref<1024xf32, #tpu.memory_space<vmem>>[vector<16xi32>], vector<16xf32>,
    %add3A_2653 = arith.addf %add3A_2649, %get3A_90 : vector<16xf32>
    %mul3A_2654 = arith.constant 1.000000e-01 : f32
    %mul3A_2655 = vector.broadcast %mul3A_2654 : f32 to vector<16xf32>
    %mul3A_2656 = arith.mulf %gather3A_2652, %mul3A_2655 : vector<16xf32>
    %add3A_2657 = arith.addf %add3A_2653, %mul3A_2656 : vector<16xf32>
    %swap3A_2658 = arith.constant 496 : index
    %swap3A_2659 = tpu.vector_load %arg20[%swap3A_2658] {strides = array<i32>} : memref<512xf32, #tpu.memory_space<vmem>>, vector<16xf32>,
    tpu.vector_store %arg20[%swap3A_2658], %add3A_2657 {strides = array<i32>} : memref<512xf32, #tpu.memory_space<vmem>>, vector<16xf32>,
    "tpu.region"() ({
      %run_scoped3A = tpu.sem_alloc : memref<!tpu.dma_semaphore, #tpu.memory_space<semaphore_mem>>
      %dma_start3A_2660 = tpu.memref_slice %arg9[%mul3A_2] : memref<16384xf32, #tpu.memory_space<hbm>> -> memref<512xf32, #tpu.memory_space<hbm>>
      %dma_start3A_2661 = tpu.memref_slice %arg9[%mul3A_2] : memref<16384xf32, #tpu.memory_space<hbm>> -> memref<512xf32, #tpu.memory_space<hbm>>
      tpu.enqueue_dma source(%arg20 : memref<512xf32, #tpu.memory_space<vmem>>) target(%dma_start3A_2661 : memref<512xf32, #tpu.memory_space<hbm>>) target_semaphore(%run_scoped3A : memref<!tpu.dma_semaphore, #tpu.memory_space<semaphore_mem>>)
      %dma_wait3A_2662 = tpu.memref_slice %arg9[%mul3A_2] : memref<16384xf32, #tpu.memory_space<hbm>> -> memref<512xf32, #tpu.memory_space<hbm>>
      %dma_wait3A_2663 = tpu.memref_slice %arg9[%mul3A_2] : memref<16384xf32, #tpu.memory_space<hbm>> -> memref<512xf32, #tpu.memory_space<hbm>>
      tpu.wait_dma2 semaphore(%run_scoped3A : memref<!tpu.dma_semaphore, #tpu.memory_space<semaphore_mem>>) src(%arg20 : memref<512xf32, #tpu.memory_space<vmem>>) dst(%dma_wait3A_2663 : memref<512xf32, #tpu.memory_space<hbm>>)
      tpu.yield
    }) : () -> ()
    return
  }
}

</mosaic_0001>

<sc_bundles>
// kernel: recommender_sc.3.cloned.1.call-start
scs
__scs_entry_jumppad:
0x0: {  	(pc) =	sbr.rel $0x88, $3  }
0x1: {  	(tag) =	ssettag $0x0;
	lr =	simm.s32 $0x1  }
0x2: {  	[smem:$0x3F9A] =	sst lr;
	_ =	strace $0xD0000000  }
0x3: {  	_ = 	snop  }
0x4: {  	_ = 	snop  }
0x5: {  	_ = 	snop  }
0x6: {  	_ = 	snop  }
0x7: {  	_ = 	snop  }
__scs_overlays_trampoline_lowered:
0x8: {  	[smem:$0x3FA9] =	sst s0  }
0x9: {  	[smem:$0x3FAA] =	sst s1  }
0xa: {  	[smem:$0x3FAB] =	sst s2  }
0xb: {  	[smem:$0x3FAC] =	sst s3  }
0xc: {  	[smem:$0x3FAD] =	sst s4  }
0xd: {  	[smem:$0x3FAE] =	sst s5  }
0xe: {  	[smem:$0x3FAF] =	sst s6  }
0xf: {  	[smem:$0x3FB0] =	sst s7  }
0x10: {  	[smem:$0x3FB1] =	sst s8  }
0x11: {  	[smem:$0x3FB2] =	sst s9;
	s0 =	simm.s32 @!p0 $0x0  }
0x12: {  	s1 =	sld [smem:$0x3F98];
	s0 =	simm.s32 @p0 $0x1  }
0x13: {  	[smem:$0x3FB3] =	sst s0;
	s0 =	simm.s32 @!p1 $0x0  }
0x14: {  	s2 =	sld [smem:$0x3F97];
	s0 =	simm.s32 @p1 $0x1  }
0x15: {  	[smem:$0x3FB4] =	sst s0;
	s0 =	simm.s32 @!p2 $0x0  }
0x16: {  	s3 =	sld [smem:$0x3FDB];
	s0 =	simm.s32 @p2 $0x1  }
0x17: {  	s4 =	simm.s32 $0x1BF5;
	[smem:$0x3FB6] =	sst s0  }
0x18: {  	s0 =	sld [smem:$0x3F99];
	_ =	swait.ge [sflag:s4], $0x0  }
0x19: {  	s7 =	sld [smem:$0x3F9A]  }
0x1a: {  	s8 =	sadd.s32 $0xFFFFE003, lr  }
0x1b: {  	s9 =	sadd.s32 $0xFFFFFEF7, lr;
	s5 =	simm.s32 $0xFFFFFFFF;
	p2 =	slt.u32 s8, $0xFFFFF086  }
0x1c: {  	p1 =	slt.u32 s9, $0xF7A;
	s5 =	simm.s32 @!p2 $0x0  }
0x1d: {  	s5 =	simm.s32 @p1 $0x1;
	p0 =	seq.s32 s7, s2  }
0x1e: {  	s7 =	smul.u32 @!p0 $0xF7A, s2;
	p2 =	seq.s32 @!p0 s5, $0x0  }
0x1f: {  	s9 =	smul.u32 $0xF7A, s1;
	s8 =	simm.s32 @!p0 $0x1BF5;
	p2 =	por !p2, p0  }
0x20: {  	[sflag:s8] =	ssyncset.s32 @!p0 $0xFFFFF086;
	s6 =	sadd.s32 @!p0 s3, s7;
	s7 =	simm.s32 @!p0 $0x108  }
0x21: {  	s3 =	sadd.s32 s3, s9;
	s6 =	sadd.s32 @!p0 $0x88, s6;
	s7 =	simm.s32 @p2 $0x1082  }
0x22: {  	[simem:s7], [sflag:s8] =	dma.local @!p0 [hbm:s6], $0xF7A  }
0x23: {  	s9 =	sor.u32 $0xD0000000, s2;
	s6 =	simm.s32 $0x108;
	_ =	swait.ge @!p0 [sflag:s8], $0x0  }
0x24: {  	s3 =	sadd.s32 $0x88, s3;
	s6 =	simm.s32 @!p1 $0x1082;
	[sflag:s4] =	ssyncset.s32 $0xFFFFF086  }
0x25: {  	[simem:s6], [sflag:s4] =	dma.local [hbm:s3], $0xF7A  }
0x26: {  	[smem:$0x3F9A] =	sst s1;
	(tag) =	ssettag s2;
	_ =	strace s9  }
0x27: {  	s1 =	sld [smem:$0x3FAA]  }
0x28: {  	s2 =	sld [smem:$0x3FAB]  }
0x29: {  	s4 =	sld [smem:$0x3FAD]  }
0x2a: {  	p0 =	seq.s32 s5, $0x0;
	s5 =	sld [smem:$0x3FAE]  }
0x2b: {  	s6 =	sld [smem:$0x3FAF]  }
0x2c: {  	s7 =	sld [smem:$0x3FB0]  }
0x2d: {  	s3 =	simm.s32 $0x108;
	s8 =	sld [smem:$0x3FB1]  }
0x2e: {  	s3 =	simm.s32 @!p0 $0x1082;
	s9 =	sld [smem:$0x3FB2]  }
0x2f: {  	lr =	sadd.s32 s0, s3;
	s0 =	sld [smem:$0x3FA9]  }
0x30: {  	s3 =	sld [smem:$0x3FAC]  }
0x31: {  	[smem:$0x3FB5] =	sst s10  }
0x32: {  	s10 =	sld [smem:$0x3FB3];
	_ =	sdelay $0x3  }
0x33: {  	p0 =	seq.s32 s10, $0x1;
	s10 =	sld [smem:$0x3FB5];
	_ =	sdelay $0x3  }
0x34: {  	[smem:$0x3FB5] =	sst s10  }
0x35: {  	s10 =	sld [smem:$0x3FB4];
	_ =	sdelay $0x3  }
0x36: {  	p1 =	seq.s32 s10, $0x1;
	s10 =	sld [smem:$0x3FB5];
	_ =	sdelay $0x3  }
0x37: {  	[smem:$0x3FB5] =	sst s10  }
0x38: {  	s10 =	sld [smem:$0x3FB6]  }
0x39: {  	_ = 	snop;
	(pc) =	sbr.ind lr, $3  }
0x3a: {  	_ = 	snop  }
0x3b: {  	_ = 	snop  }
0x3c: {  	p2 =	seq.s32 s10, $0x1;
	s10 =	sld [smem:$0x3FB5]  }
0x3d: {  	_ =	shalt  }
0x3e: {  	_ =	shalt  }
0x3f: {  	_ =	shalt  }
0x40: {  	_ =	shalt  }
0x41: {  	_ =	shalt  }
0x42: {  	_ =	shalt  }
0x43: {  	_ =	shalt  }
0x44: {  	_ =	shalt  }
0x45: {  	_ =	shalt  }
0x46: {  	_ =	shalt  }
0x47: {  	_ =	shalt  }
0x48: {  	_ =	shalt  }
0x49: {  	_ =	shalt  }
0x4a: {  	_ =	shalt  }
0x4b: {  	_ =	shalt  }
0x4c: {  	_ =	shalt  }
0x4d: {  	_ =	shalt  }
0x4e: {  	_ =	shalt  }
0x4f: {  	_ =	shalt  }
0x50: {  	_ =	shalt  }
0x51: {  	_ =	shalt  }
0x52: {  	_ =	shalt  }
0x53: {  	_ =	shalt  }
0x54: {  	_ =	shalt  }
0x55: {  	_ =	shalt  }
0x56: {  	_ =	shalt  }
0x57: {  	_ =	shalt  }
0x58: {  	_ =	shalt  }
0x59: {  	_ =	shalt  }
0x5a: {  	_ =	shalt  }
0x5b: {  	_ =	shalt  }
0x5c: {  	_ =	shalt  }
0x5d: {  	_ =	shalt  }
0x5e: {  	_ =	shalt  }
0x5f: {  	_ =	shalt  }
0x60: {  	_ =	shalt  }
0x61: {  	_ =	shalt  }
0x62: {  	_ =	shalt  }
0x63: {  	_ =	shalt  }
0x64: {  	_ =	shalt  }
0x65: {  	_ =	shalt  }
0x66: {  	_ =	shalt  }
0x67: {  	_ =	shalt  }
0x68: {  	_ =	shalt  }
0x69: {  	_ =	shalt  }
0x6a: {  	_ =	shalt  }
0x6b: {  	_ =	shalt  }
0x6c: {  	_ =	shalt  }
0x6d: {  	_ =	shalt  }
0x6e: {  	_ =	shalt  }
0x6f: {  	_ =	shalt  }
0x70: {  	_ =	shalt  }
0x71: {  	_ =	shalt  }
0x72: {  	_ =	shalt  }
0x73: {  	_ =	shalt  }
0x74: {  	_ =	shalt  }
0x75: {  	_ =	shalt  }
0x76: {  	_ =	shalt  }
0x77: {  	_ =	shalt  }
0x78: {  	_ =	shalt  }
0x79: {  	_ =	shalt  }
0x7a: {  	_ =	shalt  }
0x7b: {  	_ =	shalt  }
0x7c: {  	_ =	shalt  }
0x7d: {  	_ =	shalt  }
0x7e: {  	_ =	shalt  }
0x7f: {  	_ =	shalt  }
0x80: {  	_ =	shalt  }
0x81: {  	_ =	shalt  }
0x82: {  	_ =	shalt  }
0x83: {  	_ =	shalt  }
0x84: {  	_ =	shalt  }
0x85: {  	_ =	shalt  }
0x86: {  	_ =	shalt  }
0x87: {  	_ =	shalt  }
.Lfunc_end0:
.L_simem_size_0:
called_computation_lowered:
.L_overlay_start_0:
0x88: {  	s2 =	sld [smem:$0x3FD9]  }
0x89: {  	s3 =	sld [smem:$0x3FFE];
	_ =	sdelay $0x1  }
0x8a: {  	s1 =	srdreg.scid  }
0x8b: {  	s0 =	sand.u32 $0x1, s1  }
0x8c: {  	s18 =	sshll.u32 s0, $0xA;
	s2 =	sadd.s32 s3, s2  }
0x8d: {  	s2 =	sadd.s32 s2, s18  }
0x8e: {  	[smem:$0x3FC1] =	sst s2  }
0x8f: {  	_ = 	snop  }
0x90: {  	s2 =	sld [smem:$0x3FC9]  }
0x91: {  	s19 =	sld [smem:$0x3FC8]  }
0x92: {  	s4 =	sld [smem:$0x3FC7]  }
0x93: {  	s5 =	sld [smem:$0x3FC6]  }
0x94: {  	s6 =	sld [smem:$0x3FC5]  }
0x95: {  	s7 =	sld [smem:$0x3FC4]  }
0x96: {  	s8 =	sld [smem:$0x3FC3]  }
0x97: {  	s9 =	sld [smem:$0x3FD0];
	(tm) =	ssettm $0x1  }
0x98: {  	s10 =	sld [smem:$0x3FFB];
	_ =	sdelay $0x3  }
0x99: {  	_ =	strace s10  }
0x9a: {  	s10 =	sld [smem:$0x3FFC];
	_ =	sdelay $0x3  }
0x9b: {  	_ =	strace s10  }
0x9c: {  	s10 =	sld [smem:$0x3FFD];
	_ =	sdelay $0x3  }
0x9d: {  	_ =	strace s10  }
0x9e: {  	_ =	strace $0x8FFFFFFF  }
0x9f: {  	s20 =	sld [smem:$0x3FDB];
	_ =	sdelay $0x1  }
0xa0: {  	s11 =	simm.s32 $_scs_section_size  }
0xa1: {  	s12 =	simm.s32 $_size__tile_overlayer_lowered;
	s13 =	simm.s32 $_tile_overlayer_lowered  }
0xa2: {  	s23 =	simm.s32 $0x1BFF;
	s22 =	sshll.u32 s13, $0x1;
	s10 =	sadd.s32 s11, s20  }
0xa3: {  	s14 =	simm.s32 $0x0;
	s21 =	sshll.u32 s12, $0x1;
	s12 =	sadd.s32 s22, s10  }
0xa4: {  	[timem:s14], [sflag:s23] =	dma.local [hbm:s12], s21  }
0xa5: {  	_ =	swait.ge [sflag:s23], s21  }
0xa6: {  	s11 =	ssub.s32 $0x0, s21;
	[sflag:s23] =	ssyncset.done $0x0  }
0xa7: {  	[sflag:s23] =	ssyncadd.s32 s11;
	_ =	sdelay $0x1  }
0xa8: {  	s24 =	simm.s32 $0x1B8B  }
0xa9: {  	_ =	swait.ge [sflag:s24], $0x1  }
0xaa: {  	[sflag:s24] =	ssyncset.done $0x0  }
0xab: {  	s25 =	simm.s32 $0x1B8E;
	[sflag:s24] =	ssyncadd.s32 $0xFFFFFFFF  }
0xac: {  	s26 =	simm.s32 $execute0_lowered;
	[smem:$0x3FD2] =	sst s25  }
0xad: {  	s11 =	sshll.u32 s26, $0x1;
	_ =	strace $0x80000046;
	[dreg:$0x1] =	wrdreg $0xFFFFFFFF  }
0xae: {  	s28 =	simm.s32 $_size_execute0_lowered;
	s10 =	sadd.s32 s10, s11;
	[dreg:$0x0] =	wrdreg $0x0  }
0xaf: {  	s11 =	sshll.u32 s28, $0x1;
	[dreg:$0x2] =	wrdreg s10  }
0xb0: {  	[dreg:$0x3] =	wrdreg s11  }
0xb1: {  	[dreg:$0x4] =	wrdreg $0xC0  }
0xb2: {  	_ =	task [dreg:s14], $0x5FFFF  }
0xb3: {  	[dreg:$0x1] =	wrdreg $0xFFFFFFFF  }
0xb4: {  	[dreg:$0x0] =	wrdreg $0x60  }
0xb5: {  	[dreg:$0x2] =	wrdreg s2  }
0xb6: {  	[dreg:$0x3] =	wrdreg s19  }
0xb7: {  	[dreg:$0x4] =	wrdreg s4  }
0xb8: {  	[dreg:$0x5] =	wrdreg s5  }
0xb9: {  	[dreg:$0x6] =	wrdreg s6  }
0xba: {  	[dreg:$0x7] =	wrdreg s7  }
0xbb: {  	[dreg:$0x8] =	wrdreg s8  }
0xbc: {  	[dreg:$0x9] =	wrdreg s9  }
0xbd: {  	[dreg:$0xa] =	wrdreg $0x1D2000  }
0xbe: {  	[dreg:$0xb] =	wrdreg $0x9  }
0xbf: {  	_ =	task.clear_ibuf [dreg:s14], $0xCFFFF;
	_ =	strace $0x90000046  }
0xc0: {  	s29 =	simm.s32 $0x9;
	_ =	strace $0x80000048  }
0xc1: {  	_ =	swait.ge [sflag:s29], $0x1  }
0xc2: {  	[sflag:s29] =	ssyncadd.s32 $0xFFFFFFFF  }
0xc3: {  	_ =	strace $0x90000048  }
0xc4: {  	_ =	sfence  }
0xc5: {  	s30 =	sld [smem:$0x0];
	_ =	sdelay $0x2  }
0xc6: {  	s31 =	sshll.u32 s1, $0xD;
	s1 =	sshrl.u32 s1, $0x2  }
0xc7: {  	s3 =	sand.u32 $0x4000, s31;
	s1 =	sadd.s32 s1, s30  }
0xc8: {  	s0 =	sor.u32 s3, s0;
	s1 =	sshll.u32 s1, $0x11  }
0xc9: {  	s0 =	sor.u32 s1, s0  }
0xca: {  	s0 =	sadd.s32 $0x8F2B, s0  }
0xcb: {  	[sflag:s0] =	ssyncadd.remote.s32 $0x1  }
0xcc: {  	_ =	sfence.sel $0xFFFF  }
0xcd: {  	[dreg:$0x0] =	wrdreg $0xFFFFFFFF;
	(pc) =	sbr.abs _section_cstart, $3  }
0xce: {  	[dreg:$0x1] =	wrdreg $0xFFFFFFFF  }
0xcf: {  	_ =	task.clear_ibuf [dreg:s14], $0x2FFFF;
	_ =	strace $0x9FFFFFFF  }
0xd0: {  	(tm) =	ssettm $0x7FFFFFFF  }
0xd1: {  	_ =	shalt  }
tec
execute0_lowered:
.L_overlay_start_1:
0x0: {  	(tag) =	ssettag $0x1  }
0x1: {  	v1 =	vlaneseq.u32  }
0x2: {  	v0 =	vmul.u32 $0x80, v1;
	_ =	sdelay $0x1  }
0x3: {  	v3 =	vor.u32 $0x5, v0  }
0x4: {  	[tilespmem:$0x1FC80] =	vst v3;
	v3 =	vor.u32 $0x6, v0  }
0x5: {  	[tilespmem:$0x1FC90] =	vst v3;
	v3 =	vor.u32 $0x7, v0  }
0x6: {  	[tilespmem:$0x1FCA0] =	vst v3;
	v3 =	vor.u32 $0x8, v0  }
0x7: {  	[tilespmem:$0x1FCB0] =	vst v3;
	v3 =	vor.u32 $0x9, v0  }
0x8: {  	[tilespmem:$0x1FCC0] =	vst v3;
	v3 =	vor.u32 $0xA, v0  }
0x9: {  	[tilespmem:$0x1FCD0] =	vst v3;
	v3 =	vor.u32 $0xB, v0  }
0xa: {  	[tilespmem:$0x1FCE0] =	vst v3;
	v3 =	vor.u32 $0xC, v0  }
0xb: {  	[tilespmem:$0x1FCF0] =	vst v3;
	v3 =	vor.u32 $0xD, v0  }
0xc: {  	[tilespmem:$0x1FD00] =	vst v3;
	v3 =	vor.u32 $0xE, v0  }
0xd: {  	[tilespmem:$0x1FD10] =	vst v3;
	v3 =	vor.u32 $0xF, v0  }
0xe: {  	s2 =	rddreg [dreg:$0x0];
	[tilespmem:$0x1FD20] =	vst v3;
	v3 =	vor.u32 $0x800, v0  }
0xf: {  	s3 =	rddreg [dreg:$0x1];
	[tilespmem:$0x1FD30] =	vst v3;
	v3 =	vor.u32 $0x801, v0  }
0x10: {  	s4 =	rddreg [dreg:$0x2];
	[tilespmem:$0x1FD40] =	vst v3;
	v3 =	vor.u32 $0x802, v0  }
0x11: {  	s0 =	rddreg [dreg:$0x3];
	[tilespmem:$0x1FD50] =	vst v3;
	v3 =	vor.u32 $0x803, v0  }
0x12: {  	s1 =	rddreg [dreg:$0x4];
	[tilespmem:$0x1FD60] =	vst v3;
	v3 =	vor.u32 $0x804, v0  }
0x13: {  	s6 =	rddreg [dreg:$0x5];
	[tilespmem:$0x1FD70] =	vst v3;
	v3 =	vor.u32 $0x805, v0  }
0x14: {  	s12 =	rddreg [dreg:$0x7];
	s5 =	simm.s32 $0x0;
	[tilespmem:$0x1FD80] =	vst v3;
	v3 =	vor.u32 $0x806, v0  }
0x15: {  	[smem:$0x7FF] =	sst s5;
	[tilespmem:$0x1FD90] =	vst v3;
	v3 =	vor.u32 $0x807, v0  }
0x16: {  	s11 =	rddreg [dreg:$0x8];
	v31 =	vor.u32 $0x3, v0;
	_ =	strace $0x80000047;
	[tilespmem:$0x1FDA0] =	vst v3  }
0x17: {  	v32 =	vor.u32 $0x4, v0;
	[tilespmem:$0x1FFE0] =	vst v31  }
0x18: {  	v3 =	vor.u32 $0x808, v0;
	[tilespmem:$0x1FFF0] =	vst v32  }
0x19: {  	[tilespmem:$0x1FDB0] =	vst v3;
	v3 =	vor.u32 $0x809, v0  }
0x1a: {  	[tilespmem:$0x1FDC0] =	vst v3;
	v3 =	vor.u32 $0x80A, v0  }
0x1b: {  	[tilespmem:$0x1FDD0] =	vst v3;
	v3 =	vor.u32 $0x80B, v0  }
0x1c: {  	[tilespmem:$0x1FDE0] =	vst v3;
	v3 =	vor.u32 $0x80C, v0  }
0x1d: {  	[tilespmem:$0x1FDF0] =	vst v3;
	v3 =	vor.u32 $0x80D, v0  }
0x1e: {  	[tilespmem:$0x1FE00] =	vst v3;
	v3 =	vor.u32 $0x80E, v0  }
0x1f: {  	[tilespmem:$0x1FE10] =	vst v3;
	v3 =	vor.u32 $0x80F, v0  }
0x20: {  	[tilespmem:$0x1FE20] =	vst v3;
	v3 =	vor.u32 $0x1000, v0  }
0x21: {  	[tilespmem:$0x1FE30] =	vst v3;
	v3 =	vor.u32 $0x1001, v0  }
0x22: {  	[tilespmem:$0x1FE40] =	vst v3;
	v3 =	vor.u32 $0x1002, v0  }
0x23: {  	[tilespmem:$0x1FE50] =	vst v3;
	v3 =	vor.u32 $0x1003, v0  }
0x24: {  	[tilespmem:$0x1FE60] =	vst v3;
	v3 =	vor.u32 $0x1004, v0  }
0x25: {  	[tilespmem:$0x1FE70] =	vst v3;
	v3 =	vor.u32 $0x1005, v0  }
0x26: {  	[tilespmem:$0x1FE80] =	vst v3;
	v3 =	vor.u32 $0x1006, v0  }
0x27: {  	[tilespmem:$0x1FE90] =	vst v3;
	v3 =	vor.u32 $0x1007, v0  }
0x28: {  	[tilespmem:$0x1FEA0] =	vst v3;
	v3 =	vor.u32 $0x1008, v0  }
0x29: {  	[tilespmem:$0x1FEB0] =	vst v3;
	v3 =	vor.u32 $0x1009, v0  }
0x2a: {  	[tilespmem:$0x1FEC0] =	vst v3;
	v3 =	vor.u32 $0x100A, v0  }
0x2b: {  	[tilespmem:$0x1FED0] =	vst v3;
	v3 =	vor.u32 $0x100B, v0  }
0x2c: {  	[tilespmem:$0x1FEE0] =	vst v3;
	v3 =	vor.u32 $0x100C, v0  }
0x2d: {  	[tilespmem:$0x1FEF0] =	vst v3;
	v3 =	vor.u32 $0x100D, v0  }
0x2e: {  	[tilespmem:$0x1FF00] =	vst v3;
	v3 =	vor.u32 $0x100E, v0  }
0x2f: {  	[tilespmem:$0x1FF10] =	vst v3;
	v3 =	vor.u32 $0x100F, v0  }
0x30: {  	s7 =	srdreg.scid;
	[tilespmem:$0x1FF20] =	vst v3;
	v3 =	vor.u32 $0x1800, v0  }
0x31: {  	s15 =	stileid.u32;
	s16 =	simm.s32 $0x80;
	s17 =	simm.s32 $0x600;
	[tilespmem:$0x1FF30] =	vst v3;
	v3 =	vor.u32 $0x1801, v0  }
0x32: {  	s18 =	simm.s32 $0xC600;
	s28 =	simm.s32 $0x1D240;
	s29 =	simm.s32 $0x1C600;
	[tilespmem:$0x1FF40] =	vst v3;
	v3 =	vor.u32 $0x1802, v0  }
0x33: {  	s30 =	simm.s32 $0x1CE00;
	s31 =	simm.s32 $0x1;
	s19 =	simm.s32 $0x2;
	[tilespmem:$0x1FF50] =	vst v3;
	v3 =	vor.u32 $0x1803, v0  }
0x34: {  	s20 =	simm.s32 $0x3;
	s21 =	simm.s32 $0x1D2C0;
	s22 =	simm.s32 $0x0;
	[tilespmem:$0x1FF60] =	vst v3;
	v3 =	vor.u32 $0x1804, v0  }
0x35: {  	s7 =	sand.u32 $0x1, s7;
	s10 =	sshll.u32 s15, $0x7;
	s26 =	sshll.u32 s15, $0x8;
	[tilespmem:$0x1FF70] =	vst v3;
	v3 =	vor.u32 $0x1805, v0  }
0x36: {  	s15 =	simm.s32 $0x200;
	s8 =	ssub.s32 $0x2, s7;
	s7 =	sshll.u32 s7, $0x6;
	[tilespmem:$0x1FF80] =	vst v3;
	v3 =	vor.u32 $0x1806, v0  }
0x37: {  	s9 =	sshrl.u32 s8, $0x1;
	s14 =	sor.u32 s7, s10;
	s10 =	sadd.s32 s6, s26;
	[tilespmem:$0x1FF90] =	vst v3;
	v3 =	vor.u32 $0x1807, v0  }
0x38: {  	s6 =	simm.s32 $0x180;
	s13 =	ssub.s32 s8, s9;
	s7 =	sadd.s32 s2, s14;
	[tilespmem:$0x1FFA0] =	vst v3;
	v3 =	vor.u32 $0x1808, v0  }
0x39: {  	s8 =	sadd.s32 s3, s14;
	s9 =	sadd.s32 s4, s14;
	s2 =	sshrl.u32 s26, $0x2;
	[tilespmem:$0x1FFB0] =	vst v3;
	v3 =	vor.u32 $0x1809, v0  }
0x3a: {  	v2 =	vand.u32 $0x3, v1;
	v1 =	vmul.u32 $0x20, v1;
	s12 =	sadd.s32 s12, s14;
	s14 =	simm.s32 $0x4;
	s3 =	simm.s32 $0x18600;
	[tilespmem:$0x1FFC0] =	vst v3;
	v3 =	vor.u32 $0x180A, v0  }
0x3b: {  	v2 =	vmul.u32 $0x20, v2;
	v29 =	vor.u32 $0x1, v0;
	v30 =	vor.u32 $0x2, v0;
	s11 =	sadd.s32 s2, s11;
	s13 =	smax.u32 s13, $0x1;
	s2 =	simm.s32 $0x380;
	[tilespmem:$0x1FFD0] =	vst v3  }
.LBB2_1:
0x3c: {  	[tilespmem:s5], [sflag:$0x4] =	stream.linear.gather [hbm4b:s7+s5], $0x200, $0x38;
	[tilespmem:$0x1D4C0] =	vst v63  }
0x3d: {  	_ =	swait.ge [sflag:s14], $0x200  }
0x3e: {  	[sflag:s14] =	ssyncset.done $0x0  }
0x3f: {  	[sflag:s14] =	ssyncadd.s32 $0xFFFFFE00  }
0x40: {  	[tilespmem:s15], [sflag:$0x4] =	stream.linear.gather [hbm4b:s8+s5], $0x200, $0x38;
	[tilespmem:$0x1D4C0] =	vst v63  }
0x41: {  	_ =	swait.ge [sflag:s14], $0x200  }
0x42: {  	[sflag:s14] =	ssyncset.done $0x0  }
0x43: {  	[sflag:s14] =	ssyncadd.s32 $0xFFFFFE00  }
0x44: {  	[tilespmem:s17], [sflag:$0x1] =	stream.indirect.gather [hbm4b:s0+s16], $0x80, s5, s16, $0xb8;
	[tilespmem:$0x1D4C0] =	vst v63  }
0x45: {  	_ = 	snop  }
0x46: {  	[tilespmem:s18], [sflag:$0x1] =	stream.indirect.gather [hbm4b:s1+s16], $0x80, s15, s16, $0xb8;
	[tilespmem:$0x1D4C0] =	vst v63  }
0x47: {  	s4 =	simm.s32 $0x4600  }
0x48: {  	[tilespmem:s4], [sflag:$0x2] =	stream.indirect.gather [hbm4b:s0+s16], $0x80, s16, s16, $0xb8;
	[tilespmem:$0x1D4C0] =	vst v63  }
0x49: {  	s24 =	simm.s32 $0x280;
	s23 =	simm.s32 $0x10600  }
0x4a: {  	[tilespmem:s23], [sflag:$0x2] =	stream.indirect.gather [hbm4b:s1+s16], $0x80, s24, s16, $0xb8;
	[tilespmem:$0x1D4C0] =	vst v63  }
0x4b: {  	s25 =	simm.s32 $0x100;
	s26 =	simm.s32 $0x8600  }
0x4c: {  	[tilespmem:s26], [sflag:$0x3] =	stream.indirect.gather [hbm4b:s0+s16], $0x80, s25, s16, $0xb8;
	[tilespmem:$0x1D4C0] =	vst v63  }
0x4d: {  	s23 =	simm.s32 $0x300;
	s24 =	simm.s32 $0x14600  }
0x4e: {  	[tilespmem:s24], [sflag:$0x3] =	stream.indirect.gather [hbm4b:s1+s16], $0x80, s23, s16, $0xb8;
	[tilespmem:$0x1D4C0] =	vst v63  }
0x4f: {  	s25 =	simm.s32 $0x400  }
0x50: {  	[tilespmem:s25], [sflag:$0x4] =	stream.linear.gather [hbm4b:s9+s5], $0x200, $0x38;
	[tilespmem:$0x1D4C0] =	vst v63  }
0x51: {  	_ =	swait.ge [sflag:s14], $0x200  }
0x52: {  	[sflag:s14] =	ssyncset.done $0x0  }
0x53: {  	[sflag:s14] =	ssyncadd.s32 $0xFFFFFE00  }
0x54: {  	s26 =	rddreg [dreg:$0x6]  }
0x55: {  	[tilespmem:s28], [sflag:$0x4] =	stream.linear.gather [hbm4b:s26+s5], $0x80, $0x38;
	[tilespmem:$0x1D4C0] =	vst v63  }
0x56: {  	_ =	swait.ge [sflag:s14], $0x80  }
0x57: {  	[sflag:s14] =	ssyncset.done $0x0  }
0x58: {  	[sflag:s14] =	ssyncadd.s32 $0xFFFFFF80  }
0x59: {  	[tilespmem:s29], [sflag:$0x4] =	stream.linear.gather [hbm4b:s10+s5], $0x800, $0x38;
	[tilespmem:$0x1D4C0] =	vst v63  }
0x5a: {  	_ =	swait.ge [sflag:s14], $0x800  }
0x5b: {  	[sflag:s14] =	ssyncset.done $0x0  }
0x5c: {  	s4 =	simm.s32 $0x0;
	[sflag:s14] =	ssyncadd.s32 $0xFFFFF800  }
.LBB2_2:
0x5d: {  	s23 =	sshll.u32 s4, $0x4  }
0x5e: {  	v3 =	vmov s23  }
0x5f: {  	v3 =	vshll.u32 v3, $0x5  }
0x60: {  	v3 =	vor.u32 v1, v3  }
0x61: {  	v3 =	vand.u32 $0x780, v3  }
0x62: {  	s24 =	simm.s32 $0x0;
	v3 =	vor.u32 v2, v3  }
0x63: {  	v4 =	vor.u32 s24, v3  }
0x64: {  	s26 =	simm.s32 $0x1  }
0x65: {  	v5 =	vor.u32 s26, v3  }
0x66: {  	s25 =	simm.s32 $0x2  }
0x67: {  	v6 =	vor.u32 s25, v3  }
0x68: {  	s26 =	simm.s32 $0x3;
	v4 =	vld.idx.msk [tilespmem:v4+s29+$0x0], $0xffff  }
0x69: {  	v7 =	vor.u32 s26, v3  }
0x6a: {  	s25 =	simm.s32 $0x4;
	v5 =	vld.idx.msk [tilespmem:v5+s29+$0x0], $0xffff  }
0x6b: {  	v9 =	vor.u32 s25, v3  }
0x6c: {  	v8 =	vimm.f32 $0.0e+00;
	s25 =	simm.s32 $0x5;
	v10 =	vld.idx.msk [tilespmem:v6+s29+$0x0], $0xffff  }
0x6d: {  	s26 =	simm.s32 $0x6;
	v11 =	vor.u32 s25, v3;
	v4 =	vadd.f32 v4, v8  }
0x6e: {  	v6 =	vld.idx.msk [tilespmem:v7+s29+$0x0], $0xffff;
	v8 =	vor.u32 s26, v3  }
0x6f: {  	s26 =	simm.s32 $0x7;
	v12 =	vadd.f32 v5, v4  }
0x70: {  	v7 =	vor.u32 s26, v3;
	v5 =	vld.idx.msk [tilespmem:v9+s29+$0x0], $0xffff  }
0x71: {  	s24 =	simm.s32 $0x8;
	v10 =	vadd.f32 v10, v12  }
0x72: {  	s25 =	simm.s32 $0xC;
	v4 =	vld.idx.msk [tilespmem:v11+s29+$0x0], $0xffff;
	v9 =	vor.u32 s24, v3  }
.LBB2_3:
0x73: {  	p0 =	slt.u32 s25, $0x1C;
	s26 =	sadd.s32 $0x1, s24;
	v11 =	vld.idx.msk [tilespmem:v8+s29+$0x0], $0xffff;
	v6 =	vadd.f32 v6, v10  }
0x74: {  	v10 =	vor.u32 s26, v3  }
0x75: {  	s26 =	sadd.s32 $0x2, s24;
	v12 =	vadd.f32 v5, v6;
	v6 =	vld.idx.msk [tilespmem:v7+s29+$0x0], $0xffff  }
.Ltmp0:
0x76: {  	v8 =	vor.u32 s26, v3;
	(pc) =	sbr.rel @p0 .LBB2_3-.Ltmp0, $4  }
0x77: {  	s26 =	sadd.s32 $0x3, s24;
	s24 =	smov.u32 s25;
	v5 =	vld.idx.msk [tilespmem:v9+s29+$0x0], $0xffff;
	v9 =	vadd.f32 v4, v12  }
0x78: {  	v7 =	vor.u32 s26, v3  }
0x79: {  	v4 =	vld.idx.msk [tilespmem:v10+s29+$0x0], $0xffff;
	v10 =	vadd.f32 v11, v9  }
0x7a: {  	s25 =	sadd.s32 $0x4, s25;
	v9 =	vor.u32 s24, v3  }
0x7b: {  	_ =	sdelay $0x2  }
0x7c: {  	v6 =	vadd.f32 v6, v10  }
0x7d: {  	s25 =	sadd.s32 $0x1, s24;
	v8 =	vld.idx.msk [tilespmem:v8+s29+$0x0], $0xffff  }
0x7e: {  	v58 =	vor.u32 s25, v3;
	v5 =	vadd.f32 v5, v6  }
0x7f: {  	s26 =	sadd.s32 $0x2, s24;
	v59 =	vld.idx.msk [tilespmem:v7+s29+$0x0], $0xffff  }
0x80: {  	v60 =	vor.u32 s26, v3;
	v4 =	vadd.f32 v4, v5  }
0x81: {  	v61 =	vld.idx.msk [tilespmem:v9+s29+$0x0], $0xffff;
	s26 =	sadd.s32 $0x3, s24  }
0x82: {  	v3 =	vor.u32 s26, v3;
	v4 =	vadd.f32 v8, v4  }
0x83: {  	v62 =	vld.idx.msk [tilespmem:v58+s29+$0x0], $0xffff  }
0x84: {  	v4 =	vadd.f32 v59, v4  }
0x85: {  	v63 =	vld.idx.msk [tilespmem:v60+s29+$0x0], $0xffff  }
0x86: {  	v4 =	vadd.f32 v61, v4  }
0x87: {  	v3 =	vld.idx.msk [tilespmem:v3+s29+$0x0], $0xffff  }
0x88: {  	s4 =	sadd.s32 $0x1, s4;
	v4 =	vadd.f32 v62, v4  }
0x89: {  	p0 =	sne.s32 s4, $0x4  }
.Ltmp1:
0x8a: {  	v4 =	vadd.f32 v63, v4;
	(pc) =	sbr.rel @p0 .LBB2_2-.Ltmp1, $3  }
0x8b: {  	_ = 	snop  }
0x8c: {  	v3 =	vadd.f32 v3, v4;
	_ =	sdelay $0x1  }
0x8d: {  	[tilespmem:s23+$0x1CE00] =	vst v3  }
0x8e: {  	[spmem:s11] =	stream.linear.scatter [tilespmem:s30], [sflag:$0x4], $0x40, $0x38;
	[tilespmem:$0x1D4C0] =	vst v63  }
0x8f: {  	_ =	swait.ge [sflag:s14], $0x40  }
0x90: {  	[sflag:s14] =	ssyncset.done $0x0  }
0x91: {  	[sflag:s14] =	ssyncadd.s32 $0xFFFFFFC0  }
0x92: {  	[bflag:$0x0] =	sbarrier.arrive $0xFFFF  }
0x93: {  	s4 =	rddreg [dreg:$0x8]  }
0x94: {  	[tilespmem:s30], [sflag:$0x4] =	stream.linear.gather [spmem:s4], $0x400, $0x38;
	[tilespmem:$0x1D4C0] =	vst v63  }
0x95: {  	_ =	swait.ge [sflag:s14], $0x400  }
0x96: {  	[sflag:s14] =	ssyncset.done $0x0  }
0x97: {  	[sflag:s14] =	ssyncadd.s32 $0xFFFFFC00  }
0x98: {  	v61 =	vld [tilespmem:$0x1D240];
	_ =	swait.ge [sflag:s31], $0x4000  }
0x99: {  	[sflag:s31] =	ssyncset.done $0x0  }
0x9a: {  	[sflag:s31] =	ssyncadd.s32 $0xFFFFC000  }
0x9b: {  	_ =	swait.ge [sflag:s31], $0x4000  }
0x9c: {  	[sflag:s31] =	ssyncset.done $0x0  }
0x9d: {  	s25 =	simm.s32 $0x680;
	[sflag:s31] =	ssyncadd.s32 $0xFFFFC000  }
0x9e: {  	s23 =	simm.s32 $0xC680;
	v4 =	vld [tilespmem:s25+$0x0]  }
0x9f: {  	v5 =	vld [tilespmem:s23+$0x0]  }
0xa0: {  	v6 =	vld [tilespmem:s25+$0x10]  }
0xa1: {  	v7 =	vld [tilespmem:s23+$0x10]  }
0xa2: {  	v8 =	vld [tilespmem:s25+$0x20]  }
0xa3: {  	v9 =	vld [tilespmem:s23+$0x20]  }
0xa4: {  	v10 =	vld [tilespmem:s25+$0x30]  }
0xa5: {  	v11 =	vld [tilespmem:s23+$0x30]  }
0xa6: {  	v12 =	vld [tilespmem:s25+$0x40]  }
0xa7: {  	v13 =	vld [tilespmem:s23+$0x40]  }
0xa8: {  	v14 =	vld [tilespmem:s25+$0x50]  }
0xa9: {  	v15 =	vld [tilespmem:s23+$0x50]  }
0xaa: {  	v16 =	vld [tilespmem:s25+$0x60]  }
0xab: {  	v17 =	vld [tilespmem:s23+$0x60]  }
0xac: {  	v18 =	vld [tilespmem:s25+$0x70]  }
0xad: {  	v19 =	vld [tilespmem:s23+$0x70]  }
0xae: {  	v3 =	vld [tilespmem:s23+$0xFFFFFF80]  }
0xaf: {  	v20 =	vld [tilespmem:s25+$0xFFFFFF90]  }
0xb0: {  	v21 =	vld [tilespmem:s23+$0xFFFFFF90]  }
0xb1: {  	v22 =	vld [tilespmem:s25+$0xFFFFFFA0]  }
0xb2: {  	v23 =	vld [tilespmem:s23+$0xFFFFFFA0];
	v4 =	vmul.f32 v5, v4;
	v5 =	vmul.f32 v7, v6  }
0xb3: {  	v6 =	vmul.f32 v9, v8;
	v7 =	vmul.f32 v11, v10;
	v8 =	vld [tilespmem:s25+$0xFFFFFFB0]  }
0xb4: {  	v9 =	vmul.f32 v13, v12;
	v10 =	vmul.f32 v15, v14;
	v11 =	vld [tilespmem:s23+$0xFFFFFFB0]  }
0xb5: {  	v12 =	vmul.f32 v17, v16;
	v13 =	vmul.f32 v19, v18;
	v14 =	vld [tilespmem:s25+$0xFFFFFFC0]  }
0xb6: {  	v15 =	vld [tilespmem:s23+$0xFFFFFFC0];
	v4 =	vadd.f32 v5, v4;
	v5 =	vadd.f32 v7, v6  }
0xb7: {  	v6 =	vadd.f32 v10, v9;
	v7 =	vadd.f32 v13, v12;
	v12 =	vld [tilespmem:s25+$0xFFFFFFD0]  }
0xb8: {  	v13 =	vld [tilespmem:s23+$0xFFFFFFD0]  }
0xb9: {  	v4 =	vadd.f32 v5, v4;
	v5 =	vadd.f32 v7, v6;
	v6 =	vld [tilespmem:s25+$0xFFFFFFE0]  }
0xba: {  	v7 =	vld [tilespmem:s23+$0xFFFFFFE0]  }
0xbb: {  	v63 =	vmul.f32 v23, v22;
	v9 =	vld [tilespmem:s23+$0xFFFFFFF0];
	v11 =	vmul.f32 v11, v8;
	v5 =	vadd.f32 v5, v4  }
0xbc: {  	s4 =	simm.s32 $0x18680;
	v8 =	vld [tilespmem:s25+$0xFFFFFFF0];
	v10 =	vmul.f32 v15, v14  }
0xbd: {  	s24 =	simm.s32 $0x0;
	v4 =	vmul.f32 v21, v20;
	v12 =	vmul.f32 v13, v12;
	[tilespmem:s4+$0x0] =	vst v5;
	v5 =	vadd.f32 v11, v63;
	v11 =	vld [tilespmem:s25+$0xFFFFFF80];
	s25 =	simm.s32 $0x780  }
.LBB2_6:
0xbe: {  	v13 =	vld [tilespmem:s25+$0x0];
	s23 =	sadd.s32 $0x100, s23  }
0xbf: {  	v14 =	vld [tilespmem:s23+$0x0];
	v6 =	vmul.f32 v7, v6;
	v7 =	vadd.f32 v12, v10  }
0xc0: {  	v10 =	vld [tilespmem:s25+$0x10]  }
0xc1: {  	v12 =	vld [tilespmem:s23+$0x10];
	v8 =	vmul.f32 v9, v8  }
0xc2: {  	v9 =	vld [tilespmem:s25+$0x20];
	v3 =	vmul.f32 v3, v11  }
0xc3: {  	v11 =	vld [tilespmem:s23+$0x20];
	v6 =	vadd.f32 v8, v6  }
0xc4: {  	v8 =	vld [tilespmem:s25+$0x30];
	v3 =	vadd.f32 v4, v3  }
0xc5: {  	v4 =	vld [tilespmem:s23+$0x30];
	v6 =	vadd.f32 v6, v7  }
0xc6: {  	v7 =	vld [tilespmem:s25+$0x40];
	v3 =	vadd.f32 v5, v3  }
0xc7: {  	v5 =	vld [tilespmem:s23+$0x40]  }
0xc8: {  	v15 =	vld [tilespmem:s25+$0x50];
	v3 =	vadd.f32 v6, v3  }
0xc9: {  	v6 =	vld [tilespmem:s23+$0x50]  }
0xca: {  	v16 =	vld [tilespmem:s25+$0x60];
	[tilespmem:s4+$0xFFFFFF80] =	vst v3  }
0xcb: {  	v17 =	vld [tilespmem:s23+$0x60]  }
0xcc: {  	v18 =	vld [tilespmem:s25+$0x70]  }
0xcd: {  	s24 =	sadd.s32 $0x2, s24;
	v19 =	vld [tilespmem:s23+$0x70]  }
0xce: {  	p0 =	slt.u32 s24, $0x7E;
	v3 =	vld [tilespmem:s23+$0xFFFFFF80]  }
0xcf: {  	v13 =	vmul.f32 v14, v13;
	v10 =	vmul.f32 v12, v10;
	v20 =	vld [tilespmem:s25+$0xFFFFFF90]  }
0xd0: {  	v9 =	vmul.f32 v11, v9;
	v4 =	vmul.f32 v4, v8;
	v12 =	vld [tilespmem:s23+$0xFFFFFF90]  }
0xd1: {  	v5 =	vmul.f32 v5, v7;
	v6 =	vmul.f32 v6, v15;
	v8 =	vld [tilespmem:s25+$0xFFFFFFA0]  }
0xd2: {  	v11 =	vmul.f32 v17, v16;
	v7 =	vld [tilespmem:s23+$0xFFFFFFA0];
	v14 =	vmul.f32 v19, v18  }
0xd3: {  	v10 =	vadd.f32 v10, v13;
	v9 =	vadd.f32 v4, v9;
	v15 =	vld [tilespmem:s25+$0xFFFFFFB0]  }
0xd4: {  	v5 =	vadd.f32 v6, v5;
	v13 =	vld [tilespmem:s23+$0xFFFFFFB0];
	v6 =	vadd.f32 v14, v11  }
0xd5: {  	v4 =	vmul.f32 v12, v20;
	v11 =	vld [tilespmem:s25+$0xFFFFFFC0]  }
0xd6: {  	v9 =	vadd.f32 v9, v10;
	v12 =	vld [tilespmem:s23+$0xFFFFFFC0];
	v5 =	vadd.f32 v6, v5  }
0xd7: {  	v14 =	vmul.f32 v7, v8;
	v16 =	vld [tilespmem:s25+$0xFFFFFFD0]  }
0xd8: {  	v17 =	vld [tilespmem:s23+$0xFFFFFFD0];
	v5 =	vadd.f32 v5, v9  }
.Ltmp2:
0xd9: {  	s4 =	sadd.s32 $0x100, s4;
	v9 =	vmul.f32 v13, v15;
	v6 =	vld [tilespmem:s25+$0xFFFFFFE0];
	(pc) =	sbr.rel @p0 .LBB2_6-.Ltmp2, $4  }
0xda: {  	v7 =	vld [tilespmem:s23+$0xFFFFFFE0];
	[tilespmem:s4+$0x0] =	vst v5  }
0xdb: {  	v10 =	vmul.f32 v12, v11;
	v8 =	vld [tilespmem:s25+$0xFFFFFFF0];
	v5 =	vadd.f32 v9, v14  }
0xdc: {  	v9 =	vld [tilespmem:s23+$0xFFFFFFF0]  }
0xdd: {  	v11 =	vld [tilespmem:s25+$0xFFFFFF80];
	v12 =	vmul.f32 v17, v16;
	s25 =	sadd.s32 $0x100, s25  }
0xde: {  	_ =	sdelay $0x2  }
0xdf: {  	v6 =	vmul.f32 v7, v6  }
0xe0: {  	v7 =	vmul.f32 v9, v8;
	v3 =	vmul.f32 v3, v11  }
0xe1: {  	v8 =	vadd.f32 v12, v10  }
0xe2: {  	v6 =	vadd.f32 v7, v6;
	v3 =	vadd.f32 v4, v3;
	_ =	sdelay $0x1  }
0xe3: {  	v4 =	vadd.f32 v6, v8;
	v3 =	vadd.f32 v5, v3;
	_ =	sdelay $0x1  }
0xe4: {  	v3 =	vadd.f32 v4, v3;
	_ =	sdelay $0x1  }
0xe5: {  	[tilespmem:s4+$0xFFFFFF80] =	vst v3  }
0xe6: {  	v3 =	vld.idx.msk [tilespmem:v0+s3+$0x0], $0xffff  }
0xe7: {  	v4 =	vld.idx.msk [tilespmem:v29+s3+$0x0], $0xffff  }
0xe8: {  	v5 =	vld.idx.msk [tilespmem:v30+s3+$0x0], $0xffff  }
0xe9: {  	v6 =	vld.idx.msk [tilespmem:v31+s3+$0x0], $0xffff  }
0xea: {  	v7 =	vld.idx.msk [tilespmem:v32+s3+$0x0], $0xffff  }
0xeb: {  	v8 =	vld [tilespmem:$0x1FC80]  }
0xec: {  	v9 =	vld [tilespmem:$0x1FC90]  }
0xed: {  	v10 =	vld [tilespmem:$0x1FCA0]  }
0xee: {  	v11 =	vld [tilespmem:$0x1FCB0]  }
0xef: {  	v12 =	vld [tilespmem:$0x1FCC0]  }
0xf0: {  	v13 =	vld [tilespmem:$0x1FCD0]  }
0xf1: {  	v14 =	vld [tilespmem:$0x1FCE0]  }
0xf2: {  	v15 =	vld [tilespmem:$0x1FCF0]  }
0xf3: {  	v16 =	vld [tilespmem:$0x1FD00]  }
0xf4: {  	v17 =	vld [tilespmem:$0x1FD10]  }
0xf5: {  	v18 =	vld [tilespmem:$0x1FD20]  }
0xf6: {  	v19 =	vld [tilespmem:$0x400]  }
0xf7: {  	v8 =	vld.idx.msk [tilespmem:v8+s3+$0x0], $0xffff  }
0xf8: {  	v9 =	vld.idx.msk [tilespmem:v9+s3+$0x0], $0xffff  }
0xf9: {  	v10 =	vld.idx.msk [tilespmem:v10+s3+$0x0], $0xffff  }
0xfa: {  	v11 =	vld.idx.msk [tilespmem:v11+s3+$0x0], $0xffff  }
0xfb: {  	v12 =	vld.idx.msk [tilespmem:v12+s3+$0x0], $0xffff  }
0xfc: {  	v13 =	vld.idx.msk [tilespmem:v13+s3+$0x0], $0xffff  }
0xfd: {  	v14 =	vld.idx.msk [tilespmem:v14+s3+$0x0], $0xffff  }
0xfe: {  	v15 =	vld.idx.msk [tilespmem:v15+s3+$0x0], $0xffff  }
0xff: {  	v16 =	vld.idx.msk [tilespmem:v16+s3+$0x0], $0xffff  }
0x100: {  	v17 =	vld.idx.msk [tilespmem:v17+s3+$0x0], $0xffff  }
0x101: {  	v3 =	vadd.f32 v4, v3;
	v4 =	vadd.f32 v6, v5;
	v18 =	vld.idx.msk [tilespmem:v18+s3+$0x0], $0xffff  }
0x102: {  	v5 =	vadd.f32 v8, v7;
	v7 =	vadd.f32 v12, v11;
	v11 =	vld [tilespmem:$0x1FDB0]  }
0x103: {  	v12 =	vld [tilespmem:$0x1FDC0]  }
0x104: {  	v8 =	vadd.f32 v14, v13;
	v13 =	vld [tilespmem:$0x1FDD0]  }
0x105: {  	v14 =	vld [tilespmem:$0x1FDE0]  }
0x106: {  	v6 =	vadd.f32 v10, v9;
	v9 =	vadd.f32 v16, v15;
	v15 =	vld [tilespmem:$0x1FDF0]  }
0x107: {  	v10 =	vadd.f32 v18, v17;
	v16 =	vld [tilespmem:$0x1FE00]  }
0x108: {  	v3 =	vadd.f32 v4, v3;
	v17 =	vld [tilespmem:$0x1FE10];
	v4 =	vadd.f32 v6, v5  }
0x109: {  	v18 =	vld [tilespmem:$0x1FE20];
	v5 =	vadd.f32 v8, v7;
	v6 =	vadd.f32 v10, v9  }
0x10a: {  	v7 =	vld.idx.msk [tilespmem:v19+s30+$0x0], $0xffff  }
0x10b: {  	v8 =	vld [tilespmem:$0x1FD80];
	v3 =	vadd.f32 v4, v3;
	v4 =	vadd.f32 v6, v5  }
0x10c: {  	v5 =	vld [tilespmem:$0x1FD50]  }
0x10d: {  	v6 =	vld [tilespmem:$0x1FD60];
	v3 =	vadd.f32 v4, v3  }
0x10e: {  	v9 =	vld [tilespmem:$0x1FD90]  }
0x10f: {  	v10 =	vld [tilespmem:$0x1FDA0];
	v4 =	vmul.f32 $1.000000010e-01, v7;
	v3 =	vadd.f32 v3, v61  }
0x110: {  	v19 =	vld [tilespmem:$0x410]  }
0x111: {  	v7 =	vld [tilespmem:$0x1FD70];
	v3 =	vadd.f32 v3, v4  }
0x112: {  	v4 =	vld [tilespmem:$0x1FD40]  }
0x113: {  	[tilespmem:$0x1D2C0] =	vst v3;
	v3 =	vld [tilespmem:$0x1FD30]  }
0x114: {  	v5 =	vld.idx.msk [tilespmem:v5+s3+$0x0], $0xffff  }
0x115: {  	v6 =	vld.idx.msk [tilespmem:v6+s3+$0x0], $0xffff  }
0x116: {  	v8 =	vld.idx.msk [tilespmem:v8+s3+$0x0], $0xffff  }
0x117: {  	v9 =	vld.idx.msk [tilespmem:v9+s3+$0x0], $0xffff  }
0x118: {  	v10 =	vld.idx.msk [tilespmem:v10+s3+$0x0], $0xffff  }
0x119: {  	v11 =	vld.idx.msk [tilespmem:v11+s3+$0x0], $0xffff  }
0x11a: {  	v12 =	vld.idx.msk [tilespmem:v12+s3+$0x0], $0xffff  }
0x11b: {  	v13 =	vld.idx.msk [tilespmem:v13+s3+$0x0], $0xffff  }
0x11c: {  	v14 =	vld.idx.msk [tilespmem:v14+s3+$0x0], $0xffff  }
0x11d: {  	v4 =	vld.idx.msk [tilespmem:v4+s3+$0x0], $0xffff  }
0x11e: {  	v3 =	vld.idx.msk [tilespmem:v3+s3+$0x0], $0xffff  }
0x11f: {  	v7 =	vld.idx.msk [tilespmem:v7+s3+$0x0], $0xffff  }
0x120: {  	v15 =	vld.idx.msk [tilespmem:v15+s3+$0x0], $0xffff  }
0x121: {  	v16 =	vld.idx.msk [tilespmem:v16+s3+$0x0], $0xffff  }
0x122: {  	v17 =	vld.idx.msk [tilespmem:v17+s3+$0x0], $0xffff  }
0x123: {  	v18 =	vld.idx.msk [tilespmem:v18+s3+$0x0], $0xffff;
	v3 =	vadd.f32 v4, v3;
	v4 =	vadd.f32 v6, v5  }
0x124: {  	v5 =	vadd.f32 v8, v7;
	v7 =	vadd.f32 v12, v11;
	v11 =	vld [tilespmem:$0x1FEB0]  }
0x125: {  	v12 =	vld [tilespmem:$0x1FEC0]  }
0x126: {  	v8 =	vadd.f32 v14, v13;
	v13 =	vld [tilespmem:$0x1FED0]  }
0x127: {  	v14 =	vld [tilespmem:$0x1FEE0]  }
0x128: {  	v6 =	vadd.f32 v10, v9;
	v9 =	vadd.f32 v16, v15;
	v15 =	vld [tilespmem:$0x1FEF0]  }
0x129: {  	v10 =	vadd.f32 v18, v17;
	v16 =	vld [tilespmem:$0x1FF00]  }
0x12a: {  	v17 =	vld [tilespmem:$0x1FF10];
	v3 =	vadd.f32 v4, v3;
	v4 =	vadd.f32 v6, v5  }
0x12b: {  	v18 =	vld [tilespmem:$0x1FF20];
	v5 =	vadd.f32 v8, v7;
	v6 =	vadd.f32 v10, v9  }
0x12c: {  	v7 =	vld.idx.msk [tilespmem:v19+s30+$0x0], $0xffff  }
0x12d: {  	v8 =	vld [tilespmem:$0x1FE80];
	v3 =	vadd.f32 v4, v3;
	v4 =	vadd.f32 v6, v5  }
0x12e: {  	v5 =	vld [tilespmem:$0x1FE50]  }
0x12f: {  	v6 =	vld [tilespmem:$0x1FE60];
	v3 =	vadd.f32 v4, v3  }
0x130: {  	v9 =	vld [tilespmem:$0x1FE90]  }
0x131: {  	v10 =	vld [tilespmem:$0x1FEA0];
	v4 =	vmul.f32 $1.000000010e-01, v7;
	v3 =	vadd.f32 v3, v61  }
0x132: {  	v19 =	vld [tilespmem:$0x420]  }
0x133: {  	v7 =	vld [tilespmem:$0x1FE70];
	v3 =	vadd.f32 v3, v4  }
0x134: {  	v4 =	vld [tilespmem:$0x1FE40]  }
0x135: {  	[tilespmem:$0x1D2D0] =	vst v3;
	v3 =	vld [tilespmem:$0x1FE30]  }
0x136: {  	v5 =	vld.idx.msk [tilespmem:v5+s3+$0x0], $0xffff  }
0x137: {  	v6 =	vld.idx.msk [tilespmem:v6+s3+$0x0], $0xffff  }
0x138: {  	v8 =	vld.idx.msk [tilespmem:v8+s3+$0x0], $0xffff  }
0x139: {  	v9 =	vld.idx.msk [tilespmem:v9+s3+$0x0], $0xffff  }
0x13a: {  	v10 =	vld.idx.msk [tilespmem:v10+s3+$0x0], $0xffff  }
0x13b: {  	v11 =	vld.idx.msk [tilespmem:v11+s3+$0x0], $0xffff  }
0x13c: {  	v12 =	vld.idx.msk [tilespmem:v12+s3+$0x0], $0xffff  }
0x13d: {  	v13 =	vld.idx.msk [tilespmem:v13+s3+$0x0], $0xffff  }
0x13e: {  	v14 =	vld.idx.msk [tilespmem:v14+s3+$0x0], $0xffff  }
0x13f: {  	v15 =	vld.idx.msk [tilespmem:v15+s3+$0x0], $0xffff  }
0x140: {  	v16 =	vld.idx.msk [tilespmem:v16+s3+$0x0], $0xffff  }
0x141: {  	v4 =	vld.idx.msk [tilespmem:v4+s3+$0x0], $0xffff  }
0x142: {  	v3 =	vld.idx.msk [tilespmem:v3+s3+$0x0], $0xffff  }
0x143: {  	v7 =	vld.idx.msk [tilespmem:v7+s3+$0x0], $0xffff  }
0x144: {  	v17 =	vld.idx.msk [tilespmem:v17+s3+$0x0], $0xffff  }
0x145: {  	v18 =	vld.idx.msk [tilespmem:v18+s3+$0x0], $0xffff;
	_ =	sdelay $0x1  }
0x146: {  	v3 =	vadd.f32 v4, v3;
	v4 =	vadd.f32 v6, v5  }
0x147: {  	v5 =	vadd.f32 v8, v7;
	v6 =	vadd.f32 v10, v9  }
0x148: {  	v7 =	vadd.f32 v12, v11;
	v8 =	vadd.f32 v14, v13  }
0x149: {  	v9 =	vadd.f32 v16, v15;
	v10 =	vadd.f32 v18, v17;
	v11 =	vld [tilespmem:$0x1FFB0]  }
0x14a: {  	v12 =	vld [tilespmem:$0x1FFC0];
	v3 =	vadd.f32 v4, v3;
	v4 =	vadd.f32 v6, v5  }
0x14b: {  	v13 =	vld [tilespmem:$0x1FFD0];
	v5 =	vadd.f32 v8, v7;
	v6 =	vadd.f32 v10, v9  }
0x14c: {  	v7 =	vld.idx.msk [tilespmem:v19+s30+$0x0], $0xffff  }
0x14d: {  	v8 =	vld [tilespmem:$0x1FF80];
	v3 =	vadd.f32 v4, v3;
	v4 =	vadd.f32 v6, v5  }
0x14e: {  	v5 =	vld [tilespmem:$0x1FF50]  }
0x14f: {  	v6 =	vld [tilespmem:$0x1FF60];
	v3 =	vadd.f32 v4, v3  }
0x150: {  	v9 =	vld [tilespmem:$0x1FF90]  }
0x151: {  	v10 =	vld [tilespmem:$0x1FFA0];
	v4 =	vmul.f32 $1.000000010e-01, v7;
	v3 =	vadd.f32 v3, v61  }
0x152: {  	v19 =	vld [tilespmem:$0x430]  }
0x153: {  	v7 =	vld [tilespmem:$0x1FF70];
	v3 =	vadd.f32 v3, v4  }
0x154: {  	v4 =	vld [tilespmem:$0x1FF40]  }
0x155: {  	[tilespmem:$0x1D2E0] =	vst v3;
	v3 =	vld [tilespmem:$0x1FF30]  }
0x156: {  	v5 =	vld.idx.msk [tilespmem:v5+s3+$0x0], $0xffff  }
0x157: {  	v6 =	vld.idx.msk [tilespmem:v6+s3+$0x0], $0xffff  }
0x158: {  	v8 =	vld.idx.msk [tilespmem:v8+s3+$0x0], $0xffff  }
0x159: {  	v14 =	vor.u32 $0x180B, v0;
	v9 =	vld.idx.msk [tilespmem:v9+s3+$0x0], $0xffff  }
0x15a: {  	v15 =	vor.u32 $0x180C, v0;
	v10 =	vld.idx.msk [tilespmem:v10+s3+$0x0], $0xffff  }
0x15b: {  	v16 =	vor.u32 $0x180D, v0;
	v11 =	vld.idx.msk [tilespmem:v11+s3+$0x0], $0xffff  }
0x15c: {  	v12 =	vld.idx.msk [tilespmem:v12+s3+$0x0], $0xffff  }
0x15d: {  	v13 =	vld.idx.msk [tilespmem:v13+s3+$0x0], $0xffff  }
0x15e: {  	[tilespmem:$0x1FA80] =	vst v14;
	v14 =	vld.idx.msk [tilespmem:v14+s3+$0x0], $0xffff  }
0x15f: {  	v17 =	vor.u32 $0x180E, v0;
	[tilespmem:$0x1FA90] =	vst v15;
	v15 =	vld.idx.msk [tilespmem:v15+s3+$0x0], $0xffff  }
0x160: {  	v18 =	vor.u32 $0x180F, v0;
	[tilespmem:$0x1FAA0] =	vst v16;
	v16 =	vld.idx.msk [tilespmem:v16+s3+$0x0], $0xffff  }
0x161: {  	v4 =	vld.idx.msk [tilespmem:v4+s3+$0x0], $0xffff  }
0x162: {  	v3 =	vld.idx.msk [tilespmem:v3+s3+$0x0], $0xffff  }
0x163: {  	v7 =	vld.idx.msk [tilespmem:v7+s3+$0x0], $0xffff  }
0x164: {  	[tilespmem:$0x1FAB0] =	vst v17;
	v17 =	vld.idx.msk [tilespmem:v17+s3+$0x0], $0xffff  }
0x165: {  	[tilespmem:$0x1FAC0] =	vst v18;
	v18 =	vld.idx.msk [tilespmem:v18+s3+$0x0], $0xffff;
	_ =	sdelay $0x1  }
0x166: {  	v3 =	vadd.f32 v4, v3;
	v4 =	vadd.f32 v6, v5  }
0x167: {  	v5 =	vadd.f32 v8, v7;
	v6 =	vadd.f32 v10, v9  }
0x168: {  	v7 =	vadd.f32 v12, v11;
	v8 =	vadd.f32 v14, v13  }
0x169: {  	v9 =	vadd.f32 v16, v15;
	v10 =	vadd.f32 v18, v17  }
0x16a: {  	v3 =	vadd.f32 v4, v3;
	v4 =	vadd.f32 v6, v5  }
0x16b: {  	v5 =	vadd.f32 v8, v7;
	v6 =	vadd.f32 v10, v9  }
0x16c: {  	v7 =	vld.idx.msk [tilespmem:v19+s30+$0x0], $0xffff  }
0x16d: {  	v3 =	vadd.f32 v4, v3;
	v4 =	vadd.f32 v6, v5;
	_ =	sdelay $0x1  }
0x16e: {  	v3 =	vadd.f32 v4, v3;
	_ =	sdelay $0x1  }
0x16f: {  	v5 =	vor.u32 $0x2000, v0;
	v4 =	vmul.f32 $1.000000010e-01, v7;
	v3 =	vadd.f32 v3, v61  }
0x170: {  	v6 =	vor.u32 $0x2001, v0  }
0x171: {  	v7 =	vor.u32 $0x2002, v0;
	v3 =	vadd.f32 v3, v4  }
0x172: {  	v8 =	vor.u32 $0x2003, v0  }
0x173: {  	v9 =	vor.u32 $0x2004, v0;
	[tilespmem:$0x1D2F0] =	vst v3  }
0x174: {  	v10 =	vor.u32 $0x2005, v0;
	v3 =	vld.idx.msk [tilespmem:v5+s3+$0x0], $0xffff  }
0x175: {  	v11 =	vor.u32 $0x2006, v0;
	v4 =	vld.idx.msk [tilespmem:v6+s3+$0x0], $0xffff  }
0x176: {  	v12 =	vor.u32 $0x2007, v0;
	[tilespmem:$0x1FAD0] =	vst v5;
	v5 =	vld.idx.msk [tilespmem:v7+s3+$0x0], $0xffff  }
0x177: {  	v13 =	vor.u32 $0x2008, v0;
	[tilespmem:$0x1FAE0] =	vst v6;
	v6 =	vld.idx.msk [tilespmem:v8+s3+$0x0], $0xffff  }
0x178: {  	v14 =	vor.u32 $0x2009, v0;
	[tilespmem:$0x1FAF0] =	vst v7;
	v7 =	vld.idx.msk [tilespmem:v9+s3+$0x0], $0xffff  }
0x179: {  	v15 =	vor.u32 $0x200A, v0;
	[tilespmem:$0x1FB00] =	vst v8;
	v8 =	vld.idx.msk [tilespmem:v10+s3+$0x0], $0xffff  }
0x17a: {  	v16 =	vor.u32 $0x200B, v0;
	[tilespmem:$0x1FB10] =	vst v9;
	v9 =	vld.idx.msk [tilespmem:v11+s3+$0x0], $0xffff  }
0x17b: {  	v17 =	vor.u32 $0x200C, v0;
	[tilespmem:$0x1FB20] =	vst v10;
	v10 =	vld.idx.msk [tilespmem:v12+s3+$0x0], $0xffff  }
0x17c: {  	v18 =	vor.u32 $0x200D, v0;
	[tilespmem:$0x1FB30] =	vst v11;
	v11 =	vld.idx.msk [tilespmem:v13+s3+$0x0], $0xffff  }
0x17d: {  	[tilespmem:$0x1FB40] =	vst v12;
	v19 =	vor.u32 $0x200E, v0;
	v12 =	vld.idx.msk [tilespmem:v14+s3+$0x0], $0xffff  }
0x17e: {  	v20 =	vor.u32 $0x200F, v0;
	[tilespmem:$0x1FB50] =	vst v13;
	v13 =	vld.idx.msk [tilespmem:v15+s3+$0x0], $0xffff  }
0x17f: {  	[tilespmem:$0x1FB60] =	vst v14;
	v14 =	vld.idx.msk [tilespmem:v16+s3+$0x0], $0xffff  }
0x180: {  	[tilespmem:$0x1FB70] =	vst v15;
	v15 =	vld.idx.msk [tilespmem:v17+s3+$0x0], $0xffff  }
0x181: {  	[tilespmem:$0x1FB80] =	vst v16;
	v16 =	vld.idx.msk [tilespmem:v18+s3+$0x0], $0xffff  }
0x182: {  	[tilespmem:$0x1FB90] =	vst v17;
	v17 =	vld.idx.msk [tilespmem:v19+s3+$0x0], $0xffff  }
0x183: {  	[tilespmem:$0x1FBA0] =	vst v18;
	v18 =	vld.idx.msk [tilespmem:v20+s3+$0x0], $0xffff  }
0x184: {  	[tilespmem:$0x1FBB0] =	vst v19;
	v19 =	vld [tilespmem:$0x440];
	_ =	sdelay $0x1  }
0x185: {  	v3 =	vadd.f32 v4, v3;
	v4 =	vadd.f32 v6, v5  }
0x186: {  	v5 =	vadd.f32 v8, v7;
	v6 =	vadd.f32 v10, v9  }
0x187: {  	v7 =	vadd.f32 v12, v11;
	v8 =	vadd.f32 v14, v13  }
0x188: {  	v9 =	vadd.f32 v16, v15;
	v10 =	vadd.f32 v18, v17  }
0x189: {  	v3 =	vadd.f32 v4, v3;
	v4 =	vadd.f32 v6, v5  }
0x18a: {  	v5 =	vadd.f32 v8, v7;
	v6 =	vadd.f32 v10, v9  }
0x18b: {  	v7 =	vld.idx.msk [tilespmem:v19+s30+$0x0], $0xffff  }
0x18c: {  	v3 =	vadd.f32 v4, v3;
	v4 =	vadd.f32 v6, v5;
	_ =	sdelay $0x1  }
0x18d: {  	v3 =	vadd.f32 v4, v3;
	_ =	sdelay $0x1  }
0x18e: {  	v5 =	vor.u32 $0x2800, v0;
	v3 =	vadd.f32 v3, v61;
	v4 =	vmul.f32 $1.000000010e-01, v7  }
0x18f: {  	v6 =	vor.u32 $0x2801, v0  }
0x190: {  	v7 =	vor.u32 $0x2802, v0;
	v3 =	vadd.f32 v3, v4  }
0x191: {  	v8 =	vor.u32 $0x2803, v0  }
0x192: {  	v9 =	vor.u32 $0x2804, v0;
	v19 =	vld [tilespmem:$0x450];
	[tilespmem:$0x1D300] =	vst v3  }
0x193: {  	v10 =	vor.u32 $0x2805, v0;
	v3 =	vld.idx.msk [tilespmem:v5+s3+$0x0], $0xffff  }
0x194: {  	v11 =	vor.u32 $0x2806, v0;
	v4 =	vld.idx.msk [tilespmem:v6+s3+$0x0], $0xffff  }
0x195: {  	v12 =	vor.u32 $0x2807, v0;
	[tilespmem:$0x1FBD0] =	vst v5;
	v5 =	vld.idx.msk [tilespmem:v7+s3+$0x0], $0xffff  }
0x196: {  	v13 =	vor.u32 $0x2808, v0;
	[tilespmem:$0x1FBE0] =	vst v6;
	v6 =	vld.idx.msk [tilespmem:v8+s3+$0x0], $0xffff  }
0x197: {  	v14 =	vor.u32 $0x2809, v0;
	[tilespmem:$0x1FBF0] =	vst v7;
	v7 =	vld.idx.msk [tilespmem:v9+s3+$0x0], $0xffff  }
0x198: {  	v15 =	vor.u32 $0x280A, v0;
	[tilespmem:$0x1FC00] =	vst v8;
	v8 =	vld.idx.msk [tilespmem:v10+s3+$0x0], $0xffff  }
0x199: {  	v33 =	vor.u32 $0x280B, v0;
	[tilespmem:$0x1FC10] =	vst v9;
	v9 =	vld.idx.msk [tilespmem:v11+s3+$0x0], $0xffff  }
0x19a: {  	v34 =	vor.u32 $0x280C, v0;
	[tilespmem:$0x1FC20] =	vst v10;
	v10 =	vld.idx.msk [tilespmem:v12+s3+$0x0], $0xffff  }
0x19b: {  	v35 =	vor.u32 $0x280D, v0;
	[tilespmem:$0x1FC30] =	vst v11;
	v11 =	vld.idx.msk [tilespmem:v13+s3+$0x0], $0xffff  }
0x19c: {  	v36 =	vor.u32 $0x280E, v0;
	[tilespmem:$0x1FC40] =	vst v12;
	v12 =	vld.idx.msk [tilespmem:v14+s3+$0x0], $0xffff  }
0x19d: {  	v37 =	vor.u32 $0x280F, v0;
	[tilespmem:$0x1FC50] =	vst v13;
	v13 =	vld.idx.msk [tilespmem:v15+s3+$0x0], $0xffff  }
0x19e: {  	[tilespmem:$0x1FC60] =	vst v14;
	v14 =	vld.idx.msk [tilespmem:v33+s3+$0x0], $0xffff  }
0x19f: {  	[tilespmem:$0x1FC70] =	vst v15;
	v15 =	vld.idx.msk [tilespmem:v34+s3+$0x0], $0xffff  }
0x1a0: {  	v16 =	vld.idx.msk [tilespmem:v35+s3+$0x0], $0xffff  }
0x1a1: {  	v17 =	vld.idx.msk [tilespmem:v36+s3+$0x0], $0xffff  }
0x1a2: {  	v18 =	vld.idx.msk [tilespmem:v37+s3+$0x0], $0xffff;
	_ =	sdelay $0x1  }
0x1a3: {  	v3 =	vadd.f32 v4, v3;
	v4 =	vadd.f32 v6, v5  }
0x1a4: {  	v5 =	vadd.f32 v8, v7;
	v6 =	vadd.f32 v10, v9  }
0x1a5: {  	v7 =	vadd.f32 v12, v11;
	v8 =	vadd.f32 v14, v13  }
0x1a6: {  	v9 =	vadd.f32 v16, v15;
	v10 =	vadd.f32 v18, v17  }
0x1a7: {  	v3 =	vadd.f32 v4, v3;
	v4 =	vadd.f32 v6, v5  }
0x1a8: {  	v5 =	vadd.f32 v8, v7;
	v6 =	vadd.f32 v10, v9  }
0x1a9: {  	v7 =	vld.idx.msk [tilespmem:v19+s30+$0x0], $0xffff  }
0x1aa: {  	v3 =	vadd.f32 v4, v3;
	v4 =	vadd.f32 v6, v5;
	_ =	sdelay $0x1  }
0x1ab: {  	v3 =	vadd.f32 v4, v3;
	_ =	sdelay $0x1  }
0x1ac: {  	v38 =	vor.u32 $0x3000, v0;
	v4 =	vmul.f32 $1.000000010e-01, v7;
	v3 =	vadd.f32 v3, v61  }
0x1ad: {  	v39 =	vor.u32 $0x3001, v0  }
0x1ae: {  	v40 =	vor.u32 $0x3002, v0;
	v3 =	vadd.f32 v3, v4  }
0x1af: {  	v41 =	vor.u32 $0x3003, v0  }
0x1b0: {  	v42 =	vor.u32 $0x3004, v0;
	v19 =	vld [tilespmem:$0x460];
	[tilespmem:$0x1D310] =	vst v3  }
0x1b1: {  	v43 =	vor.u32 $0x3005, v0;
	v3 =	vld.idx.msk [tilespmem:v38+s3+$0x0], $0xffff  }
0x1b2: {  	v44 =	vor.u32 $0x3006, v0;
	v4 =	vld.idx.msk [tilespmem:v39+s3+$0x0], $0xffff  }
0x1b3: {  	v45 =	vor.u32 $0x3007, v0;
	v5 =	vld.idx.msk [tilespmem:v40+s3+$0x0], $0xffff  }
0x1b4: {  	v46 =	vor.u32 $0x3008, v0;
	v6 =	vld.idx.msk [tilespmem:v41+s3+$0x0], $0xffff  }
0x1b5: {  	v47 =	vor.u32 $0x3009, v0;
	v7 =	vld.idx.msk [tilespmem:v42+s3+$0x0], $0xffff  }
0x1b6: {  	v48 =	vor.u32 $0x300A, v0;
	v8 =	vld.idx.msk [tilespmem:v43+s3+$0x0], $0xffff  }
0x1b7: {  	v49 =	vor.u32 $0x300B, v0;
	v9 =	vld.idx.msk [tilespmem:v44+s3+$0x0], $0xffff  }
0x1b8: {  	v50 =	vor.u32 $0x300C, v0;
	v10 =	vld.idx.msk [tilespmem:v45+s3+$0x0], $0xffff  }
0x1b9: {  	v51 =	vor.u32 $0x300D, v0;
	v11 =	vld.idx.msk [tilespmem:v46+s3+$0x0], $0xffff  }
0x1ba: {  	v52 =	vor.u32 $0x300E, v0;
	v12 =	vld.idx.msk [tilespmem:v47+s3+$0x0], $0xffff  }
0x1bb: {  	v53 =	vor.u32 $0x300F, v0;
	v13 =	vld.idx.msk [tilespmem:v48+s3+$0x0], $0xffff  }
0x1bc: {  	v14 =	vld.idx.msk [tilespmem:v49+s3+$0x0], $0xffff  }
0x1bd: {  	v15 =	vld.idx.msk [tilespmem:v50+s3+$0x0], $0xffff  }
0x1be: {  	v16 =	vld.idx.msk [tilespmem:v51+s3+$0x0], $0xffff  }
0x1bf: {  	v17 =	vld.idx.msk [tilespmem:v52+s3+$0x0], $0xffff  }
0x1c0: {  	v18 =	vld.idx.msk [tilespmem:v53+s3+$0x0], $0xffff;
	_ =	sdelay $0x1  }
0x1c1: {  	v3 =	vadd.f32 v4, v3;
	v4 =	vadd.f32 v6, v5  }
0x1c2: {  	v5 =	vadd.f32 v8, v7;
	v6 =	vadd.f32 v10, v9  }
0x1c3: {  	v7 =	vadd.f32 v12, v11;
	v8 =	vadd.f32 v14, v13  }
0x1c4: {  	v9 =	vadd.f32 v16, v15;
	v10 =	vadd.f32 v18, v17  }
0x1c5: {  	v3 =	vadd.f32 v4, v3;
	v4 =	vadd.f32 v6, v5  }
0x1c6: {  	v5 =	vadd.f32 v8, v7;
	v6 =	vadd.f32 v10, v9  }
0x1c7: {  	v7 =	vld.idx.msk [tilespmem:v19+s30+$0x0], $0xffff  }
0x1c8: {  	v3 =	vadd.f32 v4, v3;
	v4 =	vadd.f32 v6, v5;
	_ =	sdelay $0x1  }
0x1c9: {  	v3 =	vadd.f32 v4, v3;
	_ =	sdelay $0x1  }
0x1ca: {  	v54 =	vor.u32 $0x3800, v0;
	v4 =	vmul.f32 $1.000000010e-01, v7;
	v3 =	vadd.f32 v3, v61  }
0x1cb: {  	v55 =	vor.u32 $0x3801, v0  }
0x1cc: {  	v56 =	vor.u32 $0x3802, v0;
	v3 =	vadd.f32 v3, v4  }
0x1cd: {  	v57 =	vor.u32 $0x3803, v0  }
0x1ce: {  	v58 =	vor.u32 $0x3804, v0;
	v26 =	vld [tilespmem:$0x470];
	[tilespmem:$0x1D320] =	vst v3  }
0x1cf: {  	v59 =	vor.u32 $0x3805, v0;
	v10 =	vld.idx.msk [tilespmem:v54+s3+$0x0], $0xffff  }
0x1d0: {  	v60 =	vor.u32 $0x3806, v0;
	v11 =	vld.idx.msk [tilespmem:v55+s3+$0x0], $0xffff  }
0x1d1: {  	v62 =	vor.u32 $0x3807, v0;
	v12 =	vld.idx.msk [tilespmem:v56+s3+$0x0], $0xffff  }
0x1d2: {  	v63 =	vor.u32 $0x3808, v0;
	v13 =	vld.idx.msk [tilespmem:v57+s3+$0x0], $0xffff  }
0x1d3: {  	v5 =	vor.u32 $0x380B, v0;
	v14 =	vld.idx.msk [tilespmem:v58+s3+$0x0], $0xffff  }
0x1d4: {  	v6 =	vor.u32 $0x380C, v0;
	v15 =	vld.idx.msk [tilespmem:v59+s3+$0x0], $0xffff  }
0x1d5: {  	v7 =	vor.u32 $0x380D, v0;
	v16 =	vld.idx.msk [tilespmem:v60+s3+$0x0], $0xffff  }
0x1d6: {  	v8 =	vor.u32 $0x380E, v0;
	v17 =	vld.idx.msk [tilespmem:v62+s3+$0x0], $0xffff  }
0x1d7: {  	v9 =	vor.u32 $0x380F, v0;
	v18 =	vld.idx.msk [tilespmem:v63+s3+$0x0], $0xffff  }
0x1d8: {  	v4 =	vor.u32 $0x380A, v0;
	v21 =	vld.idx.msk [tilespmem:v5+s3+$0x0], $0xffff  }
0x1d9: {  	v3 =	vor.u32 $0x3809, v0;
	v22 =	vld.idx.msk [tilespmem:v6+s3+$0x0], $0xffff  }
0x1da: {  	v23 =	vld.idx.msk [tilespmem:v7+s3+$0x0], $0xffff  }
0x1db: {  	v24 =	vld.idx.msk [tilespmem:v8+s3+$0x0], $0xffff  }
0x1dc: {  	v25 =	vld.idx.msk [tilespmem:v9+s3+$0x0], $0xffff  }
0x1dd: {  	[tilespmem:$0x1FBC0] =	vst v20;
	v20 =	vld.idx.msk [tilespmem:v4+s3+$0x0], $0xffff  }
0x1de: {  	v19 =	vld.idx.msk [tilespmem:v3+s3+$0x0], $0xffff;
	_ =	sdelay $0x1  }
0x1df: {  	v10 =	vadd.f32 v11, v10;
	v11 =	vadd.f32 v13, v12  }
0x1e0: {  	v12 =	vadd.f32 v15, v14;
	v13 =	vadd.f32 v17, v16  }
0x1e1: {  	v16 =	vadd.f32 v23, v22;
	v17 =	vadd.f32 v25, v24  }
0x1e2: {  	v15 =	vadd.f32 v21, v20;
	v14 =	vadd.f32 v19, v18  }
0x1e3: {  	v10 =	vadd.f32 v11, v10;
	v11 =	vadd.f32 v13, v12  }
0x1e4: {  	v13 =	vadd.f32 v17, v16;
	v12 =	vadd.f32 v15, v14  }
0x1e5: {  	v14 =	vld.idx.msk [tilespmem:v26+s30+$0x0], $0xffff  }
0x1e6: {  	v10 =	vadd.f32 v11, v10;
	v11 =	vadd.f32 v13, v12;
	_ =	sdelay $0x1  }
0x1e7: {  	v10 =	vadd.f32 v11, v10;
	_ =	sdelay $0x1  }
0x1e8: {  	v11 =	vmul.f32 $1.000000010e-01, v14;
	v10 =	vadd.f32 v10, v61;
	_ =	sdelay $0x1  }
0x1e9: {  	v10 =	vadd.f32 v10, v11;
	_ =	sdelay $0x1  }
0x1ea: {  	[tilespmem:$0x1D330] =	vst v10  }
0x1eb: {  	[tilespmem:s17], [sflag:$0x1] =	stream.indirect.gather [hbm4b:s0+s16], $0x80, s6, s16, $0xb8;
	[tilespmem:$0x1D4C0] =	vst v63  }
0x1ec: {  	_ = 	snop  }
0x1ed: {  	[tilespmem:s18], [sflag:$0x1] =	stream.indirect.gather [hbm4b:s1+s16], $0x80, s2, s16, $0xb8;
	[tilespmem:$0x1D4C0] =	vst v63  }
0x1ee: {  	_ =	swait.ge [sflag:s19], $0x4000  }
0x1ef: {  	[sflag:s19] =	ssyncset.done $0x0  }
0x1f0: {  	[sflag:s19] =	ssyncadd.s32 $0xFFFFC000  }
0x1f1: {  	_ =	swait.ge [sflag:s19], $0x4000  }
0x1f2: {  	[sflag:s19] =	ssyncset.done $0x0  }
0x1f3: {  	s23 =	simm.s32 $0x0;
	[sflag:s19] =	ssyncadd.s32 $0xFFFFC000  }
0x1f4: {  	v10 =	vld [tilespmem:s23+$0x4680]  }
0x1f5: {  	v11 =	vld [tilespmem:s23+$0x10680]  }
0x1f6: {  	v12 =	vld [tilespmem:s23+$0x4690]  }
0x1f7: {  	v13 =	vld [tilespmem:s23+$0x10690]  }
0x1f8: {  	v14 =	vld [tilespmem:s23+$0x46A0]  }
0x1f9: {  	v15 =	vld [tilespmem:s23+$0x106A0]  }
0x1fa: {  	v16 =	vld [tilespmem:s23+$0x46B0]  }
0x1fb: {  	v17 =	vld [tilespmem:s23+$0x106B0]  }
0x1fc: {  	v18 =	vld [tilespmem:s23+$0x46C0]  }
0x1fd: {  	v19 =	vld [tilespmem:s23+$0x106C0]  }
0x1fe: {  	v20 =	vld [tilespmem:s23+$0x46D0]  }
0x1ff: {  	v21 =	vld [tilespmem:s23+$0x106D0]  }
0x200: {  	v22 =	vld [tilespmem:s23+$0x46E0]  }
0x201: {  	v23 =	vld [tilespmem:s23+$0x106E0]  }
0x202: {  	v24 =	vld [tilespmem:s23+$0x46F0]  }
0x203: {  	v25 =	vld [tilespmem:s23+$0x106F0]  }
0x204: {  	v26 =	vld [tilespmem:s23+$0x4600]  }
0x205: {  	v27 =	vld [tilespmem:s23+$0x10600]  }
0x206: {  	v28 =	vld [tilespmem:s23+$0x4610]  }
0x207: {  	v10 =	vmul.f32 v11, v10;
	v11 =	vmul.f32 v13, v12;
	v12 =	vld [tilespmem:s23+$0x10610]  }
0x208: {  	v13 =	vmul.f32 v15, v14;
	v14 =	vmul.f32 v17, v16;
	v15 =	vld [tilespmem:s23+$0x4620]  }
0x209: {  	v16 =	vmul.f32 v19, v18;
	v17 =	vmul.f32 v21, v20;
	v18 =	vld [tilespmem:s23+$0x10620]  }
0x20a: {  	v19 =	vmul.f32 v23, v22;
	v24 =	vmul.f32 v25, v24;
	v25 =	vld [tilespmem:s23+$0x4630]  }
0x20b: {  	v10 =	vadd.f32 v11, v10;
	v11 =	vadd.f32 v14, v13;
	v13 =	vld [tilespmem:s23+$0x10630]  }
0x20c: {  	v14 =	vadd.f32 v17, v16;
	v16 =	vadd.f32 v24, v19;
	v17 =	vld [tilespmem:s23+$0x4640]  }
0x20d: {  	v19 =	vld [tilespmem:s23+$0x10640]  }
0x20e: {  	v11 =	vadd.f32 v11, v10;
	v14 =	vadd.f32 v16, v14;
	v10 =	vld [tilespmem:s23+$0x4650]  }
0x20f: {  	v16 =	vmul.f32 v27, v26;
	v26 =	vmul.f32 v12, v28;
	v12 =	vld [tilespmem:s23+$0x10650]  }
0x210: {  	v18 =	vmul.f32 v18, v15;
	v15 =	vadd.f32 v14, v11;
	v14 =	vld [tilespmem:s23+$0x10660];
	v21 =	vmul.f32 v13, v25  }
0x211: {  	v13 =	vld [tilespmem:s23+$0x4660]  }
0x212: {  	s24 =	simm.s32 $0x400;
	s4 =	simm.s32 $0x0;
	v11 =	vadd.f32 v26, v16;
	v16 =	vld [tilespmem:s23+$0x4670];
	[tilespmem:s23+$0x18680] =	vst v15;
	v15 =	vmul.f32 v19, v17;
	v17 =	vadd.f32 v21, v18  }
.LBB2_8:
0x213: {  	s25 =	sshra.s32 s24, $0x2;
	v18 =	vld [tilespmem:s23+$0x10670]  }
0x214: {  	v19 =	vld [tilespmem:s25+$0x4680];
	v10 =	vmul.f32 v12, v10;
	v11 =	vadd.f32 v17, v11  }
0x215: {  	v12 =	vld [tilespmem:s25+$0x10680]  }
0x216: {  	v17 =	vld [tilespmem:s25+$0x4690];
	v13 =	vmul.f32 v14, v13;
	v10 =	vadd.f32 v10, v15  }
0x217: {  	v14 =	vld [tilespmem:s25+$0x10690]  }
0x218: {  	v15 =	vld [tilespmem:s25+$0x46A0];
	v16 =	vmul.f32 v18, v16  }
0x219: {  	v18 =	vld [tilespmem:s25+$0x106A0]  }
0x21a: {  	v20 =	vld [tilespmem:s25+$0x46B0];
	v13 =	vadd.f32 v16, v13  }
0x21b: {  	v16 =	vld [tilespmem:s25+$0x106B0]  }
0x21c: {  	v21 =	vld [tilespmem:s25+$0x46C0];
	v10 =	vadd.f32 v13, v10  }
0x21d: {  	v13 =	vld [tilespmem:s25+$0x106C0]  }
0x21e: {  	v22 =	vld [tilespmem:s25+$0x46D0];
	v10 =	vadd.f32 v10, v11  }
0x21f: {  	v11 =	vld [tilespmem:s25+$0x106D0]  }
0x220: {  	v23 =	vld [tilespmem:s25+$0x46E0];
	[tilespmem:s23+$0x18600] =	vst v10;
	s23 =	smov.u32 s25  }
0x221: {  	v10 =	vld [tilespmem:s23+$0x106E0]  }
0x222: {  	s4 =	sadd.s32 $0x2, s4;
	v24 =	vld [tilespmem:s23+$0x46F0]  }
0x223: {  	p0 =	slt.u32 s4, $0x7E;
	v25 =	vld [tilespmem:s23+$0x106F0]  }
0x224: {  	v26 =	vld [tilespmem:s23+$0x4600]  }
0x225: {  	v12 =	vmul.f32 v12, v19;
	v14 =	vmul.f32 v14, v17;
	v27 =	vld [tilespmem:s23+$0x10600]  }
0x226: {  	v15 =	vmul.f32 v18, v15;
	v16 =	vmul.f32 v16, v20;
	v17 =	vld [tilespmem:s23+$0x4610]  }
0x227: {  	v13 =	vmul.f32 v13, v21;
	v11 =	vmul.f32 v11, v22;
	v18 =	vld [tilespmem:s23+$0x10610]  }
0x228: {  	v10 =	vmul.f32 v10, v23;
	v19 =	vld [tilespmem:s23+$0x4620];
	v20 =	vmul.f32 v25, v24  }
0x229: {  	v12 =	vadd.f32 v14, v12;
	v14 =	vadd.f32 v16, v15;
	v21 =	vld [tilespmem:s23+$0x10620]  }
0x22a: {  	v11 =	vadd.f32 v11, v13;
	v15 =	vmul.f32 v27, v26;
	v16 =	vld [tilespmem:s23+$0x4630];
	v10 =	vadd.f32 v20, v10  }
0x22b: {  	v13 =	vld [tilespmem:s23+$0x10630]  }
0x22c: {  	v12 =	vadd.f32 v14, v12;
	v17 =	vmul.f32 v18, v17;
	v18 =	vld [tilespmem:s23+$0x4640];
	v14 =	vadd.f32 v10, v11  }
0x22d: {  	v20 =	vld [tilespmem:s23+$0x10640]  }
.Ltmp3:
0x22e: {  	v19 =	vmul.f32 v21, v19;
	v10 =	vld [tilespmem:s23+$0x4650];
	v11 =	vadd.f32 v17, v15;
	v14 =	vadd.f32 v14, v12;
	(pc) =	sbr.rel @p0 .LBB2_8-.Ltmp3, $4  }
0x22f: {  	v12 =	vld [tilespmem:s23+$0x10650]  }
0x230: {  	v17 =	vmul.f32 v13, v16;
	v13 =	vld [tilespmem:s23+$0x4660];
	[tilespmem:s23+$0x18680] =	vst v14  }
0x231: {  	v14 =	vld [tilespmem:s23+$0x10660]  }
0x232: {  	s24 =	sadd.s32 $0x400, s24;
	v15 =	vmul.f32 v20, v18;
	v16 =	vld [tilespmem:s23+$0x4670];
	v17 =	vadd.f32 v17, v19  }
0x233: {  	v18 =	vld [tilespmem:s23+$0x10670];
	_ =	sdelay $0x3  }
0x234: {  	v10 =	vmul.f32 v12, v10  }
0x235: {  	v12 =	vmul.f32 v14, v13;
	v13 =	vmul.f32 v18, v16;
	_ =	sdelay $0x1  }
0x236: {  	v10 =	vadd.f32 v10, v15;
	v12 =	vadd.f32 v13, v12;
	_ =	sdelay $0x1  }
0x237: {  	v11 =	vadd.f32 v17, v11;
	v10 =	vadd.f32 v12, v10;
	_ =	sdelay $0x1  }
0x238: {  	v10 =	vadd.f32 v10, v11;
	_ =	sdelay $0x1  }
0x239: {  	[tilespmem:s23+$0x18600] =	vst v10  }
0x23a: {  	v10 =	vld.idx.msk [tilespmem:v0+s3+$0x0], $0xffff  }
0x23b: {  	v11 =	vld.idx.msk [tilespmem:v29+s3+$0x0], $0xffff  }
0x23c: {  	v12 =	vld.idx.msk [tilespmem:v30+s3+$0x0], $0xffff  }
0x23d: {  	v13 =	vld.idx.msk [tilespmem:v31+s3+$0x0], $0xffff  }
0x23e: {  	v14 =	vld.idx.msk [tilespmem:v32+s3+$0x0], $0xffff  }
0x23f: {  	v15 =	vld [tilespmem:$0x1FC80]  }
0x240: {  	v16 =	vld [tilespmem:$0x1FC90]  }
0x241: {  	v17 =	vld [tilespmem:$0x1FCA0]  }
0x242: {  	v18 =	vld [tilespmem:$0x1FCB0]  }
0x243: {  	v19 =	vld [tilespmem:$0x1FCC0]  }
0x244: {  	v20 =	vld [tilespmem:$0x1FCD0]  }
0x245: {  	v21 =	vld [tilespmem:$0x1FCE0]  }
0x246: {  	v22 =	vld [tilespmem:$0x1FCF0]  }
0x247: {  	v23 =	vld [tilespmem:$0x1FD00]  }
0x248: {  	v24 =	vld [tilespmem:$0x1FD10]  }
0x249: {  	v25 =	vld [tilespmem:$0x1FD20]  }
0x24a: {  	v26 =	vld [tilespmem:$0x480]  }
0x24b: {  	v15 =	vld.idx.msk [tilespmem:v15+s3+$0x0], $0xffff  }
0x24c: {  	v16 =	vld.idx.msk [tilespmem:v16+s3+$0x0], $0xffff  }
0x24d: {  	v17 =	vld.idx.msk [tilespmem:v17+s3+$0x0], $0xffff  }
0x24e: {  	v18 =	vld.idx.msk [tilespmem:v18+s3+$0x0], $0xffff  }
0x24f: {  	v19 =	vld.idx.msk [tilespmem:v19+s3+$0x0], $0xffff  }
0x250: {  	v20 =	vld.idx.msk [tilespmem:v20+s3+$0x0], $0xffff  }
0x251: {  	v21 =	vld.idx.msk [tilespmem:v21+s3+$0x0], $0xffff  }
0x252: {  	v22 =	vld.idx.msk [tilespmem:v22+s3+$0x0], $0xffff  }
0x253: {  	v23 =	vld.idx.msk [tilespmem:v23+s3+$0x0], $0xffff  }
0x254: {  	v24 =	vld.idx.msk [tilespmem:v24+s3+$0x0], $0xffff  }
0x255: {  	v25 =	vld.idx.msk [tilespmem:v25+s3+$0x0], $0xffff;
	_ =	sdelay $0x1  }
0x256: {  	v10 =	vadd.f32 v11, v10;
	v11 =	vadd.f32 v13, v12  }
0x257: {  	v12 =	vadd.f32 v15, v14;
	v13 =	vadd.f32 v17, v16  }
0x258: {  	v32 =	vld [tilespmem:$0x1FDD0];
	v14 =	vadd.f32 v19, v18;
	v15 =	vadd.f32 v21, v20  }
0x259: {  	v16 =	vadd.f32 v23, v22;
	v17 =	vadd.f32 v25, v24;
	v18 =	vld [tilespmem:$0x1FDB0]  }
0x25a: {  	v10 =	vadd.f32 v11, v10;
	v19 =	vld [tilespmem:$0x1FDC0];
	v11 =	vadd.f32 v13, v12  }
0x25b: {  	v24 =	vld [tilespmem:$0x1FDE0];
	v12 =	vadd.f32 v15, v14;
	v13 =	vadd.f32 v17, v16  }
0x25c: {  	v14 =	vld.idx.msk [tilespmem:v26+s30+$0x0], $0xffff  }
0x25d: {  	v25 =	vld [tilespmem:$0x1FDF0];
	v10 =	vadd.f32 v11, v10;
	v11 =	vadd.f32 v13, v12  }
0x25e: {  	v15 =	vld [tilespmem:$0x1FD80]  }
0x25f: {  	v16 =	vld [tilespmem:$0x1FD90];
	v10 =	vadd.f32 v11, v10  }
0x260: {  	v17 =	vld [tilespmem:$0x1FDA0]  }
0x261: {  	v12 =	vld [tilespmem:$0x1FD50];
	v11 =	vmul.f32 $1.000000010e-01, v14;
	v10 =	vadd.f32 v10, v61  }
0x262: {  	v13 =	vld [tilespmem:$0x1FD60]  }
0x263: {  	v26 =	vld [tilespmem:$0x1FE00];
	v10 =	vadd.f32 v10, v11  }
0x264: {  	v14 =	vld [tilespmem:$0x1FD70]  }
0x265: {  	v11 =	vld [tilespmem:$0x1FD40];
	[tilespmem:$0x1D340] =	vst v10  }
0x266: {  	v20 =	vld.idx.msk [tilespmem:v32+s3+$0x0], $0xffff  }
0x267: {  	v32 =	vld [tilespmem:$0x1FE10]  }
0x268: {  	v10 =	vld [tilespmem:$0x1FD30]  }
0x269: {  	v12 =	vld.idx.msk [tilespmem:v12+s3+$0x0], $0xffff  }
0x26a: {  	v13 =	vld.idx.msk [tilespmem:v13+s3+$0x0], $0xffff  }
0x26b: {  	v15 =	vld.idx.msk [tilespmem:v15+s3+$0x0], $0xffff  }
0x26c: {  	v16 =	vld.idx.msk [tilespmem:v16+s3+$0x0], $0xffff  }
0x26d: {  	v17 =	vld.idx.msk [tilespmem:v17+s3+$0x0], $0xffff  }
0x26e: {  	v21 =	vld.idx.msk [tilespmem:v24+s3+$0x0], $0xffff  }
0x26f: {  	v24 =	vld.idx.msk [tilespmem:v32+s3+$0x0], $0xffff  }
0x270: {  	v32 =	vld [tilespmem:$0x1FE20]  }
0x271: {  	v18 =	vld.idx.msk [tilespmem:v18+s3+$0x0], $0xffff  }
0x272: {  	v19 =	vld.idx.msk [tilespmem:v19+s3+$0x0], $0xffff  }
0x273: {  	v22 =	vld.idx.msk [tilespmem:v25+s3+$0x0], $0xffff  }
0x274: {  	v23 =	vld.idx.msk [tilespmem:v26+s3+$0x0], $0xffff  }
0x275: {  	v11 =	vld.idx.msk [tilespmem:v11+s3+$0x0], $0xffff  }
0x276: {  	v10 =	vld.idx.msk [tilespmem:v10+s3+$0x0], $0xffff  }
0x277: {  	v14 =	vld.idx.msk [tilespmem:v14+s3+$0x0], $0xffff  }
0x278: {  	v25 =	vld.idx.msk [tilespmem:v32+s3+$0x0], $0xffff  }
0x279: {  	v32 =	vld [tilespmem:$0x490];
	_ =	sdelay $0x1  }
0x27a: {  	v10 =	vadd.f32 v11, v10;
	v11 =	vadd.f32 v13, v12  }
0x27b: {  	v12 =	vadd.f32 v15, v14;
	v13 =	vadd.f32 v17, v16  }
0x27c: {  	v26 =	vld [tilespmem:$0x1FF00];
	v14 =	vadd.f32 v19, v18;
	v15 =	vadd.f32 v21, v20  }
0x27d: {  	v16 =	vadd.f32 v23, v22;
	v18 =	vld [tilespmem:$0x1FEB0];
	v17 =	vadd.f32 v25, v24  }
0x27e: {  	v19 =	vld [tilespmem:$0x1FEC0];
	v10 =	vadd.f32 v11, v10;
	v11 =	vadd.f32 v13, v12  }
0x27f: {  	v12 =	vadd.f32 v15, v14;
	v15 =	vld [tilespmem:$0x1FE80];
	v13 =	vadd.f32 v17, v16  }
0x280: {  	v14 =	vld.idx.msk [tilespmem:v32+s30+$0x0], $0xffff  }
0x281: {  	v10 =	vadd.f32 v11, v10;
	v24 =	vld [tilespmem:$0x1FEE0];
	v11 =	vadd.f32 v13, v12  }
0x282: {  	v32 =	vld [tilespmem:$0x1FED0]  }
0x283: {  	v25 =	vld [tilespmem:$0x1FEF0];
	v10 =	vadd.f32 v11, v10  }
0x284: {  	v16 =	vld [tilespmem:$0x1FE90]  }
0x285: {  	v12 =	vld [tilespmem:$0x1FE50];
	v10 =	vadd.f32 v10, v61;
	v11 =	vmul.f32 $1.000000010e-01, v14  }
0x286: {  	v13 =	vld [tilespmem:$0x1FE60]  }
0x287: {  	v17 =	vld [tilespmem:$0x1FEA0];
	v10 =	vadd.f32 v10, v11  }
0x288: {  	v14 =	vld [tilespmem:$0x1FE70]  }
0x289: {  	v11 =	vld [tilespmem:$0x1FE40];
	[tilespmem:$0x1D350] =	vst v10  }
0x28a: {  	v20 =	vld.idx.msk [tilespmem:v32+s3+$0x0], $0xffff  }
0x28b: {  	v32 =	vld [tilespmem:$0x1FF10]  }
0x28c: {  	v10 =	vld [tilespmem:$0x1FE30]  }
0x28d: {  	v12 =	vld.idx.msk [tilespmem:v12+s3+$0x0], $0xffff  }
0x28e: {  	v13 =	vld.idx.msk [tilespmem:v13+s3+$0x0], $0xffff  }
0x28f: {  	v15 =	vld.idx.msk [tilespmem:v15+s3+$0x0], $0xffff  }
0x290: {  	v16 =	vld.idx.msk [tilespmem:v16+s3+$0x0], $0xffff  }
0x291: {  	v17 =	vld.idx.msk [tilespmem:v17+s3+$0x0], $0xffff  }
0x292: {  	v21 =	vld.idx.msk [tilespmem:v24+s3+$0x0], $0xffff  }
0x293: {  	v24 =	vld.idx.msk [tilespmem:v32+s3+$0x0], $0xffff  }
0x294: {  	v32 =	vld [tilespmem:$0x1FF20]  }
0x295: {  	v18 =	vld.idx.msk [tilespmem:v18+s3+$0x0], $0xffff  }
0x296: {  	v19 =	vld.idx.msk [tilespmem:v19+s3+$0x0], $0xffff  }
0x297: {  	v22 =	vld.idx.msk [tilespmem:v25+s3+$0x0], $0xffff  }
0x298: {  	v23 =	vld.idx.msk [tilespmem:v26+s3+$0x0], $0xffff  }
0x299: {  	v11 =	vld.idx.msk [tilespmem:v11+s3+$0x0], $0xffff  }
0x29a: {  	v10 =	vld.idx.msk [tilespmem:v10+s3+$0x0], $0xffff  }
0x29b: {  	v14 =	vld.idx.msk [tilespmem:v14+s3+$0x0], $0xffff  }
0x29c: {  	v25 =	vld.idx.msk [tilespmem:v32+s3+$0x0], $0xffff  }
0x29d: {  	v32 =	vld [tilespmem:$0x4A0];
	_ =	sdelay $0x1  }
0x29e: {  	v10 =	vadd.f32 v11, v10;
	v11 =	vadd.f32 v13, v12  }
0x29f: {  	v12 =	vadd.f32 v15, v14;
	v13 =	vadd.f32 v17, v16  }
0x2a0: {  	v26 =	vld [tilespmem:$0x1FAA0];
	v14 =	vadd.f32 v19, v18;
	v15 =	vadd.f32 v21, v20  }
0x2a1: {  	v16 =	vadd.f32 v23, v22;
	v18 =	vld [tilespmem:$0x1FFB0];
	v17 =	vadd.f32 v25, v24  }
0x2a2: {  	v19 =	vld [tilespmem:$0x1FFC0];
	v10 =	vadd.f32 v11, v10;
	v11 =	vadd.f32 v13, v12  }
0x2a3: {  	v12 =	vadd.f32 v15, v14;
	v15 =	vld [tilespmem:$0x1FF80];
	v13 =	vadd.f32 v17, v16  }
0x2a4: {  	v14 =	vld.idx.msk [tilespmem:v32+s30+$0x0], $0xffff  }
0x2a5: {  	v10 =	vadd.f32 v11, v10;
	v24 =	vld [tilespmem:$0x1FA80];
	v11 =	vadd.f32 v13, v12  }
0x2a6: {  	v32 =	vld [tilespmem:$0x1FFD0]  }
0x2a7: {  	v25 =	vld [tilespmem:$0x1FA90];
	v10 =	vadd.f32 v11, v10  }
0x2a8: {  	v16 =	vld [tilespmem:$0x1FF90]  }
0x2a9: {  	v12 =	vld [tilespmem:$0x1FF50];
	v10 =	vadd.f32 v10, v61;
	v11 =	vmul.f32 $1.000000010e-01, v14  }
0x2aa: {  	v13 =	vld [tilespmem:$0x1FF60]  }
0x2ab: {  	v17 =	vld [tilespmem:$0x1FFA0];
	v10 =	vadd.f32 v10, v11  }
0x2ac: {  	v14 =	vld [tilespmem:$0x1FF70]  }
0x2ad: {  	v11 =	vld [tilespmem:$0x1FF40];
	[tilespmem:$0x1D360] =	vst v10  }
0x2ae: {  	v20 =	vld.idx.msk [tilespmem:v32+s3+$0x0], $0xffff  }
0x2af: {  	v32 =	vld [tilespmem:$0x1FAB0]  }
0x2b0: {  	v10 =	vld [tilespmem:$0x1FF30]  }
0x2b1: {  	v12 =	vld.idx.msk [tilespmem:v12+s3+$0x0], $0xffff  }
0x2b2: {  	v13 =	vld.idx.msk [tilespmem:v13+s3+$0x0], $0xffff  }
0x2b3: {  	v15 =	vld.idx.msk [tilespmem:v15+s3+$0x0], $0xffff  }
0x2b4: {  	v16 =	vld.idx.msk [tilespmem:v16+s3+$0x0], $0xffff  }
0x2b5: {  	v17 =	vld.idx.msk [tilespmem:v17+s3+$0x0], $0xffff  }
0x2b6: {  	v21 =	vld.idx.msk [tilespmem:v24+s3+$0x0], $0xffff  }
0x2b7: {  	v24 =	vld.idx.msk [tilespmem:v32+s3+$0x0], $0xffff  }
0x2b8: {  	v32 =	vld [tilespmem:$0x1FAC0]  }
0x2b9: {  	v18 =	vld.idx.msk [tilespmem:v18+s3+$0x0], $0xffff  }
0x2ba: {  	v19 =	vld.idx.msk [tilespmem:v19+s3+$0x0], $0xffff  }
0x2bb: {  	v22 =	vld.idx.msk [tilespmem:v25+s3+$0x0], $0xffff  }
0x2bc: {  	v23 =	vld.idx.msk [tilespmem:v26+s3+$0x0], $0xffff  }
0x2bd: {  	v11 =	vld.idx.msk [tilespmem:v11+s3+$0x0], $0xffff  }
0x2be: {  	v10 =	vld.idx.msk [tilespmem:v10+s3+$0x0], $0xffff  }
0x2bf: {  	v14 =	vld.idx.msk [tilespmem:v14+s3+$0x0], $0xffff  }
0x2c0: {  	v25 =	vld.idx.msk [tilespmem:v32+s3+$0x0], $0xffff  }
0x2c1: {  	v32 =	vld [tilespmem:$0x4B0];
	_ =	sdelay $0x1  }
0x2c2: {  	v10 =	vadd.f32 v11, v10;
	v11 =	vadd.f32 v13, v12  }
0x2c3: {  	v12 =	vadd.f32 v15, v14;
	v13 =	vadd.f32 v17, v16  }
0x2c4: {  	v26 =	vld [tilespmem:$0x1FBA0];
	v14 =	vadd.f32 v19, v18;
	v15 =	vadd.f32 v21, v20  }
0x2c5: {  	v16 =	vadd.f32 v23, v22;
	v18 =	vld [tilespmem:$0x1FB50];
	v17 =	vadd.f32 v25, v24  }
0x2c6: {  	v19 =	vld [tilespmem:$0x1FB60];
	v10 =	vadd.f32 v11, v10;
	v11 =	vadd.f32 v13, v12  }
0x2c7: {  	v12 =	vadd.f32 v15, v14;
	v15 =	vld [tilespmem:$0x1FB20];
	v13 =	vadd.f32 v17, v16  }
0x2c8: {  	v14 =	vld.idx.msk [tilespmem:v32+s30+$0x0], $0xffff  }
0x2c9: {  	v10 =	vadd.f32 v11, v10;
	v24 =	vld [tilespmem:$0x1FB80];
	v11 =	vadd.f32 v13, v12  }
0x2ca: {  	v32 =	vld [tilespmem:$0x1FB70]  }
0x2cb: {  	v25 =	vld [tilespmem:$0x1FB90];
	v10 =	vadd.f32 v11, v10  }
0x2cc: {  	v16 =	vld [tilespmem:$0x1FB30]  }
0x2cd: {  	v12 =	vld [tilespmem:$0x1FAF0];
	v10 =	vadd.f32 v10, v61;
	v11 =	vmul.f32 $1.000000010e-01, v14  }
0x2ce: {  	v13 =	vld [tilespmem:$0x1FB00]  }
0x2cf: {  	v17 =	vld [tilespmem:$0x1FB40];
	v10 =	vadd.f32 v10, v11  }
0x2d0: {  	v14 =	vld [tilespmem:$0x1FB10]  }
0x2d1: {  	v11 =	vld [tilespmem:$0x1FAE0];
	[tilespmem:$0x1D370] =	vst v10  }
0x2d2: {  	v20 =	vld.idx.msk [tilespmem:v32+s3+$0x0], $0xffff  }
0x2d3: {  	v32 =	vld [tilespmem:$0x1FBB0]  }
0x2d4: {  	v10 =	vld [tilespmem:$0x1FAD0]  }
0x2d5: {  	v12 =	vld.idx.msk [tilespmem:v12+s3+$0x0], $0xffff  }
0x2d6: {  	v13 =	vld.idx.msk [tilespmem:v13+s3+$0x0], $0xffff  }
0x2d7: {  	v15 =	vld.idx.msk [tilespmem:v15+s3+$0x0], $0xffff  }
0x2d8: {  	v16 =	vld.idx.msk [tilespmem:v16+s3+$0x0], $0xffff  }
0x2d9: {  	v17 =	vld.idx.msk [tilespmem:v17+s3+$0x0], $0xffff  }
0x2da: {  	v21 =	vld.idx.msk [tilespmem:v24+s3+$0x0], $0xffff  }
0x2db: {  	v24 =	vld.idx.msk [tilespmem:v32+s3+$0x0], $0xffff  }
0x2dc: {  	v32 =	vld [tilespmem:$0x1FBC0]  }
0x2dd: {  	v18 =	vld.idx.msk [tilespmem:v18+s3+$0x0], $0xffff  }
0x2de: {  	v19 =	vld.idx.msk [tilespmem:v19+s3+$0x0], $0xffff  }
0x2df: {  	v22 =	vld.idx.msk [tilespmem:v25+s3+$0x0], $0xffff  }
0x2e0: {  	v23 =	vld.idx.msk [tilespmem:v26+s3+$0x0], $0xffff  }
0x2e1: {  	v11 =	vld.idx.msk [tilespmem:v11+s3+$0x0], $0xffff  }
0x2e2: {  	v10 =	vld.idx.msk [tilespmem:v10+s3+$0x0], $0xffff  }
0x2e3: {  	v14 =	vld.idx.msk [tilespmem:v14+s3+$0x0], $0xffff  }
0x2e4: {  	v25 =	vld.idx.msk [tilespmem:v32+s3+$0x0], $0xffff  }
0x2e5: {  	v32 =	vld [tilespmem:$0x4C0];
	_ =	sdelay $0x1  }
0x2e6: {  	v10 =	vadd.f32 v11, v10;
	v11 =	vadd.f32 v13, v12  }
0x2e7: {  	v12 =	vadd.f32 v15, v14;
	v13 =	vadd.f32 v17, v16  }
0x2e8: {  	v14 =	vadd.f32 v19, v18;
	v15 =	vadd.f32 v21, v20  }
0x2e9: {  	v26 =	vld [tilespmem:$0x1FC70];
	v16 =	vadd.f32 v23, v22;
	v17 =	vadd.f32 v25, v24  }
0x2ea: {  	v18 =	vld [tilespmem:$0x1FC50];
	v10 =	vadd.f32 v11, v10;
	v11 =	vadd.f32 v13, v12  }
0x2eb: {  	v19 =	vld [tilespmem:$0x1FC60];
	v12 =	vadd.f32 v15, v14;
	v13 =	vadd.f32 v17, v16  }
0x2ec: {  	v14 =	vld.idx.msk [tilespmem:v32+s30+$0x0], $0xffff  }
0x2ed: {  	v15 =	vld [tilespmem:$0x1FC20];
	v10 =	vadd.f32 v11, v10;
	v11 =	vadd.f32 v13, v12  }
0x2ee: {  	v12 =	vld [tilespmem:$0x1FBF0]  }
0x2ef: {  	v13 =	vld [tilespmem:$0x1FC00];
	v10 =	vadd.f32 v11, v10  }
0x2f0: {  	v16 =	vld [tilespmem:$0x1FC30]  }
0x2f1: {  	v17 =	vld [tilespmem:$0x1FC40];
	v10 =	vadd.f32 v10, v61;
	v11 =	vmul.f32 $1.000000010e-01, v14  }
0x2f2: {  	v32 =	vld [tilespmem:$0x4D0]  }
0x2f3: {  	v14 =	vld [tilespmem:$0x1FC10];
	v10 =	vadd.f32 v10, v11  }
0x2f4: {  	v11 =	vld [tilespmem:$0x1FBE0]  }
0x2f5: {  	[tilespmem:$0x1D380] =	vst v10;
	v10 =	vld [tilespmem:$0x1FBD0]  }
0x2f6: {  	v12 =	vld.idx.msk [tilespmem:v12+s3+$0x0], $0xffff  }
0x2f7: {  	v13 =	vld.idx.msk [tilespmem:v13+s3+$0x0], $0xffff  }
0x2f8: {  	v15 =	vld.idx.msk [tilespmem:v15+s3+$0x0], $0xffff  }
0x2f9: {  	v16 =	vld.idx.msk [tilespmem:v16+s3+$0x0], $0xffff  }
0x2fa: {  	v17 =	vld.idx.msk [tilespmem:v17+s3+$0x0], $0xffff  }
0x2fb: {  	v18 =	vld.idx.msk [tilespmem:v18+s3+$0x0], $0xffff  }
0x2fc: {  	v19 =	vld.idx.msk [tilespmem:v19+s3+$0x0], $0xffff  }
0x2fd: {  	v20 =	vld.idx.msk [tilespmem:v26+s3+$0x0], $0xffff  }
0x2fe: {  	v21 =	vld.idx.msk [tilespmem:v33+s3+$0x0], $0xffff  }
0x2ff: {  	v22 =	vld.idx.msk [tilespmem:v34+s3+$0x0], $0xffff  }
0x300: {  	v23 =	vld.idx.msk [tilespmem:v35+s3+$0x0], $0xffff  }
0x301: {  	v11 =	vld.idx.msk [tilespmem:v11+s3+$0x0], $0xffff  }
0x302: {  	v10 =	vld.idx.msk [tilespmem:v10+s3+$0x0], $0xffff  }
0x303: {  	v14 =	vld.idx.msk [tilespmem:v14+s3+$0x0], $0xffff  }
0x304: {  	v24 =	vld.idx.msk [tilespmem:v36+s3+$0x0], $0xffff  }
0x305: {  	v25 =	vld.idx.msk [tilespmem:v37+s3+$0x0], $0xffff;
	_ =	sdelay $0x1  }
0x306: {  	v10 =	vadd.f32 v11, v10;
	v11 =	vadd.f32 v13, v12  }
0x307: {  	v12 =	vadd.f32 v15, v14;
	v13 =	vadd.f32 v17, v16  }
0x308: {  	v14 =	vadd.f32 v19, v18;
	v15 =	vadd.f32 v21, v20  }
0x309: {  	v16 =	vadd.f32 v23, v22;
	v17 =	vadd.f32 v25, v24  }
0x30a: {  	v10 =	vadd.f32 v11, v10;
	v11 =	vadd.f32 v13, v12  }
0x30b: {  	v12 =	vadd.f32 v15, v14;
	v13 =	vadd.f32 v17, v16  }
0x30c: {  	v14 =	vld.idx.msk [tilespmem:v32+s30+$0x0], $0xffff  }
0x30d: {  	v10 =	vadd.f32 v11, v10;
	v11 =	vadd.f32 v13, v12;
	_ =	sdelay $0x1  }
0x30e: {  	v10 =	vadd.f32 v11, v10;
	_ =	sdelay $0x1  }
0x30f: {  	v11 =	vmul.f32 $1.000000010e-01, v14;
	v10 =	vadd.f32 v10, v61;
	_ =	sdelay $0x1  }
0x310: {  	v10 =	vadd.f32 v10, v11;
	_ =	sdelay $0x1  }
0x311: {  	v32 =	vld [tilespmem:$0x4E0];
	[tilespmem:$0x1D390] =	vst v10  }
0x312: {  	v10 =	vld.idx.msk [tilespmem:v38+s3+$0x0], $0xffff  }
0x313: {  	v11 =	vld.idx.msk [tilespmem:v39+s3+$0x0], $0xffff  }
0x314: {  	v12 =	vld.idx.msk [tilespmem:v40+s3+$0x0], $0xffff  }
0x315: {  	v13 =	vld.idx.msk [tilespmem:v41+s3+$0x0], $0xffff  }
0x316: {  	v14 =	vld.idx.msk [tilespmem:v42+s3+$0x0], $0xffff  }
0x317: {  	v15 =	vld.idx.msk [tilespmem:v43+s3+$0x0], $0xffff  }
0x318: {  	v16 =	vld.idx.msk [tilespmem:v44+s3+$0x0], $0xffff  }
0x319: {  	v17 =	vld.idx.msk [tilespmem:v45+s3+$0x0], $0xffff  }
0x31a: {  	v18 =	vld.idx.msk [tilespmem:v46+s3+$0x0], $0xffff  }
0x31b: {  	v19 =	vld.idx.msk [tilespmem:v47+s3+$0x0], $0xffff  }
0x31c: {  	v20 =	vld.idx.msk [tilespmem:v48+s3+$0x0], $0xffff  }
0x31d: {  	v21 =	vld.idx.msk [tilespmem:v49+s3+$0x0], $0xffff  }
0x31e: {  	v22 =	vld.idx.msk [tilespmem:v50+s3+$0x0], $0xffff  }
0x31f: {  	v23 =	vld.idx.msk [tilespmem:v51+s3+$0x0], $0xffff  }
0x320: {  	v24 =	vld.idx.msk [tilespmem:v52+s3+$0x0], $0xffff  }
0x321: {  	v25 =	vld.idx.msk [tilespmem:v53+s3+$0x0], $0xffff;
	_ =	sdelay $0x1  }
0x322: {  	v10 =	vadd.f32 v11, v10;
	v11 =	vadd.f32 v13, v12  }
0x323: {  	v12 =	vadd.f32 v15, v14;
	v13 =	vadd.f32 v17, v16  }
0x324: {  	v14 =	vadd.f32 v19, v18;
	v15 =	vadd.f32 v21, v20  }
0x325: {  	v16 =	vadd.f32 v23, v22;
	v17 =	vadd.f32 v25, v24  }
0x326: {  	v10 =	vadd.f32 v11, v10;
	v11 =	vadd.f32 v13, v12  }
0x327: {  	v12 =	vadd.f32 v15, v14;
	v13 =	vadd.f32 v17, v16  }
0x328: {  	v14 =	vld.idx.msk [tilespmem:v32+s30+$0x0], $0xffff  }
0x329: {  	v10 =	vadd.f32 v11, v10;
	v11 =	vadd.f32 v13, v12;
	_ =	sdelay $0x1  }
0x32a: {  	v10 =	vadd.f32 v11, v10;
	_ =	sdelay $0x1  }
0x32b: {  	v11 =	vmul.f32 $1.000000010e-01, v14;
	v10 =	vadd.f32 v10, v61;
	_ =	sdelay $0x1  }
0x32c: {  	v10 =	vadd.f32 v10, v11;
	_ =	sdelay $0x1  }
0x32d: {  	v32 =	vld [tilespmem:$0x4F0];
	[tilespmem:$0x1D3A0] =	vst v10  }
0x32e: {  	v10 =	vld.idx.msk [tilespmem:v54+s3+$0x0], $0xffff  }
0x32f: {  	v11 =	vld.idx.msk [tilespmem:v55+s3+$0x0], $0xffff  }
0x330: {  	v12 =	vld.idx.msk [tilespmem:v56+s3+$0x0], $0xffff  }
0x331: {  	v13 =	vld.idx.msk [tilespmem:v57+s3+$0x0], $0xffff  }
0x332: {  	v14 =	vld.idx.msk [tilespmem:v58+s3+$0x0], $0xffff  }
0x333: {  	v15 =	vld.idx.msk [tilespmem:v59+s3+$0x0], $0xffff  }
0x334: {  	v16 =	vld.idx.msk [tilespmem:v60+s3+$0x0], $0xffff  }
0x335: {  	v17 =	vld.idx.msk [tilespmem:v62+s3+$0x0], $0xffff  }
0x336: {  	v18 =	vld.idx.msk [tilespmem:v63+s3+$0x0], $0xffff  }
0x337: {  	v19 =	vld.idx.msk [tilespmem:v3+s3+$0x0], $0xffff  }
0x338: {  	v20 =	vld.idx.msk [tilespmem:v4+s3+$0x0], $0xffff  }
0x339: {  	v21 =	vld.idx.msk [tilespmem:v5+s3+$0x0], $0xffff  }
0x33a: {  	v22 =	vld.idx.msk [tilespmem:v6+s3+$0x0], $0xffff  }
0x33b: {  	v23 =	vld.idx.msk [tilespmem:v7+s3+$0x0], $0xffff  }
0x33c: {  	v24 =	vld.idx.msk [tilespmem:v8+s3+$0x0], $0xffff  }
0x33d: {  	v25 =	vld.idx.msk [tilespmem:v9+s3+$0x0], $0xffff;
	_ =	sdelay $0x1  }
0x33e: {  	v10 =	vadd.f32 v11, v10;
	v11 =	vadd.f32 v13, v12  }
0x33f: {  	v12 =	vadd.f32 v15, v14;
	v13 =	vadd.f32 v17, v16  }
0x340: {  	v14 =	vadd.f32 v19, v18;
	v15 =	vadd.f32 v21, v20  }
0x341: {  	v16 =	vadd.f32 v23, v22;
	v17 =	vadd.f32 v25, v24  }
0x342: {  	v10 =	vadd.f32 v11, v10;
	v11 =	vadd.f32 v13, v12  }
0x343: {  	v12 =	vadd.f32 v15, v14;
	v13 =	vadd.f32 v17, v16  }
0x344: {  	v14 =	vld.idx.msk [tilespmem:v32+s30+$0x0], $0xffff  }
0x345: {  	v10 =	vadd.f32 v11, v10;
	v11 =	vadd.f32 v13, v12;
	_ =	sdelay $0x1  }
0x346: {  	v10 =	vadd.f32 v11, v10;
	_ =	sdelay $0x1  }
0x347: {  	v11 =	vmul.f32 $1.000000010e-01, v14;
	v10 =	vadd.f32 v10, v61;
	_ =	sdelay $0x1  }
0x348: {  	v10 =	vadd.f32 v10, v11;
	_ =	sdelay $0x1  }
0x349: {  	[tilespmem:$0x1D3B0] =	vst v10  }
0x34a: {  	_ =	swait.ge [sflag:s20], $0x4000  }
0x34b: {  	[sflag:s20] =	ssyncset.done $0x0  }
0x34c: {  	[sflag:s20] =	ssyncadd.s32 $0xFFFFC000  }
0x34d: {  	_ =	swait.ge [sflag:s20], $0x4000  }
0x34e: {  	[sflag:s20] =	ssyncset.done $0x0  }
0x34f: {  	s23 =	simm.s32 $0x0;
	[sflag:s20] =	ssyncadd.s32 $0xFFFFC000  }
0x350: {  	v10 =	vld [tilespmem:s23+$0x8680]  }
0x351: {  	v11 =	vld [tilespmem:s23+$0x14680]  }
0x352: {  	v12 =	vld [tilespmem:s23+$0x8690]  }
0x353: {  	v13 =	vld [tilespmem:s23+$0x14690]  }
0x354: {  	v14 =	vld [tilespmem:s23+$0x86A0]  }
0x355: {  	v15 =	vld [tilespmem:s23+$0x146A0]  }
0x356: {  	v16 =	vld [tilespmem:s23+$0x86B0]  }
0x357: {  	v17 =	vld [tilespmem:s23+$0x146B0]  }
0x358: {  	v18 =	vld [tilespmem:s23+$0x86C0]  }
0x359: {  	v19 =	vld [tilespmem:s23+$0x146C0]  }
0x35a: {  	v20 =	vld [tilespmem:s23+$0x86D0]  }
0x35b: {  	v21 =	vld [tilespmem:s23+$0x146D0]  }
0x35c: {  	v22 =	vld [tilespmem:s23+$0x86E0]  }
0x35d: {  	v23 =	vld [tilespmem:s23+$0x146E0]  }
0x35e: {  	v24 =	vld [tilespmem:s23+$0x86F0]  }
0x35f: {  	v25 =	vld [tilespmem:s23+$0x146F0]  }
0x360: {  	v32 =	vld [tilespmem:s23+$0x8600]  }
0x361: {  	v27 =	vld [tilespmem:s23+$0x14600]  }
0x362: {  	v28 =	vld [tilespmem:s23+$0x8610]  }
0x363: {  	v10 =	vmul.f32 v11, v10;
	v11 =	vmul.f32 v13, v12;
	v12 =	vld [tilespmem:s23+$0x14610]  }
0x364: {  	v13 =	vmul.f32 v15, v14;
	v14 =	vmul.f32 v17, v16;
	v15 =	vld [tilespmem:s23+$0x8620]  }
0x365: {  	v16 =	vmul.f32 v19, v18;
	v17 =	vmul.f32 v21, v20;
	v18 =	vld [tilespmem:s23+$0x14620]  }
0x366: {  	v19 =	vmul.f32 v23, v22;
	v24 =	vmul.f32 v25, v24;
	v25 =	vld [tilespmem:s23+$0x8630]  }
0x367: {  	v10 =	vadd.f32 v11, v10;
	v11 =	vadd.f32 v14, v13;
	v13 =	vld [tilespmem:s23+$0x14630]  }
0x368: {  	v14 =	vadd.f32 v17, v16;
	v16 =	vadd.f32 v24, v19;
	v17 =	vld [tilespmem:s23+$0x8640]  }
0x369: {  	v19 =	vld [tilespmem:s23+$0x14640]  }
0x36a: {  	v11 =	vadd.f32 v11, v10;
	v14 =	vadd.f32 v16, v14;
	v10 =	vld [tilespmem:s23+$0x8650]  }
0x36b: {  	v16 =	vmul.f32 v27, v32;
	v32 =	vmul.f32 v12, v28;
	v12 =	vld [tilespmem:s23+$0x14650]  }
0x36c: {  	v18 =	vmul.f32 v18, v15;
	v15 =	vadd.f32 v14, v11;
	v14 =	vld [tilespmem:s23+$0x14660];
	v21 =	vmul.f32 v13, v25  }
0x36d: {  	v13 =	vld [tilespmem:s23+$0x8660]  }
0x36e: {  	s4 =	simm.s32 $0x0;
	s24 =	simm.s32 $0x400;
	v11 =	vadd.f32 v32, v16;
	v16 =	vld [tilespmem:s23+$0x8670];
	[tilespmem:s23+$0x18680] =	vst v15;
	v15 =	vmul.f32 v19, v17;
	v17 =	vadd.f32 v21, v18  }
.LBB2_10:
0x36f: {  	s25 =	sshra.s32 s24, $0x2;
	v18 =	vld [tilespmem:s23+$0x14670]  }
0x370: {  	v19 =	vld [tilespmem:s25+$0x8680];
	v10 =	vmul.f32 v12, v10;
	v11 =	vadd.f32 v17, v11  }
0x371: {  	v12 =	vld [tilespmem:s25+$0x14680]  }
0x372: {  	v17 =	vld [tilespmem:s25+$0x8690];
	v13 =	vmul.f32 v14, v13;
	v10 =	vadd.f32 v10, v15  }
0x373: {  	v14 =	vld [tilespmem:s25+$0x14690]  }
0x374: {  	v15 =	vld [tilespmem:s25+$0x86A0];
	v16 =	vmul.f32 v18, v16  }
0x375: {  	v18 =	vld [tilespmem:s25+$0x146A0]  }
0x376: {  	v20 =	vld [tilespmem:s25+$0x86B0];
	v13 =	vadd.f32 v16, v13  }
0x377: {  	v16 =	vld [tilespmem:s25+$0x146B0]  }
0x378: {  	v21 =	vld [tilespmem:s25+$0x86C0];
	v10 =	vadd.f32 v13, v10  }
0x379: {  	v13 =	vld [tilespmem:s25+$0x146C0]  }
0x37a: {  	v22 =	vld [tilespmem:s25+$0x86D0];
	v10 =	vadd.f32 v10, v11  }
0x37b: {  	v11 =	vld [tilespmem:s25+$0x146D0]  }
0x37c: {  	v23 =	vld [tilespmem:s25+$0x86E0];
	[tilespmem:s23+$0x18600] =	vst v10;
	s23 =	smov.u32 s25  }
0x37d: {  	v10 =	vld [tilespmem:s23+$0x146E0]  }
0x37e: {  	s4 =	sadd.s32 $0x2, s4;
	v24 =	vld [tilespmem:s23+$0x86F0]  }
0x37f: {  	p0 =	slt.u32 s4, $0x7E;
	v25 =	vld [tilespmem:s23+$0x146F0]  }
0x380: {  	v26 =	vld [tilespmem:s23+$0x8600]  }
0x381: {  	v12 =	vmul.f32 v12, v19;
	v14 =	vmul.f32 v14, v17;
	v27 =	vld [tilespmem:s23+$0x14600]  }
0x382: {  	v15 =	vmul.f32 v18, v15;
	v16 =	vmul.f32 v16, v20;
	v17 =	vld [tilespmem:s23+$0x8610]  }
0x383: {  	v13 =	vmul.f32 v13, v21;
	v11 =	vmul.f32 v11, v22;
	v18 =	vld [tilespmem:s23+$0x14610]  }
0x384: {  	v10 =	vmul.f32 v10, v23;
	v19 =	vld [tilespmem:s23+$0x8620];
	v20 =	vmul.f32 v25, v24  }
0x385: {  	v12 =	vadd.f32 v14, v12;
	v14 =	vadd.f32 v16, v15;
	v21 =	vld [tilespmem:s23+$0x14620]  }
0x386: {  	v11 =	vadd.f32 v11, v13;
	v15 =	vmul.f32 v27, v26;
	v16 =	vld [tilespmem:s23+$0x8630];
	v10 =	vadd.f32 v20, v10  }
0x387: {  	v13 =	vld [tilespmem:s23+$0x14630]  }
0x388: {  	v12 =	vadd.f32 v14, v12;
	v17 =	vmul.f32 v18, v17;
	v18 =	vld [tilespmem:s23+$0x8640];
	v14 =	vadd.f32 v10, v11  }
0x389: {  	v20 =	vld [tilespmem:s23+$0x14640]  }
.Ltmp4:
0x38a: {  	v19 =	vmul.f32 v21, v19;
	v10 =	vld [tilespmem:s23+$0x8650];
	v11 =	vadd.f32 v17, v15;
	v14 =	vadd.f32 v14, v12;
	(pc) =	sbr.rel @p0 .LBB2_10-.Ltmp4, $4  }
0x38b: {  	v12 =	vld [tilespmem:s23+$0x14650]  }
0x38c: {  	v17 =	vmul.f32 v13, v16;
	v13 =	vld [tilespmem:s23+$0x8660];
	[tilespmem:s23+$0x18680] =	vst v14  }
0x38d: {  	v14 =	vld [tilespmem:s23+$0x14660]  }
0x38e: {  	s24 =	sadd.s32 $0x400, s24;
	v15 =	vmul.f32 v20, v18;
	v16 =	vld [tilespmem:s23+$0x8670];
	v17 =	vadd.f32 v17, v19  }
0x38f: {  	v18 =	vld [tilespmem:s23+$0x14670];
	_ =	sdelay $0x3  }
0x390: {  	v10 =	vmul.f32 v12, v10  }
0x391: {  	v12 =	vmul.f32 v14, v13;
	v13 =	vmul.f32 v18, v16;
	_ =	sdelay $0x1  }
0x392: {  	v10 =	vadd.f32 v10, v15;
	v12 =	vadd.f32 v13, v12;
	_ =	sdelay $0x1  }
0x393: {  	v11 =	vadd.f32 v17, v11;
	v10 =	vadd.f32 v12, v10;
	_ =	sdelay $0x1  }
0x394: {  	v10 =	vadd.f32 v10, v11;
	_ =	sdelay $0x1  }
0x395: {  	[tilespmem:s23+$0x18600] =	vst v10  }
0x396: {  	v10 =	vld.idx.msk [tilespmem:v0+s3+$0x0], $0xffff  }
0x397: {  	v11 =	vld.idx.msk [tilespmem:v29+s3+$0x0], $0xffff  }
0x398: {  	v12 =	vld.idx.msk [tilespmem:v30+s3+$0x0], $0xffff  }
0x399: {  	v13 =	vld [tilespmem:$0x1FFE0]  }
0x39a: {  	v14 =	vld [tilespmem:$0x1FFF0]  }
0x39b: {  	v15 =	vld [tilespmem:$0x1FC80]  }
0x39c: {  	v16 =	vld [tilespmem:$0x1FC90]  }
0x39d: {  	v17 =	vld [tilespmem:$0x1FCA0]  }
0x39e: {  	v18 =	vld [tilespmem:$0x1FCB0]  }
0x39f: {  	v19 =	vld [tilespmem:$0x1FCC0]  }
0x3a0: {  	v20 =	vld [tilespmem:$0x1FCD0]  }
0x3a1: {  	v21 =	vld [tilespmem:$0x1FCE0]  }
0x3a2: {  	v22 =	vld [tilespmem:$0x1FCF0]  }
0x3a3: {  	v23 =	vld [tilespmem:$0x1FD00]  }
0x3a4: {  	v24 =	vld [tilespmem:$0x1FD10]  }
0x3a5: {  	v25 =	vld [tilespmem:$0x1FD20]  }
0x3a6: {  	v26 =	vld [tilespmem:$0x500]  }
0x3a7: {  	v13 =	vld.idx.msk [tilespmem:v13+s3+$0x0], $0xffff  }
0x3a8: {  	v14 =	vld.idx.msk [tilespmem:v14+s3+$0x0], $0xffff  }
0x3a9: {  	v15 =	vld.idx.msk [tilespmem:v15+s3+$0x0], $0xffff  }
0x3aa: {  	v16 =	vld.idx.msk [tilespmem:v16+s3+$0x0], $0xffff  }
0x3ab: {  	v17 =	vld.idx.msk [tilespmem:v17+s3+$0x0], $0xffff  }
0x3ac: {  	v18 =	vld.idx.msk [tilespmem:v18+s3+$0x0], $0xffff  }
0x3ad: {  	v19 =	vld.idx.msk [tilespmem:v19+s3+$0x0], $0xffff  }
0x3ae: {  	v20 =	vld.idx.msk [tilespmem:v20+s3+$0x0], $0xffff  }
0x3af: {  	v21 =	vld.idx.msk [tilespmem:v21+s3+$0x0], $0xffff  }
0x3b0: {  	v22 =	vld.idx.msk [tilespmem:v22+s3+$0x0], $0xffff  }
0x3b1: {  	v23 =	vld.idx.msk [tilespmem:v23+s3+$0x0], $0xffff  }
0x3b2: {  	v24 =	vld.idx.msk [tilespmem:v24+s3+$0x0], $0xffff  }
0x3b3: {  	v25 =	vld.idx.msk [tilespmem:v25+s3+$0x0], $0xffff;
	_ =	sdelay $0x1  }
0x3b4: {  	v10 =	vadd.f32 v11, v10;
	v11 =	vadd.f32 v13, v12  }
0x3b5: {  	v12 =	vadd.f32 v15, v14;
	v14 =	vadd.f32 v19, v18;
	v18 =	vld [tilespmem:$0x1FDB0]  }
0x3b6: {  	v13 =	vadd.f32 v17, v16;
	v15 =	vadd.f32 v21, v20;
	v19 =	vld [tilespmem:$0x1FDC0]  }
0x3b7: {  	v16 =	vadd.f32 v23, v22;
	v17 =	vadd.f32 v25, v24;
	v20 =	vld [tilespmem:$0x1FDD0]  }
0x3b8: {  	v24 =	vld [tilespmem:$0x1FDE0];
	v10 =	vadd.f32 v11, v10;
	v11 =	vadd.f32 v13, v12  }
0x3b9: {  	v25 =	vld [tilespmem:$0x1FDF0];
	v12 =	vadd.f32 v15, v14;
	v13 =	vadd.f32 v17, v16  }
0x3ba: {  	v14 =	vld.idx.msk [tilespmem:v26+s30+$0x0], $0xffff  }
0x3bb: {  	v15 =	vld [tilespmem:$0x1FD80];
	v10 =	vadd.f32 v11, v10;
	v11 =	vadd.f32 v13, v12  }
0x3bc: {  	v12 =	vld [tilespmem:$0x1FD50]  }
0x3bd: {  	v13 =	vld [tilespmem:$0x1FD60];
	v10 =	vadd.f32 v11, v10  }
0x3be: {  	v16 =	vld [tilespmem:$0x1FD90]  }
0x3bf: {  	v17 =	vld [tilespmem:$0x1FDA0];
	v11 =	vmul.f32 $1.000000010e-01, v14;
	v10 =	vadd.f32 v10, v61  }
0x3c0: {  	v26 =	vld [tilespmem:$0x1FE00]  }
0x3c1: {  	v14 =	vld [tilespmem:$0x1FD70];
	v10 =	vadd.f32 v10, v11  }
0x3c2: {  	v11 =	vld [tilespmem:$0x1FD40]  }
0x3c3: {  	[tilespmem:$0x1D3C0] =	vst v10;
	v10 =	vld [tilespmem:$0x1FD30]  }
0x3c4: {  	v12 =	vld.idx.msk [tilespmem:v12+s3+$0x0], $0xffff  }
0x3c5: {  	v13 =	vld.idx.msk [tilespmem:v13+s3+$0x0], $0xffff  }
0x3c6: {  	v15 =	vld.idx.msk [tilespmem:v15+s3+$0x0], $0xffff  }
0x3c7: {  	v16 =	vld.idx.msk [tilespmem:v16+s3+$0x0], $0xffff  }
0x3c8: {  	v17 =	vld.idx.msk [tilespmem:v17+s3+$0x0], $0xffff  }
0x3c9: {  	v18 =	vld.idx.msk [tilespmem:v18+s3+$0x0], $0xffff  }
0x3ca: {  	v19 =	vld.idx.msk [tilespmem:v19+s3+$0x0], $0xffff  }
0x3cb: {  	v21 =	vld.idx.msk [tilespmem:v24+s3+$0x0], $0xffff  }
0x3cc: {  	v22 =	vld.idx.msk [tilespmem:v25+s3+$0x0], $0xffff  }
0x3cd: {  	v24 =	vld [tilespmem:$0x1FE10]  }
0x3ce: {  	v25 =	vld [tilespmem:$0x1FE20]  }
0x3cf: {  	v20 =	vld.idx.msk [tilespmem:v20+s3+$0x0], $0xffff  }
0x3d0: {  	v23 =	vld.idx.msk [tilespmem:v26+s3+$0x0], $0xffff  }
0x3d1: {  	v26 =	vld [tilespmem:$0x510]  }
0x3d2: {  	v11 =	vld.idx.msk [tilespmem:v11+s3+$0x0], $0xffff  }
0x3d3: {  	v10 =	vld.idx.msk [tilespmem:v10+s3+$0x0], $0xffff  }
0x3d4: {  	v14 =	vld.idx.msk [tilespmem:v14+s3+$0x0], $0xffff  }
0x3d5: {  	v24 =	vld.idx.msk [tilespmem:v24+s3+$0x0], $0xffff  }
0x3d6: {  	v25 =	vld.idx.msk [tilespmem:v25+s3+$0x0], $0xffff;
	_ =	sdelay $0x1  }
0x3d7: {  	v27 =	vld [tilespmem:$0x1FEE0];
	v10 =	vadd.f32 v11, v10;
	v11 =	vadd.f32 v13, v12  }
0x3d8: {  	v12 =	vadd.f32 v15, v14;
	v14 =	vadd.f32 v19, v18;
	v18 =	vld [tilespmem:$0x1FEB0]  }
0x3d9: {  	v13 =	vadd.f32 v17, v16;
	v15 =	vadd.f32 v21, v20;
	v19 =	vld [tilespmem:$0x1FEC0]  }
0x3da: {  	v16 =	vadd.f32 v23, v22;
	v20 =	vld [tilespmem:$0x1FED0];
	v17 =	vadd.f32 v25, v24  }
0x3db: {  	v24 =	vld [tilespmem:$0x1FEF0];
	v10 =	vadd.f32 v11, v10;
	v11 =	vadd.f32 v13, v12  }
0x3dc: {  	v25 =	vld [tilespmem:$0x1FF00];
	v12 =	vadd.f32 v15, v14;
	v13 =	vadd.f32 v17, v16  }
0x3dd: {  	v14 =	vld.idx.msk [tilespmem:v26+s30+$0x0], $0xffff  }
0x3de: {  	v15 =	vld [tilespmem:$0x1FE80];
	v10 =	vadd.f32 v11, v10;
	v11 =	vadd.f32 v13, v12  }
0x3df: {  	v12 =	vld [tilespmem:$0x1FE50]  }
0x3e0: {  	v13 =	vld [tilespmem:$0x1FE60];
	v10 =	vadd.f32 v11, v10  }
0x3e1: {  	v26 =	vld [tilespmem:$0x520]  }
0x3e2: {  	v16 =	vld [tilespmem:$0x1FE90];
	v11 =	vmul.f32 $1.000000010e-01, v14;
	v10 =	vadd.f32 v10, v61  }
0x3e3: {  	v17 =	vld [tilespmem:$0x1FEA0]  }
0x3e4: {  	v14 =	vld [tilespmem:$0x1FE70];
	v10 =	vadd.f32 v10, v11  }
0x3e5: {  	v11 =	vld [tilespmem:$0x1FE40]  }
0x3e6: {  	[tilespmem:$0x1D3D0] =	vst v10;
	v10 =	vld [tilespmem:$0x1FE30]  }
0x3e7: {  	v12 =	vld.idx.msk [tilespmem:v12+s3+$0x0], $0xffff  }
0x3e8: {  	v13 =	vld.idx.msk [tilespmem:v13+s3+$0x0], $0xffff  }
0x3e9: {  	v15 =	vld.idx.msk [tilespmem:v15+s3+$0x0], $0xffff  }
0x3ea: {  	v16 =	vld.idx.msk [tilespmem:v16+s3+$0x0], $0xffff  }
0x3eb: {  	v17 =	vld.idx.msk [tilespmem:v17+s3+$0x0], $0xffff  }
0x3ec: {  	v18 =	vld.idx.msk [tilespmem:v18+s3+$0x0], $0xffff  }
0x3ed: {  	v22 =	vld.idx.msk [tilespmem:v24+s3+$0x0], $0xffff  }
0x3ee: {  	v23 =	vld.idx.msk [tilespmem:v25+s3+$0x0], $0xffff  }
0x3ef: {  	v24 =	vld [tilespmem:$0x1FF10]  }
0x3f0: {  	v25 =	vld [tilespmem:$0x1FF20]  }
0x3f1: {  	v19 =	vld.idx.msk [tilespmem:v19+s3+$0x0], $0xffff  }
0x3f2: {  	v20 =	vld.idx.msk [tilespmem:v20+s3+$0x0], $0xffff  }
0x3f3: {  	v21 =	vld.idx.msk [tilespmem:v27+s3+$0x0], $0xffff  }
0x3f4: {  	v11 =	vld.idx.msk [tilespmem:v11+s3+$0x0], $0xffff  }
0x3f5: {  	v10 =	vld.idx.msk [tilespmem:v10+s3+$0x0], $0xffff  }
0x3f6: {  	v14 =	vld.idx.msk [tilespmem:v14+s3+$0x0], $0xffff  }
0x3f7: {  	v24 =	vld.idx.msk [tilespmem:v24+s3+$0x0], $0xffff  }
0x3f8: {  	v25 =	vld.idx.msk [tilespmem:v25+s3+$0x0], $0xffff;
	_ =	sdelay $0x1  }
0x3f9: {  	v27 =	vld [tilespmem:$0x1FA90];
	v10 =	vadd.f32 v11, v10;
	v11 =	vadd.f32 v13, v12  }
0x3fa: {  	v12 =	vadd.f32 v15, v14;
	v14 =	vadd.f32 v19, v18;
	v18 =	vld [tilespmem:$0x1FFB0]  }
0x3fb: {  	v13 =	vadd.f32 v17, v16;
	v15 =	vadd.f32 v21, v20;
	v19 =	vld [tilespmem:$0x1FFC0]  }
0x3fc: {  	v16 =	vadd.f32 v23, v22;
	v20 =	vld [tilespmem:$0x1FFD0];
	v17 =	vadd.f32 v25, v24  }
0x3fd: {  	v24 =	vld [tilespmem:$0x1FAA0];
	v10 =	vadd.f32 v11, v10;
	v11 =	vadd.f32 v13, v12  }
0x3fe: {  	v25 =	vld [tilespmem:$0x1FAC0];
	v12 =	vadd.f32 v15, v14;
	v13 =	vadd.f32 v17, v16  }
0x3ff: {  	v14 =	vld.idx.msk [tilespmem:v26+s30+$0x0], $0xffff  }
0x400: {  	v15 =	vld [tilespmem:$0x1FF80];
	v10 =	vadd.f32 v11, v10;
	v11 =	vadd.f32 v13, v12  }
0x401: {  	v12 =	vld [tilespmem:$0x1FF50]  }
0x402: {  	v13 =	vld [tilespmem:$0x1FF60];
	v10 =	vadd.f32 v11, v10  }
0x403: {  	v26 =	vld [tilespmem:$0x1FA80]  }
0x404: {  	v16 =	vld [tilespmem:$0x1FF90];
	v11 =	vmul.f32 $1.000000010e-01, v14;
	v10 =	vadd.f32 v10, v61  }
0x405: {  	v17 =	vld [tilespmem:$0x1FFA0]  }
0x406: {  	v14 =	vld [tilespmem:$0x1FF70];
	v10 =	vadd.f32 v10, v11  }
0x407: {  	v11 =	vld [tilespmem:$0x1FF40]  }
0x408: {  	[tilespmem:$0x1D3E0] =	vst v10;
	v10 =	vld [tilespmem:$0x1FF30]  }
0x409: {  	v12 =	vld.idx.msk [tilespmem:v12+s3+$0x0], $0xffff  }
0x40a: {  	v13 =	vld.idx.msk [tilespmem:v13+s3+$0x0], $0xffff  }
0x40b: {  	v15 =	vld.idx.msk [tilespmem:v15+s3+$0x0], $0xffff  }
0x40c: {  	v16 =	vld.idx.msk [tilespmem:v16+s3+$0x0], $0xffff  }
0x40d: {  	v17 =	vld.idx.msk [tilespmem:v17+s3+$0x0], $0xffff  }
0x40e: {  	v18 =	vld.idx.msk [tilespmem:v18+s3+$0x0], $0xffff  }
0x40f: {  	v19 =	vld.idx.msk [tilespmem:v19+s3+$0x0], $0xffff  }
0x410: {  	v20 =	vld.idx.msk [tilespmem:v20+s3+$0x0], $0xffff  }
0x411: {  	v23 =	vld.idx.msk [tilespmem:v24+s3+$0x0], $0xffff  }
0x412: {  	v24 =	vld [tilespmem:$0x1FAB0]  }
0x413: {  	v21 =	vld.idx.msk [tilespmem:v26+s3+$0x0], $0xffff  }
0x414: {  	v22 =	vld.idx.msk [tilespmem:v27+s3+$0x0], $0xffff  }
0x415: {  	v25 =	vld.idx.msk [tilespmem:v25+s3+$0x0], $0xffff  }
0x416: {  	v11 =	vld.idx.msk [tilespmem:v11+s3+$0x0], $0xffff  }
0x417: {  	v10 =	vld.idx.msk [tilespmem:v10+s3+$0x0], $0xffff  }
0x418: {  	v14 =	vld.idx.msk [tilespmem:v14+s3+$0x0], $0xffff  }
0x419: {  	v26 =	vld [tilespmem:$0x530]  }
0x41a: {  	v24 =	vld.idx.msk [tilespmem:v24+s3+$0x0], $0xffff;
	_ =	sdelay $0x1  }
0x41b: {  	v27 =	vld [tilespmem:$0x1FBA0];
	v10 =	vadd.f32 v11, v10;
	v11 =	vadd.f32 v13, v12  }
0x41c: {  	v12 =	vadd.f32 v15, v14;
	v14 =	vadd.f32 v19, v18;
	v18 =	vld [tilespmem:$0x1FB50]  }
0x41d: {  	v13 =	vadd.f32 v17, v16;
	v15 =	vadd.f32 v21, v20;
	v19 =	vld [tilespmem:$0x1FB60]  }
0x41e: {  	v16 =	vadd.f32 v23, v22;
	v20 =	vld [tilespmem:$0x1FB70];
	v17 =	vadd.f32 v25, v24  }
0x41f: {  	v25 =	vld [tilespmem:$0x1FB80];
	v10 =	vadd.f32 v11, v10;
	v11 =	vadd.f32 v13, v12  }
0x420: {  	v24 =	vld [tilespmem:$0x1FBB0];
	v12 =	vadd.f32 v15, v14;
	v13 =	vadd.f32 v17, v16  }
0x421: {  	v14 =	vld.idx.msk [tilespmem:v26+s30+$0x0], $0xffff  }
0x422: {  	v15 =	vld [tilespmem:$0x1FB20];
	v10 =	vadd.f32 v11, v10;
	v11 =	vadd.f32 v13, v12  }
0x423: {  	v12 =	vld [tilespmem:$0x1FAF0]  }
0x424: {  	v13 =	vld [tilespmem:$0x1FB00];
	v10 =	vadd.f32 v11, v10  }
0x425: {  	v26 =	vld [tilespmem:$0x1FB90]  }
0x426: {  	v16 =	vld [tilespmem:$0x1FB30];
	v11 =	vmul.f32 $1.000000010e-01, v14;
	v10 =	vadd.f32 v10, v61  }
0x427: {  	v17 =	vld [tilespmem:$0x1FB40]  }
0x428: {  	v14 =	vld [tilespmem:$0x1FB10];
	v10 =	vadd.f32 v10, v11  }
0x429: {  	v11 =	vld [tilespmem:$0x1FAE0]  }
0x42a: {  	[tilespmem:$0x1D3F0] =	vst v10;
	v10 =	vld [tilespmem:$0x1FAD0]  }
0x42b: {  	v12 =	vld.idx.msk [tilespmem:v12+s3+$0x0], $0xffff  }
0x42c: {  	v13 =	vld.idx.msk [tilespmem:v13+s3+$0x0], $0xffff  }
0x42d: {  	v15 =	vld.idx.msk [tilespmem:v15+s3+$0x0], $0xffff  }
0x42e: {  	v16 =	vld.idx.msk [tilespmem:v16+s3+$0x0], $0xffff  }
0x42f: {  	v17 =	vld.idx.msk [tilespmem:v17+s3+$0x0], $0xffff  }
0x430: {  	v18 =	vld.idx.msk [tilespmem:v18+s3+$0x0], $0xffff  }
0x431: {  	v19 =	vld.idx.msk [tilespmem:v19+s3+$0x0], $0xffff  }
0x432: {  	v20 =	vld.idx.msk [tilespmem:v20+s3+$0x0], $0xffff  }
0x433: {  	v21 =	vld.idx.msk [tilespmem:v25+s3+$0x0], $0xffff  }
0x434: {  	v25 =	vld [tilespmem:$0x1FBC0]  }
0x435: {  	v22 =	vld.idx.msk [tilespmem:v26+s3+$0x0], $0xffff  }
0x436: {  	v23 =	vld.idx.msk [tilespmem:v27+s3+$0x0], $0xffff  }
0x437: {  	v24 =	vld.idx.msk [tilespmem:v24+s3+$0x0], $0xffff  }
0x438: {  	v11 =	vld.idx.msk [tilespmem:v11+s3+$0x0], $0xffff  }
0x439: {  	v10 =	vld.idx.msk [tilespmem:v10+s3+$0x0], $0xffff  }
0x43a: {  	v14 =	vld.idx.msk [tilespmem:v14+s3+$0x0], $0xffff  }
0x43b: {  	v26 =	vld [tilespmem:$0x540]  }
0x43c: {  	v25 =	vld.idx.msk [tilespmem:v25+s3+$0x0], $0xffff;
	_ =	sdelay $0x1  }
0x43d: {  	v10 =	vadd.f32 v11, v10;
	v11 =	vadd.f32 v13, v12  }
0x43e: {  	v12 =	vadd.f32 v15, v14;
	v13 =	vadd.f32 v17, v16  }
0x43f: {  	v14 =	vadd.f32 v19, v18;
	v15 =	vadd.f32 v21, v20  }
0x440: {  	v16 =	vadd.f32 v23, v22;
	v18 =	vld [tilespmem:$0x1FC50];
	v17 =	vadd.f32 v25, v24  }
0x441: {  	v19 =	vld [tilespmem:$0x1FC60];
	v10 =	vadd.f32 v11, v10;
	v11 =	vadd.f32 v13, v12  }
0x442: {  	v20 =	vld [tilespmem:$0x1FC70];
	v12 =	vadd.f32 v15, v14;
	v13 =	vadd.f32 v17, v16  }
0x443: {  	v14 =	vld.idx.msk [tilespmem:v26+s30+$0x0], $0xffff  }
0x444: {  	v15 =	vld [tilespmem:$0x1FC20];
	v10 =	vadd.f32 v11, v10;
	v11 =	vadd.f32 v13, v12  }
0x445: {  	v12 =	vld [tilespmem:$0x1FBF0]  }
0x446: {  	v13 =	vld [tilespmem:$0x1FC00];
	v10 =	vadd.f32 v11, v10  }
0x447: {  	v26 =	vld [tilespmem:$0x550]  }
0x448: {  	v16 =	vld [tilespmem:$0x1FC30];
	v11 =	vmul.f32 $1.000000010e-01, v14;
	v10 =	vadd.f32 v10, v61  }
0x449: {  	v17 =	vld [tilespmem:$0x1FC40]  }
0x44a: {  	v14 =	vld [tilespmem:$0x1FC10];
	v10 =	vadd.f32 v10, v11  }
0x44b: {  	v11 =	vld [tilespmem:$0x1FBE0]  }
0x44c: {  	[tilespmem:$0x1D400] =	vst v10;
	v10 =	vld [tilespmem:$0x1FBD0]  }
0x44d: {  	v12 =	vld.idx.msk [tilespmem:v12+s3+$0x0], $0xffff  }
0x44e: {  	v13 =	vld.idx.msk [tilespmem:v13+s3+$0x0], $0xffff  }
0x44f: {  	v15 =	vld.idx.msk [tilespmem:v15+s3+$0x0], $0xffff  }
0x450: {  	v16 =	vld.idx.msk [tilespmem:v16+s3+$0x0], $0xffff  }
0x451: {  	v17 =	vld.idx.msk [tilespmem:v17+s3+$0x0], $0xffff  }
0x452: {  	v18 =	vld.idx.msk [tilespmem:v18+s3+$0x0], $0xffff  }
0x453: {  	v19 =	vld.idx.msk [tilespmem:v19+s3+$0x0], $0xffff  }
0x454: {  	v20 =	vld.idx.msk [tilespmem:v20+s3+$0x0], $0xffff  }
0x455: {  	v21 =	vld.idx.msk [tilespmem:v33+s3+$0x0], $0xffff  }
0x456: {  	v22 =	vld.idx.msk [tilespmem:v34+s3+$0x0], $0xffff  }
0x457: {  	v23 =	vld.idx.msk [tilespmem:v35+s3+$0x0], $0xffff  }
0x458: {  	v11 =	vld.idx.msk [tilespmem:v11+s3+$0x0], $0xffff  }
0x459: {  	v10 =	vld.idx.msk [tilespmem:v10+s3+$0x0], $0xffff  }
0x45a: {  	v14 =	vld.idx.msk [tilespmem:v14+s3+$0x0], $0xffff  }
0x45b: {  	v24 =	vld.idx.msk [tilespmem:v36+s3+$0x0], $0xffff  }
0x45c: {  	v25 =	vld.idx.msk [tilespmem:v37+s3+$0x0], $0xffff;
	_ =	sdelay $0x1  }
0x45d: {  	v10 =	vadd.f32 v11, v10;
	v11 =	vadd.f32 v13, v12  }
0x45e: {  	v12 =	vadd.f32 v15, v14;
	v13 =	vadd.f32 v17, v16  }
0x45f: {  	v14 =	vadd.f32 v19, v18;
	v15 =	vadd.f32 v21, v20  }
0x460: {  	v16 =	vadd.f32 v23, v22;
	v17 =	vadd.f32 v25, v24  }
0x461: {  	v10 =	vadd.f32 v11, v10;
	v11 =	vadd.f32 v13, v12  }
0x462: {  	v12 =	vadd.f32 v15, v14;
	v13 =	vadd.f32 v17, v16  }
0x463: {  	v14 =	vld.idx.msk [tilespmem:v26+s30+$0x0], $0xffff  }
0x464: {  	v10 =	vadd.f32 v11, v10;
	v11 =	vadd.f32 v13, v12;
	_ =	sdelay $0x1  }
0x465: {  	v10 =	vadd.f32 v11, v10;
	_ =	sdelay $0x1  }
0x466: {  	v11 =	vmul.f32 $1.000000010e-01, v14;
	v10 =	vadd.f32 v10, v61;
	_ =	sdelay $0x1  }
0x467: {  	v10 =	vadd.f32 v10, v11;
	_ =	sdelay $0x1  }
0x468: {  	v26 =	vld [tilespmem:$0x560];
	[tilespmem:$0x1D410] =	vst v10  }
0x469: {  	v10 =	vld.idx.msk [tilespmem:v38+s3+$0x0], $0xffff  }
0x46a: {  	v11 =	vld.idx.msk [tilespmem:v39+s3+$0x0], $0xffff  }
0x46b: {  	v12 =	vld.idx.msk [tilespmem:v40+s3+$0x0], $0xffff  }
0x46c: {  	v13 =	vld.idx.msk [tilespmem:v41+s3+$0x0], $0xffff  }
0x46d: {  	v14 =	vld.idx.msk [tilespmem:v42+s3+$0x0], $0xffff  }
0x46e: {  	v15 =	vld.idx.msk [tilespmem:v43+s3+$0x0], $0xffff  }
0x46f: {  	v16 =	vld.idx.msk [tilespmem:v44+s3+$0x0], $0xffff  }
0x470: {  	v17 =	vld.idx.msk [tilespmem:v45+s3+$0x0], $0xffff  }
0x471: {  	v18 =	vld.idx.msk [tilespmem:v46+s3+$0x0], $0xffff  }
0x472: {  	v19 =	vld.idx.msk [tilespmem:v47+s3+$0x0], $0xffff  }
0x473: {  	v20 =	vld.idx.msk [tilespmem:v48+s3+$0x0], $0xffff  }
0x474: {  	v21 =	vld.idx.msk [tilespmem:v49+s3+$0x0], $0xffff  }
0x475: {  	v22 =	vld.idx.msk [tilespmem:v50+s3+$0x0], $0xffff  }
0x476: {  	v23 =	vld.idx.msk [tilespmem:v51+s3+$0x0], $0xffff  }
0x477: {  	v24 =	vld.idx.msk [tilespmem:v52+s3+$0x0], $0xffff  }
0x478: {  	v25 =	vld.idx.msk [tilespmem:v53+s3+$0x0], $0xffff;
	_ =	sdelay $0x1  }
0x479: {  	v10 =	vadd.f32 v11, v10;
	v11 =	vadd.f32 v13, v12  }
0x47a: {  	v12 =	vadd.f32 v15, v14;
	v13 =	vadd.f32 v17, v16  }
0x47b: {  	v14 =	vadd.f32 v19, v18;
	v15 =	vadd.f32 v21, v20  }
0x47c: {  	v16 =	vadd.f32 v23, v22;
	v17 =	vadd.f32 v25, v24  }
0x47d: {  	v10 =	vadd.f32 v11, v10;
	v11 =	vadd.f32 v13, v12  }
0x47e: {  	v12 =	vadd.f32 v15, v14;
	v13 =	vadd.f32 v17, v16  }
0x47f: {  	v14 =	vld.idx.msk [tilespmem:v26+s30+$0x0], $0xffff  }
0x480: {  	v10 =	vadd.f32 v11, v10;
	v11 =	vadd.f32 v13, v12;
	_ =	sdelay $0x1  }
0x481: {  	v10 =	vadd.f32 v11, v10;
	_ =	sdelay $0x1  }
0x482: {  	v11 =	vmul.f32 $1.000000010e-01, v14;
	v10 =	vadd.f32 v10, v61;
	_ =	sdelay $0x1  }
0x483: {  	v10 =	vadd.f32 v10, v11;
	_ =	sdelay $0x1  }
0x484: {  	v26 =	vld [tilespmem:$0x570];
	[tilespmem:$0x1D420] =	vst v10  }
0x485: {  	v10 =	vld.idx.msk [tilespmem:v54+s3+$0x0], $0xffff  }
0x486: {  	v11 =	vld.idx.msk [tilespmem:v55+s3+$0x0], $0xffff  }
0x487: {  	v12 =	vld.idx.msk [tilespmem:v56+s3+$0x0], $0xffff  }
0x488: {  	v13 =	vld.idx.msk [tilespmem:v57+s3+$0x0], $0xffff  }
0x489: {  	v14 =	vld.idx.msk [tilespmem:v58+s3+$0x0], $0xffff  }
0x48a: {  	v15 =	vld.idx.msk [tilespmem:v59+s3+$0x0], $0xffff  }
0x48b: {  	v16 =	vld.idx.msk [tilespmem:v60+s3+$0x0], $0xffff  }
0x48c: {  	v17 =	vld.idx.msk [tilespmem:v62+s3+$0x0], $0xffff  }
0x48d: {  	v18 =	vld.idx.msk [tilespmem:v63+s3+$0x0], $0xffff  }
0x48e: {  	v19 =	vld.idx.msk [tilespmem:v3+s3+$0x0], $0xffff  }
0x48f: {  	v20 =	vld.idx.msk [tilespmem:v4+s3+$0x0], $0xffff  }
0x490: {  	v21 =	vld.idx.msk [tilespmem:v5+s3+$0x0], $0xffff  }
0x491: {  	v22 =	vld.idx.msk [tilespmem:v6+s3+$0x0], $0xffff  }
0x492: {  	v23 =	vld.idx.msk [tilespmem:v7+s3+$0x0], $0xffff  }
0x493: {  	v24 =	vld.idx.msk [tilespmem:v8+s3+$0x0], $0xffff  }
0x494: {  	v25 =	vld.idx.msk [tilespmem:v9+s3+$0x0], $0xffff;
	_ =	sdelay $0x1  }
0x495: {  	v10 =	vadd.f32 v11, v10;
	v11 =	vadd.f32 v13, v12  }
0x496: {  	v12 =	vadd.f32 v15, v14;
	v13 =	vadd.f32 v17, v16  }
0x497: {  	v14 =	vadd.f32 v19, v18;
	v15 =	vadd.f32 v21, v20  }
0x498: {  	v16 =	vadd.f32 v23, v22;
	v17 =	vadd.f32 v25, v24  }
0x499: {  	v10 =	vadd.f32 v11, v10;
	v11 =	vadd.f32 v13, v12  }
0x49a: {  	v12 =	vadd.f32 v15, v14;
	v13 =	vadd.f32 v17, v16  }
0x49b: {  	v14 =	vld.idx.msk [tilespmem:v26+s30+$0x0], $0xffff  }
0x49c: {  	v10 =	vadd.f32 v11, v10;
	v11 =	vadd.f32 v13, v12;
	_ =	sdelay $0x1  }
0x49d: {  	v10 =	vadd.f32 v11, v10;
	_ =	sdelay $0x1  }
0x49e: {  	v11 =	vmul.f32 $1.000000010e-01, v14;
	v10 =	vadd.f32 v10, v61;
	_ =	sdelay $0x1  }
0x49f: {  	v10 =	vadd.f32 v10, v11;
	_ =	sdelay $0x1  }
0x4a0: {  	[tilespmem:$0x1D430] =	vst v10  }
0x4a1: {  	_ =	swait.ge [sflag:s31], $0x4000  }
0x4a2: {  	[sflag:s31] =	ssyncset.done $0x0  }
0x4a3: {  	[sflag:s31] =	ssyncadd.s32 $0xFFFFC000  }
0x4a4: {  	_ =	swait.ge [sflag:s31], $0x4000  }
0x4a5: {  	[sflag:s31] =	ssyncset.done $0x0  }
0x4a6: {  	s25 =	simm.s32 $0x680;
	[sflag:s31] =	ssyncadd.s32 $0xFFFFC000  }
0x4a7: {  	s23 =	simm.s32 $0xC680;
	v11 =	vld [tilespmem:s25+$0x0]  }
0x4a8: {  	v12 =	vld [tilespmem:s23+$0x0]  }
0x4a9: {  	v13 =	vld [tilespmem:s25+$0x10]  }
0x4aa: {  	v14 =	vld [tilespmem:s23+$0x10]  }
0x4ab: {  	v15 =	vld [tilespmem:s25+$0x20]  }
0x4ac: {  	v16 =	vld [tilespmem:s23+$0x20]  }
0x4ad: {  	v17 =	vld [tilespmem:s25+$0x30]  }
0x4ae: {  	v18 =	vld [tilespmem:s23+$0x30]  }
0x4af: {  	v19 =	vld [tilespmem:s25+$0x40]  }
0x4b0: {  	v20 =	vld [tilespmem:s23+$0x40]  }
0x4b1: {  	v21 =	vld [tilespmem:s25+$0x50]  }
0x4b2: {  	v22 =	vld [tilespmem:s23+$0x50]  }
0x4b3: {  	v23 =	vld [tilespmem:s25+$0x60]  }
0x4b4: {  	v24 =	vld [tilespmem:s23+$0x60]  }
0x4b5: {  	v25 =	vld [tilespmem:s25+$0x70]  }
0x4b6: {  	v26 =	vld [tilespmem:s23+$0x70]  }
0x4b7: {  	v10 =	vld [tilespmem:s23+$0xFFFFFF80]  }
0x4b8: {  	v27 =	vld [tilespmem:s25+$0xFFFFFF90]  }
0x4b9: {  	v28 =	vld [tilespmem:s23+$0xFFFFFF90]  }
0x4ba: {  	v31 =	vmov v29;
	v29 =	vld [tilespmem:s25+$0xFFFFFFA0]  }
0x4bb: {  	v32 =	vmov v30;
	v30 =	vld [tilespmem:s23+$0xFFFFFFA0];
	v11 =	vmul.f32 v12, v11;
	v12 =	vmul.f32 v14, v13  }
0x4bc: {  	v13 =	vmul.f32 v16, v15;
	v14 =	vmul.f32 v18, v17;
	v15 =	vld [tilespmem:s25+$0xFFFFFFB0]  }
0x4bd: {  	v16 =	vmul.f32 v20, v19;
	v17 =	vmul.f32 v22, v21;
	v18 =	vld [tilespmem:s23+$0xFFFFFFB0]  }
0x4be: {  	v19 =	vmul.f32 v24, v23;
	v20 =	vmul.f32 v26, v25;
	v24 =	vld [tilespmem:s25+$0xFFFFFFC0]  }
0x4bf: {  	v25 =	vld [tilespmem:s23+$0xFFFFFFC0];
	v11 =	vadd.f32 v12, v11;
	v12 =	vadd.f32 v14, v13  }
0x4c0: {  	v13 =	vadd.f32 v17, v16;
	v14 =	vadd.f32 v20, v19;
	v19 =	vld [tilespmem:s25+$0xFFFFFFD0]  }
0x4c1: {  	v20 =	vld [tilespmem:s23+$0xFFFFFFD0]  }
0x4c2: {  	v11 =	vadd.f32 v12, v11;
	v12 =	vadd.f32 v14, v13;
	v13 =	vld [tilespmem:s25+$0xFFFFFFE0]  }
0x4c3: {  	v14 =	vld [tilespmem:s23+$0xFFFFFFE0]  }
0x4c4: {  	v26 =	vmul.f32 v30, v29;
	v16 =	vld [tilespmem:s23+$0xFFFFFFF0];
	v18 =	vmul.f32 v18, v15;
	v12 =	vadd.f32 v12, v11  }
0x4c5: {  	s4 =	simm.s32 $0x18680;
	v15 =	vld [tilespmem:s25+$0xFFFFFFF0];
	v17 =	vmul.f32 v25, v24  }
0x4c6: {  	s24 =	simm.s32 $0x0;
	v11 =	vmul.f32 v28, v27;
	v19 =	vmul.f32 v20, v19;
	[tilespmem:s4+$0x0] =	vst v12;
	v12 =	vadd.f32 v18, v26;
	v18 =	vld [tilespmem:s25+$0xFFFFFF80];
	s25 =	simm.s32 $0x780  }
.LBB2_12:
0x4c7: {  	v20 =	vld [tilespmem:s25+$0x0];
	s23 =	sadd.s32 $0x100, s23  }
0x4c8: {  	v21 =	vld [tilespmem:s23+$0x0];
	v13 =	vmul.f32 v14, v13;
	v14 =	vadd.f32 v19, v17  }
0x4c9: {  	v17 =	vld [tilespmem:s25+$0x10]  }
0x4ca: {  	v19 =	vld [tilespmem:s23+$0x10];
	v15 =	vmul.f32 v16, v15  }
0x4cb: {  	v16 =	vld [tilespmem:s25+$0x20];
	v10 =	vmul.f32 v10, v18  }
0x4cc: {  	v18 =	vld [tilespmem:s23+$0x20];
	v13 =	vadd.f32 v15, v13  }
0x4cd: {  	v15 =	vld [tilespmem:s25+$0x30];
	v10 =	vadd.f32 v11, v10  }
0x4ce: {  	v11 =	vld [tilespmem:s23+$0x30];
	v13 =	vadd.f32 v13, v14  }
0x4cf: {  	v14 =	vld [tilespmem:s25+$0x40];
	v10 =	vadd.f32 v12, v10  }
0x4d0: {  	v12 =	vld [tilespmem:s23+$0x40]  }
0x4d1: {  	v22 =	vld [tilespmem:s25+$0x50];
	v10 =	vadd.f32 v13, v10  }
0x4d2: {  	v13 =	vld [tilespmem:s23+$0x50]  }
0x4d3: {  	v23 =	vld [tilespmem:s25+$0x60];
	[tilespmem:s4+$0xFFFFFF80] =	vst v10  }
0x4d4: {  	v24 =	vld [tilespmem:s23+$0x60]  }
0x4d5: {  	v25 =	vld [tilespmem:s25+$0x70]  }
0x4d6: {  	s24 =	sadd.s32 $0x2, s24;
	v26 =	vld [tilespmem:s23+$0x70]  }
0x4d7: {  	p0 =	slt.u32 s24, $0x7E;
	v10 =	vld [tilespmem:s23+$0xFFFFFF80]  }
0x4d8: {  	v20 =	vmul.f32 v21, v20;
	v17 =	vmul.f32 v19, v17;
	v27 =	vld [tilespmem:s25+$0xFFFFFF90]  }
0x4d9: {  	v16 =	vmul.f32 v18, v16;
	v11 =	vmul.f32 v11, v15;
	v19 =	vld [tilespmem:s23+$0xFFFFFF90]  }
0x4da: {  	v12 =	vmul.f32 v12, v14;
	v13 =	vmul.f32 v13, v22;
	v15 =	vld [tilespmem:s25+$0xFFFFFFA0]  }
0x4db: {  	v18 =	vmul.f32 v24, v23;
	v14 =	vld [tilespmem:s23+$0xFFFFFFA0];
	v21 =	vmul.f32 v26, v25  }
0x4dc: {  	v17 =	vadd.f32 v17, v20;
	v16 =	vadd.f32 v11, v16;
	v22 =	vld [tilespmem:s25+$0xFFFFFFB0]  }
0x4dd: {  	v12 =	vadd.f32 v13, v12;
	v20 =	vld [tilespmem:s23+$0xFFFFFFB0];
	v13 =	vadd.f32 v21, v18  }
0x4de: {  	v11 =	vmul.f32 v19, v27;
	v18 =	vld [tilespmem:s25+$0xFFFFFFC0]  }
0x4df: {  	v16 =	vadd.f32 v16, v17;
	v19 =	vld [tilespmem:s23+$0xFFFFFFC0];
	v12 =	vadd.f32 v13, v12  }
0x4e0: {  	v21 =	vmul.f32 v14, v15;
	v23 =	vld [tilespmem:s25+$0xFFFFFFD0]  }
0x4e1: {  	v24 =	vld [tilespmem:s23+$0xFFFFFFD0];
	v12 =	vadd.f32 v12, v16  }
.Ltmp5:
0x4e2: {  	s4 =	sadd.s32 $0x100, s4;
	v16 =	vmul.f32 v20, v22;
	v13 =	vld [tilespmem:s25+$0xFFFFFFE0];
	(pc) =	sbr.rel @p0 .LBB2_12-.Ltmp5, $4  }
0x4e3: {  	v14 =	vld [tilespmem:s23+$0xFFFFFFE0];
	[tilespmem:s4+$0x0] =	vst v12  }
0x4e4: {  	v17 =	vmul.f32 v19, v18;
	v15 =	vld [tilespmem:s25+$0xFFFFFFF0];
	v12 =	vadd.f32 v16, v21  }
0x4e5: {  	v16 =	vld [tilespmem:s23+$0xFFFFFFF0]  }
0x4e6: {  	v18 =	vld [tilespmem:s25+$0xFFFFFF80];
	v19 =	vmul.f32 v24, v23;
	s25 =	sadd.s32 $0x100, s25  }
0x4e7: {  	_ =	sdelay $0x2  }
0x4e8: {  	v13 =	vmul.f32 v14, v13  }
0x4e9: {  	v26 =	vmul.f32 v16, v15;
	v10 =	vmul.f32 v10, v18  }
0x4ea: {  	v20 =	vadd.f32 v19, v17  }
0x4eb: {  	v13 =	vadd.f32 v26, v13;
	v10 =	vadd.f32 v11, v10;
	_ =	sdelay $0x1  }
0x4ec: {  	v21 =	vadd.f32 v13, v20;
	v10 =	vadd.f32 v12, v10;
	_ =	sdelay $0x1  }
0x4ed: {  	v10 =	vadd.f32 v21, v10;
	_ =	sdelay $0x1  }
0x4ee: {  	[tilespmem:s4+$0xFFFFFF80] =	vst v10  }
0x4ef: {  	v10 =	vld.idx.msk [tilespmem:v0+s3+$0x0], $0xffff  }
0x4f0: {  	v11 =	vld.idx.msk [tilespmem:v31+s3+$0x0], $0xffff  }
0x4f1: {  	v12 =	vld.idx.msk [tilespmem:v32+s3+$0x0], $0xffff  }
0x4f2: {  	v29 =	vmov v31;
	v31 =	vld [tilespmem:$0x1FFE0]  }
0x4f3: {  	v30 =	vmov v32;
	v32 =	vld [tilespmem:$0x1FFF0]  }
0x4f4: {  	v22 =	vld [tilespmem:$0x1FC80]  }
0x4f5: {  	v23 =	vld [tilespmem:$0x1FC90]  }
0x4f6: {  	v24 =	vld [tilespmem:$0x1FCA0]  }
0x4f7: {  	v25 =	vld [tilespmem:$0x1FCB0]  }
0x4f8: {  	v26 =	vld [tilespmem:$0x1FCC0]  }
0x4f9: {  	v20 =	vld [tilespmem:$0x1FCD0]  }
0x4fa: {  	v21 =	vld [tilespmem:$0x1FCE0]  }
0x4fb: {  	v13 =	vld.idx.msk [tilespmem:v31+s3+$0x0], $0xffff  }
0x4fc: {  	v14 =	vld.idx.msk [tilespmem:v32+s3+$0x0], $0xffff  }
0x4fd: {  	v15 =	vld.idx.msk [tilespmem:v22+s3+$0x0], $0xffff  }
0x4fe: {  	v16 =	vld.idx.msk [tilespmem:v23+s3+$0x0], $0xffff  }
0x4ff: {  	v17 =	vld.idx.msk [tilespmem:v24+s3+$0x0], $0xffff  }
0x500: {  	v18 =	vld.idx.msk [tilespmem:v25+s3+$0x0], $0xffff  }
0x501: {  	v22 =	vld [tilespmem:$0x1FCF0]  }
0x502: {  	v23 =	vld [tilespmem:$0x1FD00]  }
0x503: {  	v24 =	vld [tilespmem:$0x1FD10]  }
0x504: {  	v25 =	vld [tilespmem:$0x1FD20]  }
0x505: {  	v19 =	vld.idx.msk [tilespmem:v26+s3+$0x0], $0xffff  }
0x506: {  	v20 =	vld.idx.msk [tilespmem:v20+s3+$0x0], $0xffff  }
0x507: {  	v21 =	vld.idx.msk [tilespmem:v21+s3+$0x0], $0xffff  }
0x508: {  	v26 =	vld [tilespmem:$0x580]  }
0x509: {  	v22 =	vld.idx.msk [tilespmem:v22+s3+$0x0], $0xffff  }
0x50a: {  	v23 =	vld.idx.msk [tilespmem:v23+s3+$0x0], $0xffff  }
0x50b: {  	v24 =	vld.idx.msk [tilespmem:v24+s3+$0x0], $0xffff  }
0x50c: {  	v25 =	vld.idx.msk [tilespmem:v25+s3+$0x0], $0xffff;
	_ =	sdelay $0x1  }
0x50d: {  	v10 =	vadd.f32 v11, v10;
	v11 =	vadd.f32 v13, v12  }
0x50e: {  	v12 =	vadd.f32 v15, v14;
	v13 =	vadd.f32 v17, v16  }
0x50f: {  	v14 =	vadd.f32 v19, v18;
	v20 =	vadd.f32 v21, v20  }
0x510: {  	v21 =	vadd.f32 v23, v22;
	v22 =	vadd.f32 v25, v24  }
0x511: {  	v16 =	vld [tilespmem:$0x1FD30];
	v10 =	vadd.f32 v11, v10;
	v23 =	vadd.f32 v13, v12  }
0x512: {  	v17 =	vld [tilespmem:$0x1FD40];
	v24 =	vadd.f32 v20, v14;
	v25 =	vadd.f32 v22, v21  }
0x513: {  	v26 =	vld.idx.msk [tilespmem:v26+s30+$0x0], $0xffff  }
0x514: {  	v18 =	vld [tilespmem:$0x1FD50];
	v10 =	vadd.f32 v23, v10;
	v13 =	vadd.f32 v25, v24  }
0x515: {  	v19 =	vld [tilespmem:$0x1FD60]  }
0x516: {  	v20 =	vld [tilespmem:$0x1FD70];
	v10 =	vadd.f32 v13, v10  }
0x517: {  	v24 =	vld [tilespmem:$0x1FDB0]  }
0x518: {  	v15 =	vmul.f32 $1.000000010e-01, v26;
	v25 =	vld [tilespmem:$0x1FDC0];
	v10 =	vadd.f32 v10, v61  }
0x519: {  	v26 =	vld [tilespmem:$0x1FDD0]  }
0x51a: {  	v21 =	vld [tilespmem:$0x1FD80];
	v10 =	vadd.f32 v10, v15  }
0x51b: {  	v22 =	vld [tilespmem:$0x1FD90]  }
0x51c: {  	v23 =	vld [tilespmem:$0x1FDA0];
	[tilespmem:$0x1D440] =	vst v10  }
0x51d: {  	v12 =	vld.idx.msk [tilespmem:v18+s3+$0x0], $0xffff  }
0x51e: {  	v13 =	vld.idx.msk [tilespmem:v19+s3+$0x0], $0xffff  }
0x51f: {  	v18 =	vld.idx.msk [tilespmem:v24+s3+$0x0], $0xffff  }
0x520: {  	v19 =	vld.idx.msk [tilespmem:v25+s3+$0x0], $0xffff  }
0x521: {  	v24 =	vld [tilespmem:$0x1FDE0]  }
0x522: {  	v25 =	vld [tilespmem:$0x1FDF0]  }
0x523: {  	v10 =	vld.idx.msk [tilespmem:v16+s3+$0x0], $0xffff  }
0x524: {  	v14 =	vld.idx.msk [tilespmem:v20+s3+$0x0], $0xffff  }
0x525: {  	v15 =	vld.idx.msk [tilespmem:v21+s3+$0x0], $0xffff  }
0x526: {  	v16 =	vld.idx.msk [tilespmem:v22+s3+$0x0], $0xffff  }
0x527: {  	v20 =	vld.idx.msk [tilespmem:v26+s3+$0x0], $0xffff  }
0x528: {  	v26 =	vld [tilespmem:$0x1FE00]  }
0x529: {  	v21 =	vld.idx.msk [tilespmem:v24+s3+$0x0], $0xffff  }
0x52a: {  	v22 =	vld.idx.msk [tilespmem:v25+s3+$0x0], $0xffff  }
0x52b: {  	v24 =	vld [tilespmem:$0x1FE10]  }
0x52c: {  	v25 =	vld [tilespmem:$0x1FE20];
	_ =	sdelay $0x2  }
0x52d: {  	v11 =	vld.idx.msk [tilespmem:v17+s3+$0x0], $0xffff  }
0x52e: {  	v17 =	vld.idx.msk [tilespmem:v23+s3+$0x0], $0xffff  }
0x52f: {  	v23 =	vld.idx.msk [tilespmem:v26+s3+$0x0], $0xffff  }
0x530: {  	v26 =	vld [tilespmem:$0x590]  }
0x531: {  	v24 =	vld.idx.msk [tilespmem:v24+s3+$0x0], $0xffff  }
0x532: {  	v25 =	vld.idx.msk [tilespmem:v25+s3+$0x0], $0xffff;
	_ =	sdelay $0x1  }
0x533: {  	v10 =	vadd.f32 v11, v10;
	v11 =	vadd.f32 v13, v12  }
0x534: {  	v12 =	vadd.f32 v15, v14;
	v13 =	vadd.f32 v17, v16  }
0x535: {  	v14 =	vadd.f32 v19, v18;
	v20 =	vadd.f32 v21, v20  }
0x536: {  	v21 =	vadd.f32 v23, v22;
	v22 =	vadd.f32 v25, v24  }
0x537: {  	v16 =	vld [tilespmem:$0x1FE30];
	v10 =	vadd.f32 v11, v10;
	v23 =	vadd.f32 v13, v12  }
0x538: {  	v17 =	vld [tilespmem:$0x1FE40];
	v24 =	vadd.f32 v20, v14;
	v25 =	vadd.f32 v22, v21  }
0x539: {  	v26 =	vld.idx.msk [tilespmem:v26+s30+$0x0], $0xffff  }
0x53a: {  	v18 =	vld [tilespmem:$0x1FE50];
	v10 =	vadd.f32 v23, v10;
	v13 =	vadd.f32 v25, v24  }
0x53b: {  	v19 =	vld [tilespmem:$0x1FE60]  }
0x53c: {  	v23 =	vld [tilespmem:$0x1FEA0];
	v10 =	vadd.f32 v13, v10  }
0x53d: {  	v24 =	vld [tilespmem:$0x1FEB0]  }
0x53e: {  	v15 =	vmul.f32 $1.000000010e-01, v26;
	v25 =	vld [tilespmem:$0x1FEC0];
	v10 =	vadd.f32 v10, v61  }
0x53f: {  	v20 =	vld [tilespmem:$0x1FE70]  }
0x540: {  	v26 =	vld [tilespmem:$0x1FED0];
	v10 =	vadd.f32 v10, v15  }
0x541: {  	v21 =	vld [tilespmem:$0x1FE80]  }
0x542: {  	v22 =	vld [tilespmem:$0x1FE90];
	[tilespmem:$0x1D450] =	vst v10  }
0x543: {  	v12 =	vld.idx.msk [tilespmem:v18+s3+$0x0], $0xffff  }
0x544: {  	v13 =	vld.idx.msk [tilespmem:v19+s3+$0x0], $0xffff  }
0x545: {  	v18 =	vld.idx.msk [tilespmem:v24+s3+$0x0], $0xffff  }
0x546: {  	v19 =	vld.idx.msk [tilespmem:v25+s3+$0x0], $0xffff  }
0x547: {  	v24 =	vld [tilespmem:$0x1FEE0]  }
0x548: {  	v25 =	vld [tilespmem:$0x1FEF0]  }
0x549: {  	v10 =	vld.idx.msk [tilespmem:v16+s3+$0x0], $0xffff  }
0x54a: {  	v14 =	vld.idx.msk [tilespmem:v20+s3+$0x0], $0xffff  }
0x54b: {  	v15 =	vld.idx.msk [tilespmem:v21+s3+$0x0], $0xffff  }
0x54c: {  	v16 =	vld.idx.msk [tilespmem:v22+s3+$0x0], $0xffff  }
0x54d: {  	v20 =	vld.idx.msk [tilespmem:v26+s3+$0x0], $0xffff  }
0x54e: {  	v26 =	vld [tilespmem:$0x1FF00]  }
0x54f: {  	v21 =	vld.idx.msk [tilespmem:v24+s3+$0x0], $0xffff  }
0x550: {  	v22 =	vld.idx.msk [tilespmem:v25+s3+$0x0], $0xffff  }
0x551: {  	v24 =	vld [tilespmem:$0x1FF10]  }
0x552: {  	v25 =	vld [tilespmem:$0x1FF20];
	_ =	sdelay $0x2  }
0x553: {  	v11 =	vld.idx.msk [tilespmem:v17+s3+$0x0], $0xffff  }
0x554: {  	v17 =	vld.idx.msk [tilespmem:v23+s3+$0x0], $0xffff  }
0x555: {  	v23 =	vld.idx.msk [tilespmem:v26+s3+$0x0], $0xffff  }
0x556: {  	v26 =	vld [tilespmem:$0x5A0]  }
0x557: {  	v24 =	vld.idx.msk [tilespmem:v24+s3+$0x0], $0xffff  }
0x558: {  	v25 =	vld.idx.msk [tilespmem:v25+s3+$0x0], $0xffff;
	_ =	sdelay $0x1  }
0x559: {  	v10 =	vadd.f32 v11, v10;
	v11 =	vadd.f32 v13, v12  }
0x55a: {  	v12 =	vadd.f32 v15, v14;
	v13 =	vadd.f32 v17, v16  }
0x55b: {  	v14 =	vadd.f32 v19, v18;
	v20 =	vadd.f32 v21, v20  }
0x55c: {  	v21 =	vadd.f32 v23, v22;
	v22 =	vadd.f32 v25, v24  }
0x55d: {  	v16 =	vld [tilespmem:$0x1FA80];
	v10 =	vadd.f32 v11, v10;
	v23 =	vadd.f32 v13, v12  }
0x55e: {  	v17 =	vld [tilespmem:$0x1FA90];
	v24 =	vadd.f32 v20, v14;
	v25 =	vadd.f32 v22, v21  }
0x55f: {  	v26 =	vld.idx.msk [tilespmem:v26+s30+$0x0], $0xffff  }
0x560: {  	v18 =	vld [tilespmem:$0x1FAA0];
	v10 =	vadd.f32 v23, v10;
	v13 =	vadd.f32 v25, v24  }
0x561: {  	v19 =	vld [tilespmem:$0x1FAB0]  }
0x562: {  	v23 =	vld [tilespmem:$0x1FF50];
	v10 =	vadd.f32 v13, v10  }
0x563: {  	v24 =	vld [tilespmem:$0x1FF60]  }
0x564: {  	v15 =	vmul.f32 $1.000000010e-01, v26;
	v25 =	vld [tilespmem:$0x1FF70];
	v10 =	vadd.f32 v10, v61  }
0x565: {  	v20 =	vld [tilespmem:$0x1FAC0]  }
0x566: {  	v26 =	vld [tilespmem:$0x1FF80];
	v10 =	vadd.f32 v10, v15  }
0x567: {  	v21 =	vld [tilespmem:$0x1FF30]  }
0x568: {  	v22 =	vld [tilespmem:$0x1FF40];
	[tilespmem:$0x1D460] =	vst v10  }
0x569: {  	v12 =	vld.idx.msk [tilespmem:v18+s3+$0x0], $0xffff  }
0x56a: {  	v13 =	vld.idx.msk [tilespmem:v19+s3+$0x0], $0xffff  }
0x56b: {  	v18 =	vld.idx.msk [tilespmem:v24+s3+$0x0], $0xffff  }
0x56c: {  	v19 =	vld.idx.msk [tilespmem:v25+s3+$0x0], $0xffff  }
0x56d: {  	v24 =	vld [tilespmem:$0x1FF90]  }
0x56e: {  	v25 =	vld [tilespmem:$0x1FFA0]  }
0x56f: {  	v10 =	vld.idx.msk [tilespmem:v16+s3+$0x0], $0xffff  }
0x570: {  	v14 =	vld.idx.msk [tilespmem:v20+s3+$0x0], $0xffff  }
0x571: {  	v15 =	vld.idx.msk [tilespmem:v21+s3+$0x0], $0xffff  }
0x572: {  	v16 =	vld.idx.msk [tilespmem:v22+s3+$0x0], $0xffff  }
0x573: {  	v20 =	vld.idx.msk [tilespmem:v26+s3+$0x0], $0xffff  }
0x574: {  	v26 =	vld [tilespmem:$0x1FFB0]  }
0x575: {  	v21 =	vld.idx.msk [tilespmem:v24+s3+$0x0], $0xffff  }
0x576: {  	v22 =	vld.idx.msk [tilespmem:v25+s3+$0x0], $0xffff  }
0x577: {  	v24 =	vld [tilespmem:$0x1FFC0]  }
0x578: {  	v25 =	vld [tilespmem:$0x1FFD0];
	_ =	sdelay $0x2  }
0x579: {  	v11 =	vld.idx.msk [tilespmem:v17+s3+$0x0], $0xffff  }
0x57a: {  	v17 =	vld.idx.msk [tilespmem:v23+s3+$0x0], $0xffff  }
0x57b: {  	v23 =	vld.idx.msk [tilespmem:v26+s3+$0x0], $0xffff  }
0x57c: {  	v26 =	vld [tilespmem:$0x5B0]  }
0x57d: {  	v24 =	vld.idx.msk [tilespmem:v24+s3+$0x0], $0xffff  }
0x57e: {  	v25 =	vld.idx.msk [tilespmem:v25+s3+$0x0], $0xffff;
	_ =	sdelay $0x1  }
0x57f: {  	v15 =	vadd.f32 v16, v15;
	v16 =	vadd.f32 v18, v17  }
0x580: {  	v17 =	vadd.f32 v20, v19;
	v11 =	vadd.f32 v12, v11  }
0x581: {  	v21 =	vadd.f32 v22, v21;
	v22 =	vadd.f32 v24, v23  }
0x582: {  	v10 =	vadd.f32 v10, v25;
	v23 =	vadd.f32 v14, v13  }
0x583: {  	v18 =	vld [tilespmem:$0x1FAF0];
	v24 =	vadd.f32 v16, v15;
	v25 =	vadd.f32 v21, v17  }
0x584: {  	v19 =	vld [tilespmem:$0x1FB00];
	v10 =	vadd.f32 v10, v22;
	v11 =	vadd.f32 v23, v11  }
0x585: {  	v26 =	vld.idx.msk [tilespmem:v26+s30+$0x0], $0xffff  }
0x586: {  	v20 =	vld [tilespmem:$0x1FB10];
	v13 =	vadd.f32 v25, v24;
	v10 =	vadd.f32 v11, v10  }
0x587: {  	v16 =	vld [tilespmem:$0x1FAD0]  }
0x588: {  	v17 =	vld [tilespmem:$0x1FAE0];
	v10 =	vadd.f32 v10, v13  }
0x589: {  	v24 =	vld [tilespmem:$0x1FB50]  }
0x58a: {  	v15 =	vmul.f32 $1.000000010e-01, v26;
	v25 =	vld [tilespmem:$0x1FB60];
	v10 =	vadd.f32 v10, v61  }
0x58b: {  	v21 =	vld [tilespmem:$0x1FB20]  }
0x58c: {  	v26 =	vld [tilespmem:$0x1FB70];
	v10 =	vadd.f32 v10, v15  }
0x58d: {  	v22 =	vld [tilespmem:$0x1FB30]  }
0x58e: {  	v23 =	vld [tilespmem:$0x1FB40];
	[tilespmem:$0x1D470] =	vst v10  }
0x58f: {  	v12 =	vld.idx.msk [tilespmem:v18+s3+$0x0], $0xffff  }
0x590: {  	v13 =	vld.idx.msk [tilespmem:v19+s3+$0x0], $0xffff  }
0x591: {  	v18 =	vld.idx.msk [tilespmem:v24+s3+$0x0], $0xffff  }
0x592: {  	v19 =	vld.idx.msk [tilespmem:v25+s3+$0x0], $0xffff  }
0x593: {  	v24 =	vld [tilespmem:$0x1FB80]  }
0x594: {  	v25 =	vld [tilespmem:$0x1FB90]  }
0x595: {  	v10 =	vld.idx.msk [tilespmem:v16+s3+$0x0], $0xffff  }
0x596: {  	v14 =	vld.idx.msk [tilespmem:v20+s3+$0x0], $0xffff  }
0x597: {  	v15 =	vld.idx.msk [tilespmem:v21+s3+$0x0], $0xffff  }
0x598: {  	v16 =	vld.idx.msk [tilespmem:v22+s3+$0x0], $0xffff  }
0x599: {  	v20 =	vld.idx.msk [tilespmem:v26+s3+$0x0], $0xffff  }
0x59a: {  	v26 =	vld [tilespmem:$0x1FBA0]  }
0x59b: {  	v21 =	vld.idx.msk [tilespmem:v24+s3+$0x0], $0xffff  }
0x59c: {  	v22 =	vld.idx.msk [tilespmem:v25+s3+$0x0], $0xffff  }
0x59d: {  	v24 =	vld [tilespmem:$0x1FBB0]  }
0x59e: {  	v25 =	vld [tilespmem:$0x1FBC0];
	_ =	sdelay $0x2  }
0x59f: {  	v11 =	vld.idx.msk [tilespmem:v17+s3+$0x0], $0xffff  }
0x5a0: {  	v17 =	vld.idx.msk [tilespmem:v23+s3+$0x0], $0xffff  }
0x5a1: {  	v23 =	vld.idx.msk [tilespmem:v26+s3+$0x0], $0xffff  }
0x5a2: {  	v26 =	vld [tilespmem:$0x5C0]  }
0x5a3: {  	v24 =	vld.idx.msk [tilespmem:v24+s3+$0x0], $0xffff  }
0x5a4: {  	v25 =	vld.idx.msk [tilespmem:v25+s3+$0x0], $0xffff;
	_ =	sdelay $0x1  }
0x5a5: {  	v10 =	vadd.f32 v11, v10;
	v11 =	vadd.f32 v13, v12  }
0x5a6: {  	v12 =	vadd.f32 v15, v14;
	v13 =	vadd.f32 v17, v16  }
0x5a7: {  	v14 =	vadd.f32 v19, v18;
	v20 =	vadd.f32 v21, v20  }
0x5a8: {  	v21 =	vadd.f32 v23, v22;
	v22 =	vadd.f32 v25, v24  }
0x5a9: {  	v16 =	vld [tilespmem:$0x1FBD0];
	v10 =	vadd.f32 v11, v10;
	v23 =	vadd.f32 v13, v12  }
0x5aa: {  	v17 =	vld [tilespmem:$0x1FBE0];
	v24 =	vadd.f32 v20, v14;
	v25 =	vadd.f32 v22, v21  }
0x5ab: {  	v26 =	vld.idx.msk [tilespmem:v26+s30+$0x0], $0xffff  }
0x5ac: {  	v18 =	vld [tilespmem:$0x1FBF0];
	v10 =	vadd.f32 v23, v10;
	v13 =	vadd.f32 v25, v24  }
0x5ad: {  	v19 =	vld [tilespmem:$0x1FC00]  }
0x5ae: {  	v23 =	vld [tilespmem:$0x1FC40];
	v10 =	vadd.f32 v13, v10  }
0x5af: {  	v20 =	vld [tilespmem:$0x1FC10]  }
0x5b0: {  	v15 =	vmul.f32 $1.000000010e-01, v26;
	v26 =	vld [tilespmem:$0x1FC70];
	v10 =	vadd.f32 v10, v61  }
0x5b1: {  	v21 =	vld [tilespmem:$0x1FC20]  }
0x5b2: {  	v22 =	vld [tilespmem:$0x1FC30];
	v10 =	vadd.f32 v10, v15  }
0x5b3: {  	v24 =	vld [tilespmem:$0x1FC50]  }
0x5b4: {  	v25 =	vld [tilespmem:$0x1FC60];
	[tilespmem:$0x1D480] =	vst v10  }
0x5b5: {  	v10 =	vld.idx.msk [tilespmem:v16+s3+$0x0], $0xffff  }
0x5b6: {  	v11 =	vld.idx.msk [tilespmem:v17+s3+$0x0], $0xffff  }
0x5b7: {  	v12 =	vld.idx.msk [tilespmem:v18+s3+$0x0], $0xffff  }
0x5b8: {  	v13 =	vld.idx.msk [tilespmem:v19+s3+$0x0], $0xffff  }
0x5b9: {  	v14 =	vld.idx.msk [tilespmem:v20+s3+$0x0], $0xffff  }
0x5ba: {  	v15 =	vld.idx.msk [tilespmem:v21+s3+$0x0], $0xffff  }
0x5bb: {  	v16 =	vld.idx.msk [tilespmem:v22+s3+$0x0], $0xffff  }
0x5bc: {  	v17 =	vld.idx.msk [tilespmem:v23+s3+$0x0], $0xffff  }
0x5bd: {  	v18 =	vld.idx.msk [tilespmem:v24+s3+$0x0], $0xffff  }
0x5be: {  	v19 =	vld.idx.msk [tilespmem:v25+s3+$0x0], $0xffff  }
0x5bf: {  	v20 =	vld.idx.msk [tilespmem:v26+s3+$0x0], $0xffff  }
0x5c0: {  	v21 =	vld.idx.msk [tilespmem:v33+s3+$0x0], $0xffff  }
0x5c1: {  	v22 =	vld.idx.msk [tilespmem:v34+s3+$0x0], $0xffff  }
0x5c2: {  	v23 =	vld.idx.msk [tilespmem:v35+s3+$0x0], $0xffff  }
0x5c3: {  	v24 =	vld.idx.msk [tilespmem:v36+s3+$0x0], $0xffff  }
0x5c4: {  	v25 =	vld.idx.msk [tilespmem:v37+s3+$0x0], $0xffff  }
0x5c5: {  	v33 =	vld [tilespmem:$0x5D0];
	_ =	sdelay $0x1  }
0x5c6: {  	v10 =	vadd.f32 v11, v10;
	v34 =	vadd.f32 v13, v12  }
0x5c7: {  	v35 =	vadd.f32 v15, v14;
	v36 =	vadd.f32 v17, v16  }
0x5c8: {  	v37 =	vadd.f32 v19, v18;
	v20 =	vadd.f32 v21, v20  }
0x5c9: {  	v21 =	vadd.f32 v23, v22;
	v22 =	vadd.f32 v25, v24  }
0x5ca: {  	v10 =	vadd.f32 v34, v10;
	v23 =	vadd.f32 v36, v35  }
0x5cb: {  	v24 =	vadd.f32 v20, v37;
	v25 =	vadd.f32 v22, v21  }
0x5cc: {  	v26 =	vld.idx.msk [tilespmem:v33+s30+$0x0], $0xffff  }
0x5cd: {  	v10 =	vadd.f32 v23, v10;
	v33 =	vadd.f32 v25, v24;
	_ =	sdelay $0x1  }
0x5ce: {  	v10 =	vadd.f32 v33, v10;
	_ =	sdelay $0x1  }
0x5cf: {  	v10 =	vadd.f32 v10, v61;
	v34 =	vmul.f32 $1.000000010e-01, v26;
	_ =	sdelay $0x1  }
0x5d0: {  	v10 =	vadd.f32 v10, v34;
	_ =	sdelay $0x1  }
0x5d1: {  	[tilespmem:$0x1D490] =	vst v10  }
0x5d2: {  	v10 =	vld.idx.msk [tilespmem:v38+s3+$0x0], $0xffff  }
0x5d3: {  	v35 =	vld.idx.msk [tilespmem:v39+s3+$0x0], $0xffff  }
0x5d4: {  	v36 =	vld.idx.msk [tilespmem:v40+s3+$0x0], $0xffff  }
0x5d5: {  	v37 =	vld.idx.msk [tilespmem:v41+s3+$0x0], $0xffff  }
0x5d6: {  	v38 =	vld.idx.msk [tilespmem:v42+s3+$0x0], $0xffff  }
0x5d7: {  	v39 =	vld.idx.msk [tilespmem:v43+s3+$0x0], $0xffff  }
0x5d8: {  	v40 =	vld.idx.msk [tilespmem:v44+s3+$0x0], $0xffff  }
0x5d9: {  	v41 =	vld.idx.msk [tilespmem:v45+s3+$0x0], $0xffff  }
0x5da: {  	v42 =	vld.idx.msk [tilespmem:v46+s3+$0x0], $0xffff  }
0x5db: {  	v43 =	vld.idx.msk [tilespmem:v47+s3+$0x0], $0xffff  }
0x5dc: {  	v44 =	vld.idx.msk [tilespmem:v48+s3+$0x0], $0xffff  }
0x5dd: {  	v45 =	vld.idx.msk [tilespmem:v49+s3+$0x0], $0xffff  }
0x5de: {  	v46 =	vld.idx.msk [tilespmem:v50+s3+$0x0], $0xffff  }
0x5df: {  	v47 =	vld.idx.msk [tilespmem:v51+s3+$0x0], $0xffff  }
0x5e0: {  	v48 =	vld.idx.msk [tilespmem:v52+s3+$0x0], $0xffff  }
0x5e1: {  	v49 =	vld.idx.msk [tilespmem:v53+s3+$0x0], $0xffff  }
0x5e2: {  	v50 =	vld [tilespmem:$0x5E0];
	_ =	sdelay $0x1  }
0x5e3: {  	v10 =	vadd.f32 v35, v10;
	v51 =	vadd.f32 v37, v36  }
0x5e4: {  	v52 =	vadd.f32 v39, v38;
	v53 =	vadd.f32 v41, v40  }
0x5e5: {  	v33 =	vadd.f32 v43, v42;
	v34 =	vadd.f32 v45, v44  }
0x5e6: {  	v35 =	vadd.f32 v47, v46;
	v36 =	vadd.f32 v49, v48  }
0x5e7: {  	v10 =	vadd.f32 v51, v10;
	v37 =	vadd.f32 v53, v52  }
0x5e8: {  	v38 =	vadd.f32 v34, v33;
	v39 =	vadd.f32 v36, v35  }
0x5e9: {  	v40 =	vld.idx.msk [tilespmem:v50+s30+$0x0], $0xffff  }
0x5ea: {  	v10 =	vadd.f32 v37, v10;
	v41 =	vadd.f32 v39, v38;
	_ =	sdelay $0x1  }
0x5eb: {  	v10 =	vadd.f32 v41, v10;
	_ =	sdelay $0x1  }
0x5ec: {  	v10 =	vadd.f32 v10, v61;
	v42 =	vmul.f32 $1.000000010e-01, v40;
	_ =	sdelay $0x1  }
0x5ed: {  	v10 =	vadd.f32 v10, v42;
	_ =	sdelay $0x1  }
0x5ee: {  	v51 =	vld [tilespmem:$0x5F0];
	[tilespmem:$0x1D4A0] =	vst v10  }
0x5ef: {  	v10 =	vld.idx.msk [tilespmem:v54+s3+$0x0], $0xffff  }
0x5f0: {  	v43 =	vld.idx.msk [tilespmem:v55+s3+$0x0], $0xffff  }
0x5f1: {  	v44 =	vld.idx.msk [tilespmem:v56+s3+$0x0], $0xffff  }
0x5f2: {  	v45 =	vld.idx.msk [tilespmem:v57+s3+$0x0], $0xffff  }
0x5f3: {  	v46 =	vld.idx.msk [tilespmem:v58+s3+$0x0], $0xffff  }
0x5f4: {  	v47 =	vld.idx.msk [tilespmem:v59+s3+$0x0], $0xffff  }
0x5f5: {  	v48 =	vld.idx.msk [tilespmem:v60+s3+$0x0], $0xffff  }
0x5f6: {  	v49 =	vld.idx.msk [tilespmem:v62+s3+$0x0], $0xffff  }
0x5f7: {  	v50 =	vld.idx.msk [tilespmem:v63+s3+$0x0], $0xffff  }
0x5f8: {  	v3 =	vld.idx.msk [tilespmem:v3+s3+$0x0], $0xffff  }
0x5f9: {  	v4 =	vld.idx.msk [tilespmem:v4+s3+$0x0], $0xffff  }
0x5fa: {  	v5 =	vld.idx.msk [tilespmem:v5+s3+$0x0], $0xffff  }
0x5fb: {  	v6 =	vld.idx.msk [tilespmem:v6+s3+$0x0], $0xffff  }
0x5fc: {  	v7 =	vld.idx.msk [tilespmem:v7+s3+$0x0], $0xffff  }
0x5fd: {  	v8 =	vld.idx.msk [tilespmem:v8+s3+$0x0], $0xffff  }
0x5fe: {  	v9 =	vld.idx.msk [tilespmem:v9+s3+$0x0], $0xffff;
	_ =	sdelay $0x1  }
0x5ff: {  	v10 =	vadd.f32 v43, v10;
	v52 =	vadd.f32 v45, v44  }
0x600: {  	v53 =	vadd.f32 v47, v46;
	v54 =	vadd.f32 v49, v48  }
0x601: {  	v3 =	vadd.f32 v3, v50;
	v4 =	vadd.f32 v5, v4  }
0x602: {  	v55 =	vadd.f32 v7, v6;
	v56 =	vadd.f32 v9, v8  }
0x603: {  	v57 =	vadd.f32 v52, v10;
	v58 =	vadd.f32 v54, v53  }
0x604: {  	v3 =	vadd.f32 v4, v3;
	v59 =	vadd.f32 v56, v55  }
0x605: {  	v60 =	vld.idx.msk [tilespmem:v51+s30+$0x0], $0xffff  }
0x606: {  	v62 =	vadd.f32 v58, v57;
	v3 =	vadd.f32 v59, v3;
	_ =	sdelay $0x1  }
0x607: {  	v3 =	vadd.f32 v3, v62;
	_ =	sdelay $0x1  }
0x608: {  	v63 =	vmul.f32 $1.000000010e-01, v60;
	v3 =	vadd.f32 v3, v61;
	_ =	sdelay $0x1  }
0x609: {  	s22 =	sadd.s32 $0x1, s22;
	v3 =	vadd.f32 v3, v63  }
0x60a: {  	p0 =	sne.s32 s22, s13  }
.Ltmp6:
0x60b: {  	[tilespmem:$0x1D4B0] =	vst v3;
	(pc) =	sbr.rel @p0 .LBB2_1-.Ltmp6, $4  }
0x60c: {  	[hbm4b:s12+s5] =	stream.linear.scatter [tilespmem:s21], [sflag:$0x4], $0x200, $0x38;
	[tilespmem:$0x1D4C0] =	vst v63  }
0x60d: {  	_ =	swait.ge [sflag:s14], $0x200  }
0x60e: {  	[sflag:s14] =	ssyncset.done $0x0  }
0x60f: {  	[sflag:s14] =	ssyncadd.s32 $0xFFFFFE00  }
0x610: {  	_ =	sfence.sel $0x180000  }
0x611: {  	[bflag:$0x0] =	sbarrier.arrive $0xFFFF  }
0x612: {  	_ =	strace $0x90000047  }
0x613: {  	s0 =	stileid.u32;
	[bflag:$0x2] =	sbarrier.arrive $0xFFFF  }
0x614: {  	p0 =	sne.s32 s0, $0x0;
	s0 =	rddreg [dreg:$0x9]  }
0x615: {  	s0 =	sadd.s32 @!p0 $0x100000, s0  }
0x616: {  	[sflag:s0] =	ssyncadd.tile.s32 @!p0 $0x1;
	_ =	shalt  }
.Lfunc_end2:
_tile_overlayer_lowered:
.L_overlay_start_2:
0x617: {  	(tag) =	ssettag $0x2  }
0x618: {  	s0 =	rddreg [dreg:$0x0];
	s2 =	stileid.u32  }
0x619: {  	s1 =	rddreg [dreg:$0x1];
	p0 =	sne.s32 s2, $0x0  }
0x61a: {  	s3 =	rddreg [dreg:$0x2];
	[bflag:$0x3] =	sbarrier.arrive $0xFFFF;
	s2 =	simm.s32 @!p0 $0x1C04  }
0x61b: {  	[timem:s3], [sflag:s2] =	dma.local @!p0 [hbm:s0], s1  }
0x61c: {  	s0 =	simm.s32 @!p0 $0x4  }
0x61d: {  	_ =	swait.ge @!p0 [sflag:s0], s1  }
0x61e: {  	s1 =	ssub.s32 @!p0 $0x0, s1;
	[sflag:s0] =	ssyncset.done @!p0 $0x0  }
0x61f: {  	[sflag:s0] =	ssyncadd.s32 @!p0 s1  }
0x620: {  	[bflag:$0x3] =	sbarrier.arrive $0xFFFF  }
0x621: {  	_ =	shalt  }

</sc_bundles>
